<compile_context>
chip_gen: v7x
topology: tpu7x:2x2x1
jax: 0.10.2.dev20260603
libtpu: 0.0.44.dev20260713+nightly
codegen_flags: <defaults>
</compile_context>

<pallas_src>
import functools

import jax
import jax.numpy as jnp
from jax import lax
from jax.experimental import pallas as pl
from jax.experimental.pallas import tpu as pltpu
from jax.experimental.pallas import tpu_sc as plsc

N = 10000
E = 320000
D = 128
H = 128
C = 8
G = 64

NC = 2
NS = 16
NW = NC * NS
CHUNK = 128
NCHUNK = 80
NSTAGE = 2
STAGE = NCHUNK // NSTAGE
NBUF = 2
EPT = NCHUNK * CHUNK
EPAD = NW * EPT
R0 = 624
R_LAST = N - R0 * (NS - 1)
SC_ROWS = N + 976
N_TRASH = SC_ROWS - N

BLK = 1000
GRID = N // BLK

_f32 = jnp.float32
_HI = lax.Precision.HIGHEST

_sc_mesh = plsc.VectorSubcoreMesh(core_axis_name="c", subcore_axis_name="s")


def _per_tile_rows(s, fn):
    @pl.when(s < NS - 1)
    def _():
        fn(s * R0, R0)

    @pl.when(s == NS - 1)
    def _():
        fn(N - R_LAST, R_LAST)



def _hist_body(dst_hbm, ones_hbm, zeros_hbm, out_hbm, dst_v, ones_v, tbl_sh):
    c = lax.axis_index("c")
    s = lax.axis_index("s")
    gwid = c * NS + s
    _per_tile_rows(s, lambda off, nr: pltpu.sync_copy(
        zeros_hbm.at[pl.ds(0, nr)], tbl_sh.at[pl.ds(off, nr)]))
    pltpu.sync_copy(dst_hbm.at[gwid], dst_v)
    pltpu.sync_copy(ones_hbm, ones_v)
    plsc.subcore_barrier()

    def body(j, carry):
        pltpu.sync_copy(ones_v, tbl_sh.at[dst_v.at[j]], add=True)
        return carry

    lax.fori_loop(0, NCHUNK, body, None)
    plsc.subcore_barrier()
    _per_tile_rows(s, lambda off, nr: pltpu.sync_copy(
        tbl_sh.at[pl.ds(off, nr)], out_hbm.at[c, pl.ds(off, nr)]))


_hist = pl.kernel(
    _hist_body,
    out_type=jax.ShapeDtypeStruct((NC, N, 16), _f32),
    mesh=_sc_mesh,
    scratch_types=[
        pltpu.VMEM((NCHUNK, CHUNK), jnp.int32),
        pltpu.VMEM((CHUNK, 16), _f32),
        pltpu.VMEM_SHARED((SC_ROWS, 16), _f32),
    ],
    compiler_params=pltpu.CompilerParams(use_tc_tiling_on_sc=False),
)


def _agg_body(h_hbm, src_hbm, dst_hbm, out_hbm, src_v, dst_v, buf, acc_sh,
              gsems):
    c = lax.axis_index("c")
    s = lax.axis_index("s")
    gwid = c * NS + s
    _per_tile_rows(s, lambda off, nr: pltpu.sync_copy(
        h_hbm.at[pl.ds(off, nr)], acc_sh.at[pl.ds(off, nr)]))
    plsc.subcore_barrier()

    for stg in range(NSTAGE):
        pltpu.sync_copy(src_hbm.at[gwid, pl.ds(stg * STAGE, STAGE)], src_v)
        pltpu.sync_copy(dst_hbm.at[gwid, pl.ds(stg * STAGE, STAGE)], dst_v)
        for b in range(NBUF):
            pltpu.async_copy(h_hbm.at[src_v.at[b]], buf.at[b], gsems.at[b])

        def body(r, carry):
            for b in range(NBUF):
                j = r * NBUF + b
                pltpu.make_async_copy(h_hbm.at[src_v.at[j]], buf.at[b],
                                      gsems.at[b]).wait()
                pltpu.sync_copy(buf.at[b], acc_sh.at[dst_v.at[j]], add=True)

                @pl.when(j + NBUF < STAGE)
                def _(j=j, b=b):
                    pltpu.async_copy(h_hbm.at[src_v.at[j + NBUF]], buf.at[b],
                                     gsems.at[b])
            return carry

        lax.fori_loop(0, STAGE // NBUF, body, None)
    plsc.subcore_barrier()
    _per_tile_rows(s, lambda off, nr: pltpu.sync_copy(
        acc_sh.at[pl.ds(off, nr)], out_hbm.at[c, pl.ds(off, nr)]))


_agg = pl.kernel(
    _agg_body,
    out_type=jax.ShapeDtypeStruct((NC, N, D), _f32),
    mesh=_sc_mesh,
    scratch_types=[
        pltpu.VMEM((STAGE, CHUNK), jnp.int32),
        pltpu.VMEM((STAGE, CHUNK), jnp.int32),
        pltpu.VMEM((NBUF, CHUNK, D), _f32),
        pltpu.VMEM_SHARED((SC_ROWS, D), _f32),
        pltpu.SemaphoreType.DMA((NBUF,)),
    ],
)



def _dinv(da_ref, db_ref):
    deg = 1.0 + da_ref[:, :1] + db_ref[:, :1]
    return lax.rsqrt(deg)


def _tc1_body(x_ref, w_ref, da_ref, db_ref, o_ref):
    xw = jnp.dot(x_ref[...], w_ref[...], preferred_element_type=_f32,
                 precision=_HI)
    o_ref[...] = _dinv(da_ref, db_ref) * xw


_row_spec = pl.BlockSpec((BLK, D), lambda i: (i, 0))
_deg_spec = pl.BlockSpec((BLK, 16), lambda i: (i, 0))


def _const_spec(shape):
    return pl.BlockSpec(shape, lambda i: tuple(0 for _ in shape))


_tc1 = pl.pallas_call(
    _tc1_body,
    grid=(GRID,),
    in_specs=[_row_spec, _const_spec((D, H)), _deg_spec, _deg_spec],
    out_specs=_row_spec,
    out_shape=jax.ShapeDtypeStruct((N, H), _f32),
)


def _tc2_body(p0_ref, p1_ref, hp_ref, da_ref, db_ref, w_ref, b_ref, o_ref):
    dinv = _dinv(da_ref, db_ref)
    acc = p0_ref[...] + p1_ref[...] - hp_ref[...]
    h1 = jnp.maximum(dinv * acc + b_ref[...], 0.0)
    o_ref[...] = dinv * jnp.dot(h1, w_ref[...], preferred_element_type=_f32,
                                precision=_HI)


_tc2 = pl.pallas_call(
    _tc2_body,
    grid=(GRID,),
    in_specs=[_row_spec, _row_spec, _row_spec, _deg_spec, _deg_spec,
              _const_spec((H, H)), _const_spec((1, H))],
    out_specs=_row_spec,
    out_shape=jax.ShapeDtypeStruct((N, H), _f32),
)


def _tc3_body(q0_ref, q1_ref, hp_ref, da_ref, db_ref, bt_ref, b2_ref,
              l1w_ref, l1b_ref, l2w_ref, l2b_ref, l3w_ref, l3b_ref,
              o_ref, gmax_s, gsum_s, cnt_s):
    i = pl.program_id(0)

    @pl.when(i == 0)
    def _():
        gmax_s[...] = jnp.full((G, H), -jnp.inf, _f32)
        gsum_s[...] = jnp.zeros((G, H), _f32)
        cnt_s[...] = jnp.zeros((G, H), _f32)

    dinv = _dinv(da_ref, db_ref)
    acc = q0_ref[...] + q1_ref[...] - hp_ref[...]
    h2 = jnp.maximum(dinv * acc + b2_ref[...], 0.0)

    bids = bt_ref[...]
    gids = lax.broadcasted_iota(jnp.int32, (BLK, G), 1)
    mask = (bids == gids).astype(_f32)
    dims = (((0,), (0,)), ((), ()))
    gsum_s[...] += lax.dot_general(mask, h2, dims, precision=_HI)
    cnt_s[...] += lax.dot_general(mask, jnp.ones_like(h2), dims, precision=_HI)

    lo = jnp.min(bids)
    hi = jnp.max(bids)
    for g in range(G):
        @pl.when((lo <= g) & (g <= hi))
        def _(g=g):
            m = jnp.where(bids == g, h2, -jnp.inf)
            gmax_s[pl.ds(g, 1), :] = jnp.maximum(
                gmax_s[pl.ds(g, 1), :], jnp.max(m, axis=0, keepdims=True))

    @pl.when(i == pl.num_programs(0) - 1)
    def _():
        cnt = cnt_s[:, :1]
        gmean = gsum_s[...] / jnp.maximum(cnt, 1.0)
        gmax = jnp.where(cnt > 0.0, gmax_s[...], 0.0)
        l1w = l1w_ref[...]
        r = jnp.maximum(
            jnp.dot(gmax, l1w[:H, :], preferred_element_type=_f32, precision=_HI)
            + jnp.dot(gmean, l1w[H:, :], preferred_element_type=_f32, precision=_HI)
            + l1b_ref[...], 0.0)
        r = jnp.maximum(
            jnp.dot(r, l2w_ref[...], preferred_element_type=_f32, precision=_HI)
            + l2b_ref[...], 0.0)
        logits = jnp.dot(r, l3w_ref[...], preferred_element_type=_f32,
                         precision=_HI) + l3b_ref[...]
        mx = jnp.max(logits, axis=-1, keepdims=True)
        z = logits - mx
        o_ref[...] = z - jnp.log(jnp.sum(jnp.exp(z), axis=-1, keepdims=True))


_tc3 = pl.pallas_call(
    _tc3_body,
    grid=(GRID,),
    in_specs=[_row_spec, _row_spec, _row_spec, _deg_spec, _deg_spec,
              pl.BlockSpec((BLK, 1), lambda i: (i, 0)),
              _const_spec((1, H)),
              _const_spec((2 * H, H)), _const_spec((1, H)),
              _const_spec((H, H // 2)), _const_spec((1, H // 2)),
              _const_spec((H // 2, C)), _const_spec((1, C))],
    out_specs=pl.BlockSpec((G, C), lambda i: (0, 0)),
    out_shape=jax.ShapeDtypeStruct((G, C), _f32),
    scratch_shapes=[pltpu.VMEM((G, H), _f32), pltpu.VMEM((G, H), _f32),
                    pltpu.VMEM((G, H), _f32)],
)



def kernel(x, edge_index, batch, W1, b1, W2, b2, lin1_W, lin1_b,
           lin2_W, lin2_b, lin3_W, lin3_b):
    pad = EPAD - E
    ppt = pad // NW
    ept_real = E // NW
    pad_src = (jnp.arange(pad, dtype=jnp.int32) * 131) % N
    pad_dst = N + (jnp.arange(pad, dtype=jnp.int32) % N_TRASH)
    src_p = jnp.concatenate(
        [edge_index[0].reshape(NW, ept_real), pad_src.reshape(NW, ppt)],
        axis=1).reshape(NW, NCHUNK, CHUNK)
    dst_p = jnp.concatenate(
        [edge_index[1].reshape(NW, ept_real), pad_dst.reshape(NW, ppt)],
        axis=1).reshape(NW, NCHUNK, CHUNK)
    ones = jnp.ones((CHUNK, 16), _f32)
    zeros = jnp.zeros((R_LAST, 16), _f32)

    hist = _hist(dst_p, ones, zeros)
    degA = hist[0]
    degB = hist[1]

    h1p = _tc1(x, W1, degA, degB)
    parts1 = _agg(h1p, src_p, dst_p)
    h2p = _tc2(parts1[0], parts1[1], h1p, degA, degB,
               W2, b1.reshape(1, H))
    parts2 = _agg(h2p, src_p, dst_p)
    out = _tc3(parts2[0], parts2[1], h2p, degA, degB,
               batch.reshape(N, 1), b2.reshape(1, H),
               lin1_W, lin1_b.reshape(1, H),
               lin2_W, lin2_b.reshape(1, H // 2),
               lin3_W, lin3_b.reshape(1, C))
    return out

# --- scband reference (transcript-rebuilt; emitter-appended) ---
"""Pipeline reference for scband-gcn-concat-readout-38654705664007 (READ-ONLY COPY).

The authoritative reference and input builder live on the scoring server;
editing this copy changes nothing except your own understanding.
"""

import jax, jax.numpy as jnp
import numpy as np

N = 10000
E = 320000
D = 128
H = 128
C = 8
G = 64


def _glorot(key, fan_in, fan_out):
    lim = np.sqrt(6.0 / (fan_in + fan_out))
    return jax.random.uniform(key, (fan_in, fan_out), dtype=jnp.float32, minval=-lim, maxval=lim)


def setup_inputs(seed: int = 0) -> dict:
    key = jax.random.key(seed)
    ks = jax.random.split(key, 12)
    x = jax.random.normal(ks[0], (N, D), dtype=jnp.float32)
    edge_index = jax.random.randint(ks[1], (2, E), 0, N, dtype=jnp.int32)
    batch = jnp.sort(jax.random.randint(ks[2], (N,), 0, G, dtype=jnp.int32))
    W1 = _glorot(ks[3], D, H)
    b1 = jnp.zeros((H,), dtype=jnp.float32)
    W2 = _glorot(ks[4], H, H)
    b2 = jnp.zeros((H,), dtype=jnp.float32)
    lin1_W = _glorot(ks[5], 2 * H, H)
    lin1_b = jnp.zeros((H,), dtype=jnp.float32)
    lin2_W = _glorot(ks[6], H, H // 2)
    lin2_b = jnp.zeros((H // 2,), dtype=jnp.float32)
    lin3_W = _glorot(ks[7], H // 2, C)
    lin3_b = jnp.zeros((C,), dtype=jnp.float32)
    return {"x": x, "edge_index": edge_index, "batch": batch,
            "W1": W1, "b1": b1, "W2": W2, "b2": b2,
            "lin1_W": lin1_W, "lin1_b": lin1_b,
            "lin2_W": lin2_W, "lin2_b": lin2_b,
            "lin3_W": lin3_W, "lin3_b": lin3_b}


def reference(x, edge_index, batch, W1, b1, W2, b2, lin1_W, lin1_b, lin2_W, lin2_b, lin3_W, lin3_b):
    loop = jnp.arange(N, dtype=edge_index.dtype)
    src = jnp.concatenate([edge_index[0], loop])
    dst = jnp.concatenate([edge_index[1], loop])
    # GCN symmetric normalization with self-loops (GCNConv default)
    deg = jnp.zeros((N,), jnp.float32).at[dst].add(1.0)
    dinv = jnp.where(deg > 0, deg ** -0.5, 0.0)
    norm = dinv[src] * dinv[dst]

    def gcn(h, W, b):
        h = h @ W
        msg = h[src] * norm[:, None]
        out = jnp.zeros((N, h.shape[1]), h.dtype).at[dst].add(msg)
        return out + b

    h = jax.nn.relu(gcn(x, W1, b1))
    h = jax.nn.relu(gcn(h, W2, b2))
    # readout: global_max_pool || global_mean_pool over graph ids
    counts = jax.ops.segment_sum(jnp.ones((N,), jnp.float32), batch, num_segments=G)
    gsum = jax.ops.segment_sum(h, batch, num_segments=G)
    gmean = gsum / jnp.maximum(counts, 1.0)[:, None]
    gmax = jax.ops.segment_max(h, batch, num_segments=G)
    gmax = jnp.where(counts[:, None] > 0, gmax, 0.0)
    r = jnp.concatenate([gmax, gmean], axis=1)
    r = jax.nn.relu(r @ lin1_W + lin1_b)
    # dropout is identity in eval mode
    r = jax.nn.relu(r @ lin2_W + lin2_b)
    logits = r @ lin3_W + lin3_b
    return jax.nn.log_softmax(logits, axis=-1)

if __name__ == "__main__":
    import jax
    _d = setup_inputs()
    print(jax.jit(kernel)(*tuple(_d.values())))

</pallas_src>

<mosaic_0001>
#map = affine_map<(d0, d1) -> (0, 0, 0)>
#map1 = affine_map<(d0, d1) -> (0, 0)>
module attributes {stable_mosaic.version = 14 : i64} {
  func.func @_hist_body(%arg0: i32, %arg1: i32, %arg2: memref<32x80x128xi32, #tpu.memory_space<hbm>>, %arg3: memref<128x16xf32, #tpu.memory_space<hbm>>, %arg4: memref<640x16xf32, #tpu.memory_space<hbm>>, %arg5: memref<2x10000x16xf32, #tpu.memory_space<hbm>>, %arg6: memref<80x128xi32, #tpu.memory_space<vmem>>, %arg7: memref<128x16xf32, #tpu.memory_space<vmem>>, %arg8: memref<10976x16xf32, #tpu.memory_space<vmem_shared>>) attributes {dimension_semantics = [#tpu.dimension_semantics<core_parallel>, #tpu.dimension_semantics<subcore_parallel>], iteration_bounds = array<i64: 2, 16>, scalar_prefetch = 0 : i64, scratch_operands = 3 : i64, tpu.core_type = #tpu.core_type<sc_vector_subcore>, window_params = [{transform_indices = #map}, {transform_indices = #map1}, {transform_indices = #map1}, {transform_indices = #map}]} {
    %mul3A = arith.constant 16 : i32
    %mul3A_0 = arith.muli %arg0, %mul3A : i32
    %add3A = arith.addi %mul3A_0, %arg1 : i32
    %lt3A = arith.constant 15 : i32
    %lt3A_1 = arith.cmpi slt, %arg1, %lt3A : i32
    %convert_element_type3A = arith.extui %lt3A_1 : i1 to i32
    %cond3A = arith.constant 0 : i32
    %cond3A_2 = arith.cmpi ne, %convert_element_type3A, %cond3A : i32
    scf.if %cond3A_2 {
      %mul3A_22 = arith.constant 624 : i32
      %mul3A_23 = arith.muli %arg1, %mul3A_22 : i32
      "tpu.region"() ({
        %run_scoped3A = tpu.sem_alloc : memref<!tpu.dma_semaphore, #tpu.memory_space<semaphore_mem>>
        %dma_start3A = arith.constant 0 : i32
        %dma_start3A_24 = tpu.memref_slice %arg8[%mul3A_23, %dma_start3A] : memref<10976x16xf32, #tpu.memory_space<vmem_shared>> -> memref<624x16xf32, #tpu.memory_space<vmem_shared>>
        %dma_start3A_25 = arith.constant 0 : i32
        %dma_start3A_26 = arith.constant 0 : i32
        %dma_start3A_27 = tpu.memref_slice %arg4[%dma_start3A_25, %dma_start3A_26] : memref<640x16xf32, #tpu.memory_space<hbm>> -> memref<624x16xf32, #tpu.memory_space<hbm>>
        tpu.enqueue_dma source(%dma_start3A_27 : memref<624x16xf32, #tpu.memory_space<hbm>>) target(%dma_start3A_24 : memref<624x16xf32, #tpu.memory_space<vmem_shared>>) target_semaphore(%run_scoped3A : memref<!tpu.dma_semaphore, #tpu.memory_space<semaphore_mem>>)
        %dma_wait3A = arith.constant 0 : i32
        %dma_wait3A_28 = tpu.memref_slice %arg8[%mul3A_23, %dma_wait3A] : memref<10976x16xf32, #tpu.memory_space<vmem_shared>> -> memref<624x16xf32, #tpu.memory_space<vmem_shared>>
        %dma_wait3A_29 = arith.constant 0 : i32
        %dma_wait3A_30 = arith.constant 0 : i32
        %dma_wait3A_31 = tpu.memref_slice %arg4[%dma_wait3A_29, %dma_wait3A_30] : memref<640x16xf32, #tpu.memory_space<hbm>> -> memref<624x16xf32, #tpu.memory_space<hbm>>
        tpu.wait_dma2 semaphore(%run_scoped3A : memref<!tpu.dma_semaphore, #tpu.memory_space<semaphore_mem>>) src(%dma_wait3A_31 : memref<624x16xf32, #tpu.memory_space<hbm>>) dst(%dma_wait3A_28 : memref<624x16xf32, #tpu.memory_space<vmem_shared>>)
        tpu.yield
      }) : () -> ()
    } else {
    }
    %eq3A = arith.constant 15 : i32
    %eq3A_3 = arith.cmpi eq, %arg1, %eq3A : i32
    %convert_element_type3A_4 = arith.extui %eq3A_3 : i1 to i32
    %cond3A_5 = arith.constant 0 : i32
    %cond3A_6 = arith.cmpi ne, %convert_element_type3A_4, %cond3A_5 : i32
    scf.if %cond3A_6 {
      "tpu.region"() ({
        %run_scoped3A = tpu.sem_alloc : memref<!tpu.dma_semaphore, #tpu.memory_space<semaphore_mem>>
        %dma_start3A = arith.constant 9360 : i32
        %dma_start3A_22 = arith.constant 0 : i32
        %dma_start3A_23 = tpu.memref_slice %arg8[%dma_start3A, %dma_start3A_22] : memref<10976x16xf32, #tpu.memory_space<vmem_shared>> -> memref<640x16xf32, #tpu.memory_space<vmem_shared>>
        %dma_start3A_24 = arith.constant 0 : i32
        %dma_start3A_25 = arith.constant 0 : i32
        %dma_start3A_26 = tpu.memref_slice %arg4[%dma_start3A_24, %dma_start3A_25] : memref<640x16xf32, #tpu.memory_space<hbm>> -> memref<640x16xf32, #tpu.memory_space<hbm>>
        tpu.enqueue_dma source(%dma_start3A_26 : memref<640x16xf32, #tpu.memory_space<hbm>>) target(%dma_start3A_23 : memref<640x16xf32, #tpu.memory_space<vmem_shared>>) target_semaphore(%run_scoped3A : memref<!tpu.dma_semaphore, #tpu.memory_space<semaphore_mem>>)
        %dma_wait3A = arith.constant 9360 : i32
        %dma_wait3A_27 = arith.constant 0 : i32
        %dma_wait3A_28 = tpu.memref_slice %arg8[%dma_wait3A, %dma_wait3A_27] : memref<10976x16xf32, #tpu.memory_space<vmem_shared>> -> memref<640x16xf32, #tpu.memory_space<vmem_shared>>
        %dma_wait3A_29 = arith.constant 0 : i32
        %dma_wait3A_30 = arith.constant 0 : i32
        %dma_wait3A_31 = tpu.memref_slice %arg4[%dma_wait3A_29, %dma_wait3A_30] : memref<640x16xf32, #tpu.memory_space<hbm>> -> memref<640x16xf32, #tpu.memory_space<hbm>>
        tpu.wait_dma2 semaphore(%run_scoped3A : memref<!tpu.dma_semaphore, #tpu.memory_space<semaphore_mem>>) src(%dma_wait3A_31 : memref<640x16xf32, #tpu.memory_space<hbm>>) dst(%dma_wait3A_28 : memref<640x16xf32, #tpu.memory_space<vmem_shared>>)
        tpu.yield
      }) : () -> ()
    } else {
    }
    "tpu.region"() ({
      %run_scoped3A = tpu.sem_alloc : memref<!tpu.dma_semaphore, #tpu.memory_space<semaphore_mem>>
      %dma_start3A = arith.constant 0 : i32
      %dma_start3A_22 = arith.constant 0 : i32
      %dma_start3A_23 = tpu.memref_slice %arg2[%add3A, %dma_start3A, %dma_start3A_22] : memref<32x80x128xi32, #tpu.memory_space<hbm>> -> memref<1x80x128xi32, #tpu.memory_space<hbm>>
      %dma_start3A_24 = tpu.memref_squeeze %dma_start3A_23 : memref<1x80x128xi32, #tpu.memory_space<hbm>> -> memref<80x128xi32, #tpu.memory_space<hbm>>
      %dma_start3A_25 = arith.constant 0 : i32
      %dma_start3A_26 = arith.constant 0 : i32
      %dma_start3A_27 = tpu.memref_slice %arg2[%add3A, %dma_start3A_25, %dma_start3A_26] : memref<32x80x128xi32, #tpu.memory_space<hbm>> -> memref<1x80x128xi32, #tpu.memory_space<hbm>>
      %dma_start3A_28 = tpu.memref_squeeze %dma_start3A_27 : memref<1x80x128xi32, #tpu.memory_space<hbm>> -> memref<80x128xi32, #tpu.memory_space<hbm>>
      tpu.enqueue_dma source(%dma_start3A_28 : memref<80x128xi32, #tpu.memory_space<hbm>>) target(%arg6 : memref<80x128xi32, #tpu.memory_space<vmem>>) target_semaphore(%run_scoped3A : memref<!tpu.dma_semaphore, #tpu.memory_space<semaphore_mem>>)
      %dma_wait3A = arith.constant 0 : i32
      %dma_wait3A_29 = arith.constant 0 : i32
      %dma_wait3A_30 = tpu.memref_slice %arg2[%add3A, %dma_wait3A, %dma_wait3A_29] : memref<32x80x128xi32, #tpu.memory_space<hbm>> -> memref<1x80x128xi32, #tpu.memory_space<hbm>>
      %dma_wait3A_31 = tpu.memref_squeeze %dma_wait3A_30 : memref<1x80x128xi32, #tpu.memory_space<hbm>> -> memref<80x128xi32, #tpu.memory_space<hbm>>
      %dma_wait3A_32 = arith.constant 0 : i32
      %dma_wait3A_33 = arith.constant 0 : i32
      %dma_wait3A_34 = tpu.memref_slice %arg2[%add3A, %dma_wait3A_32, %dma_wait3A_33] : memref<32x80x128xi32, #tpu.memory_space<hbm>> -> memref<1x80x128xi32, #tpu.memory_space<hbm>>
      %dma_wait3A_35 = tpu.memref_squeeze %dma_wait3A_34 : memref<1x80x128xi32, #tpu.memory_space<hbm>> -> memref<80x128xi32, #tpu.memory_space<hbm>>
      tpu.wait_dma2 semaphore(%run_scoped3A : memref<!tpu.dma_semaphore, #tpu.memory_space<semaphore_mem>>) src(%dma_wait3A_35 : memref<80x128xi32, #tpu.memory_space<hbm>>) dst(%arg6 : memref<80x128xi32, #tpu.memory_space<vmem>>)
      tpu.yield
    }) : () -> ()
    "tpu.region"() ({
      %run_scoped3A = tpu.sem_alloc : memref<!tpu.dma_semaphore, #tpu.memory_space<semaphore_mem>>
      tpu.enqueue_dma source(%arg3 : memref<128x16xf32, #tpu.memory_space<hbm>>) target(%arg7 : memref<128x16xf32, #tpu.memory_space<vmem>>) target_semaphore(%run_scoped3A : memref<!tpu.dma_semaphore, #tpu.memory_space<semaphore_mem>>)
      tpu.wait_dma2 semaphore(%run_scoped3A : memref<!tpu.dma_semaphore, #tpu.memory_space<semaphore_mem>>) src(%arg3 : memref<128x16xf32, #tpu.memory_space<hbm>>) dst(%arg7 : memref<128x16xf32, #tpu.memory_space<vmem>>)
      tpu.yield
    }) : () -> ()
    %barrier3A = arith.constant 0 : index
    tpu.barrier barrier_id(%barrier3A)
    %scan3A = arith.constant 0 : i32
    %scan3A_7 = arith.constant 80 : i32
    %scan3A_8 = arith.addi %scan3A, %scan3A_7 : i32
    %scan3A_9 = arith.constant 1 : i32
    scf.for %scan3A_22 = %scan3A to %scan3A_8 step %scan3A_9  : i32 {
      "tpu.region"() ({
        %run_scoped3A = tpu.sem_alloc : memref<!tpu.dma_semaphore, #tpu.memory_space<semaphore_mem>>
        %dma_start3A = arith.constant 0 : i32
        %dma_start3A_23 = tpu.memref_slice %arg6[%scan3A_22, %dma_start3A] : memref<80x128xi32, #tpu.memory_space<vmem>> -> memref<1x128xi32, #tpu.memory_space<vmem>>
        %dma_start3A_24 = tpu.memref_squeeze %dma_start3A_23 : memref<1x128xi32, #tpu.memory_space<vmem>> -> memref<128xi32, #tpu.memory_space<vmem>>
        %dma_start3A_25 = arith.constant 0 : i32
        %dma_start3A_26 = arith.constant 0 : i32
        %dma_start3A_27 = tpu.memref_slice %arg8[%dma_start3A_25, %dma_start3A_26] : memref<10976x16xf32, #tpu.memory_space<vmem_shared>> -> memref<10976x16xf32, #tpu.memory_space<vmem_shared>>
        tpu.enqueue_indirect_dma source(%arg7 : memref<128x16xf32, #tpu.memory_space<vmem>>) target(%dma_start3A_27 : memref<10976x16xf32, #tpu.memory_space<vmem_shared>>) offsets(%dma_start3A_24 : memref<128xi32, #tpu.memory_space<vmem>>) semaphore(%run_scoped3A : memref<!tpu.dma_semaphore, #tpu.memory_space<semaphore_mem>>) {add = true}
        %dma_wait3A = arith.constant 0 : i32
        %dma_wait3A_28 = tpu.memref_slice %arg6[%scan3A_22, %dma_wait3A] : memref<80x128xi32, #tpu.memory_space<vmem>> -> memref<1x128xi32, #tpu.memory_space<vmem>>
        %dma_wait3A_29 = tpu.memref_squeeze %dma_wait3A_28 : memref<1x128xi32, #tpu.memory_space<vmem>> -> memref<128xi32, #tpu.memory_space<vmem>>
        %dma_wait3A_30 = arith.constant 0 : i32
        %dma_wait3A_31 = arith.constant 0 : i32
        %dma_wait3A_32 = tpu.memref_slice %arg8[%dma_wait3A_30, %dma_wait3A_31] : memref<10976x16xf32, #tpu.memory_space<vmem_shared>> -> memref<10976x16xf32, #tpu.memory_space<vmem_shared>>
        tpu.wait_indirect_dma semaphore(%run_scoped3A : memref<!tpu.dma_semaphore, #tpu.memory_space<semaphore_mem>>) src(%arg7 : memref<128x16xf32, #tpu.memory_space<vmem>>) dst(%dma_wait3A_32 : memref<10976x16xf32, #tpu.memory_space<vmem_shared>>)
        tpu.yield
      }) : () -> ()
    }
    %scan3A_10 = arith.constant 80 : i32
    %barrier3A_11 = arith.constant 0 : index
    tpu.barrier barrier_id(%barrier3A_11)
    %lt3A_12 = arith.constant 15 : i32
    %lt3A_13 = arith.cmpi slt, %arg1, %lt3A_12 : i32
    %convert_element_type3A_14 = arith.extui %lt3A_13 : i1 to i32
    %cond3A_15 = arith.constant 0 : i32
    %cond3A_16 = arith.cmpi ne, %convert_element_type3A_14, %cond3A_15 : i32
    scf.if %cond3A_16 {
      %mul3A_22 = arith.constant 624 : i32
      %mul3A_23 = arith.muli %arg1, %mul3A_22 : i32
      "tpu.region"() ({
        %run_scoped3A = tpu.sem_alloc : memref<!tpu.dma_semaphore, #tpu.memory_space<semaphore_mem>>
        %dma_start3A = arith.constant 0 : i32
        %dma_start3A_24 = tpu.memref_slice %arg5[%arg0, %mul3A_23, %dma_start3A] : memref<2x10000x16xf32, #tpu.memory_space<hbm>> -> memref<1x624x16xf32, #tpu.memory_space<hbm>>
        %dma_start3A_25 = tpu.memref_squeeze %dma_start3A_24 : memref<1x624x16xf32, #tpu.memory_space<hbm>> -> memref<624x16xf32, #tpu.memory_space<hbm>>
        %dma_start3A_26 = arith.constant 0 : i32
        %dma_start3A_27 = tpu.memref_slice %arg8[%mul3A_23, %dma_start3A_26] : memref<10976x16xf32, #tpu.memory_space<vmem_shared>> -> memref<624x16xf32, #tpu.memory_space<vmem_shared>>
        tpu.enqueue_dma source(%dma_start3A_27 : memref<624x16xf32, #tpu.memory_space<vmem_shared>>) target(%dma_start3A_25 : memref<624x16xf32, #tpu.memory_space<hbm>>) target_semaphore(%run_scoped3A : memref<!tpu.dma_semaphore, #tpu.memory_space<semaphore_mem>>)
        %dma_wait3A = arith.constant 0 : i32
        %dma_wait3A_28 = tpu.memref_slice %arg5[%arg0, %mul3A_23, %dma_wait3A] : memref<2x10000x16xf32, #tpu.memory_space<hbm>> -> memref<1x624x16xf32, #tpu.memory_space<hbm>>
        %dma_wait3A_29 = tpu.memref_squeeze %dma_wait3A_28 : memref<1x624x16xf32, #tpu.memory_space<hbm>> -> memref<624x16xf32, #tpu.memory_space<hbm>>
        %dma_wait3A_30 = arith.constant 0 : i32
        %dma_wait3A_31 = tpu.memref_slice %arg8[%mul3A_23, %dma_wait3A_30] : memref<10976x16xf32, #tpu.memory_space<vmem_shared>> -> memref<624x16xf32, #tpu.memory_space<vmem_shared>>
        tpu.wait_dma2 semaphore(%run_scoped3A : memref<!tpu.dma_semaphore, #tpu.memory_space<semaphore_mem>>) src(%dma_wait3A_31 : memref<624x16xf32, #tpu.memory_space<vmem_shared>>) dst(%dma_wait3A_29 : memref<624x16xf32, #tpu.memory_space<hbm>>)
        tpu.yield
      }) : () -> ()
    } else {
    }
    %eq3A_17 = arith.constant 15 : i32
    %eq3A_18 = arith.cmpi eq, %arg1, %eq3A_17 : i32
    %convert_element_type3A_19 = arith.extui %eq3A_18 : i1 to i32
    %cond3A_20 = arith.constant 0 : i32
    %cond3A_21 = arith.cmpi ne, %convert_element_type3A_19, %cond3A_20 : i32
    scf.if %cond3A_21 {
      "tpu.region"() ({
        %run_scoped3A = tpu.sem_alloc : memref<!tpu.dma_semaphore, #tpu.memory_space<semaphore_mem>>
        %dma_start3A = arith.constant 9360 : i32
        %dma_start3A_22 = arith.constant 0 : i32
        %dma_start3A_23 = tpu.memref_slice %arg5[%arg0, %dma_start3A, %dma_start3A_22] : memref<2x10000x16xf32, #tpu.memory_space<hbm>> -> memref<1x640x16xf32, #tpu.memory_space<hbm>>
        %dma_start3A_24 = tpu.memref_squeeze %dma_start3A_23 : memref<1x640x16xf32, #tpu.memory_space<hbm>> -> memref<640x16xf32, #tpu.memory_space<hbm>>
        %dma_start3A_25 = arith.constant 9360 : i32
        %dma_start3A_26 = arith.constant 0 : i32
        %dma_start3A_27 = tpu.memref_slice %arg8[%dma_start3A_25, %dma_start3A_26] : memref<10976x16xf32, #tpu.memory_space<vmem_shared>> -> memref<640x16xf32, #tpu.memory_space<vmem_shared>>
        tpu.enqueue_dma source(%dma_start3A_27 : memref<640x16xf32, #tpu.memory_space<vmem_shared>>) target(%dma_start3A_24 : memref<640x16xf32, #tpu.memory_space<hbm>>) target_semaphore(%run_scoped3A : memref<!tpu.dma_semaphore, #tpu.memory_space<semaphore_mem>>)
        %dma_wait3A = arith.constant 9360 : i32
        %dma_wait3A_28 = arith.constant 0 : i32
        %dma_wait3A_29 = tpu.memref_slice %arg5[%arg0, %dma_wait3A, %dma_wait3A_28] : memref<2x10000x16xf32, #tpu.memory_space<hbm>> -> memref<1x640x16xf32, #tpu.memory_space<hbm>>
        %dma_wait3A_30 = tpu.memref_squeeze %dma_wait3A_29 : memref<1x640x16xf32, #tpu.memory_space<hbm>> -> memref<640x16xf32, #tpu.memory_space<hbm>>
        %dma_wait3A_31 = arith.constant 9360 : i32
        %dma_wait3A_32 = arith.constant 0 : i32
        %dma_wait3A_33 = tpu.memref_slice %arg8[%dma_wait3A_31, %dma_wait3A_32] : memref<10976x16xf32, #tpu.memory_space<vmem_shared>> -> memref<640x16xf32, #tpu.memory_space<vmem_shared>>
        tpu.wait_dma2 semaphore(%run_scoped3A : memref<!tpu.dma_semaphore, #tpu.memory_space<semaphore_mem>>) src(%dma_wait3A_33 : memref<640x16xf32, #tpu.memory_space<vmem_shared>>) dst(%dma_wait3A_30 : memref<640x16xf32, #tpu.memory_space<hbm>>)
        tpu.yield
      }) : () -> ()
    } else {
    }
    return
  }
}

#map = affine_map<(d0, d1) -> (0, 0)>
#map1 = affine_map<(d0, d1) -> (0, 0, 0)>
module attributes {stable_mosaic.version = 14 : i64} {
  func.func @_agg_body(%arg0: i32, %arg1: i32, %arg2: memref<10000x128xf32, #tpu.memory_space<hbm>>, %arg3: memref<32x80x128xi32, #tpu.memory_space<hbm>>, %arg4: memref<32x80x128xi32, #tpu.memory_space<hbm>>, %arg5: memref<2x10000x128xf32, #tpu.memory_space<hbm>>, %arg6: memref<40x128xi32, #tpu.memory_space<vmem>>, %arg7: memref<40x128xi32, #tpu.memory_space<vmem>>, %arg8: memref<2x128x128xf32, #tpu.memory_space<vmem>>, %arg9: memref<10976x128xf32, #tpu.memory_space<vmem_shared>>, %arg10: memref<2x!tpu.dma_semaphore, #tpu.memory_space<semaphore_mem>>) attributes {dimension_semantics = [#tpu.dimension_semantics<core_parallel>, #tpu.dimension_semantics<subcore_parallel>], iteration_bounds = array<i64: 2, 16>, scalar_prefetch = 0 : i64, scratch_operands = 5 : i64, tpu.core_type = #tpu.core_type<sc_vector_subcore>, window_params = [{transform_indices = #map}, {transform_indices = #map1}, {transform_indices = #map1}, {transform_indices = #map1}]} {
    %mul3A = arith.constant 16 : i32
    %mul3A_0 = arith.muli %arg0, %mul3A : i32
    %add3A = arith.addi %mul3A_0, %arg1 : i32
    %lt3A = arith.constant 15 : i32
    %lt3A_1 = arith.cmpi slt, %arg1, %lt3A : i32
    %convert_element_type3A = arith.extui %lt3A_1 : i1 to i32
    %cond3A = arith.constant 0 : i32
    %cond3A_2 = arith.cmpi ne, %convert_element_type3A, %cond3A : i32
    scf.if %cond3A_2 {
      %mul3A_86 = arith.constant 624 : i32
      %mul3A_87 = arith.muli %arg1, %mul3A_86 : i32
      "tpu.region"() ({
        %run_scoped3A = tpu.sem_alloc : memref<!tpu.dma_semaphore, #tpu.memory_space<semaphore_mem>>
        %dma_start3A_88 = arith.constant 0 : i32
        %dma_start3A_89 = tpu.memref_slice %arg9[%mul3A_87, %dma_start3A_88] : memref<10976x128xf32, #tpu.memory_space<vmem_shared>> -> memref<624x128xf32, #tpu.memory_space<vmem_shared>>
        %dma_start3A_90 = arith.constant 0 : i32
        %dma_start3A_91 = tpu.memref_slice %arg2[%mul3A_87, %dma_start3A_90] : memref<10000x128xf32, #tpu.memory_space<hbm>> -> memref<624x128xf32, #tpu.memory_space<hbm>>
        tpu.enqueue_dma source(%dma_start3A_91 : memref<624x128xf32, #tpu.memory_space<hbm>>) target(%dma_start3A_89 : memref<624x128xf32, #tpu.memory_space<vmem_shared>>) target_semaphore(%run_scoped3A : memref<!tpu.dma_semaphore, #tpu.memory_space<semaphore_mem>>)
        %dma_wait3A = arith.constant 0 : i32
        %dma_wait3A_92 = tpu.memref_slice %arg9[%mul3A_87, %dma_wait3A] : memref<10976x128xf32, #tpu.memory_space<vmem_shared>> -> memref<624x128xf32, #tpu.memory_space<vmem_shared>>
        %dma_wait3A_93 = arith.constant 0 : i32
        %dma_wait3A_94 = tpu.memref_slice %arg2[%mul3A_87, %dma_wait3A_93] : memref<10000x128xf32, #tpu.memory_space<hbm>> -> memref<624x128xf32, #tpu.memory_space<hbm>>
        tpu.wait_dma2 semaphore(%run_scoped3A : memref<!tpu.dma_semaphore, #tpu.memory_space<semaphore_mem>>) src(%dma_wait3A_94 : memref<624x128xf32, #tpu.memory_space<hbm>>) dst(%dma_wait3A_92 : memref<624x128xf32, #tpu.memory_space<vmem_shared>>)
        tpu.yield
      }) : () -> ()
    } else {
    }
    %eq3A = arith.constant 15 : i32
    %eq3A_3 = arith.cmpi eq, %arg1, %eq3A : i32
    %convert_element_type3A_4 = arith.extui %eq3A_3 : i1 to i32
    %cond3A_5 = arith.constant 0 : i32
    %cond3A_6 = arith.cmpi ne, %convert_element_type3A_4, %cond3A_5 : i32
    scf.if %cond3A_6 {
      "tpu.region"() ({
        %run_scoped3A = tpu.sem_alloc : memref<!tpu.dma_semaphore, #tpu.memory_space<semaphore_mem>>
        %dma_start3A_86 = arith.constant 9360 : i32
        %dma_start3A_87 = arith.constant 0 : i32
        %dma_start3A_88 = tpu.memref_slice %arg9[%dma_start3A_86, %dma_start3A_87] : memref<10976x128xf32, #tpu.memory_space<vmem_shared>> -> memref<640x128xf32, #tpu.memory_space<vmem_shared>>
        %dma_start3A_89 = arith.constant 9360 : i32
        %dma_start3A_90 = arith.constant 0 : i32
        %dma_start3A_91 = tpu.memref_slice %arg2[%dma_start3A_89, %dma_start3A_90] : memref<10000x128xf32, #tpu.memory_space<hbm>> -> memref<640x128xf32, #tpu.memory_space<hbm>>
        tpu.enqueue_dma source(%dma_start3A_91 : memref<640x128xf32, #tpu.memory_space<hbm>>) target(%dma_start3A_88 : memref<640x128xf32, #tpu.memory_space<vmem_shared>>) target_semaphore(%run_scoped3A : memref<!tpu.dma_semaphore, #tpu.memory_space<semaphore_mem>>)
        %dma_wait3A = arith.constant 9360 : i32
        %dma_wait3A_92 = arith.constant 0 : i32
        %dma_wait3A_93 = tpu.memref_slice %arg9[%dma_wait3A, %dma_wait3A_92] : memref<10976x128xf32, #tpu.memory_space<vmem_shared>> -> memref<640x128xf32, #tpu.memory_space<vmem_shared>>
        %dma_wait3A_94 = arith.constant 9360 : i32
        %dma_wait3A_95 = arith.constant 0 : i32
        %dma_wait3A_96 = tpu.memref_slice %arg2[%dma_wait3A_94, %dma_wait3A_95] : memref<10000x128xf32, #tpu.memory_space<hbm>> -> memref<640x128xf32, #tpu.memory_space<hbm>>
        tpu.wait_dma2 semaphore(%run_scoped3A : memref<!tpu.dma_semaphore, #tpu.memory_space<semaphore_mem>>) src(%dma_wait3A_96 : memref<640x128xf32, #tpu.memory_space<hbm>>) dst(%dma_wait3A_93 : memref<640x128xf32, #tpu.memory_space<vmem_shared>>)
        tpu.yield
      }) : () -> ()
    } else {
    }
    %barrier3A = arith.constant 0 : index
    tpu.barrier barrier_id(%barrier3A)
    "tpu.region"() ({
      %run_scoped3A = tpu.sem_alloc : memref<!tpu.dma_semaphore, #tpu.memory_space<semaphore_mem>>
      %dma_start3A_86 = arith.constant 0 : i32
      %dma_start3A_87 = arith.constant 0 : i32
      %dma_start3A_88 = tpu.memref_slice %arg3[%add3A, %dma_start3A_86, %dma_start3A_87] : memref<32x80x128xi32, #tpu.memory_space<hbm>> -> memref<1x40x128xi32, #tpu.memory_space<hbm>>
      %dma_start3A_89 = tpu.memref_squeeze %dma_start3A_88 : memref<1x40x128xi32, #tpu.memory_space<hbm>> -> memref<40x128xi32, #tpu.memory_space<hbm>>
      %dma_start3A_90 = arith.constant 0 : i32
      %dma_start3A_91 = arith.constant 0 : i32
      %dma_start3A_92 = tpu.memref_slice %arg3[%add3A, %dma_start3A_90, %dma_start3A_91] : memref<32x80x128xi32, #tpu.memory_space<hbm>> -> memref<1x40x128xi32, #tpu.memory_space<hbm>>
      %dma_start3A_93 = tpu.memref_squeeze %dma_start3A_92 : memref<1x40x128xi32, #tpu.memory_space<hbm>> -> memref<40x128xi32, #tpu.memory_space<hbm>>
      tpu.enqueue_dma source(%dma_start3A_93 : memref<40x128xi32, #tpu.memory_space<hbm>>) target(%arg6 : memref<40x128xi32, #tpu.memory_space<vmem>>) target_semaphore(%run_scoped3A : memref<!tpu.dma_semaphore, #tpu.memory_space<semaphore_mem>>)
      %dma_wait3A = arith.constant 0 : i32
      %dma_wait3A_94 = arith.constant 0 : i32
      %dma_wait3A_95 = tpu.memref_slice %arg3[%add3A, %dma_wait3A, %dma_wait3A_94] : memref<32x80x128xi32, #tpu.memory_space<hbm>> -> memref<1x40x128xi32, #tpu.memory_space<hbm>>
      %dma_wait3A_96 = tpu.memref_squeeze %dma_wait3A_95 : memref<1x40x128xi32, #tpu.memory_space<hbm>> -> memref<40x128xi32, #tpu.memory_space<hbm>>
      %dma_wait3A_97 = arith.constant 0 : i32
      %dma_wait3A_98 = arith.constant 0 : i32
      %dma_wait3A_99 = tpu.memref_slice %arg3[%add3A, %dma_wait3A_97, %dma_wait3A_98] : memref<32x80x128xi32, #tpu.memory_space<hbm>> -> memref<1x40x128xi32, #tpu.memory_space<hbm>>
      %dma_wait3A_100 = tpu.memref_squeeze %dma_wait3A_99 : memref<1x40x128xi32, #tpu.memory_space<hbm>> -> memref<40x128xi32, #tpu.memory_space<hbm>>
      tpu.wait_dma2 semaphore(%run_scoped3A : memref<!tpu.dma_semaphore, #tpu.memory_space<semaphore_mem>>) src(%dma_wait3A_100 : memref<40x128xi32, #tpu.memory_space<hbm>>) dst(%arg6 : memref<40x128xi32, #tpu.memory_space<vmem>>)
      tpu.yield
    }) : () -> ()
    "tpu.region"() ({
      %run_scoped3A = tpu.sem_alloc : memref<!tpu.dma_semaphore, #tpu.memory_space<semaphore_mem>>
      %dma_start3A_86 = arith.constant 0 : i32
      %dma_start3A_87 = arith.constant 0 : i32
      %dma_start3A_88 = tpu.memref_slice %arg4[%add3A, %dma_start3A_86, %dma_start3A_87] : memref<32x80x128xi32, #tpu.memory_space<hbm>> -> memref<1x40x128xi32, #tpu.memory_space<hbm>>
      %dma_start3A_89 = tpu.memref_squeeze %dma_start3A_88 : memref<1x40x128xi32, #tpu.memory_space<hbm>> -> memref<40x128xi32, #tpu.memory_space<hbm>>
      %dma_start3A_90 = arith.constant 0 : i32
      %dma_start3A_91 = arith.constant 0 : i32
      %dma_start3A_92 = tpu.memref_slice %arg4[%add3A, %dma_start3A_90, %dma_start3A_91] : memref<32x80x128xi32, #tpu.memory_space<hbm>> -> memref<1x40x128xi32, #tpu.memory_space<hbm>>
      %dma_start3A_93 = tpu.memref_squeeze %dma_start3A_92 : memref<1x40x128xi32, #tpu.memory_space<hbm>> -> memref<40x128xi32, #tpu.memory_space<hbm>>
      tpu.enqueue_dma source(%dma_start3A_93 : memref<40x128xi32, #tpu.memory_space<hbm>>) target(%arg7 : memref<40x128xi32, #tpu.memory_space<vmem>>) target_semaphore(%run_scoped3A : memref<!tpu.dma_semaphore, #tpu.memory_space<semaphore_mem>>)
      %dma_wait3A = arith.constant 0 : i32
      %dma_wait3A_94 = arith.constant 0 : i32
      %dma_wait3A_95 = tpu.memref_slice %arg4[%add3A, %dma_wait3A, %dma_wait3A_94] : memref<32x80x128xi32, #tpu.memory_space<hbm>> -> memref<1x40x128xi32, #tpu.memory_space<hbm>>
      %dma_wait3A_96 = tpu.memref_squeeze %dma_wait3A_95 : memref<1x40x128xi32, #tpu.memory_space<hbm>> -> memref<40x128xi32, #tpu.memory_space<hbm>>
      %dma_wait3A_97 = arith.constant 0 : i32
      %dma_wait3A_98 = arith.constant 0 : i32
      %dma_wait3A_99 = tpu.memref_slice %arg4[%add3A, %dma_wait3A_97, %dma_wait3A_98] : memref<32x80x128xi32, #tpu.memory_space<hbm>> -> memref<1x40x128xi32, #tpu.memory_space<hbm>>
      %dma_wait3A_100 = tpu.memref_squeeze %dma_wait3A_99 : memref<1x40x128xi32, #tpu.memory_space<hbm>> -> memref<40x128xi32, #tpu.memory_space<hbm>>
      tpu.wait_dma2 semaphore(%run_scoped3A : memref<!tpu.dma_semaphore, #tpu.memory_space<semaphore_mem>>) src(%dma_wait3A_100 : memref<40x128xi32, #tpu.memory_space<hbm>>) dst(%arg7 : memref<40x128xi32, #tpu.memory_space<vmem>>)
      tpu.yield
    }) : () -> ()
    %dma_start3A = arith.constant 0 : i32
    %dma_start3A_7 = arith.constant 0 : i32
    %dma_start3A_8 = arith.constant 0 : i32
    %dma_start3A_9 = arith.constant 0 : i32
    %dma_start3A_10 = arith.constant 0 : i32
    %dma_start3A_11 = tpu.memref_slice %arg8[%dma_start3A_7, %dma_start3A_9, %dma_start3A_10] : memref<2x128x128xf32, #tpu.memory_space<vmem>> -> memref<1x128x128xf32, #tpu.memory_space<vmem>>
    %dma_start3A_12 = tpu.memref_squeeze %dma_start3A_11 : memref<1x128x128xf32, #tpu.memory_space<vmem>> -> memref<128x128xf32, #tpu.memory_space<vmem>>
    %dma_start3A_13 = arith.constant 0 : i32
    %dma_start3A_14 = tpu.memref_slice %arg6[%dma_start3A, %dma_start3A_13] : memref<40x128xi32, #tpu.memory_space<vmem>> -> memref<1x128xi32, #tpu.memory_space<vmem>>
    %dma_start3A_15 = tpu.memref_squeeze %dma_start3A_14 : memref<1x128xi32, #tpu.memory_space<vmem>> -> memref<128xi32, #tpu.memory_space<vmem>>
    %dma_start3A_16 = arith.constant 0 : i32
    %dma_start3A_17 = arith.constant 0 : i32
    %dma_start3A_18 = tpu.memref_slice %arg2[%dma_start3A_16, %dma_start3A_17] : memref<10000x128xf32, #tpu.memory_space<hbm>> -> memref<10000x128xf32, #tpu.memory_space<hbm>>
    %dma_start3A_19 = tpu.memref_slice %arg10[%dma_start3A_8] : memref<2x!tpu.dma_semaphore, #tpu.memory_space<semaphore_mem>> -> memref<1x!tpu.dma_semaphore, #tpu.memory_space<semaphore_mem>>
    %dma_start3A_20 = tpu.memref_squeeze %dma_start3A_19 : memref<1x!tpu.dma_semaphore, #tpu.memory_space<semaphore_mem>> -> memref<!tpu.dma_semaphore, #tpu.memory_space<semaphore_mem>>
    tpu.enqueue_indirect_dma source(%dma_start3A_18 : memref<10000x128xf32, #tpu.memory_space<hbm>>) target(%dma_start3A_12 : memref<128x128xf32, #tpu.memory_space<vmem>>) offsets(%dma_start3A_15 : memref<128xi32, #tpu.memory_space<vmem>>) semaphore(%dma_start3A_20 : memref<!tpu.dma_semaphore, #tpu.memory_space<semaphore_mem>>)
    %dma_start3A_21 = arith.constant 1 : i32
    %dma_start3A_22 = arith.constant 1 : i32
    %dma_start3A_23 = arith.constant 1 : i32
    %dma_start3A_24 = arith.constant 0 : i32
    %dma_start3A_25 = arith.constant 0 : i32
    %dma_start3A_26 = tpu.memref_slice %arg8[%dma_start3A_22, %dma_start3A_24, %dma_start3A_25] : memref<2x128x128xf32, #tpu.memory_space<vmem>> -> memref<1x128x128xf32, #tpu.memory_space<vmem>>
    %dma_start3A_27 = tpu.memref_squeeze %dma_start3A_26 : memref<1x128x128xf32, #tpu.memory_space<vmem>> -> memref<128x128xf32, #tpu.memory_space<vmem>>
    %dma_start3A_28 = arith.constant 0 : i32
    %dma_start3A_29 = tpu.memref_slice %arg6[%dma_start3A_21, %dma_start3A_28] : memref<40x128xi32, #tpu.memory_space<vmem>> -> memref<1x128xi32, #tpu.memory_space<vmem>>
    %dma_start3A_30 = tpu.memref_squeeze %dma_start3A_29 : memref<1x128xi32, #tpu.memory_space<vmem>> -> memref<128xi32, #tpu.memory_space<vmem>>
    %dma_start3A_31 = arith.constant 0 : i32
    %dma_start3A_32 = arith.constant 0 : i32
    %dma_start3A_33 = tpu.memref_slice %arg2[%dma_start3A_31, %dma_start3A_32] : memref<10000x128xf32, #tpu.memory_space<hbm>> -> memref<10000x128xf32, #tpu.memory_space<hbm>>
    %dma_start3A_34 = tpu.memref_slice %arg10[%dma_start3A_23] : memref<2x!tpu.dma_semaphore, #tpu.memory_space<semaphore_mem>> -> memref<1x!tpu.dma_semaphore, #tpu.memory_space<semaphore_mem>>
    %dma_start3A_35 = tpu.memref_squeeze %dma_start3A_34 : memref<1x!tpu.dma_semaphore, #tpu.memory_space<semaphore_mem>> -> memref<!tpu.dma_semaphore, #tpu.memory_space<semaphore_mem>>
    tpu.enqueue_indirect_dma source(%dma_start3A_33 : memref<10000x128xf32, #tpu.memory_space<hbm>>) target(%dma_start3A_27 : memref<128x128xf32, #tpu.memory_space<vmem>>) offsets(%dma_start3A_30 : memref<128xi32, #tpu.memory_space<vmem>>) semaphore(%dma_start3A_35 : memref<!tpu.dma_semaphore, #tpu.memory_space<semaphore_mem>>)
    %scan3A = arith.constant 0 : i32
    %scan3A_36 = arith.constant 20 : i32
    %scan3A_37 = arith.addi %scan3A, %scan3A_36 : i32
    %scan3A_38 = arith.constant 1 : i32
    scf.for %scan3A_86 = %scan3A to %scan3A_37 step %scan3A_38  : i32 {
      %mul3A_87 = arith.constant 2 : i32
      %mul3A_88 = arith.muli %scan3A_86, %mul3A_87 : i32
      %add3A_89 = arith.constant 0 : i32
      %add3A_90 = arith.addi %mul3A_88, %add3A_89 : i32
      %dma_wait3A = arith.constant 0 : i32
      %dma_wait3A_91 = arith.constant 0 : i32
      %dma_wait3A_92 = arith.constant 0 : i32
      %dma_wait3A_93 = arith.constant 0 : i32
      %dma_wait3A_94 = tpu.memref_slice %arg8[%dma_wait3A, %dma_wait3A_92, %dma_wait3A_93] : memref<2x128x128xf32, #tpu.memory_space<vmem>> -> memref<1x128x128xf32, #tpu.memory_space<vmem>>
      %dma_wait3A_95 = tpu.memref_squeeze %dma_wait3A_94 : memref<1x128x128xf32, #tpu.memory_space<vmem>> -> memref<128x128xf32, #tpu.memory_space<vmem>>
      %dma_wait3A_96 = arith.constant 0 : i32
      %dma_wait3A_97 = tpu.memref_slice %arg6[%add3A_90, %dma_wait3A_96] : memref<40x128xi32, #tpu.memory_space<vmem>> -> memref<1x128xi32, #tpu.memory_space<vmem>>
      %dma_wait3A_98 = tpu.memref_squeeze %dma_wait3A_97 : memref<1x128xi32, #tpu.memory_space<vmem>> -> memref<128xi32, #tpu.memory_space<vmem>>
      %dma_wait3A_99 = arith.constant 0 : i32
      %dma_wait3A_100 = arith.constant 0 : i32
      %dma_wait3A_101 = tpu.memref_slice %arg2[%dma_wait3A_99, %dma_wait3A_100] : memref<10000x128xf32, #tpu.memory_space<hbm>> -> memref<10000x128xf32, #tpu.memory_space<hbm>>
      %dma_wait3A_102 = tpu.memref_slice %arg10[%dma_wait3A_91] : memref<2x!tpu.dma_semaphore, #tpu.memory_space<semaphore_mem>> -> memref<1x!tpu.dma_semaphore, #tpu.memory_space<semaphore_mem>>
      %dma_wait3A_103 = tpu.memref_squeeze %dma_wait3A_102 : memref<1x!tpu.dma_semaphore, #tpu.memory_space<semaphore_mem>> -> memref<!tpu.dma_semaphore, #tpu.memory_space<semaphore_mem>>
      tpu.wait_indirect_dma semaphore(%dma_wait3A_103 : memref<!tpu.dma_semaphore, #tpu.memory_space<semaphore_mem>>) src(%dma_wait3A_101 : memref<10000x128xf32, #tpu.memory_space<hbm>>) dst(%dma_wait3A_95 : memref<128x128xf32, #tpu.memory_space<vmem>>)
      %run_scoped3A = arith.constant 0 : i32
      "tpu.region"() ({
        %run_scoped3A_137 = tpu.sem_alloc : memref<!tpu.dma_semaphore, #tpu.memory_space<semaphore_mem>>
        %dma_start3A_138 = arith.constant 0 : i32
        %dma_start3A_139 = arith.constant 0 : i32
        %dma_start3A_140 = tpu.memref_slice %arg8[%run_scoped3A, %dma_start3A_138, %dma_start3A_139] : memref<2x128x128xf32, #tpu.memory_space<vmem>> -> memref<1x128x128xf32, #tpu.memory_space<vmem>>
        %dma_start3A_141 = tpu.memref_squeeze %dma_start3A_140 : memref<1x128x128xf32, #tpu.memory_space<vmem>> -> memref<128x128xf32, #tpu.memory_space<vmem>>
        %dma_start3A_142 = arith.constant 0 : i32
        %dma_start3A_143 = tpu.memref_slice %arg7[%add3A_90, %dma_start3A_142] : memref<40x128xi32, #tpu.memory_space<vmem>> -> memref<1x128xi32, #tpu.memory_space<vmem>>
        %dma_start3A_144 = tpu.memref_squeeze %dma_start3A_143 : memref<1x128xi32, #tpu.memory_space<vmem>> -> memref<128xi32, #tpu.memory_space<vmem>>
        %dma_start3A_145 = arith.constant 0 : i32
        %dma_start3A_146 = arith.constant 0 : i32
        %dma_start3A_147 = tpu.memref_slice %arg9[%dma_start3A_145, %dma_start3A_146] : memref<10976x128xf32, #tpu.memory_space<vmem_shared>> -> memref<10976x128xf32, #tpu.memory_space<vmem_shared>>
        tpu.enqueue_indirect_dma source(%dma_start3A_141 : memref<128x128xf32, #tpu.memory_space<vmem>>) target(%dma_start3A_147 : memref<10976x128xf32, #tpu.memory_space<vmem_shared>>) offsets(%dma_start3A_144 : memref<128xi32, #tpu.memory_space<vmem>>) semaphore(%run_scoped3A_137 : memref<!tpu.dma_semaphore, #tpu.memory_space<semaphore_mem>>) {add = true}
        %dma_wait3A_148 = arith.constant 0 : i32
        %dma_wait3A_149 = arith.constant 0 : i32
        %dma_wait3A_150 = tpu.memref_slice %arg8[%run_scoped3A, %dma_wait3A_148, %dma_wait3A_149] : memref<2x128x128xf32, #tpu.memory_space<vmem>> -> memref<1x128x128xf32, #tpu.memory_space<vmem>>
        %dma_wait3A_151 = tpu.memref_squeeze %dma_wait3A_150 : memref<1x128x128xf32, #tpu.memory_space<vmem>> -> memref<128x128xf32, #tpu.memory_space<vmem>>
        %dma_wait3A_152 = arith.constant 0 : i32
        %dma_wait3A_153 = tpu.memref_slice %arg7[%add3A_90, %dma_wait3A_152] : memref<40x128xi32, #tpu.memory_space<vmem>> -> memref<1x128xi32, #tpu.memory_space<vmem>>
        %dma_wait3A_154 = tpu.memref_squeeze %dma_wait3A_153 : memref<1x128xi32, #tpu.memory_space<vmem>> -> memref<128xi32, #tpu.memory_space<vmem>>
        %dma_wait3A_155 = arith.constant 0 : i32
        %dma_wait3A_156 = arith.constant 0 : i32
        %dma_wait3A_157 = tpu.memref_slice %arg9[%dma_wait3A_155, %dma_wait3A_156] : memref<10976x128xf32, #tpu.memory_space<vmem_shared>> -> memref<10976x128xf32, #tpu.memory_space<vmem_shared>>
        tpu.wait_indirect_dma semaphore(%run_scoped3A_137 : memref<!tpu.dma_semaphore, #tpu.memory_space<semaphore_mem>>) src(%dma_wait3A_151 : memref<128x128xf32, #tpu.memory_space<vmem>>) dst(%dma_wait3A_157 : memref<10976x128xf32, #tpu.memory_space<vmem_shared>>)
        tpu.yield
      }) : () -> ()
      %add3A_104 = arith.constant 2 : i32
      %add3A_105 = arith.addi %add3A_90, %add3A_104 : i32
      %lt3A_106 = arith.constant 40 : i32
      %lt3A_107 = arith.cmpi slt, %add3A_105, %lt3A_106 : i32
      %convert_element_type3A_108 = arith.extui %lt3A_107 : i1 to i32
      %cond3A_109 = arith.constant 0 : i32
      %cond3A_110 = arith.cmpi ne, %convert_element_type3A_108, %cond3A_109 : i32
      scf.if %cond3A_110 {
        %add3A_137 = arith.constant 2 : i32
        %add3A_138 = arith.addi %add3A_90, %add3A_137 : i32
        %dma_start3A_139 = arith.constant 0 : i32
        %dma_start3A_140 = arith.constant 0 : i32
        %dma_start3A_141 = arith.constant 0 : i32
        %dma_start3A_142 = arith.constant 0 : i32
        %dma_start3A_143 = tpu.memref_slice %arg8[%dma_start3A_139, %dma_start3A_141, %dma_start3A_142] : memref<2x128x128xf32, #tpu.memory_space<vmem>> -> memref<1x128x128xf32, #tpu.memory_space<vmem>>
        %dma_start3A_144 = tpu.memref_squeeze %dma_start3A_143 : memref<1x128x128xf32, #tpu.memory_space<vmem>> -> memref<128x128xf32, #tpu.memory_space<vmem>>
        %dma_start3A_145 = arith.constant 0 : i32
        %dma_start3A_146 = tpu.memref_slice %arg6[%add3A_138, %dma_start3A_145] : memref<40x128xi32, #tpu.memory_space<vmem>> -> memref<1x128xi32, #tpu.memory_space<vmem>>
        %dma_start3A_147 = tpu.memref_squeeze %dma_start3A_146 : memref<1x128xi32, #tpu.memory_space<vmem>> -> memref<128xi32, #tpu.memory_space<vmem>>
        %dma_start3A_148 = arith.constant 0 : i32
        %dma_start3A_149 = arith.constant 0 : i32
        %dma_start3A_150 = tpu.memref_slice %arg2[%dma_start3A_148, %dma_start3A_149] : memref<10000x128xf32, #tpu.memory_space<hbm>> -> memref<10000x128xf32, #tpu.memory_space<hbm>>
        %dma_start3A_151 = tpu.memref_slice %arg10[%dma_start3A_140] : memref<2x!tpu.dma_semaphore, #tpu.memory_space<semaphore_mem>> -> memref<1x!tpu.dma_semaphore, #tpu.memory_space<semaphore_mem>>
        %dma_start3A_152 = tpu.memref_squeeze %dma_start3A_151 : memref<1x!tpu.dma_semaphore, #tpu.memory_space<semaphore_mem>> -> memref<!tpu.dma_semaphore, #tpu.memory_space<semaphore_mem>>
        tpu.enqueue_indirect_dma source(%dma_start3A_150 : memref<10000x128xf32, #tpu.memory_space<hbm>>) target(%dma_start3A_144 : memref<128x128xf32, #tpu.memory_space<vmem>>) offsets(%dma_start3A_147 : memref<128xi32, #tpu.memory_space<vmem>>) semaphore(%dma_start3A_152 : memref<!tpu.dma_semaphore, #tpu.memory_space<semaphore_mem>>)
      } else {
      }
      %mul3A_111 = arith.constant 2 : i32
      %mul3A_112 = arith.muli %scan3A_86, %mul3A_111 : i32
      %add3A_113 = arith.constant 1 : i32
      %add3A_114 = arith.addi %mul3A_112, %add3A_113 : i32
      %dma_wait3A_115 = arith.constant 1 : i32
      %dma_wait3A_116 = arith.constant 1 : i32
      %dma_wait3A_117 = arith.constant 0 : i32
      %dma_wait3A_118 = arith.constant 0 : i32
      %dma_wait3A_119 = tpu.memref_slice %arg8[%dma_wait3A_115, %dma_wait3A_117, %dma_wait3A_118] : memref<2x128x128xf32, #tpu.memory_space<vmem>> -> memref<1x128x128xf32, #tpu.memory_space<vmem>>
      %dma_wait3A_120 = tpu.memref_squeeze %dma_wait3A_119 : memref<1x128x128xf32, #tpu.memory_space<vmem>> -> memref<128x128xf32, #tpu.memory_space<vmem>>
      %dma_wait3A_121 = arith.constant 0 : i32
      %dma_wait3A_122 = tpu.memref_slice %arg6[%add3A_114, %dma_wait3A_121] : memref<40x128xi32, #tpu.memory_space<vmem>> -> memref<1x128xi32, #tpu.memory_space<vmem>>
      %dma_wait3A_123 = tpu.memref_squeeze %dma_wait3A_122 : memref<1x128xi32, #tpu.memory_space<vmem>> -> memref<128xi32, #tpu.memory_space<vmem>>
      %dma_wait3A_124 = arith.constant 0 : i32
      %dma_wait3A_125 = arith.constant 0 : i32
      %dma_wait3A_126 = tpu.memref_slice %arg2[%dma_wait3A_124, %dma_wait3A_125] : memref<10000x128xf32, #tpu.memory_space<hbm>> -> memref<10000x128xf32, #tpu.memory_space<hbm>>
      %dma_wait3A_127 = tpu.memref_slice %arg10[%dma_wait3A_116] : memref<2x!tpu.dma_semaphore, #tpu.memory_space<semaphore_mem>> -> memref<1x!tpu.dma_semaphore, #tpu.memory_space<semaphore_mem>>
      %dma_wait3A_128 = tpu.memref_squeeze %dma_wait3A_127 : memref<1x!tpu.dma_semaphore, #tpu.memory_space<semaphore_mem>> -> memref<!tpu.dma_semaphore, #tpu.memory_space<semaphore_mem>>
      tpu.wait_indirect_dma semaphore(%dma_wait3A_128 : memref<!tpu.dma_semaphore, #tpu.memory_space<semaphore_mem>>) src(%dma_wait3A_126 : memref<10000x128xf32, #tpu.memory_space<hbm>>) dst(%dma_wait3A_120 : memref<128x128xf32, #tpu.memory_space<vmem>>)
      %run_scoped3A_129 = arith.constant 1 : i32
      "tpu.region"() ({
        %run_scoped3A_137 = tpu.sem_alloc : memref<!tpu.dma_semaphore, #tpu.memory_space<semaphore_mem>>
        %dma_start3A_138 = arith.constant 0 : i32
        %dma_start3A_139 = arith.constant 0 : i32
        %dma_start3A_140 = tpu.memref_slice %arg8[%run_scoped3A_129, %dma_start3A_138, %dma_start3A_139] : memref<2x128x128xf32, #tpu.memory_space<vmem>> -> memref<1x128x128xf32, #tpu.memory_space<vmem>>
        %dma_start3A_141 = tpu.memref_squeeze %dma_start3A_140 : memref<1x128x128xf32, #tpu.memory_space<vmem>> -> memref<128x128xf32, #tpu.memory_space<vmem>>
        %dma_start3A_142 = arith.constant 0 : i32
        %dma_start3A_143 = tpu.memref_slice %arg7[%add3A_114, %dma_start3A_142] : memref<40x128xi32, #tpu.memory_space<vmem>> -> memref<1x128xi32, #tpu.memory_space<vmem>>
        %dma_start3A_144 = tpu.memref_squeeze %dma_start3A_143 : memref<1x128xi32, #tpu.memory_space<vmem>> -> memref<128xi32, #tpu.memory_space<vmem>>
        %dma_start3A_145 = arith.constant 0 : i32
        %dma_start3A_146 = arith.constant 0 : i32
        %dma_start3A_147 = tpu.memref_slice %arg9[%dma_start3A_145, %dma_start3A_146] : memref<10976x128xf32, #tpu.memory_space<vmem_shared>> -> memref<10976x128xf32, #tpu.memory_space<vmem_shared>>
        tpu.enqueue_indirect_dma source(%dma_start3A_141 : memref<128x128xf32, #tpu.memory_space<vmem>>) target(%dma_start3A_147 : memref<10976x128xf32, #tpu.memory_space<vmem_shared>>) offsets(%dma_start3A_144 : memref<128xi32, #tpu.memory_space<vmem>>) semaphore(%run_scoped3A_137 : memref<!tpu.dma_semaphore, #tpu.memory_space<semaphore_mem>>) {add = true}
        %dma_wait3A_148 = arith.constant 0 : i32
        %dma_wait3A_149 = arith.constant 0 : i32
        %dma_wait3A_150 = tpu.memref_slice %arg8[%run_scoped3A_129, %dma_wait3A_148, %dma_wait3A_149] : memref<2x128x128xf32, #tpu.memory_space<vmem>> -> memref<1x128x128xf32, #tpu.memory_space<vmem>>
        %dma_wait3A_151 = tpu.memref_squeeze %dma_wait3A_150 : memref<1x128x128xf32, #tpu.memory_space<vmem>> -> memref<128x128xf32, #tpu.memory_space<vmem>>
        %dma_wait3A_152 = arith.constant 0 : i32
        %dma_wait3A_153 = tpu.memref_slice %arg7[%add3A_114, %dma_wait3A_152] : memref<40x128xi32, #tpu.memory_space<vmem>> -> memref<1x128xi32, #tpu.memory_space<vmem>>
        %dma_wait3A_154 = tpu.memref_squeeze %dma_wait3A_153 : memref<1x128xi32, #tpu.memory_space<vmem>> -> memref<128xi32, #tpu.memory_space<vmem>>
        %dma_wait3A_155 = arith.constant 0 : i32
        %dma_wait3A_156 = arith.constant 0 : i32
        %dma_wait3A_157 = tpu.memref_slice %arg9[%dma_wait3A_155, %dma_wait3A_156] : memref<10976x128xf32, #tpu.memory_space<vmem_shared>> -> memref<10976x128xf32, #tpu.memory_space<vmem_shared>>
        tpu.wait_indirect_dma semaphore(%run_scoped3A_137 : memref<!tpu.dma_semaphore, #tpu.memory_space<semaphore_mem>>) src(%dma_wait3A_151 : memref<128x128xf32, #tpu.memory_space<vmem>>) dst(%dma_wait3A_157 : memref<10976x128xf32, #tpu.memory_space<vmem_shared>>)
        tpu.yield
      }) : () -> ()
      %add3A_130 = arith.constant 2 : i32
      %add3A_131 = arith.addi %add3A_114, %add3A_130 : i32
      %lt3A_132 = arith.constant 40 : i32
      %lt3A_133 = arith.cmpi slt, %add3A_131, %lt3A_132 : i32
      %convert_element_type3A_134 = arith.extui %lt3A_133 : i1 to i32
      %cond3A_135 = arith.constant 0 : i32
      %cond3A_136 = arith.cmpi ne, %convert_element_type3A_134, %cond3A_135 : i32
      scf.if %cond3A_136 {
        %add3A_137 = arith.constant 2 : i32
        %add3A_138 = arith.addi %add3A_114, %add3A_137 : i32
        %dma_start3A_139 = arith.constant 1 : i32
        %dma_start3A_140 = arith.constant 1 : i32
        %dma_start3A_141 = arith.constant 0 : i32
        %dma_start3A_142 = arith.constant 0 : i32
        %dma_start3A_143 = tpu.memref_slice %arg8[%dma_start3A_139, %dma_start3A_141, %dma_start3A_142] : memref<2x128x128xf32, #tpu.memory_space<vmem>> -> memref<1x128x128xf32, #tpu.memory_space<vmem>>
        %dma_start3A_144 = tpu.memref_squeeze %dma_start3A_143 : memref<1x128x128xf32, #tpu.memory_space<vmem>> -> memref<128x128xf32, #tpu.memory_space<vmem>>
        %dma_start3A_145 = arith.constant 0 : i32
        %dma_start3A_146 = tpu.memref_slice %arg6[%add3A_138, %dma_start3A_145] : memref<40x128xi32, #tpu.memory_space<vmem>> -> memref<1x128xi32, #tpu.memory_space<vmem>>
        %dma_start3A_147 = tpu.memref_squeeze %dma_start3A_146 : memref<1x128xi32, #tpu.memory_space<vmem>> -> memref<128xi32, #tpu.memory_space<vmem>>
        %dma_start3A_148 = arith.constant 0 : i32
        %dma_start3A_149 = arith.constant 0 : i32
        %dma_start3A_150 = tpu.memref_slice %arg2[%dma_start3A_148, %dma_start3A_149] : memref<10000x128xf32, #tpu.memory_space<hbm>> -> memref<10000x128xf32, #tpu.memory_space<hbm>>
        %dma_start3A_151 = tpu.memref_slice %arg10[%dma_start3A_140] : memref<2x!tpu.dma_semaphore, #tpu.memory_space<semaphore_mem>> -> memref<1x!tpu.dma_semaphore, #tpu.memory_space<semaphore_mem>>
        %dma_start3A_152 = tpu.memref_squeeze %dma_start3A_151 : memref<1x!tpu.dma_semaphore, #tpu.memory_space<semaphore_mem>> -> memref<!tpu.dma_semaphore, #tpu.memory_space<semaphore_mem>>
        tpu.enqueue_indirect_dma source(%dma_start3A_150 : memref<10000x128xf32, #tpu.memory_space<hbm>>) target(%dma_start3A_144 : memref<128x128xf32, #tpu.memory_space<vmem>>) offsets(%dma_start3A_147 : memref<128xi32, #tpu.memory_space<vmem>>) semaphore(%dma_start3A_152 : memref<!tpu.dma_semaphore, #tpu.memory_space<semaphore_mem>>)
      } else {
      }
    }
    %scan3A_39 = arith.constant 20 : i32
    "tpu.region"() ({
      %run_scoped3A = tpu.sem_alloc : memref<!tpu.dma_semaphore, #tpu.memory_space<semaphore_mem>>
      %dma_start3A_86 = arith.constant 40 : i32
      %dma_start3A_87 = arith.constant 0 : i32
      %dma_start3A_88 = tpu.memref_slice %arg3[%add3A, %dma_start3A_86, %dma_start3A_87] : memref<32x80x128xi32, #tpu.memory_space<hbm>> -> memref<1x40x128xi32, #tpu.memory_space<hbm>>
      %dma_start3A_89 = tpu.memref_squeeze %dma_start3A_88 : memref<1x40x128xi32, #tpu.memory_space<hbm>> -> memref<40x128xi32, #tpu.memory_space<hbm>>
      %dma_start3A_90 = arith.constant 40 : i32
      %dma_start3A_91 = arith.constant 0 : i32
      %dma_start3A_92 = tpu.memref_slice %arg3[%add3A, %dma_start3A_90, %dma_start3A_91] : memref<32x80x128xi32, #tpu.memory_space<hbm>> -> memref<1x40x128xi32, #tpu.memory_space<hbm>>
      %dma_start3A_93 = tpu.memref_squeeze %dma_start3A_92 : memref<1x40x128xi32, #tpu.memory_space<hbm>> -> memref<40x128xi32, #tpu.memory_space<hbm>>
      tpu.enqueue_dma source(%dma_start3A_93 : memref<40x128xi32, #tpu.memory_space<hbm>>) target(%arg6 : memref<40x128xi32, #tpu.memory_space<vmem>>) target_semaphore(%run_scoped3A : memref<!tpu.dma_semaphore, #tpu.memory_space<semaphore_mem>>)
      %dma_wait3A = arith.constant 40 : i32
      %dma_wait3A_94 = arith.constant 0 : i32
      %dma_wait3A_95 = tpu.memref_slice %arg3[%add3A, %dma_wait3A, %dma_wait3A_94] : memref<32x80x128xi32, #tpu.memory_space<hbm>> -> memref<1x40x128xi32, #tpu.memory_space<hbm>>
      %dma_wait3A_96 = tpu.memref_squeeze %dma_wait3A_95 : memref<1x40x128xi32, #tpu.memory_space<hbm>> -> memref<40x128xi32, #tpu.memory_space<hbm>>
      %dma_wait3A_97 = arith.constant 40 : i32
      %dma_wait3A_98 = arith.constant 0 : i32
      %dma_wait3A_99 = tpu.memref_slice %arg3[%add3A, %dma_wait3A_97, %dma_wait3A_98] : memref<32x80x128xi32, #tpu.memory_space<hbm>> -> memref<1x40x128xi32, #tpu.memory_space<hbm>>
      %dma_wait3A_100 = tpu.memref_squeeze %dma_wait3A_99 : memref<1x40x128xi32, #tpu.memory_space<hbm>> -> memref<40x128xi32, #tpu.memory_space<hbm>>
      tpu.wait_dma2 semaphore(%run_scoped3A : memref<!tpu.dma_semaphore, #tpu.memory_space<semaphore_mem>>) src(%dma_wait3A_100 : memref<40x128xi32, #tpu.memory_space<hbm>>) dst(%arg6 : memref<40x128xi32, #tpu.memory_space<vmem>>)
      tpu.yield
    }) : () -> ()
    "tpu.region"() ({
      %run_scoped3A = tpu.sem_alloc : memref<!tpu.dma_semaphore, #tpu.memory_space<semaphore_mem>>
      %dma_start3A_86 = arith.constant 40 : i32
      %dma_start3A_87 = arith.constant 0 : i32
      %dma_start3A_88 = tpu.memref_slice %arg4[%add3A, %dma_start3A_86, %dma_start3A_87] : memref<32x80x128xi32, #tpu.memory_space<hbm>> -> memref<1x40x128xi32, #tpu.memory_space<hbm>>
      %dma_start3A_89 = tpu.memref_squeeze %dma_start3A_88 : memref<1x40x128xi32, #tpu.memory_space<hbm>> -> memref<40x128xi32, #tpu.memory_space<hbm>>
      %dma_start3A_90 = arith.constant 40 : i32
      %dma_start3A_91 = arith.constant 0 : i32
      %dma_start3A_92 = tpu.memref_slice %arg4[%add3A, %dma_start3A_90, %dma_start3A_91] : memref<32x80x128xi32, #tpu.memory_space<hbm>> -> memref<1x40x128xi32, #tpu.memory_space<hbm>>
      %dma_start3A_93 = tpu.memref_squeeze %dma_start3A_92 : memref<1x40x128xi32, #tpu.memory_space<hbm>> -> memref<40x128xi32, #tpu.memory_space<hbm>>
      tpu.enqueue_dma source(%dma_start3A_93 : memref<40x128xi32, #tpu.memory_space<hbm>>) target(%arg7 : memref<40x128xi32, #tpu.memory_space<vmem>>) target_semaphore(%run_scoped3A : memref<!tpu.dma_semaphore, #tpu.memory_space<semaphore_mem>>)
      %dma_wait3A = arith.constant 40 : i32
      %dma_wait3A_94 = arith.constant 0 : i32
      %dma_wait3A_95 = tpu.memref_slice %arg4[%add3A, %dma_wait3A, %dma_wait3A_94] : memref<32x80x128xi32, #tpu.memory_space<hbm>> -> memref<1x40x128xi32, #tpu.memory_space<hbm>>
      %dma_wait3A_96 = tpu.memref_squeeze %dma_wait3A_95 : memref<1x40x128xi32, #tpu.memory_space<hbm>> -> memref<40x128xi32, #tpu.memory_space<hbm>>
      %dma_wait3A_97 = arith.constant 40 : i32
      %dma_wait3A_98 = arith.constant 0 : i32
      %dma_wait3A_99 = tpu.memref_slice %arg4[%add3A, %dma_wait3A_97, %dma_wait3A_98] : memref<32x80x128xi32, #tpu.memory_space<hbm>> -> memref<1x40x128xi32, #tpu.memory_space<hbm>>
      %dma_wait3A_100 = tpu.memref_squeeze %dma_wait3A_99 : memref<1x40x128xi32, #tpu.memory_space<hbm>> -> memref<40x128xi32, #tpu.memory_space<hbm>>
      tpu.wait_dma2 semaphore(%run_scoped3A : memref<!tpu.dma_semaphore, #tpu.memory_space<semaphore_mem>>) src(%dma_wait3A_100 : memref<40x128xi32, #tpu.memory_space<hbm>>) dst(%arg7 : memref<40x128xi32, #tpu.memory_space<vmem>>)
      tpu.yield
    }) : () -> ()
    %dma_start3A_40 = arith.constant 0 : i32
    %dma_start3A_41 = arith.constant 0 : i32
    %dma_start3A_42 = arith.constant 0 : i32
    %dma_start3A_43 = arith.constant 0 : i32
    %dma_start3A_44 = arith.constant 0 : i32
    %dma_start3A_45 = tpu.memref_slice %arg8[%dma_start3A_41, %dma_start3A_43, %dma_start3A_44] : memref<2x128x128xf32, #tpu.memory_space<vmem>> -> memref<1x128x128xf32, #tpu.memory_space<vmem>>
    %dma_start3A_46 = tpu.memref_squeeze %dma_start3A_45 : memref<1x128x128xf32, #tpu.memory_space<vmem>> -> memref<128x128xf32, #tpu.memory_space<vmem>>
    %dma_start3A_47 = arith.constant 0 : i32
    %dma_start3A_48 = tpu.memref_slice %arg6[%dma_start3A_40, %dma_start3A_47] : memref<40x128xi32, #tpu.memory_space<vmem>> -> memref<1x128xi32, #tpu.memory_space<vmem>>
    %dma_start3A_49 = tpu.memref_squeeze %dma_start3A_48 : memref<1x128xi32, #tpu.memory_space<vmem>> -> memref<128xi32, #tpu.memory_space<vmem>>
    %dma_start3A_50 = arith.constant 0 : i32
    %dma_start3A_51 = arith.constant 0 : i32
    %dma_start3A_52 = tpu.memref_slice %arg2[%dma_start3A_50, %dma_start3A_51] : memref<10000x128xf32, #tpu.memory_space<hbm>> -> memref<10000x128xf32, #tpu.memory_space<hbm>>
    %dma_start3A_53 = tpu.memref_slice %arg10[%dma_start3A_42] : memref<2x!tpu.dma_semaphore, #tpu.memory_space<semaphore_mem>> -> memref<1x!tpu.dma_semaphore, #tpu.memory_space<semaphore_mem>>
    %dma_start3A_54 = tpu.memref_squeeze %dma_start3A_53 : memref<1x!tpu.dma_semaphore, #tpu.memory_space<semaphore_mem>> -> memref<!tpu.dma_semaphore, #tpu.memory_space<semaphore_mem>>
    tpu.enqueue_indirect_dma source(%dma_start3A_52 : memref<10000x128xf32, #tpu.memory_space<hbm>>) target(%dma_start3A_46 : memref<128x128xf32, #tpu.memory_space<vmem>>) offsets(%dma_start3A_49 : memref<128xi32, #tpu.memory_space<vmem>>) semaphore(%dma_start3A_54 : memref<!tpu.dma_semaphore, #tpu.memory_space<semaphore_mem>>)
    %dma_start3A_55 = arith.constant 1 : i32
    %dma_start3A_56 = arith.constant 1 : i32
    %dma_start3A_57 = arith.constant 1 : i32
    %dma_start3A_58 = arith.constant 0 : i32
    %dma_start3A_59 = arith.constant 0 : i32
    %dma_start3A_60 = tpu.memref_slice %arg8[%dma_start3A_56, %dma_start3A_58, %dma_start3A_59] : memref<2x128x128xf32, #tpu.memory_space<vmem>> -> memref<1x128x128xf32, #tpu.memory_space<vmem>>
    %dma_start3A_61 = tpu.memref_squeeze %dma_start3A_60 : memref<1x128x128xf32, #tpu.memory_space<vmem>> -> memref<128x128xf32, #tpu.memory_space<vmem>>
    %dma_start3A_62 = arith.constant 0 : i32
    %dma_start3A_63 = tpu.memref_slice %arg6[%dma_start3A_55, %dma_start3A_62] : memref<40x128xi32, #tpu.memory_space<vmem>> -> memref<1x128xi32, #tpu.memory_space<vmem>>
    %dma_start3A_64 = tpu.memref_squeeze %dma_start3A_63 : memref<1x128xi32, #tpu.memory_space<vmem>> -> memref<128xi32, #tpu.memory_space<vmem>>
    %dma_start3A_65 = arith.constant 0 : i32
    %dma_start3A_66 = arith.constant 0 : i32
    %dma_start3A_67 = tpu.memref_slice %arg2[%dma_start3A_65, %dma_start3A_66] : memref<10000x128xf32, #tpu.memory_space<hbm>> -> memref<10000x128xf32, #tpu.memory_space<hbm>>
    %dma_start3A_68 = tpu.memref_slice %arg10[%dma_start3A_57] : memref<2x!tpu.dma_semaphore, #tpu.memory_space<semaphore_mem>> -> memref<1x!tpu.dma_semaphore, #tpu.memory_space<semaphore_mem>>
    %dma_start3A_69 = tpu.memref_squeeze %dma_start3A_68 : memref<1x!tpu.dma_semaphore, #tpu.memory_space<semaphore_mem>> -> memref<!tpu.dma_semaphore, #tpu.memory_space<semaphore_mem>>
    tpu.enqueue_indirect_dma source(%dma_start3A_67 : memref<10000x128xf32, #tpu.memory_space<hbm>>) target(%dma_start3A_61 : memref<128x128xf32, #tpu.memory_space<vmem>>) offsets(%dma_start3A_64 : memref<128xi32, #tpu.memory_space<vmem>>) semaphore(%dma_start3A_69 : memref<!tpu.dma_semaphore, #tpu.memory_space<semaphore_mem>>)
    %scan3A_70 = arith.constant 0 : i32
    %scan3A_71 = arith.constant 20 : i32
    %scan3A_72 = arith.addi %scan3A_70, %scan3A_71 : i32
    %scan3A_73 = arith.constant 1 : i32
    scf.for %scan3A_86 = %scan3A_70 to %scan3A_72 step %scan3A_73  : i32 {
      %mul3A_87 = arith.constant 2 : i32
      %mul3A_88 = arith.muli %scan3A_86, %mul3A_87 : i32
      %add3A_89 = arith.constant 0 : i32
      %add3A_90 = arith.addi %mul3A_88, %add3A_89 : i32
      %dma_wait3A = arith.constant 0 : i32
      %dma_wait3A_91 = arith.constant 0 : i32
      %dma_wait3A_92 = arith.constant 0 : i32
      %dma_wait3A_93 = arith.constant 0 : i32
      %dma_wait3A_94 = tpu.memref_slice %arg8[%dma_wait3A, %dma_wait3A_92, %dma_wait3A_93] : memref<2x128x128xf32, #tpu.memory_space<vmem>> -> memref<1x128x128xf32, #tpu.memory_space<vmem>>
      %dma_wait3A_95 = tpu.memref_squeeze %dma_wait3A_94 : memref<1x128x128xf32, #tpu.memory_space<vmem>> -> memref<128x128xf32, #tpu.memory_space<vmem>>
      %dma_wait3A_96 = arith.constant 0 : i32
      %dma_wait3A_97 = tpu.memref_slice %arg6[%add3A_90, %dma_wait3A_96] : memref<40x128xi32, #tpu.memory_space<vmem>> -> memref<1x128xi32, #tpu.memory_space<vmem>>
      %dma_wait3A_98 = tpu.memref_squeeze %dma_wait3A_97 : memref<1x128xi32, #tpu.memory_space<vmem>> -> memref<128xi32, #tpu.memory_space<vmem>>
      %dma_wait3A_99 = arith.constant 0 : i32
      %dma_wait3A_100 = arith.constant 0 : i32
      %dma_wait3A_101 = tpu.memref_slice %arg2[%dma_wait3A_99, %dma_wait3A_100] : memref<10000x128xf32, #tpu.memory_space<hbm>> -> memref<10000x128xf32, #tpu.memory_space<hbm>>
      %dma_wait3A_102 = tpu.memref_slice %arg10[%dma_wait3A_91] : memref<2x!tpu.dma_semaphore, #tpu.memory_space<semaphore_mem>> -> memref<1x!tpu.dma_semaphore, #tpu.memory_space<semaphore_mem>>
      %dma_wait3A_103 = tpu.memref_squeeze %dma_wait3A_102 : memref<1x!tpu.dma_semaphore, #tpu.memory_space<semaphore_mem>> -> memref<!tpu.dma_semaphore, #tpu.memory_space<semaphore_mem>>
      tpu.wait_indirect_dma semaphore(%dma_wait3A_103 : memref<!tpu.dma_semaphore, #tpu.memory_space<semaphore_mem>>) src(%dma_wait3A_101 : memref<10000x128xf32, #tpu.memory_space<hbm>>) dst(%dma_wait3A_95 : memref<128x128xf32, #tpu.memory_space<vmem>>)
      %run_scoped3A = arith.constant 0 : i32
      "tpu.region"() ({
        %run_scoped3A_137 = tpu.sem_alloc : memref<!tpu.dma_semaphore, #tpu.memory_space<semaphore_mem>>
        %dma_start3A_138 = arith.constant 0 : i32
        %dma_start3A_139 = arith.constant 0 : i32
        %dma_start3A_140 = tpu.memref_slice %arg8[%run_scoped3A, %dma_start3A_138, %dma_start3A_139] : memref<2x128x128xf32, #tpu.memory_space<vmem>> -> memref<1x128x128xf32, #tpu.memory_space<vmem>>
        %dma_start3A_141 = tpu.memref_squeeze %dma_start3A_140 : memref<1x128x128xf32, #tpu.memory_space<vmem>> -> memref<128x128xf32, #tpu.memory_space<vmem>>
        %dma_start3A_142 = arith.constant 0 : i32
        %dma_start3A_143 = tpu.memref_slice %arg7[%add3A_90, %dma_start3A_142] : memref<40x128xi32, #tpu.memory_space<vmem>> -> memref<1x128xi32, #tpu.memory_space<vmem>>
        %dma_start3A_144 = tpu.memref_squeeze %dma_start3A_143 : memref<1x128xi32, #tpu.memory_space<vmem>> -> memref<128xi32, #tpu.memory_space<vmem>>
        %dma_start3A_145 = arith.constant 0 : i32
        %dma_start3A_146 = arith.constant 0 : i32
        %dma_start3A_147 = tpu.memref_slice %arg9[%dma_start3A_145, %dma_start3A_146] : memref<10976x128xf32, #tpu.memory_space<vmem_shared>> -> memref<10976x128xf32, #tpu.memory_space<vmem_shared>>
        tpu.enqueue_indirect_dma source(%dma_start3A_141 : memref<128x128xf32, #tpu.memory_space<vmem>>) target(%dma_start3A_147 : memref<10976x128xf32, #tpu.memory_space<vmem_shared>>) offsets(%dma_start3A_144 : memref<128xi32, #tpu.memory_space<vmem>>) semaphore(%run_scoped3A_137 : memref<!tpu.dma_semaphore, #tpu.memory_space<semaphore_mem>>) {add = true}
        %dma_wait3A_148 = arith.constant 0 : i32
        %dma_wait3A_149 = arith.constant 0 : i32
        %dma_wait3A_150 = tpu.memref_slice %arg8[%run_scoped3A, %dma_wait3A_148, %dma_wait3A_149] : memref<2x128x128xf32, #tpu.memory_space<vmem>> -> memref<1x128x128xf32, #tpu.memory_space<vmem>>
        %dma_wait3A_151 = tpu.memref_squeeze %dma_wait3A_150 : memref<1x128x128xf32, #tpu.memory_space<vmem>> -> memref<128x128xf32, #tpu.memory_space<vmem>>
        %dma_wait3A_152 = arith.constant 0 : i32
        %dma_wait3A_153 = tpu.memref_slice %arg7[%add3A_90, %dma_wait3A_152] : memref<40x128xi32, #tpu.memory_space<vmem>> -> memref<1x128xi32, #tpu.memory_space<vmem>>
        %dma_wait3A_154 = tpu.memref_squeeze %dma_wait3A_153 : memref<1x128xi32, #tpu.memory_space<vmem>> -> memref<128xi32, #tpu.memory_space<vmem>>
        %dma_wait3A_155 = arith.constant 0 : i32
        %dma_wait3A_156 = arith.constant 0 : i32
        %dma_wait3A_157 = tpu.memref_slice %arg9[%dma_wait3A_155, %dma_wait3A_156] : memref<10976x128xf32, #tpu.memory_space<vmem_shared>> -> memref<10976x128xf32, #tpu.memory_space<vmem_shared>>
        tpu.wait_indirect_dma semaphore(%run_scoped3A_137 : memref<!tpu.dma_semaphore, #tpu.memory_space<semaphore_mem>>) src(%dma_wait3A_151 : memref<128x128xf32, #tpu.memory_space<vmem>>) dst(%dma_wait3A_157 : memref<10976x128xf32, #tpu.memory_space<vmem_shared>>)
        tpu.yield
      }) : () -> ()
      %add3A_104 = arith.constant 2 : i32
      %add3A_105 = arith.addi %add3A_90, %add3A_104 : i32
      %lt3A_106 = arith.constant 40 : i32
      %lt3A_107 = arith.cmpi slt, %add3A_105, %lt3A_106 : i32
      %convert_element_type3A_108 = arith.extui %lt3A_107 : i1 to i32
      %cond3A_109 = arith.constant 0 : i32
      %cond3A_110 = arith.cmpi ne, %convert_element_type3A_108, %cond3A_109 : i32
      scf.if %cond3A_110 {
        %add3A_137 = arith.constant 2 : i32
        %add3A_138 = arith.addi %add3A_90, %add3A_137 : i32
        %dma_start3A_139 = arith.constant 0 : i32
        %dma_start3A_140 = arith.constant 0 : i32
        %dma_start3A_141 = arith.constant 0 : i32
        %dma_start3A_142 = arith.constant 0 : i32
        %dma_start3A_143 = tpu.memref_slice %arg8[%dma_start3A_139, %dma_start3A_141, %dma_start3A_142] : memref<2x128x128xf32, #tpu.memory_space<vmem>> -> memref<1x128x128xf32, #tpu.memory_space<vmem>>
        %dma_start3A_144 = tpu.memref_squeeze %dma_start3A_143 : memref<1x128x128xf32, #tpu.memory_space<vmem>> -> memref<128x128xf32, #tpu.memory_space<vmem>>
        %dma_start3A_145 = arith.constant 0 : i32
        %dma_start3A_146 = tpu.memref_slice %arg6[%add3A_138, %dma_start3A_145] : memref<40x128xi32, #tpu.memory_space<vmem>> -> memref<1x128xi32, #tpu.memory_space<vmem>>
        %dma_start3A_147 = tpu.memref_squeeze %dma_start3A_146 : memref<1x128xi32, #tpu.memory_space<vmem>> -> memref<128xi32, #tpu.memory_space<vmem>>
        %dma_start3A_148 = arith.constant 0 : i32
        %dma_start3A_149 = arith.constant 0 : i32
        %dma_start3A_150 = tpu.memref_slice %arg2[%dma_start3A_148, %dma_start3A_149] : memref<10000x128xf32, #tpu.memory_space<hbm>> -> memref<10000x128xf32, #tpu.memory_space<hbm>>
        %dma_start3A_151 = tpu.memref_slice %arg10[%dma_start3A_140] : memref<2x!tpu.dma_semaphore, #tpu.memory_space<semaphore_mem>> -> memref<1x!tpu.dma_semaphore, #tpu.memory_space<semaphore_mem>>
        %dma_start3A_152 = tpu.memref_squeeze %dma_start3A_151 : memref<1x!tpu.dma_semaphore, #tpu.memory_space<semaphore_mem>> -> memref<!tpu.dma_semaphore, #tpu.memory_space<semaphore_mem>>
        tpu.enqueue_indirect_dma source(%dma_start3A_150 : memref<10000x128xf32, #tpu.memory_space<hbm>>) target(%dma_start3A_144 : memref<128x128xf32, #tpu.memory_space<vmem>>) offsets(%dma_start3A_147 : memref<128xi32, #tpu.memory_space<vmem>>) semaphore(%dma_start3A_152 : memref<!tpu.dma_semaphore, #tpu.memory_space<semaphore_mem>>)
      } else {
      }
      %mul3A_111 = arith.constant 2 : i32
      %mul3A_112 = arith.muli %scan3A_86, %mul3A_111 : i32
      %add3A_113 = arith.constant 1 : i32
      %add3A_114 = arith.addi %mul3A_112, %add3A_113 : i32
      %dma_wait3A_115 = arith.constant 1 : i32
      %dma_wait3A_116 = arith.constant 1 : i32
      %dma_wait3A_117 = arith.constant 0 : i32
      %dma_wait3A_118 = arith.constant 0 : i32
      %dma_wait3A_119 = tpu.memref_slice %arg8[%dma_wait3A_115, %dma_wait3A_117, %dma_wait3A_118] : memref<2x128x128xf32, #tpu.memory_space<vmem>> -> memref<1x128x128xf32, #tpu.memory_space<vmem>>
      %dma_wait3A_120 = tpu.memref_squeeze %dma_wait3A_119 : memref<1x128x128xf32, #tpu.memory_space<vmem>> -> memref<128x128xf32, #tpu.memory_space<vmem>>
      %dma_wait3A_121 = arith.constant 0 : i32
      %dma_wait3A_122 = tpu.memref_slice %arg6[%add3A_114, %dma_wait3A_121] : memref<40x128xi32, #tpu.memory_space<vmem>> -> memref<1x128xi32, #tpu.memory_space<vmem>>
      %dma_wait3A_123 = tpu.memref_squeeze %dma_wait3A_122 : memref<1x128xi32, #tpu.memory_space<vmem>> -> memref<128xi32, #tpu.memory_space<vmem>>
      %dma_wait3A_124 = arith.constant 0 : i32
      %dma_wait3A_125 = arith.constant 0 : i32
      %dma_wait3A_126 = tpu.memref_slice %arg2[%dma_wait3A_124, %dma_wait3A_125] : memref<10000x128xf32, #tpu.memory_space<hbm>> -> memref<10000x128xf32, #tpu.memory_space<hbm>>
      %dma_wait3A_127 = tpu.memref_slice %arg10[%dma_wait3A_116] : memref<2x!tpu.dma_semaphore, #tpu.memory_space<semaphore_mem>> -> memref<1x!tpu.dma_semaphore, #tpu.memory_space<semaphore_mem>>
      %dma_wait3A_128 = tpu.memref_squeeze %dma_wait3A_127 : memref<1x!tpu.dma_semaphore, #tpu.memory_space<semaphore_mem>> -> memref<!tpu.dma_semaphore, #tpu.memory_space<semaphore_mem>>
      tpu.wait_indirect_dma semaphore(%dma_wait3A_128 : memref<!tpu.dma_semaphore, #tpu.memory_space<semaphore_mem>>) src(%dma_wait3A_126 : memref<10000x128xf32, #tpu.memory_space<hbm>>) dst(%dma_wait3A_120 : memref<128x128xf32, #tpu.memory_space<vmem>>)
      %run_scoped3A_129 = arith.constant 1 : i32
      "tpu.region"() ({
        %run_scoped3A_137 = tpu.sem_alloc : memref<!tpu.dma_semaphore, #tpu.memory_space<semaphore_mem>>
        %dma_start3A_138 = arith.constant 0 : i32
        %dma_start3A_139 = arith.constant 0 : i32
        %dma_start3A_140 = tpu.memref_slice %arg8[%run_scoped3A_129, %dma_start3A_138, %dma_start3A_139] : memref<2x128x128xf32, #tpu.memory_space<vmem>> -> memref<1x128x128xf32, #tpu.memory_space<vmem>>
        %dma_start3A_141 = tpu.memref_squeeze %dma_start3A_140 : memref<1x128x128xf32, #tpu.memory_space<vmem>> -> memref<128x128xf32, #tpu.memory_space<vmem>>
        %dma_start3A_142 = arith.constant 0 : i32
        %dma_start3A_143 = tpu.memref_slice %arg7[%add3A_114, %dma_start3A_142] : memref<40x128xi32, #tpu.memory_space<vmem>> -> memref<1x128xi32, #tpu.memory_space<vmem>>
        %dma_start3A_144 = tpu.memref_squeeze %dma_start3A_143 : memref<1x128xi32, #tpu.memory_space<vmem>> -> memref<128xi32, #tpu.memory_space<vmem>>
        %dma_start3A_145 = arith.constant 0 : i32
        %dma_start3A_146 = arith.constant 0 : i32
        %dma_start3A_147 = tpu.memref_slice %arg9[%dma_start3A_145, %dma_start3A_146] : memref<10976x128xf32, #tpu.memory_space<vmem_shared>> -> memref<10976x128xf32, #tpu.memory_space<vmem_shared>>
        tpu.enqueue_indirect_dma source(%dma_start3A_141 : memref<128x128xf32, #tpu.memory_space<vmem>>) target(%dma_start3A_147 : memref<10976x128xf32, #tpu.memory_space<vmem_shared>>) offsets(%dma_start3A_144 : memref<128xi32, #tpu.memory_space<vmem>>) semaphore(%run_scoped3A_137 : memref<!tpu.dma_semaphore, #tpu.memory_space<semaphore_mem>>) {add = true}
        %dma_wait3A_148 = arith.constant 0 : i32
        %dma_wait3A_149 = arith.constant 0 : i32
        %dma_wait3A_150 = tpu.memref_slice %arg8[%run_scoped3A_129, %dma_wait3A_148, %dma_wait3A_149] : memref<2x128x128xf32, #tpu.memory_space<vmem>> -> memref<1x128x128xf32, #tpu.memory_space<vmem>>
        %dma_wait3A_151 = tpu.memref_squeeze %dma_wait3A_150 : memref<1x128x128xf32, #tpu.memory_space<vmem>> -> memref<128x128xf32, #tpu.memory_space<vmem>>
        %dma_wait3A_152 = arith.constant 0 : i32
        %dma_wait3A_153 = tpu.memref_slice %arg7[%add3A_114, %dma_wait3A_152] : memref<40x128xi32, #tpu.memory_space<vmem>> -> memref<1x128xi32, #tpu.memory_space<vmem>>
        %dma_wait3A_154 = tpu.memref_squeeze %dma_wait3A_153 : memref<1x128xi32, #tpu.memory_space<vmem>> -> memref<128xi32, #tpu.memory_space<vmem>>
        %dma_wait3A_155 = arith.constant 0 : i32
        %dma_wait3A_156 = arith.constant 0 : i32
        %dma_wait3A_157 = tpu.memref_slice %arg9[%dma_wait3A_155, %dma_wait3A_156] : memref<10976x128xf32, #tpu.memory_space<vmem_shared>> -> memref<10976x128xf32, #tpu.memory_space<vmem_shared>>
        tpu.wait_indirect_dma semaphore(%run_scoped3A_137 : memref<!tpu.dma_semaphore, #tpu.memory_space<semaphore_mem>>) src(%dma_wait3A_151 : memref<128x128xf32, #tpu.memory_space<vmem>>) dst(%dma_wait3A_157 : memref<10976x128xf32, #tpu.memory_space<vmem_shared>>)
        tpu.yield
      }) : () -> ()
      %add3A_130 = arith.constant 2 : i32
      %add3A_131 = arith.addi %add3A_114, %add3A_130 : i32
      %lt3A_132 = arith.constant 40 : i32
      %lt3A_133 = arith.cmpi slt, %add3A_131, %lt3A_132 : i32
      %convert_element_type3A_134 = arith.extui %lt3A_133 : i1 to i32
      %cond3A_135 = arith.constant 0 : i32
      %cond3A_136 = arith.cmpi ne, %convert_element_type3A_134, %cond3A_135 : i32
      scf.if %cond3A_136 {
        %add3A_137 = arith.constant 2 : i32
        %add3A_138 = arith.addi %add3A_114, %add3A_137 : i32
        %dma_start3A_139 = arith.constant 1 : i32
        %dma_start3A_140 = arith.constant 1 : i32
        %dma_start3A_141 = arith.constant 0 : i32
        %dma_start3A_142 = arith.constant 0 : i32
        %dma_start3A_143 = tpu.memref_slice %arg8[%dma_start3A_139, %dma_start3A_141, %dma_start3A_142] : memref<2x128x128xf32, #tpu.memory_space<vmem>> -> memref<1x128x128xf32, #tpu.memory_space<vmem>>
        %dma_start3A_144 = tpu.memref_squeeze %dma_start3A_143 : memref<1x128x128xf32, #tpu.memory_space<vmem>> -> memref<128x128xf32, #tpu.memory_space<vmem>>
        %dma_start3A_145 = arith.constant 0 : i32
        %dma_start3A_146 = tpu.memref_slice %arg6[%add3A_138, %dma_start3A_145] : memref<40x128xi32, #tpu.memory_space<vmem>> -> memref<1x128xi32, #tpu.memory_space<vmem>>
        %dma_start3A_147 = tpu.memref_squeeze %dma_start3A_146 : memref<1x128xi32, #tpu.memory_space<vmem>> -> memref<128xi32, #tpu.memory_space<vmem>>
        %dma_start3A_148 = arith.constant 0 : i32
        %dma_start3A_149 = arith.constant 0 : i32
        %dma_start3A_150 = tpu.memref_slice %arg2[%dma_start3A_148, %dma_start3A_149] : memref<10000x128xf32, #tpu.memory_space<hbm>> -> memref<10000x128xf32, #tpu.memory_space<hbm>>
        %dma_start3A_151 = tpu.memref_slice %arg10[%dma_start3A_140] : memref<2x!tpu.dma_semaphore, #tpu.memory_space<semaphore_mem>> -> memref<1x!tpu.dma_semaphore, #tpu.memory_space<semaphore_mem>>
        %dma_start3A_152 = tpu.memref_squeeze %dma_start3A_151 : memref<1x!tpu.dma_semaphore, #tpu.memory_space<semaphore_mem>> -> memref<!tpu.dma_semaphore, #tpu.memory_space<semaphore_mem>>
        tpu.enqueue_indirect_dma source(%dma_start3A_150 : memref<10000x128xf32, #tpu.memory_space<hbm>>) target(%dma_start3A_144 : memref<128x128xf32, #tpu.memory_space<vmem>>) offsets(%dma_start3A_147 : memref<128xi32, #tpu.memory_space<vmem>>) semaphore(%dma_start3A_152 : memref<!tpu.dma_semaphore, #tpu.memory_space<semaphore_mem>>)
      } else {
      }
    }
    %scan3A_74 = arith.constant 20 : i32
    %barrier3A_75 = arith.constant 0 : index
    tpu.barrier barrier_id(%barrier3A_75)
    %lt3A_76 = arith.constant 15 : i32
    %lt3A_77 = arith.cmpi slt, %arg1, %lt3A_76 : i32
    %convert_element_type3A_78 = arith.extui %lt3A_77 : i1 to i32
    %cond3A_79 = arith.constant 0 : i32
    %cond3A_80 = arith.cmpi ne, %convert_element_type3A_78, %cond3A_79 : i32
    scf.if %cond3A_80 {
      %mul3A_86 = arith.constant 624 : i32
      %mul3A_87 = arith.muli %arg1, %mul3A_86 : i32
      "tpu.region"() ({
        %run_scoped3A = tpu.sem_alloc : memref<!tpu.dma_semaphore, #tpu.memory_space<semaphore_mem>>
        %dma_start3A_88 = arith.constant 0 : i32
        %dma_start3A_89 = tpu.memref_slice %arg5[%arg0, %mul3A_87, %dma_start3A_88] : memref<2x10000x128xf32, #tpu.memory_space<hbm>> -> memref<1x624x128xf32, #tpu.memory_space<hbm>>
        %dma_start3A_90 = tpu.memref_squeeze %dma_start3A_89 : memref<1x624x128xf32, #tpu.memory_space<hbm>> -> memref<624x128xf32, #tpu.memory_space<hbm>>
        %dma_start3A_91 = arith.constant 0 : i32
        %dma_start3A_92 = tpu.memref_slice %arg9[%mul3A_87, %dma_start3A_91] : memref<10976x128xf32, #tpu.memory_space<vmem_shared>> -> memref<624x128xf32, #tpu.memory_space<vmem_shared>>
        tpu.enqueue_dma source(%dma_start3A_92 : memref<624x128xf32, #tpu.memory_space<vmem_shared>>) target(%dma_start3A_90 : memref<624x128xf32, #tpu.memory_space<hbm>>) target_semaphore(%run_scoped3A : memref<!tpu.dma_semaphore, #tpu.memory_space<semaphore_mem>>)
        %dma_wait3A = arith.constant 0 : i32
        %dma_wait3A_93 = tpu.memref_slice %arg5[%arg0, %mul3A_87, %dma_wait3A] : memref<2x10000x128xf32, #tpu.memory_space<hbm>> -> memref<1x624x128xf32, #tpu.memory_space<hbm>>
        %dma_wait3A_94 = tpu.memref_squeeze %dma_wait3A_93 : memref<1x624x128xf32, #tpu.memory_space<hbm>> -> memref<624x128xf32, #tpu.memory_space<hbm>>
        %dma_wait3A_95 = arith.constant 0 : i32
        %dma_wait3A_96 = tpu.memref_slice %arg9[%mul3A_87, %dma_wait3A_95] : memref<10976x128xf32, #tpu.memory_space<vmem_shared>> -> memref<624x128xf32, #tpu.memory_space<vmem_shared>>
        tpu.wait_dma2 semaphore(%run_scoped3A : memref<!tpu.dma_semaphore, #tpu.memory_space<semaphore_mem>>) src(%dma_wait3A_96 : memref<624x128xf32, #tpu.memory_space<vmem_shared>>) dst(%dma_wait3A_94 : memref<624x128xf32, #tpu.memory_space<hbm>>)
        tpu.yield
      }) : () -> ()
    } else {
    }
    %eq3A_81 = arith.constant 15 : i32
    %eq3A_82 = arith.cmpi eq, %arg1, %eq3A_81 : i32
    %convert_element_type3A_83 = arith.extui %eq3A_82 : i1 to i32
    %cond3A_84 = arith.constant 0 : i32
    %cond3A_85 = arith.cmpi ne, %convert_element_type3A_83, %cond3A_84 : i32
    scf.if %cond3A_85 {
      "tpu.region"() ({
        %run_scoped3A = tpu.sem_alloc : memref<!tpu.dma_semaphore, #tpu.memory_space<semaphore_mem>>
        %dma_start3A_86 = arith.constant 9360 : i32
        %dma_start3A_87 = arith.constant 0 : i32
        %dma_start3A_88 = tpu.memref_slice %arg5[%arg0, %dma_start3A_86, %dma_start3A_87] : memref<2x10000x128xf32, #tpu.memory_space<hbm>> -> memref<1x640x128xf32, #tpu.memory_space<hbm>>
        %dma_start3A_89 = tpu.memref_squeeze %dma_start3A_88 : memref<1x640x128xf32, #tpu.memory_space<hbm>> -> memref<640x128xf32, #tpu.memory_space<hbm>>
        %dma_start3A_90 = arith.constant 9360 : i32
        %dma_start3A_91 = arith.constant 0 : i32
        %dma_start3A_92 = tpu.memref_slice %arg9[%dma_start3A_90, %dma_start3A_91] : memref<10976x128xf32, #tpu.memory_space<vmem_shared>> -> memref<640x128xf32, #tpu.memory_space<vmem_shared>>
        tpu.enqueue_dma source(%dma_start3A_92 : memref<640x128xf32, #tpu.memory_space<vmem_shared>>) target(%dma_start3A_89 : memref<640x128xf32, #tpu.memory_space<hbm>>) target_semaphore(%run_scoped3A : memref<!tpu.dma_semaphore, #tpu.memory_space<semaphore_mem>>)
        %dma_wait3A = arith.constant 9360 : i32
        %dma_wait3A_93 = arith.constant 0 : i32
        %dma_wait3A_94 = tpu.memref_slice %arg5[%arg0, %dma_wait3A, %dma_wait3A_93] : memref<2x10000x128xf32, #tpu.memory_space<hbm>> -> memref<1x640x128xf32, #tpu.memory_space<hbm>>
        %dma_wait3A_95 = tpu.memref_squeeze %dma_wait3A_94 : memref<1x640x128xf32, #tpu.memory_space<hbm>> -> memref<640x128xf32, #tpu.memory_space<hbm>>
        %dma_wait3A_96 = arith.constant 9360 : i32
        %dma_wait3A_97 = arith.constant 0 : i32
        %dma_wait3A_98 = tpu.memref_slice %arg9[%dma_wait3A_96, %dma_wait3A_97] : memref<10976x128xf32, #tpu.memory_space<vmem_shared>> -> memref<640x128xf32, #tpu.memory_space<vmem_shared>>
        tpu.wait_dma2 semaphore(%run_scoped3A : memref<!tpu.dma_semaphore, #tpu.memory_space<semaphore_mem>>) src(%dma_wait3A_98 : memref<640x128xf32, #tpu.memory_space<vmem_shared>>) dst(%dma_wait3A_95 : memref<640x128xf32, #tpu.memory_space<hbm>>)
        tpu.yield
      }) : () -> ()
    } else {
    }
    return
  }
}

#map = affine_map<(d0, d1) -> (0, 0)>
#map1 = affine_map<(d0, d1) -> (0, 0, 0)>
module attributes {stable_mosaic.version = 14 : i64} {
  func.func @_agg_body(%arg0: i32, %arg1: i32, %arg2: memref<10000x128xf32, #tpu.memory_space<hbm>>, %arg3: memref<32x80x128xi32, #tpu.memory_space<hbm>>, %arg4: memref<32x80x128xi32, #tpu.memory_space<hbm>>, %arg5: memref<2x10000x128xf32, #tpu.memory_space<hbm>>, %arg6: memref<40x128xi32, #tpu.memory_space<vmem>>, %arg7: memref<40x128xi32, #tpu.memory_space<vmem>>, %arg8: memref<2x128x128xf32, #tpu.memory_space<vmem>>, %arg9: memref<10976x128xf32, #tpu.memory_space<vmem_shared>>, %arg10: memref<2x!tpu.dma_semaphore, #tpu.memory_space<semaphore_mem>>) attributes {dimension_semantics = [#tpu.dimension_semantics<core_parallel>, #tpu.dimension_semantics<subcore_parallel>], iteration_bounds = array<i64: 2, 16>, scalar_prefetch = 0 : i64, scratch_operands = 5 : i64, tpu.core_type = #tpu.core_type<sc_vector_subcore>, window_params = [{transform_indices = #map}, {transform_indices = #map1}, {transform_indices = #map1}, {transform_indices = #map1}]} {
    %mul3A = arith.constant 16 : i32
    %mul3A_0 = arith.muli %arg0, %mul3A : i32
    %add3A = arith.addi %mul3A_0, %arg1 : i32
    %lt3A = arith.constant 15 : i32
    %lt3A_1 = arith.cmpi slt, %arg1, %lt3A : i32
    %convert_element_type3A = arith.extui %lt3A_1 : i1 to i32
    %cond3A = arith.constant 0 : i32
    %cond3A_2 = arith.cmpi ne, %convert_element_type3A, %cond3A : i32
    scf.if %cond3A_2 {
      %mul3A_86 = arith.constant 624 : i32
      %mul3A_87 = arith.muli %arg1, %mul3A_86 : i32
      "tpu.region"() ({
        %run_scoped3A = tpu.sem_alloc : memref<!tpu.dma_semaphore, #tpu.memory_space<semaphore_mem>>
        %dma_start3A_88 = arith.constant 0 : i32
        %dma_start3A_89 = tpu.memref_slice %arg9[%mul3A_87, %dma_start3A_88] : memref<10976x128xf32, #tpu.memory_space<vmem_shared>> -> memref<624x128xf32, #tpu.memory_space<vmem_shared>>
        %dma_start3A_90 = arith.constant 0 : i32
        %dma_start3A_91 = tpu.memref_slice %arg2[%mul3A_87, %dma_start3A_90] : memref<10000x128xf32, #tpu.memory_space<hbm>> -> memref<624x128xf32, #tpu.memory_space<hbm>>
        tpu.enqueue_dma source(%dma_start3A_91 : memref<624x128xf32, #tpu.memory_space<hbm>>) target(%dma_start3A_89 : memref<624x128xf32, #tpu.memory_space<vmem_shared>>) target_semaphore(%run_scoped3A : memref<!tpu.dma_semaphore, #tpu.memory_space<semaphore_mem>>)
        %dma_wait3A = arith.constant 0 : i32
        %dma_wait3A_92 = tpu.memref_slice %arg9[%mul3A_87, %dma_wait3A] : memref<10976x128xf32, #tpu.memory_space<vmem_shared>> -> memref<624x128xf32, #tpu.memory_space<vmem_shared>>
        %dma_wait3A_93 = arith.constant 0 : i32
        %dma_wait3A_94 = tpu.memref_slice %arg2[%mul3A_87, %dma_wait3A_93] : memref<10000x128xf32, #tpu.memory_space<hbm>> -> memref<624x128xf32, #tpu.memory_space<hbm>>
        tpu.wait_dma2 semaphore(%run_scoped3A : memref<!tpu.dma_semaphore, #tpu.memory_space<semaphore_mem>>) src(%dma_wait3A_94 : memref<624x128xf32, #tpu.memory_space<hbm>>) dst(%dma_wait3A_92 : memref<624x128xf32, #tpu.memory_space<vmem_shared>>)
        tpu.yield
      }) : () -> ()
    } else {
    }
    %eq3A = arith.constant 15 : i32
    %eq3A_3 = arith.cmpi eq, %arg1, %eq3A : i32
    %convert_element_type3A_4 = arith.extui %eq3A_3 : i1 to i32
    %cond3A_5 = arith.constant 0 : i32
    %cond3A_6 = arith.cmpi ne, %convert_element_type3A_4, %cond3A_5 : i32
    scf.if %cond3A_6 {
      "tpu.region"() ({
        %run_scoped3A = tpu.sem_alloc : memref<!tpu.dma_semaphore, #tpu.memory_space<semaphore_mem>>
        %dma_start3A_86 = arith.constant 9360 : i32
        %dma_start3A_87 = arith.constant 0 : i32
        %dma_start3A_88 = tpu.memref_slice %arg9[%dma_start3A_86, %dma_start3A_87] : memref<10976x128xf32, #tpu.memory_space<vmem_shared>> -> memref<640x128xf32, #tpu.memory_space<vmem_shared>>
        %dma_start3A_89 = arith.constant 9360 : i32
        %dma_start3A_90 = arith.constant 0 : i32
        %dma_start3A_91 = tpu.memref_slice %arg2[%dma_start3A_89, %dma_start3A_90] : memref<10000x128xf32, #tpu.memory_space<hbm>> -> memref<640x128xf32, #tpu.memory_space<hbm>>
        tpu.enqueue_dma source(%dma_start3A_91 : memref<640x128xf32, #tpu.memory_space<hbm>>) target(%dma_start3A_88 : memref<640x128xf32, #tpu.memory_space<vmem_shared>>) target_semaphore(%run_scoped3A : memref<!tpu.dma_semaphore, #tpu.memory_space<semaphore_mem>>)
        %dma_wait3A = arith.constant 9360 : i32
        %dma_wait3A_92 = arith.constant 0 : i32
        %dma_wait3A_93 = tpu.memref_slice %arg9[%dma_wait3A, %dma_wait3A_92] : memref<10976x128xf32, #tpu.memory_space<vmem_shared>> -> memref<640x128xf32, #tpu.memory_space<vmem_shared>>
        %dma_wait3A_94 = arith.constant 9360 : i32
        %dma_wait3A_95 = arith.constant 0 : i32
        %dma_wait3A_96 = tpu.memref_slice %arg2[%dma_wait3A_94, %dma_wait3A_95] : memref<10000x128xf32, #tpu.memory_space<hbm>> -> memref<640x128xf32, #tpu.memory_space<hbm>>
        tpu.wait_dma2 semaphore(%run_scoped3A : memref<!tpu.dma_semaphore, #tpu.memory_space<semaphore_mem>>) src(%dma_wait3A_96 : memref<640x128xf32, #tpu.memory_space<hbm>>) dst(%dma_wait3A_93 : memref<640x128xf32, #tpu.memory_space<vmem_shared>>)
        tpu.yield
      }) : () -> ()
    } else {
    }
    %barrier3A = arith.constant 0 : index
    tpu.barrier barrier_id(%barrier3A)
    "tpu.region"() ({
      %run_scoped3A = tpu.sem_alloc : memref<!tpu.dma_semaphore, #tpu.memory_space<semaphore_mem>>
      %dma_start3A_86 = arith.constant 0 : i32
      %dma_start3A_87 = arith.constant 0 : i32
      %dma_start3A_88 = tpu.memref_slice %arg3[%add3A, %dma_start3A_86, %dma_start3A_87] : memref<32x80x128xi32, #tpu.memory_space<hbm>> -> memref<1x40x128xi32, #tpu.memory_space<hbm>>
      %dma_start3A_89 = tpu.memref_squeeze %dma_start3A_88 : memref<1x40x128xi32, #tpu.memory_space<hbm>> -> memref<40x128xi32, #tpu.memory_space<hbm>>
      %dma_start3A_90 = arith.constant 0 : i32
      %dma_start3A_91 = arith.constant 0 : i32
      %dma_start3A_92 = tpu.memref_slice %arg3[%add3A, %dma_start3A_90, %dma_start3A_91] : memref<32x80x128xi32, #tpu.memory_space<hbm>> -> memref<1x40x128xi32, #tpu.memory_space<hbm>>
      %dma_start3A_93 = tpu.memref_squeeze %dma_start3A_92 : memref<1x40x128xi32, #tpu.memory_space<hbm>> -> memref<40x128xi32, #tpu.memory_space<hbm>>
      tpu.enqueue_dma source(%dma_start3A_93 : memref<40x128xi32, #tpu.memory_space<hbm>>) target(%arg6 : memref<40x128xi32, #tpu.memory_space<vmem>>) target_semaphore(%run_scoped3A : memref<!tpu.dma_semaphore, #tpu.memory_space<semaphore_mem>>)
      %dma_wait3A = arith.constant 0 : i32
      %dma_wait3A_94 = arith.constant 0 : i32
      %dma_wait3A_95 = tpu.memref_slice %arg3[%add3A, %dma_wait3A, %dma_wait3A_94] : memref<32x80x128xi32, #tpu.memory_space<hbm>> -> memref<1x40x128xi32, #tpu.memory_space<hbm>>
      %dma_wait3A_96 = tpu.memref_squeeze %dma_wait3A_95 : memref<1x40x128xi32, #tpu.memory_space<hbm>> -> memref<40x128xi32, #tpu.memory_space<hbm>>
      %dma_wait3A_97 = arith.constant 0 : i32
      %dma_wait3A_98 = arith.constant 0 : i32
      %dma_wait3A_99 = tpu.memref_slice %arg3[%add3A, %dma_wait3A_97, %dma_wait3A_98] : memref<32x80x128xi32, #tpu.memory_space<hbm>> -> memref<1x40x128xi32, #tpu.memory_space<hbm>>
      %dma_wait3A_100 = tpu.memref_squeeze %dma_wait3A_99 : memref<1x40x128xi32, #tpu.memory_space<hbm>> -> memref<40x128xi32, #tpu.memory_space<hbm>>
      tpu.wait_dma2 semaphore(%run_scoped3A : memref<!tpu.dma_semaphore, #tpu.memory_space<semaphore_mem>>) src(%dma_wait3A_100 : memref<40x128xi32, #tpu.memory_space<hbm>>) dst(%arg6 : memref<40x128xi32, #tpu.memory_space<vmem>>)
      tpu.yield
    }) : () -> ()
    "tpu.region"() ({
      %run_scoped3A = tpu.sem_alloc : memref<!tpu.dma_semaphore, #tpu.memory_space<semaphore_mem>>
      %dma_start3A_86 = arith.constant 0 : i32
      %dma_start3A_87 = arith.constant 0 : i32
      %dma_start3A_88 = tpu.memref_slice %arg4[%add3A, %dma_start3A_86, %dma_start3A_87] : memref<32x80x128xi32, #tpu.memory_space<hbm>> -> memref<1x40x128xi32, #tpu.memory_space<hbm>>
      %dma_start3A_89 = tpu.memref_squeeze %dma_start3A_88 : memref<1x40x128xi32, #tpu.memory_space<hbm>> -> memref<40x128xi32, #tpu.memory_space<hbm>>
      %dma_start3A_90 = arith.constant 0 : i32
      %dma_start3A_91 = arith.constant 0 : i32
      %dma_start3A_92 = tpu.memref_slice %arg4[%add3A, %dma_start3A_90, %dma_start3A_91] : memref<32x80x128xi32, #tpu.memory_space<hbm>> -> memref<1x40x128xi32, #tpu.memory_space<hbm>>
      %dma_start3A_93 = tpu.memref_squeeze %dma_start3A_92 : memref<1x40x128xi32, #tpu.memory_space<hbm>> -> memref<40x128xi32, #tpu.memory_space<hbm>>
      tpu.enqueue_dma source(%dma_start3A_93 : memref<40x128xi32, #tpu.memory_space<hbm>>) target(%arg7 : memref<40x128xi32, #tpu.memory_space<vmem>>) target_semaphore(%run_scoped3A : memref<!tpu.dma_semaphore, #tpu.memory_space<semaphore_mem>>)
      %dma_wait3A = arith.constant 0 : i32
      %dma_wait3A_94 = arith.constant 0 : i32
      %dma_wait3A_95 = tpu.memref_slice %arg4[%add3A, %dma_wait3A, %dma_wait3A_94] : memref<32x80x128xi32, #tpu.memory_space<hbm>> -> memref<1x40x128xi32, #tpu.memory_space<hbm>>
      %dma_wait3A_96 = tpu.memref_squeeze %dma_wait3A_95 : memref<1x40x128xi32, #tpu.memory_space<hbm>> -> memref<40x128xi32, #tpu.memory_space<hbm>>
      %dma_wait3A_97 = arith.constant 0 : i32
      %dma_wait3A_98 = arith.constant 0 : i32
      %dma_wait3A_99 = tpu.memref_slice %arg4[%add3A, %dma_wait3A_97, %dma_wait3A_98] : memref<32x80x128xi32, #tpu.memory_space<hbm>> -> memref<1x40x128xi32, #tpu.memory_space<hbm>>
      %dma_wait3A_100 = tpu.memref_squeeze %dma_wait3A_99 : memref<1x40x128xi32, #tpu.memory_space<hbm>> -> memref<40x128xi32, #tpu.memory_space<hbm>>
      tpu.wait_dma2 semaphore(%run_scoped3A : memref<!tpu.dma_semaphore, #tpu.memory_space<semaphore_mem>>) src(%dma_wait3A_100 : memref<40x128xi32, #tpu.memory_space<hbm>>) dst(%arg7 : memref<40x128xi32, #tpu.memory_space<vmem>>)
      tpu.yield
    }) : () -> ()
    %dma_start3A = arith.constant 0 : i32
    %dma_start3A_7 = arith.constant 0 : i32
    %dma_start3A_8 = arith.constant 0 : i32
    %dma_start3A_9 = arith.constant 0 : i32
    %dma_start3A_10 = arith.constant 0 : i32
    %dma_start3A_11 = tpu.memref_slice %arg8[%dma_start3A_7, %dma_start3A_9, %dma_start3A_10] : memref<2x128x128xf32, #tpu.memory_space<vmem>> -> memref<1x128x128xf32, #tpu.memory_space<vmem>>
    %dma_start3A_12 = tpu.memref_squeeze %dma_start3A_11 : memref<1x128x128xf32, #tpu.memory_space<vmem>> -> memref<128x128xf32, #tpu.memory_space<vmem>>
    %dma_start3A_13 = arith.constant 0 : i32
    %dma_start3A_14 = tpu.memref_slice %arg6[%dma_start3A, %dma_start3A_13] : memref<40x128xi32, #tpu.memory_space<vmem>> -> memref<1x128xi32, #tpu.memory_space<vmem>>
    %dma_start3A_15 = tpu.memref_squeeze %dma_start3A_14 : memref<1x128xi32, #tpu.memory_space<vmem>> -> memref<128xi32, #tpu.memory_space<vmem>>
    %dma_start3A_16 = arith.constant 0 : i32
    %dma_start3A_17 = arith.constant 0 : i32
    %dma_start3A_18 = tpu.memref_slice %arg2[%dma_start3A_16, %dma_start3A_17] : memref<10000x128xf32, #tpu.memory_space<hbm>> -> memref<10000x128xf32, #tpu.memory_space<hbm>>
    %dma_start3A_19 = tpu.memref_slice %arg10[%dma_start3A_8] : memref<2x!tpu.dma_semaphore, #tpu.memory_space<semaphore_mem>> -> memref<1x!tpu.dma_semaphore, #tpu.memory_space<semaphore_mem>>
    %dma_start3A_20 = tpu.memref_squeeze %dma_start3A_19 : memref<1x!tpu.dma_semaphore, #tpu.memory_space<semaphore_mem>> -> memref<!tpu.dma_semaphore, #tpu.memory_space<semaphore_mem>>
    tpu.enqueue_indirect_dma source(%dma_start3A_18 : memref<10000x128xf32, #tpu.memory_space<hbm>>) target(%dma_start3A_12 : memref<128x128xf32, #tpu.memory_space<vmem>>) offsets(%dma_start3A_15 : memref<128xi32, #tpu.memory_space<vmem>>) semaphore(%dma_start3A_20 : memref<!tpu.dma_semaphore, #tpu.memory_space<semaphore_mem>>)
    %dma_start3A_21 = arith.constant 1 : i32
    %dma_start3A_22 = arith.constant 1 : i32
    %dma_start3A_23 = arith.constant 1 : i32
    %dma_start3A_24 = arith.constant 0 : i32
    %dma_start3A_25 = arith.constant 0 : i32
    %dma_start3A_26 = tpu.memref_slice %arg8[%dma_start3A_22, %dma_start3A_24, %dma_start3A_25] : memref<2x128x128xf32, #tpu.memory_space<vmem>> -> memref<1x128x128xf32, #tpu.memory_space<vmem>>
    %dma_start3A_27 = tpu.memref_squeeze %dma_start3A_26 : memref<1x128x128xf32, #tpu.memory_space<vmem>> -> memref<128x128xf32, #tpu.memory_space<vmem>>
    %dma_start3A_28 = arith.constant 0 : i32
    %dma_start3A_29 = tpu.memref_slice %arg6[%dma_start3A_21, %dma_start3A_28] : memref<40x128xi32, #tpu.memory_space<vmem>> -> memref<1x128xi32, #tpu.memory_space<vmem>>
    %dma_start3A_30 = tpu.memref_squeeze %dma_start3A_29 : memref<1x128xi32, #tpu.memory_space<vmem>> -> memref<128xi32, #tpu.memory_space<vmem>>
    %dma_start3A_31 = arith.constant 0 : i32
    %dma_start3A_32 = arith.constant 0 : i32
    %dma_start3A_33 = tpu.memref_slice %arg2[%dma_start3A_31, %dma_start3A_32] : memref<10000x128xf32, #tpu.memory_space<hbm>> -> memref<10000x128xf32, #tpu.memory_space<hbm>>
    %dma_start3A_34 = tpu.memref_slice %arg10[%dma_start3A_23] : memref<2x!tpu.dma_semaphore, #tpu.memory_space<semaphore_mem>> -> memref<1x!tpu.dma_semaphore, #tpu.memory_space<semaphore_mem>>
    %dma_start3A_35 = tpu.memref_squeeze %dma_start3A_34 : memref<1x!tpu.dma_semaphore, #tpu.memory_space<semaphore_mem>> -> memref<!tpu.dma_semaphore, #tpu.memory_space<semaphore_mem>>
    tpu.enqueue_indirect_dma source(%dma_start3A_33 : memref<10000x128xf32, #tpu.memory_space<hbm>>) target(%dma_start3A_27 : memref<128x128xf32, #tpu.memory_space<vmem>>) offsets(%dma_start3A_30 : memref<128xi32, #tpu.memory_space<vmem>>) semaphore(%dma_start3A_35 : memref<!tpu.dma_semaphore, #tpu.memory_space<semaphore_mem>>)
    %scan3A = arith.constant 0 : i32
    %scan3A_36 = arith.constant 20 : i32
    %scan3A_37 = arith.addi %scan3A, %scan3A_36 : i32
    %scan3A_38 = arith.constant 1 : i32
    scf.for %scan3A_86 = %scan3A to %scan3A_37 step %scan3A_38  : i32 {
      %mul3A_87 = arith.constant 2 : i32
      %mul3A_88 = arith.muli %scan3A_86, %mul3A_87 : i32
      %add3A_89 = arith.constant 0 : i32
      %add3A_90 = arith.addi %mul3A_88, %add3A_89 : i32
      %dma_wait3A = arith.constant 0 : i32
      %dma_wait3A_91 = arith.constant 0 : i32
      %dma_wait3A_92 = arith.constant 0 : i32
      %dma_wait3A_93 = arith.constant 0 : i32
      %dma_wait3A_94 = tpu.memref_slice %arg8[%dma_wait3A, %dma_wait3A_92, %dma_wait3A_93] : memref<2x128x128xf32, #tpu.memory_space<vmem>> -> memref<1x128x128xf32, #tpu.memory_space<vmem>>
      %dma_wait3A_95 = tpu.memref_squeeze %dma_wait3A_94 : memref<1x128x128xf32, #tpu.memory_space<vmem>> -> memref<128x128xf32, #tpu.memory_space<vmem>>
      %dma_wait3A_96 = arith.constant 0 : i32
      %dma_wait3A_97 = tpu.memref_slice %arg6[%add3A_90, %dma_wait3A_96] : memref<40x128xi32, #tpu.memory_space<vmem>> -> memref<1x128xi32, #tpu.memory_space<vmem>>
      %dma_wait3A_98 = tpu.memref_squeeze %dma_wait3A_97 : memref<1x128xi32, #tpu.memory_space<vmem>> -> memref<128xi32, #tpu.memory_space<vmem>>
      %dma_wait3A_99 = arith.constant 0 : i32
      %dma_wait3A_100 = arith.constant 0 : i32
      %dma_wait3A_101 = tpu.memref_slice %arg2[%dma_wait3A_99, %dma_wait3A_100] : memref<10000x128xf32, #tpu.memory_space<hbm>> -> memref<10000x128xf32, #tpu.memory_space<hbm>>
      %dma_wait3A_102 = tpu.memref_slice %arg10[%dma_wait3A_91] : memref<2x!tpu.dma_semaphore, #tpu.memory_space<semaphore_mem>> -> memref<1x!tpu.dma_semaphore, #tpu.memory_space<semaphore_mem>>
      %dma_wait3A_103 = tpu.memref_squeeze %dma_wait3A_102 : memref<1x!tpu.dma_semaphore, #tpu.memory_space<semaphore_mem>> -> memref<!tpu.dma_semaphore, #tpu.memory_space<semaphore_mem>>
      tpu.wait_indirect_dma semaphore(%dma_wait3A_103 : memref<!tpu.dma_semaphore, #tpu.memory_space<semaphore_mem>>) src(%dma_wait3A_101 : memref<10000x128xf32, #tpu.memory_space<hbm>>) dst(%dma_wait3A_95 : memref<128x128xf32, #tpu.memory_space<vmem>>)
      %run_scoped3A = arith.constant 0 : i32
      "tpu.region"() ({
        %run_scoped3A_137 = tpu.sem_alloc : memref<!tpu.dma_semaphore, #tpu.memory_space<semaphore_mem>>
        %dma_start3A_138 = arith.constant 0 : i32
        %dma_start3A_139 = arith.constant 0 : i32
        %dma_start3A_140 = tpu.memref_slice %arg8[%run_scoped3A, %dma_start3A_138, %dma_start3A_139] : memref<2x128x128xf32, #tpu.memory_space<vmem>> -> memref<1x128x128xf32, #tpu.memory_space<vmem>>
        %dma_start3A_141 = tpu.memref_squeeze %dma_start3A_140 : memref<1x128x128xf32, #tpu.memory_space<vmem>> -> memref<128x128xf32, #tpu.memory_space<vmem>>
        %dma_start3A_142 = arith.constant 0 : i32
        %dma_start3A_143 = tpu.memref_slice %arg7[%add3A_90, %dma_start3A_142] : memref<40x128xi32, #tpu.memory_space<vmem>> -> memref<1x128xi32, #tpu.memory_space<vmem>>
        %dma_start3A_144 = tpu.memref_squeeze %dma_start3A_143 : memref<1x128xi32, #tpu.memory_space<vmem>> -> memref<128xi32, #tpu.memory_space<vmem>>
        %dma_start3A_145 = arith.constant 0 : i32
        %dma_start3A_146 = arith.constant 0 : i32
        %dma_start3A_147 = tpu.memref_slice %arg9[%dma_start3A_145, %dma_start3A_146] : memref<10976x128xf32, #tpu.memory_space<vmem_shared>> -> memref<10976x128xf32, #tpu.memory_space<vmem_shared>>
        tpu.enqueue_indirect_dma source(%dma_start3A_141 : memref<128x128xf32, #tpu.memory_space<vmem>>) target(%dma_start3A_147 : memref<10976x128xf32, #tpu.memory_space<vmem_shared>>) offsets(%dma_start3A_144 : memref<128xi32, #tpu.memory_space<vmem>>) semaphore(%run_scoped3A_137 : memref<!tpu.dma_semaphore, #tpu.memory_space<semaphore_mem>>) {add = true}
        %dma_wait3A_148 = arith.constant 0 : i32
        %dma_wait3A_149 = arith.constant 0 : i32
        %dma_wait3A_150 = tpu.memref_slice %arg8[%run_scoped3A, %dma_wait3A_148, %dma_wait3A_149] : memref<2x128x128xf32, #tpu.memory_space<vmem>> -> memref<1x128x128xf32, #tpu.memory_space<vmem>>
        %dma_wait3A_151 = tpu.memref_squeeze %dma_wait3A_150 : memref<1x128x128xf32, #tpu.memory_space<vmem>> -> memref<128x128xf32, #tpu.memory_space<vmem>>
        %dma_wait3A_152 = arith.constant 0 : i32
        %dma_wait3A_153 = tpu.memref_slice %arg7[%add3A_90, %dma_wait3A_152] : memref<40x128xi32, #tpu.memory_space<vmem>> -> memref<1x128xi32, #tpu.memory_space<vmem>>
        %dma_wait3A_154 = tpu.memref_squeeze %dma_wait3A_153 : memref<1x128xi32, #tpu.memory_space<vmem>> -> memref<128xi32, #tpu.memory_space<vmem>>
        %dma_wait3A_155 = arith.constant 0 : i32
        %dma_wait3A_156 = arith.constant 0 : i32
        %dma_wait3A_157 = tpu.memref_slice %arg9[%dma_wait3A_155, %dma_wait3A_156] : memref<10976x128xf32, #tpu.memory_space<vmem_shared>> -> memref<10976x128xf32, #tpu.memory_space<vmem_shared>>
        tpu.wait_indirect_dma semaphore(%run_scoped3A_137 : memref<!tpu.dma_semaphore, #tpu.memory_space<semaphore_mem>>) src(%dma_wait3A_151 : memref<128x128xf32, #tpu.memory_space<vmem>>) dst(%dma_wait3A_157 : memref<10976x128xf32, #tpu.memory_space<vmem_shared>>)
        tpu.yield
      }) : () -> ()
      %add3A_104 = arith.constant 2 : i32
      %add3A_105 = arith.addi %add3A_90, %add3A_104 : i32
      %lt3A_106 = arith.constant 40 : i32
      %lt3A_107 = arith.cmpi slt, %add3A_105, %lt3A_106 : i32
      %convert_element_type3A_108 = arith.extui %lt3A_107 : i1 to i32
      %cond3A_109 = arith.constant 0 : i32
      %cond3A_110 = arith.cmpi ne, %convert_element_type3A_108, %cond3A_109 : i32
      scf.if %cond3A_110 {
        %add3A_137 = arith.constant 2 : i32
        %add3A_138 = arith.addi %add3A_90, %add3A_137 : i32
        %dma_start3A_139 = arith.constant 0 : i32
        %dma_start3A_140 = arith.constant 0 : i32
        %dma_start3A_141 = arith.constant 0 : i32
        %dma_start3A_142 = arith.constant 0 : i32
        %dma_start3A_143 = tpu.memref_slice %arg8[%dma_start3A_139, %dma_start3A_141, %dma_start3A_142] : memref<2x128x128xf32, #tpu.memory_space<vmem>> -> memref<1x128x128xf32, #tpu.memory_space<vmem>>
        %dma_start3A_144 = tpu.memref_squeeze %dma_start3A_143 : memref<1x128x128xf32, #tpu.memory_space<vmem>> -> memref<128x128xf32, #tpu.memory_space<vmem>>
        %dma_start3A_145 = arith.constant 0 : i32
        %dma_start3A_146 = tpu.memref_slice %arg6[%add3A_138, %dma_start3A_145] : memref<40x128xi32, #tpu.memory_space<vmem>> -> memref<1x128xi32, #tpu.memory_space<vmem>>
        %dma_start3A_147 = tpu.memref_squeeze %dma_start3A_146 : memref<1x128xi32, #tpu.memory_space<vmem>> -> memref<128xi32, #tpu.memory_space<vmem>>
        %dma_start3A_148 = arith.constant 0 : i32
        %dma_start3A_149 = arith.constant 0 : i32
        %dma_start3A_150 = tpu.memref_slice %arg2[%dma_start3A_148, %dma_start3A_149] : memref<10000x128xf32, #tpu.memory_space<hbm>> -> memref<10000x128xf32, #tpu.memory_space<hbm>>
        %dma_start3A_151 = tpu.memref_slice %arg10[%dma_start3A_140] : memref<2x!tpu.dma_semaphore, #tpu.memory_space<semaphore_mem>> -> memref<1x!tpu.dma_semaphore, #tpu.memory_space<semaphore_mem>>
        %dma_start3A_152 = tpu.memref_squeeze %dma_start3A_151 : memref<1x!tpu.dma_semaphore, #tpu.memory_space<semaphore_mem>> -> memref<!tpu.dma_semaphore, #tpu.memory_space<semaphore_mem>>
        tpu.enqueue_indirect_dma source(%dma_start3A_150 : memref<10000x128xf32, #tpu.memory_space<hbm>>) target(%dma_start3A_144 : memref<128x128xf32, #tpu.memory_space<vmem>>) offsets(%dma_start3A_147 : memref<128xi32, #tpu.memory_space<vmem>>) semaphore(%dma_start3A_152 : memref<!tpu.dma_semaphore, #tpu.memory_space<semaphore_mem>>)
      } else {
      }
      %mul3A_111 = arith.constant 2 : i32
      %mul3A_112 = arith.muli %scan3A_86, %mul3A_111 : i32
      %add3A_113 = arith.constant 1 : i32
      %add3A_114 = arith.addi %mul3A_112, %add3A_113 : i32
      %dma_wait3A_115 = arith.constant 1 : i32
      %dma_wait3A_116 = arith.constant 1 : i32
      %dma_wait3A_117 = arith.constant 0 : i32
      %dma_wait3A_118 = arith.constant 0 : i32
      %dma_wait3A_119 = tpu.memref_slice %arg8[%dma_wait3A_115, %dma_wait3A_117, %dma_wait3A_118] : memref<2x128x128xf32, #tpu.memory_space<vmem>> -> memref<1x128x128xf32, #tpu.memory_space<vmem>>
      %dma_wait3A_120 = tpu.memref_squeeze %dma_wait3A_119 : memref<1x128x128xf32, #tpu.memory_space<vmem>> -> memref<128x128xf32, #tpu.memory_space<vmem>>
      %dma_wait3A_121 = arith.constant 0 : i32
      %dma_wait3A_122 = tpu.memref_slice %arg6[%add3A_114, %dma_wait3A_121] : memref<40x128xi32, #tpu.memory_space<vmem>> -> memref<1x128xi32, #tpu.memory_space<vmem>>
      %dma_wait3A_123 = tpu.memref_squeeze %dma_wait3A_122 : memref<1x128xi32, #tpu.memory_space<vmem>> -> memref<128xi32, #tpu.memory_space<vmem>>
      %dma_wait3A_124 = arith.constant 0 : i32
      %dma_wait3A_125 = arith.constant 0 : i32
      %dma_wait3A_126 = tpu.memref_slice %arg2[%dma_wait3A_124, %dma_wait3A_125] : memref<10000x128xf32, #tpu.memory_space<hbm>> -> memref<10000x128xf32, #tpu.memory_space<hbm>>
      %dma_wait3A_127 = tpu.memref_slice %arg10[%dma_wait3A_116] : memref<2x!tpu.dma_semaphore, #tpu.memory_space<semaphore_mem>> -> memref<1x!tpu.dma_semaphore, #tpu.memory_space<semaphore_mem>>
      %dma_wait3A_128 = tpu.memref_squeeze %dma_wait3A_127 : memref<1x!tpu.dma_semaphore, #tpu.memory_space<semaphore_mem>> -> memref<!tpu.dma_semaphore, #tpu.memory_space<semaphore_mem>>
      tpu.wait_indirect_dma semaphore(%dma_wait3A_128 : memref<!tpu.dma_semaphore, #tpu.memory_space<semaphore_mem>>) src(%dma_wait3A_126 : memref<10000x128xf32, #tpu.memory_space<hbm>>) dst(%dma_wait3A_120 : memref<128x128xf32, #tpu.memory_space<vmem>>)
      %run_scoped3A_129 = arith.constant 1 : i32
      "tpu.region"() ({
        %run_scoped3A_137 = tpu.sem_alloc : memref<!tpu.dma_semaphore, #tpu.memory_space<semaphore_mem>>
        %dma_start3A_138 = arith.constant 0 : i32
        %dma_start3A_139 = arith.constant 0 : i32
        %dma_start3A_140 = tpu.memref_slice %arg8[%run_scoped3A_129, %dma_start3A_138, %dma_start3A_139] : memref<2x128x128xf32, #tpu.memory_space<vmem>> -> memref<1x128x128xf32, #tpu.memory_space<vmem>>
        %dma_start3A_141 = tpu.memref_squeeze %dma_start3A_140 : memref<1x128x128xf32, #tpu.memory_space<vmem>> -> memref<128x128xf32, #tpu.memory_space<vmem>>
        %dma_start3A_142 = arith.constant 0 : i32
        %dma_start3A_143 = tpu.memref_slice %arg7[%add3A_114, %dma_start3A_142] : memref<40x128xi32, #tpu.memory_space<vmem>> -> memref<1x128xi32, #tpu.memory_space<vmem>>
        %dma_start3A_144 = tpu.memref_squeeze %dma_start3A_143 : memref<1x128xi32, #tpu.memory_space<vmem>> -> memref<128xi32, #tpu.memory_space<vmem>>
        %dma_start3A_145 = arith.constant 0 : i32
        %dma_start3A_146 = arith.constant 0 : i32
        %dma_start3A_147 = tpu.memref_slice %arg9[%dma_start3A_145, %dma_start3A_146] : memref<10976x128xf32, #tpu.memory_space<vmem_shared>> -> memref<10976x128xf32, #tpu.memory_space<vmem_shared>>
        tpu.enqueue_indirect_dma source(%dma_start3A_141 : memref<128x128xf32, #tpu.memory_space<vmem>>) target(%dma_start3A_147 : memref<10976x128xf32, #tpu.memory_space<vmem_shared>>) offsets(%dma_start3A_144 : memref<128xi32, #tpu.memory_space<vmem>>) semaphore(%run_scoped3A_137 : memref<!tpu.dma_semaphore, #tpu.memory_space<semaphore_mem>>) {add = true}
        %dma_wait3A_148 = arith.constant 0 : i32
        %dma_wait3A_149 = arith.constant 0 : i32
        %dma_wait3A_150 = tpu.memref_slice %arg8[%run_scoped3A_129, %dma_wait3A_148, %dma_wait3A_149] : memref<2x128x128xf32, #tpu.memory_space<vmem>> -> memref<1x128x128xf32, #tpu.memory_space<vmem>>
        %dma_wait3A_151 = tpu.memref_squeeze %dma_wait3A_150 : memref<1x128x128xf32, #tpu.memory_space<vmem>> -> memref<128x128xf32, #tpu.memory_space<vmem>>
        %dma_wait3A_152 = arith.constant 0 : i32
        %dma_wait3A_153 = tpu.memref_slice %arg7[%add3A_114, %dma_wait3A_152] : memref<40x128xi32, #tpu.memory_space<vmem>> -> memref<1x128xi32, #tpu.memory_space<vmem>>
        %dma_wait3A_154 = tpu.memref_squeeze %dma_wait3A_153 : memref<1x128xi32, #tpu.memory_space<vmem>> -> memref<128xi32, #tpu.memory_space<vmem>>
        %dma_wait3A_155 = arith.constant 0 : i32
        %dma_wait3A_156 = arith.constant 0 : i32
        %dma_wait3A_157 = tpu.memref_slice %arg9[%dma_wait3A_155, %dma_wait3A_156] : memref<10976x128xf32, #tpu.memory_space<vmem_shared>> -> memref<10976x128xf32, #tpu.memory_space<vmem_shared>>
        tpu.wait_indirect_dma semaphore(%run_scoped3A_137 : memref<!tpu.dma_semaphore, #tpu.memory_space<semaphore_mem>>) src(%dma_wait3A_151 : memref<128x128xf32, #tpu.memory_space<vmem>>) dst(%dma_wait3A_157 : memref<10976x128xf32, #tpu.memory_space<vmem_shared>>)
        tpu.yield
      }) : () -> ()
      %add3A_130 = arith.constant 2 : i32
      %add3A_131 = arith.addi %add3A_114, %add3A_130 : i32
      %lt3A_132 = arith.constant 40 : i32
      %lt3A_133 = arith.cmpi slt, %add3A_131, %lt3A_132 : i32
      %convert_element_type3A_134 = arith.extui %lt3A_133 : i1 to i32
      %cond3A_135 = arith.constant 0 : i32
      %cond3A_136 = arith.cmpi ne, %convert_element_type3A_134, %cond3A_135 : i32
      scf.if %cond3A_136 {
        %add3A_137 = arith.constant 2 : i32
        %add3A_138 = arith.addi %add3A_114, %add3A_137 : i32
        %dma_start3A_139 = arith.constant 1 : i32
        %dma_start3A_140 = arith.constant 1 : i32
        %dma_start3A_141 = arith.constant 0 : i32
        %dma_start3A_142 = arith.constant 0 : i32
        %dma_start3A_143 = tpu.memref_slice %arg8[%dma_start3A_139, %dma_start3A_141, %dma_start3A_142] : memref<2x128x128xf32, #tpu.memory_space<vmem>> -> memref<1x128x128xf32, #tpu.memory_space<vmem>>
        %dma_start3A_144 = tpu.memref_squeeze %dma_start3A_143 : memref<1x128x128xf32, #tpu.memory_space<vmem>> -> memref<128x128xf32, #tpu.memory_space<vmem>>
        %dma_start3A_145 = arith.constant 0 : i32
        %dma_start3A_146 = tpu.memref_slice %arg6[%add3A_138, %dma_start3A_145] : memref<40x128xi32, #tpu.memory_space<vmem>> -> memref<1x128xi32, #tpu.memory_space<vmem>>
        %dma_start3A_147 = tpu.memref_squeeze %dma_start3A_146 : memref<1x128xi32, #tpu.memory_space<vmem>> -> memref<128xi32, #tpu.memory_space<vmem>>
        %dma_start3A_148 = arith.constant 0 : i32
        %dma_start3A_149 = arith.constant 0 : i32
        %dma_start3A_150 = tpu.memref_slice %arg2[%dma_start3A_148, %dma_start3A_149] : memref<10000x128xf32, #tpu.memory_space<hbm>> -> memref<10000x128xf32, #tpu.memory_space<hbm>>
        %dma_start3A_151 = tpu.memref_slice %arg10[%dma_start3A_140] : memref<2x!tpu.dma_semaphore, #tpu.memory_space<semaphore_mem>> -> memref<1x!tpu.dma_semaphore, #tpu.memory_space<semaphore_mem>>
        %dma_start3A_152 = tpu.memref_squeeze %dma_start3A_151 : memref<1x!tpu.dma_semaphore, #tpu.memory_space<semaphore_mem>> -> memref<!tpu.dma_semaphore, #tpu.memory_space<semaphore_mem>>
        tpu.enqueue_indirect_dma source(%dma_start3A_150 : memref<10000x128xf32, #tpu.memory_space<hbm>>) target(%dma_start3A_144 : memref<128x128xf32, #tpu.memory_space<vmem>>) offsets(%dma_start3A_147 : memref<128xi32, #tpu.memory_space<vmem>>) semaphore(%dma_start3A_152 : memref<!tpu.dma_semaphore, #tpu.memory_space<semaphore_mem>>)
      } else {
      }
    }
    %scan3A_39 = arith.constant 20 : i32
    "tpu.region"() ({
      %run_scoped3A = tpu.sem_alloc : memref<!tpu.dma_semaphore, #tpu.memory_space<semaphore_mem>>
      %dma_start3A_86 = arith.constant 40 : i32
      %dma_start3A_87 = arith.constant 0 : i32
      %dma_start3A_88 = tpu.memref_slice %arg3[%add3A, %dma_start3A_86, %dma_start3A_87] : memref<32x80x128xi32, #tpu.memory_space<hbm>> -> memref<1x40x128xi32, #tpu.memory_space<hbm>>
      %dma_start3A_89 = tpu.memref_squeeze %dma_start3A_88 : memref<1x40x128xi32, #tpu.memory_space<hbm>> -> memref<40x128xi32, #tpu.memory_space<hbm>>
      %dma_start3A_90 = arith.constant 40 : i32
      %dma_start3A_91 = arith.constant 0 : i32
      %dma_start3A_92 = tpu.memref_slice %arg3[%add3A, %dma_start3A_90, %dma_start3A_91] : memref<32x80x128xi32, #tpu.memory_space<hbm>> -> memref<1x40x128xi32, #tpu.memory_space<hbm>>
      %dma_start3A_93 = tpu.memref_squeeze %dma_start3A_92 : memref<1x40x128xi32, #tpu.memory_space<hbm>> -> memref<40x128xi32, #tpu.memory_space<hbm>>
      tpu.enqueue_dma source(%dma_start3A_93 : memref<40x128xi32, #tpu.memory_space<hbm>>) target(%arg6 : memref<40x128xi32, #tpu.memory_space<vmem>>) target_semaphore(%run_scoped3A : memref<!tpu.dma_semaphore, #tpu.memory_space<semaphore_mem>>)
      %dma_wait3A = arith.constant 40 : i32
      %dma_wait3A_94 = arith.constant 0 : i32
      %dma_wait3A_95 = tpu.memref_slice %arg3[%add3A, %dma_wait3A, %dma_wait3A_94] : memref<32x80x128xi32, #tpu.memory_space<hbm>> -> memref<1x40x128xi32, #tpu.memory_space<hbm>>
      %dma_wait3A_96 = tpu.memref_squeeze %dma_wait3A_95 : memref<1x40x128xi32, #tpu.memory_space<hbm>> -> memref<40x128xi32, #tpu.memory_space<hbm>>
      %dma_wait3A_97 = arith.constant 40 : i32
      %dma_wait3A_98 = arith.constant 0 : i32
      %dma_wait3A_99 = tpu.memref_slice %arg3[%add3A, %dma_wait3A_97, %dma_wait3A_98] : memref<32x80x128xi32, #tpu.memory_space<hbm>> -> memref<1x40x128xi32, #tpu.memory_space<hbm>>
      %dma_wait3A_100 = tpu.memref_squeeze %dma_wait3A_99 : memref<1x40x128xi32, #tpu.memory_space<hbm>> -> memref<40x128xi32, #tpu.memory_space<hbm>>
      tpu.wait_dma2 semaphore(%run_scoped3A : memref<!tpu.dma_semaphore, #tpu.memory_space<semaphore_mem>>) src(%dma_wait3A_100 : memref<40x128xi32, #tpu.memory_space<hbm>>) dst(%arg6 : memref<40x128xi32, #tpu.memory_space<vmem>>)
      tpu.yield
    }) : () -> ()
    "tpu.region"() ({
      %run_scoped3A = tpu.sem_alloc : memref<!tpu.dma_semaphore, #tpu.memory_space<semaphore_mem>>
      %dma_start3A_86 = arith.constant 40 : i32
      %dma_start3A_87 = arith.constant 0 : i32
      %dma_start3A_88 = tpu.memref_slice %arg4[%add3A, %dma_start3A_86, %dma_start3A_87] : memref<32x80x128xi32, #tpu.memory_space<hbm>> -> memref<1x40x128xi32, #tpu.memory_space<hbm>>
      %dma_start3A_89 = tpu.memref_squeeze %dma_start3A_88 : memref<1x40x128xi32, #tpu.memory_space<hbm>> -> memref<40x128xi32, #tpu.memory_space<hbm>>
      %dma_start3A_90 = arith.constant 40 : i32
      %dma_start3A_91 = arith.constant 0 : i32
      %dma_start3A_92 = tpu.memref_slice %arg4[%add3A, %dma_start3A_90, %dma_start3A_91] : memref<32x80x128xi32, #tpu.memory_space<hbm>> -> memref<1x40x128xi32, #tpu.memory_space<hbm>>
      %dma_start3A_93 = tpu.memref_squeeze %dma_start3A_92 : memref<1x40x128xi32, #tpu.memory_space<hbm>> -> memref<40x128xi32, #tpu.memory_space<hbm>>
      tpu.enqueue_dma source(%dma_start3A_93 : memref<40x128xi32, #tpu.memory_space<hbm>>) target(%arg7 : memref<40x128xi32, #tpu.memory_space<vmem>>) target_semaphore(%run_scoped3A : memref<!tpu.dma_semaphore, #tpu.memory_space<semaphore_mem>>)
      %dma_wait3A = arith.constant 40 : i32
      %dma_wait3A_94 = arith.constant 0 : i32
      %dma_wait3A_95 = tpu.memref_slice %arg4[%add3A, %dma_wait3A, %dma_wait3A_94] : memref<32x80x128xi32, #tpu.memory_space<hbm>> -> memref<1x40x128xi32, #tpu.memory_space<hbm>>
      %dma_wait3A_96 = tpu.memref_squeeze %dma_wait3A_95 : memref<1x40x128xi32, #tpu.memory_space<hbm>> -> memref<40x128xi32, #tpu.memory_space<hbm>>
      %dma_wait3A_97 = arith.constant 40 : i32
      %dma_wait3A_98 = arith.constant 0 : i32
      %dma_wait3A_99 = tpu.memref_slice %arg4[%add3A, %dma_wait3A_97, %dma_wait3A_98] : memref<32x80x128xi32, #tpu.memory_space<hbm>> -> memref<1x40x128xi32, #tpu.memory_space<hbm>>
      %dma_wait3A_100 = tpu.memref_squeeze %dma_wait3A_99 : memref<1x40x128xi32, #tpu.memory_space<hbm>> -> memref<40x128xi32, #tpu.memory_space<hbm>>
      tpu.wait_dma2 semaphore(%run_scoped3A : memref<!tpu.dma_semaphore, #tpu.memory_space<semaphore_mem>>) src(%dma_wait3A_100 : memref<40x128xi32, #tpu.memory_space<hbm>>) dst(%arg7 : memref<40x128xi32, #tpu.memory_space<vmem>>)
      tpu.yield
    }) : () -> ()
    %dma_start3A_40 = arith.constant 0 : i32
    %dma_start3A_41 = arith.constant 0 : i32
    %dma_start3A_42 = arith.constant 0 : i32
    %dma_start3A_43 = arith.constant 0 : i32
    %dma_start3A_44 = arith.constant 0 : i32
    %dma_start3A_45 = tpu.memref_slice %arg8[%dma_start3A_41, %dma_start3A_43, %dma_start3A_44] : memref<2x128x128xf32, #tpu.memory_space<vmem>> -> memref<1x128x128xf32, #tpu.memory_space<vmem>>
    %dma_start3A_46 = tpu.memref_squeeze %dma_start3A_45 : memref<1x128x128xf32, #tpu.memory_space<vmem>> -> memref<128x128xf32, #tpu.memory_space<vmem>>
    %dma_start3A_47 = arith.constant 0 : i32
    %dma_start3A_48 = tpu.memref_slice %arg6[%dma_start3A_40, %dma_start3A_47] : memref<40x128xi32, #tpu.memory_space<vmem>> -> memref<1x128xi32, #tpu.memory_space<vmem>>
    %dma_start3A_49 = tpu.memref_squeeze %dma_start3A_48 : memref<1x128xi32, #tpu.memory_space<vmem>> -> memref<128xi32, #tpu.memory_space<vmem>>
    %dma_start3A_50 = arith.constant 0 : i32
    %dma_start3A_51 = arith.constant 0 : i32
    %dma_start3A_52 = tpu.memref_slice %arg2[%dma_start3A_50, %dma_start3A_51] : memref<10000x128xf32, #tpu.memory_space<hbm>> -> memref<10000x128xf32, #tpu.memory_space<hbm>>
    %dma_start3A_53 = tpu.memref_slice %arg10[%dma_start3A_42] : memref<2x!tpu.dma_semaphore, #tpu.memory_space<semaphore_mem>> -> memref<1x!tpu.dma_semaphore, #tpu.memory_space<semaphore_mem>>
    %dma_start3A_54 = tpu.memref_squeeze %dma_start3A_53 : memref<1x!tpu.dma_semaphore, #tpu.memory_space<semaphore_mem>> -> memref<!tpu.dma_semaphore, #tpu.memory_space<semaphore_mem>>
    tpu.enqueue_indirect_dma source(%dma_start3A_52 : memref<10000x128xf32, #tpu.memory_space<hbm>>) target(%dma_start3A_46 : memref<128x128xf32, #tpu.memory_space<vmem>>) offsets(%dma_start3A_49 : memref<128xi32, #tpu.memory_space<vmem>>) semaphore(%dma_start3A_54 : memref<!tpu.dma_semaphore, #tpu.memory_space<semaphore_mem>>)
    %dma_start3A_55 = arith.constant 1 : i32
    %dma_start3A_56 = arith.constant 1 : i32
    %dma_start3A_57 = arith.constant 1 : i32
    %dma_start3A_58 = arith.constant 0 : i32
    %dma_start3A_59 = arith.constant 0 : i32
    %dma_start3A_60 = tpu.memref_slice %arg8[%dma_start3A_56, %dma_start3A_58, %dma_start3A_59] : memref<2x128x128xf32, #tpu.memory_space<vmem>> -> memref<1x128x128xf32, #tpu.memory_space<vmem>>
    %dma_start3A_61 = tpu.memref_squeeze %dma_start3A_60 : memref<1x128x128xf32, #tpu.memory_space<vmem>> -> memref<128x128xf32, #tpu.memory_space<vmem>>
    %dma_start3A_62 = arith.constant 0 : i32
    %dma_start3A_63 = tpu.memref_slice %arg6[%dma_start3A_55, %dma_start3A_62] : memref<40x128xi32, #tpu.memory_space<vmem>> -> memref<1x128xi32, #tpu.memory_space<vmem>>
    %dma_start3A_64 = tpu.memref_squeeze %dma_start3A_63 : memref<1x128xi32, #tpu.memory_space<vmem>> -> memref<128xi32, #tpu.memory_space<vmem>>
    %dma_start3A_65 = arith.constant 0 : i32
    %dma_start3A_66 = arith.constant 0 : i32
    %dma_start3A_67 = tpu.memref_slice %arg2[%dma_start3A_65, %dma_start3A_66] : memref<10000x128xf32, #tpu.memory_space<hbm>> -> memref<10000x128xf32, #tpu.memory_space<hbm>>
    %dma_start3A_68 = tpu.memref_slice %arg10[%dma_start3A_57] : memref<2x!tpu.dma_semaphore, #tpu.memory_space<semaphore_mem>> -> memref<1x!tpu.dma_semaphore, #tpu.memory_space<semaphore_mem>>
    %dma_start3A_69 = tpu.memref_squeeze %dma_start3A_68 : memref<1x!tpu.dma_semaphore, #tpu.memory_space<semaphore_mem>> -> memref<!tpu.dma_semaphore, #tpu.memory_space<semaphore_mem>>
    tpu.enqueue_indirect_dma source(%dma_start3A_67 : memref<10000x128xf32, #tpu.memory_space<hbm>>) target(%dma_start3A_61 : memref<128x128xf32, #tpu.memory_space<vmem>>) offsets(%dma_start3A_64 : memref<128xi32, #tpu.memory_space<vmem>>) semaphore(%dma_start3A_69 : memref<!tpu.dma_semaphore, #tpu.memory_space<semaphore_mem>>)
    %scan3A_70 = arith.constant 0 : i32
    %scan3A_71 = arith.constant 20 : i32
    %scan3A_72 = arith.addi %scan3A_70, %scan3A_71 : i32
    %scan3A_73 = arith.constant 1 : i32
    scf.for %scan3A_86 = %scan3A_70 to %scan3A_72 step %scan3A_73  : i32 {
      %mul3A_87 = arith.constant 2 : i32
      %mul3A_88 = arith.muli %scan3A_86, %mul3A_87 : i32
      %add3A_89 = arith.constant 0 : i32
      %add3A_90 = arith.addi %mul3A_88, %add3A_89 : i32
      %dma_wait3A = arith.constant 0 : i32
      %dma_wait3A_91 = arith.constant 0 : i32
      %dma_wait3A_92 = arith.constant 0 : i32
      %dma_wait3A_93 = arith.constant 0 : i32
      %dma_wait3A_94 = tpu.memref_slice %arg8[%dma_wait3A, %dma_wait3A_92, %dma_wait3A_93] : memref<2x128x128xf32, #tpu.memory_space<vmem>> -> memref<1x128x128xf32, #tpu.memory_space<vmem>>
      %dma_wait3A_95 = tpu.memref_squeeze %dma_wait3A_94 : memref<1x128x128xf32, #tpu.memory_space<vmem>> -> memref<128x128xf32, #tpu.memory_space<vmem>>
      %dma_wait3A_96 = arith.constant 0 : i32
      %dma_wait3A_97 = tpu.memref_slice %arg6[%add3A_90, %dma_wait3A_96] : memref<40x128xi32, #tpu.memory_space<vmem>> -> memref<1x128xi32, #tpu.memory_space<vmem>>
      %dma_wait3A_98 = tpu.memref_squeeze %dma_wait3A_97 : memref<1x128xi32, #tpu.memory_space<vmem>> -> memref<128xi32, #tpu.memory_space<vmem>>
      %dma_wait3A_99 = arith.constant 0 : i32
      %dma_wait3A_100 = arith.constant 0 : i32
      %dma_wait3A_101 = tpu.memref_slice %arg2[%dma_wait3A_99, %dma_wait3A_100] : memref<10000x128xf32, #tpu.memory_space<hbm>> -> memref<10000x128xf32, #tpu.memory_space<hbm>>
      %dma_wait3A_102 = tpu.memref_slice %arg10[%dma_wait3A_91] : memref<2x!tpu.dma_semaphore, #tpu.memory_space<semaphore_mem>> -> memref<1x!tpu.dma_semaphore, #tpu.memory_space<semaphore_mem>>
      %dma_wait3A_103 = tpu.memref_squeeze %dma_wait3A_102 : memref<1x!tpu.dma_semaphore, #tpu.memory_space<semaphore_mem>> -> memref<!tpu.dma_semaphore, #tpu.memory_space<semaphore_mem>>
      tpu.wait_indirect_dma semaphore(%dma_wait3A_103 : memref<!tpu.dma_semaphore, #tpu.memory_space<semaphore_mem>>) src(%dma_wait3A_101 : memref<10000x128xf32, #tpu.memory_space<hbm>>) dst(%dma_wait3A_95 : memref<128x128xf32, #tpu.memory_space<vmem>>)
      %run_scoped3A = arith.constant 0 : i32
      "tpu.region"() ({
        %run_scoped3A_137 = tpu.sem_alloc : memref<!tpu.dma_semaphore, #tpu.memory_space<semaphore_mem>>
        %dma_start3A_138 = arith.constant 0 : i32
        %dma_start3A_139 = arith.constant 0 : i32
        %dma_start3A_140 = tpu.memref_slice %arg8[%run_scoped3A, %dma_start3A_138, %dma_start3A_139] : memref<2x128x128xf32, #tpu.memory_space<vmem>> -> memref<1x128x128xf32, #tpu.memory_space<vmem>>
        %dma_start3A_141 = tpu.memref_squeeze %dma_start3A_140 : memref<1x128x128xf32, #tpu.memory_space<vmem>> -> memref<128x128xf32, #tpu.memory_space<vmem>>
        %dma_start3A_142 = arith.constant 0 : i32
        %dma_start3A_143 = tpu.memref_slice %arg7[%add3A_90, %dma_start3A_142] : memref<40x128xi32, #tpu.memory_space<vmem>> -> memref<1x128xi32, #tpu.memory_space<vmem>>
        %dma_start3A_144 = tpu.memref_squeeze %dma_start3A_143 : memref<1x128xi32, #tpu.memory_space<vmem>> -> memref<128xi32, #tpu.memory_space<vmem>>
        %dma_start3A_145 = arith.constant 0 : i32
        %dma_start3A_146 = arith.constant 0 : i32
        %dma_start3A_147 = tpu.memref_slice %arg9[%dma_start3A_145, %dma_start3A_146] : memref<10976x128xf32, #tpu.memory_space<vmem_shared>> -> memref<10976x128xf32, #tpu.memory_space<vmem_shared>>
        tpu.enqueue_indirect_dma source(%dma_start3A_141 : memref<128x128xf32, #tpu.memory_space<vmem>>) target(%dma_start3A_147 : memref<10976x128xf32, #tpu.memory_space<vmem_shared>>) offsets(%dma_start3A_144 : memref<128xi32, #tpu.memory_space<vmem>>) semaphore(%run_scoped3A_137 : memref<!tpu.dma_semaphore, #tpu.memory_space<semaphore_mem>>) {add = true}
        %dma_wait3A_148 = arith.constant 0 : i32
        %dma_wait3A_149 = arith.constant 0 : i32
        %dma_wait3A_150 = tpu.memref_slice %arg8[%run_scoped3A, %dma_wait3A_148, %dma_wait3A_149] : memref<2x128x128xf32, #tpu.memory_space<vmem>> -> memref<1x128x128xf32, #tpu.memory_space<vmem>>
        %dma_wait3A_151 = tpu.memref_squeeze %dma_wait3A_150 : memref<1x128x128xf32, #tpu.memory_space<vmem>> -> memref<128x128xf32, #tpu.memory_space<vmem>>
        %dma_wait3A_152 = arith.constant 0 : i32
        %dma_wait3A_153 = tpu.memref_slice %arg7[%add3A_90, %dma_wait3A_152] : memref<40x128xi32, #tpu.memory_space<vmem>> -> memref<1x128xi32, #tpu.memory_space<vmem>>
        %dma_wait3A_154 = tpu.memref_squeeze %dma_wait3A_153 : memref<1x128xi32, #tpu.memory_space<vmem>> -> memref<128xi32, #tpu.memory_space<vmem>>
        %dma_wait3A_155 = arith.constant 0 : i32
        %dma_wait3A_156 = arith.constant 0 : i32
        %dma_wait3A_157 = tpu.memref_slice %arg9[%dma_wait3A_155, %dma_wait3A_156] : memref<10976x128xf32, #tpu.memory_space<vmem_shared>> -> memref<10976x128xf32, #tpu.memory_space<vmem_shared>>
        tpu.wait_indirect_dma semaphore(%run_scoped3A_137 : memref<!tpu.dma_semaphore, #tpu.memory_space<semaphore_mem>>) src(%dma_wait3A_151 : memref<128x128xf32, #tpu.memory_space<vmem>>) dst(%dma_wait3A_157 : memref<10976x128xf32, #tpu.memory_space<vmem_shared>>)
        tpu.yield
      }) : () -> ()
      %add3A_104 = arith.constant 2 : i32
      %add3A_105 = arith.addi %add3A_90, %add3A_104 : i32
      %lt3A_106 = arith.constant 40 : i32
      %lt3A_107 = arith.cmpi slt, %add3A_105, %lt3A_106 : i32
      %convert_element_type3A_108 = arith.extui %lt3A_107 : i1 to i32
      %cond3A_109 = arith.constant 0 : i32
      %cond3A_110 = arith.cmpi ne, %convert_element_type3A_108, %cond3A_109 : i32
      scf.if %cond3A_110 {
        %add3A_137 = arith.constant 2 : i32
        %add3A_138 = arith.addi %add3A_90, %add3A_137 : i32
        %dma_start3A_139 = arith.constant 0 : i32
        %dma_start3A_140 = arith.constant 0 : i32
        %dma_start3A_141 = arith.constant 0 : i32
        %dma_start3A_142 = arith.constant 0 : i32
        %dma_start3A_143 = tpu.memref_slice %arg8[%dma_start3A_139, %dma_start3A_141, %dma_start3A_142] : memref<2x128x128xf32, #tpu.memory_space<vmem>> -> memref<1x128x128xf32, #tpu.memory_space<vmem>>
        %dma_start3A_144 = tpu.memref_squeeze %dma_start3A_143 : memref<1x128x128xf32, #tpu.memory_space<vmem>> -> memref<128x128xf32, #tpu.memory_space<vmem>>
        %dma_start3A_145 = arith.constant 0 : i32
        %dma_start3A_146 = tpu.memref_slice %arg6[%add3A_138, %dma_start3A_145] : memref<40x128xi32, #tpu.memory_space<vmem>> -> memref<1x128xi32, #tpu.memory_space<vmem>>
        %dma_start3A_147 = tpu.memref_squeeze %dma_start3A_146 : memref<1x128xi32, #tpu.memory_space<vmem>> -> memref<128xi32, #tpu.memory_space<vmem>>
        %dma_start3A_148 = arith.constant 0 : i32
        %dma_start3A_149 = arith.constant 0 : i32
        %dma_start3A_150 = tpu.memref_slice %arg2[%dma_start3A_148, %dma_start3A_149] : memref<10000x128xf32, #tpu.memory_space<hbm>> -> memref<10000x128xf32, #tpu.memory_space<hbm>>
        %dma_start3A_151 = tpu.memref_slice %arg10[%dma_start3A_140] : memref<2x!tpu.dma_semaphore, #tpu.memory_space<semaphore_mem>> -> memref<1x!tpu.dma_semaphore, #tpu.memory_space<semaphore_mem>>
        %dma_start3A_152 = tpu.memref_squeeze %dma_start3A_151 : memref<1x!tpu.dma_semaphore, #tpu.memory_space<semaphore_mem>> -> memref<!tpu.dma_semaphore, #tpu.memory_space<semaphore_mem>>
        tpu.enqueue_indirect_dma source(%dma_start3A_150 : memref<10000x128xf32, #tpu.memory_space<hbm>>) target(%dma_start3A_144 : memref<128x128xf32, #tpu.memory_space<vmem>>) offsets(%dma_start3A_147 : memref<128xi32, #tpu.memory_space<vmem>>) semaphore(%dma_start3A_152 : memref<!tpu.dma_semaphore, #tpu.memory_space<semaphore_mem>>)
      } else {
      }
      %mul3A_111 = arith.constant 2 : i32
      %mul3A_112 = arith.muli %scan3A_86, %mul3A_111 : i32
      %add3A_113 = arith.constant 1 : i32
      %add3A_114 = arith.addi %mul3A_112, %add3A_113 : i32
      %dma_wait3A_115 = arith.constant 1 : i32
      %dma_wait3A_116 = arith.constant 1 : i32
      %dma_wait3A_117 = arith.constant 0 : i32
      %dma_wait3A_118 = arith.constant 0 : i32
      %dma_wait3A_119 = tpu.memref_slice %arg8[%dma_wait3A_115, %dma_wait3A_117, %dma_wait3A_118] : memref<2x128x128xf32, #tpu.memory_space<vmem>> -> memref<1x128x128xf32, #tpu.memory_space<vmem>>
      %dma_wait3A_120 = tpu.memref_squeeze %dma_wait3A_119 : memref<1x128x128xf32, #tpu.memory_space<vmem>> -> memref<128x128xf32, #tpu.memory_space<vmem>>
      %dma_wait3A_121 = arith.constant 0 : i32
      %dma_wait3A_122 = tpu.memref_slice %arg6[%add3A_114, %dma_wait3A_121] : memref<40x128xi32, #tpu.memory_space<vmem>> -> memref<1x128xi32, #tpu.memory_space<vmem>>
      %dma_wait3A_123 = tpu.memref_squeeze %dma_wait3A_122 : memref<1x128xi32, #tpu.memory_space<vmem>> -> memref<128xi32, #tpu.memory_space<vmem>>
      %dma_wait3A_124 = arith.constant 0 : i32
      %dma_wait3A_125 = arith.constant 0 : i32
      %dma_wait3A_126 = tpu.memref_slice %arg2[%dma_wait3A_124, %dma_wait3A_125] : memref<10000x128xf32, #tpu.memory_space<hbm>> -> memref<10000x128xf32, #tpu.memory_space<hbm>>
      %dma_wait3A_127 = tpu.memref_slice %arg10[%dma_wait3A_116] : memref<2x!tpu.dma_semaphore, #tpu.memory_space<semaphore_mem>> -> memref<1x!tpu.dma_semaphore, #tpu.memory_space<semaphore_mem>>
      %dma_wait3A_128 = tpu.memref_squeeze %dma_wait3A_127 : memref<1x!tpu.dma_semaphore, #tpu.memory_space<semaphore_mem>> -> memref<!tpu.dma_semaphore, #tpu.memory_space<semaphore_mem>>
      tpu.wait_indirect_dma semaphore(%dma_wait3A_128 : memref<!tpu.dma_semaphore, #tpu.memory_space<semaphore_mem>>) src(%dma_wait3A_126 : memref<10000x128xf32, #tpu.memory_space<hbm>>) dst(%dma_wait3A_120 : memref<128x128xf32, #tpu.memory_space<vmem>>)
      %run_scoped3A_129 = arith.constant 1 : i32
      "tpu.region"() ({
        %run_scoped3A_137 = tpu.sem_alloc : memref<!tpu.dma_semaphore, #tpu.memory_space<semaphore_mem>>
        %dma_start3A_138 = arith.constant 0 : i32
        %dma_start3A_139 = arith.constant 0 : i32
        %dma_start3A_140 = tpu.memref_slice %arg8[%run_scoped3A_129, %dma_start3A_138, %dma_start3A_139] : memref<2x128x128xf32, #tpu.memory_space<vmem>> -> memref<1x128x128xf32, #tpu.memory_space<vmem>>
        %dma_start3A_141 = tpu.memref_squeeze %dma_start3A_140 : memref<1x128x128xf32, #tpu.memory_space<vmem>> -> memref<128x128xf32, #tpu.memory_space<vmem>>
        %dma_start3A_142 = arith.constant 0 : i32
        %dma_start3A_143 = tpu.memref_slice %arg7[%add3A_114, %dma_start3A_142] : memref<40x128xi32, #tpu.memory_space<vmem>> -> memref<1x128xi32, #tpu.memory_space<vmem>>
        %dma_start3A_144 = tpu.memref_squeeze %dma_start3A_143 : memref<1x128xi32, #tpu.memory_space<vmem>> -> memref<128xi32, #tpu.memory_space<vmem>>
        %dma_start3A_145 = arith.constant 0 : i32
        %dma_start3A_146 = arith.constant 0 : i32
        %dma_start3A_147 = tpu.memref_slice %arg9[%dma_start3A_145, %dma_start3A_146] : memref<10976x128xf32, #tpu.memory_space<vmem_shared>> -> memref<10976x128xf32, #tpu.memory_space<vmem_shared>>
        tpu.enqueue_indirect_dma source(%dma_start3A_141 : memref<128x128xf32, #tpu.memory_space<vmem>>) target(%dma_start3A_147 : memref<10976x128xf32, #tpu.memory_space<vmem_shared>>) offsets(%dma_start3A_144 : memref<128xi32, #tpu.memory_space<vmem>>) semaphore(%run_scoped3A_137 : memref<!tpu.dma_semaphore, #tpu.memory_space<semaphore_mem>>) {add = true}
        %dma_wait3A_148 = arith.constant 0 : i32
        %dma_wait3A_149 = arith.constant 0 : i32
        %dma_wait3A_150 = tpu.memref_slice %arg8[%run_scoped3A_129, %dma_wait3A_148, %dma_wait3A_149] : memref<2x128x128xf32, #tpu.memory_space<vmem>> -> memref<1x128x128xf32, #tpu.memory_space<vmem>>
        %dma_wait3A_151 = tpu.memref_squeeze %dma_wait3A_150 : memref<1x128x128xf32, #tpu.memory_space<vmem>> -> memref<128x128xf32, #tpu.memory_space<vmem>>
        %dma_wait3A_152 = arith.constant 0 : i32
        %dma_wait3A_153 = tpu.memref_slice %arg7[%add3A_114, %dma_wait3A_152] : memref<40x128xi32, #tpu.memory_space<vmem>> -> memref<1x128xi32, #tpu.memory_space<vmem>>
        %dma_wait3A_154 = tpu.memref_squeeze %dma_wait3A_153 : memref<1x128xi32, #tpu.memory_space<vmem>> -> memref<128xi32, #tpu.memory_space<vmem>>
        %dma_wait3A_155 = arith.constant 0 : i32
        %dma_wait3A_156 = arith.constant 0 : i32
        %dma_wait3A_157 = tpu.memref_slice %arg9[%dma_wait3A_155, %dma_wait3A_156] : memref<10976x128xf32, #tpu.memory_space<vmem_shared>> -> memref<10976x128xf32, #tpu.memory_space<vmem_shared>>
        tpu.wait_indirect_dma semaphore(%run_scoped3A_137 : memref<!tpu.dma_semaphore, #tpu.memory_space<semaphore_mem>>) src(%dma_wait3A_151 : memref<128x128xf32, #tpu.memory_space<vmem>>) dst(%dma_wait3A_157 : memref<10976x128xf32, #tpu.memory_space<vmem_shared>>)
        tpu.yield
      }) : () -> ()
      %add3A_130 = arith.constant 2 : i32
      %add3A_131 = arith.addi %add3A_114, %add3A_130 : i32
      %lt3A_132 = arith.constant 40 : i32
      %lt3A_133 = arith.cmpi slt, %add3A_131, %lt3A_132 : i32
      %convert_element_type3A_134 = arith.extui %lt3A_133 : i1 to i32
      %cond3A_135 = arith.constant 0 : i32
      %cond3A_136 = arith.cmpi ne, %convert_element_type3A_134, %cond3A_135 : i32
      scf.if %cond3A_136 {
        %add3A_137 = arith.constant 2 : i32
        %add3A_138 = arith.addi %add3A_114, %add3A_137 : i32
        %dma_start3A_139 = arith.constant 1 : i32
        %dma_start3A_140 = arith.constant 1 : i32
        %dma_start3A_141 = arith.constant 0 : i32
        %dma_start3A_142 = arith.constant 0 : i32
        %dma_start3A_143 = tpu.memref_slice %arg8[%dma_start3A_139, %dma_start3A_141, %dma_start3A_142] : memref<2x128x128xf32, #tpu.memory_space<vmem>> -> memref<1x128x128xf32, #tpu.memory_space<vmem>>
        %dma_start3A_144 = tpu.memref_squeeze %dma_start3A_143 : memref<1x128x128xf32, #tpu.memory_space<vmem>> -> memref<128x128xf32, #tpu.memory_space<vmem>>
        %dma_start3A_145 = arith.constant 0 : i32
        %dma_start3A_146 = tpu.memref_slice %arg6[%add3A_138, %dma_start3A_145] : memref<40x128xi32, #tpu.memory_space<vmem>> -> memref<1x128xi32, #tpu.memory_space<vmem>>
        %dma_start3A_147 = tpu.memref_squeeze %dma_start3A_146 : memref<1x128xi32, #tpu.memory_space<vmem>> -> memref<128xi32, #tpu.memory_space<vmem>>
        %dma_start3A_148 = arith.constant 0 : i32
        %dma_start3A_149 = arith.constant 0 : i32
        %dma_start3A_150 = tpu.memref_slice %arg2[%dma_start3A_148, %dma_start3A_149] : memref<10000x128xf32, #tpu.memory_space<hbm>> -> memref<10000x128xf32, #tpu.memory_space<hbm>>
        %dma_start3A_151 = tpu.memref_slice %arg10[%dma_start3A_140] : memref<2x!tpu.dma_semaphore, #tpu.memory_space<semaphore_mem>> -> memref<1x!tpu.dma_semaphore, #tpu.memory_space<semaphore_mem>>
        %dma_start3A_152 = tpu.memref_squeeze %dma_start3A_151 : memref<1x!tpu.dma_semaphore, #tpu.memory_space<semaphore_mem>> -> memref<!tpu.dma_semaphore, #tpu.memory_space<semaphore_mem>>
        tpu.enqueue_indirect_dma source(%dma_start3A_150 : memref<10000x128xf32, #tpu.memory_space<hbm>>) target(%dma_start3A_144 : memref<128x128xf32, #tpu.memory_space<vmem>>) offsets(%dma_start3A_147 : memref<128xi32, #tpu.memory_space<vmem>>) semaphore(%dma_start3A_152 : memref<!tpu.dma_semaphore, #tpu.memory_space<semaphore_mem>>)
      } else {
      }
    }
    %scan3A_74 = arith.constant 20 : i32
    %barrier3A_75 = arith.constant 0 : index
    tpu.barrier barrier_id(%barrier3A_75)
    %lt3A_76 = arith.constant 15 : i32
    %lt3A_77 = arith.cmpi slt, %arg1, %lt3A_76 : i32
    %convert_element_type3A_78 = arith.extui %lt3A_77 : i1 to i32
    %cond3A_79 = arith.constant 0 : i32
    %cond3A_80 = arith.cmpi ne, %convert_element_type3A_78, %cond3A_79 : i32
    scf.if %cond3A_80 {
      %mul3A_86 = arith.constant 624 : i32
      %mul3A_87 = arith.muli %arg1, %mul3A_86 : i32
      "tpu.region"() ({
        %run_scoped3A = tpu.sem_alloc : memref<!tpu.dma_semaphore, #tpu.memory_space<semaphore_mem>>
        %dma_start3A_88 = arith.constant 0 : i32
        %dma_start3A_89 = tpu.memref_slice %arg5[%arg0, %mul3A_87, %dma_start3A_88] : memref<2x10000x128xf32, #tpu.memory_space<hbm>> -> memref<1x624x128xf32, #tpu.memory_space<hbm>>
        %dma_start3A_90 = tpu.memref_squeeze %dma_start3A_89 : memref<1x624x128xf32, #tpu.memory_space<hbm>> -> memref<624x128xf32, #tpu.memory_space<hbm>>
        %dma_start3A_91 = arith.constant 0 : i32
        %dma_start3A_92 = tpu.memref_slice %arg9[%mul3A_87, %dma_start3A_91] : memref<10976x128xf32, #tpu.memory_space<vmem_shared>> -> memref<624x128xf32, #tpu.memory_space<vmem_shared>>
        tpu.enqueue_dma source(%dma_start3A_92 : memref<624x128xf32, #tpu.memory_space<vmem_shared>>) target(%dma_start3A_90 : memref<624x128xf32, #tpu.memory_space<hbm>>) target_semaphore(%run_scoped3A : memref<!tpu.dma_semaphore, #tpu.memory_space<semaphore_mem>>)
        %dma_wait3A = arith.constant 0 : i32
        %dma_wait3A_93 = tpu.memref_slice %arg5[%arg0, %mul3A_87, %dma_wait3A] : memref<2x10000x128xf32, #tpu.memory_space<hbm>> -> memref<1x624x128xf32, #tpu.memory_space<hbm>>
        %dma_wait3A_94 = tpu.memref_squeeze %dma_wait3A_93 : memref<1x624x128xf32, #tpu.memory_space<hbm>> -> memref<624x128xf32, #tpu.memory_space<hbm>>
        %dma_wait3A_95 = arith.constant 0 : i32
        %dma_wait3A_96 = tpu.memref_slice %arg9[%mul3A_87, %dma_wait3A_95] : memref<10976x128xf32, #tpu.memory_space<vmem_shared>> -> memref<624x128xf32, #tpu.memory_space<vmem_shared>>
        tpu.wait_dma2 semaphore(%run_scoped3A : memref<!tpu.dma_semaphore, #tpu.memory_space<semaphore_mem>>) src(%dma_wait3A_96 : memref<624x128xf32, #tpu.memory_space<vmem_shared>>) dst(%dma_wait3A_94 : memref<624x128xf32, #tpu.memory_space<hbm>>)
        tpu.yield
      }) : () -> ()
    } else {
    }
    %eq3A_81 = arith.constant 15 : i32
    %eq3A_82 = arith.cmpi eq, %arg1, %eq3A_81 : i32
    %convert_element_type3A_83 = arith.extui %eq3A_82 : i1 to i32
    %cond3A_84 = arith.constant 0 : i32
    %cond3A_85 = arith.cmpi ne, %convert_element_type3A_83, %cond3A_84 : i32
    scf.if %cond3A_85 {
      "tpu.region"() ({
        %run_scoped3A = tpu.sem_alloc : memref<!tpu.dma_semaphore, #tpu.memory_space<semaphore_mem>>
        %dma_start3A_86 = arith.constant 9360 : i32
        %dma_start3A_87 = arith.constant 0 : i32
        %dma_start3A_88 = tpu.memref_slice %arg5[%arg0, %dma_start3A_86, %dma_start3A_87] : memref<2x10000x128xf32, #tpu.memory_space<hbm>> -> memref<1x640x128xf32, #tpu.memory_space<hbm>>
        %dma_start3A_89 = tpu.memref_squeeze %dma_start3A_88 : memref<1x640x128xf32, #tpu.memory_space<hbm>> -> memref<640x128xf32, #tpu.memory_space<hbm>>
        %dma_start3A_90 = arith.constant 9360 : i32
        %dma_start3A_91 = arith.constant 0 : i32
        %dma_start3A_92 = tpu.memref_slice %arg9[%dma_start3A_90, %dma_start3A_91] : memref<10976x128xf32, #tpu.memory_space<vmem_shared>> -> memref<640x128xf32, #tpu.memory_space<vmem_shared>>
        tpu.enqueue_dma source(%dma_start3A_92 : memref<640x128xf32, #tpu.memory_space<vmem_shared>>) target(%dma_start3A_89 : memref<640x128xf32, #tpu.memory_space<hbm>>) target_semaphore(%run_scoped3A : memref<!tpu.dma_semaphore, #tpu.memory_space<semaphore_mem>>)
        %dma_wait3A = arith.constant 9360 : i32
        %dma_wait3A_93 = arith.constant 0 : i32
        %dma_wait3A_94 = tpu.memref_slice %arg5[%arg0, %dma_wait3A, %dma_wait3A_93] : memref<2x10000x128xf32, #tpu.memory_space<hbm>> -> memref<1x640x128xf32, #tpu.memory_space<hbm>>
        %dma_wait3A_95 = tpu.memref_squeeze %dma_wait3A_94 : memref<1x640x128xf32, #tpu.memory_space<hbm>> -> memref<640x128xf32, #tpu.memory_space<hbm>>
        %dma_wait3A_96 = arith.constant 9360 : i32
        %dma_wait3A_97 = arith.constant 0 : i32
        %dma_wait3A_98 = tpu.memref_slice %arg9[%dma_wait3A_96, %dma_wait3A_97] : memref<10976x128xf32, #tpu.memory_space<vmem_shared>> -> memref<640x128xf32, #tpu.memory_space<vmem_shared>>
        tpu.wait_dma2 semaphore(%run_scoped3A : memref<!tpu.dma_semaphore, #tpu.memory_space<semaphore_mem>>) src(%dma_wait3A_98 : memref<640x128xf32, #tpu.memory_space<vmem_shared>>) dst(%dma_wait3A_95 : memref<640x128xf32, #tpu.memory_space<hbm>>)
        tpu.yield
      }) : () -> ()
    } else {
    }
    return
  }
}

module attributes {stable_mosaic.version = 14 : i64} {
  func.func @_tc1_body(%arg0: i32, %arg1: memref<1000x128xf32, #tpu.memory_space<vmem>>, %arg2: memref<128x128xf32, #tpu.memory_space<vmem>>, %arg3: memref<1000x16xf32, #tpu.memory_space<vmem>>, %arg4: memref<1000x16xf32, #tpu.memory_space<vmem>>, %arg5: memref<1000x128xf32, #tpu.memory_space<vmem>>) attributes {dimension_semantics = [#tpu.dimension_semantics<arbitrary>], iteration_bounds = array<i64: 10>, scalar_prefetch = 0 : i64, scratch_operands = 0 : i64, tpu.core_type = #tpu.core_type<tc>, window_params = [{transform_indices = @transform_0, window_bounds = array<i64: 1000, 128>}, {pipeline_mode = #tpu.pipeline_mode<synchronous>, transform_indices = @transform_1, window_bounds = array<i64: 128, 128>}, {transform_indices = @transform_2, window_bounds = array<i64: 1000, 16>}, {transform_indices = @transform_3, window_bounds = array<i64: 1000, 16>}, {transform_indices = @transform_4, window_bounds = array<i64: 1000, 128>}]} {
    %get3A = arith.constant 0 : index
    %get3A_0 = arith.constant 0 : index
    %get3A_1 = vector.load %arg1[%get3A, %get3A_0] : memref<1000x128xf32, #tpu.memory_space<vmem>>, vector<1000x128xf32>
    %get3A_2 = arith.constant 0 : index
    %get3A_3 = arith.constant 0 : index
    %get3A_4 = vector.load %arg2[%get3A_2, %get3A_3] : memref<128x128xf32, #tpu.memory_space<vmem>>, vector<128x128xf32>
    %dot_general3A = arith.constant dense<0.000000e+00> : vector<1000x128xf32>
    %dot_general3A_5 = tpu.matmul %get3A_1, %get3A_4, %dot_general3A {dimension_numbers = #tpu.dot_dimension_numbers<[1], [0], [0], [1], [0, 0, 1, 1], [], []>, precision = #tpu.contract_precision<fp32>, transpose_lhs_hint = false} : vector<1000x128xf32>, vector<128x128xf32>, vector<1000x128xf32> -> vector<1000x128xf32>
    %get3A_6 = arith.constant 0 : index
    %get3A_7 = arith.constant 0 : index
    %get3A_8 = vector.load %arg3[%get3A_6, %get3A_7] : memref<1000x16xf32, #tpu.memory_space<vmem>>, vector<1000x1xf32>
    %add3A = arith.constant 1.000000e+00 : f32
    %add3A_9 = vector.broadcast %add3A : f32 to vector<1000x1xf32>
    %add3A_10 = arith.addf %add3A_9, %get3A_8 : vector<1000x1xf32>
    %get3A_11 = arith.constant 0 : index
    %get3A_12 = arith.constant 0 : index
    %get3A_13 = vector.load %arg4[%get3A_11, %get3A_12] : memref<1000x16xf32, #tpu.memory_space<vmem>>, vector<1000x1xf32>
    %add3A_14 = arith.addf %add3A_10, %get3A_13 : vector<1000x1xf32>
    %rsqrt3A = math.rsqrt %add3A_14 : vector<1000x1xf32>
    %mul3A = vector.broadcast %rsqrt3A : vector<1000x1xf32> to vector<1000x128xf32>
    %mul3A_15 = arith.mulf %mul3A, %dot_general3A_5 : vector<1000x128xf32>
    %swap3A = arith.constant 0 : index
    %swap3A_16 = arith.constant 0 : index
    %swap3A_17 = vector.load %arg5[%swap3A, %swap3A_16] : memref<1000x128xf32, #tpu.memory_space<vmem>>, vector<1000x128xf32>
    tpu.vector_store %arg5[%swap3A, %swap3A_16], %mul3A_15 {strides = array<i32>} : memref<1000x128xf32, #tpu.memory_space<vmem>>, vector<1000x128xf32>,
    return
  }
  func.func @transform_0(%arg0: i32) -> (i32, i32) {
    %c0_i32 = arith.constant 0 : i32
    %c0_i32_0 = arith.constant 0 : i32
    return %arg0, %c0_i32 : i32, i32
  }
  func.func @transform_1(%arg0: i32) -> (i32, i32) {
    %c0_i32 = arith.constant 0 : i32
    %c0_i32_0 = arith.constant 0 : i32
    %c0_i32_1 = arith.constant 0 : i32
    return %c0_i32, %c0_i32_0 : i32, i32
  }
  func.func @transform_2(%arg0: i32) -> (i32, i32) {
    %c0_i32 = arith.constant 0 : i32
    %c0_i32_0 = arith.constant 0 : i32
    return %arg0, %c0_i32 : i32, i32
  }
  func.func @transform_3(%arg0: i32) -> (i32, i32) {
    %c0_i32 = arith.constant 0 : i32
    %c0_i32_0 = arith.constant 0 : i32
    return %arg0, %c0_i32 : i32, i32
  }
  func.func @transform_4(%arg0: i32) -> (i32, i32) {
    %c0_i32 = arith.constant 0 : i32
    %c0_i32_0 = arith.constant 0 : i32
    return %arg0, %c0_i32 : i32, i32
  }
}

module attributes {stable_mosaic.version = 14 : i64} {
  func.func @_tc2_body(%arg0: i32, %arg1: memref<1000x128xf32, #tpu.memory_space<vmem>>, %arg2: memref<1000x128xf32, #tpu.memory_space<vmem>>, %arg3: memref<1000x128xf32, #tpu.memory_space<vmem>>, %arg4: memref<1000x16xf32, #tpu.memory_space<vmem>>, %arg5: memref<1000x16xf32, #tpu.memory_space<vmem>>, %arg6: memref<128x128xf32, #tpu.memory_space<vmem>>, %arg7: memref<1x128xf32, #tpu.memory_space<vmem>>, %arg8: memref<1000x128xf32, #tpu.memory_space<vmem>>) attributes {dimension_semantics = [#tpu.dimension_semantics<arbitrary>], iteration_bounds = array<i64: 10>, scalar_prefetch = 0 : i64, scratch_operands = 0 : i64, tpu.core_type = #tpu.core_type<tc>, window_params = [{transform_indices = @transform_0, window_bounds = array<i64: 1000, 128>}, {transform_indices = @transform_1, window_bounds = array<i64: 1000, 128>}, {transform_indices = @transform_2, window_bounds = array<i64: 1000, 128>}, {transform_indices = @transform_3, window_bounds = array<i64: 1000, 16>}, {transform_indices = @transform_4, window_bounds = array<i64: 1000, 16>}, {pipeline_mode = #tpu.pipeline_mode<synchronous>, transform_indices = @transform_5, window_bounds = array<i64: 128, 128>}, {pipeline_mode = #tpu.pipeline_mode<synchronous>, transform_indices = @transform_6, window_bounds = array<i64: 1, 128>}, {transform_indices = @transform_7, window_bounds = array<i64: 1000, 128>}]} {
    %get3A = arith.constant 0 : index
    %get3A_0 = arith.constant 0 : index
    %get3A_1 = vector.load %arg4[%get3A, %get3A_0] : memref<1000x16xf32, #tpu.memory_space<vmem>>, vector<1000x1xf32>
    %add3A = arith.constant 1.000000e+00 : f32
    %add3A_2 = vector.broadcast %add3A : f32 to vector<1000x1xf32>
    %add3A_3 = arith.addf %add3A_2, %get3A_1 : vector<1000x1xf32>
    %get3A_4 = arith.constant 0 : index
    %get3A_5 = arith.constant 0 : index
    %get3A_6 = vector.load %arg5[%get3A_4, %get3A_5] : memref<1000x16xf32, #tpu.memory_space<vmem>>, vector<1000x1xf32>
    %add3A_7 = arith.addf %add3A_3, %get3A_6 : vector<1000x1xf32>
    %rsqrt3A = math.rsqrt %add3A_7 : vector<1000x1xf32>
    %get3A_8 = arith.constant 0 : index
    %get3A_9 = arith.constant 0 : index
    %get3A_10 = vector.load %arg1[%get3A_8, %get3A_9] : memref<1000x128xf32, #tpu.memory_space<vmem>>, vector<1000x128xf32>
    %get3A_11 = arith.constant 0 : index
    %get3A_12 = arith.constant 0 : index
    %get3A_13 = vector.load %arg2[%get3A_11, %get3A_12] : memref<1000x128xf32, #tpu.memory_space<vmem>>, vector<1000x128xf32>
    %add3A_14 = arith.addf %get3A_10, %get3A_13 : vector<1000x128xf32>
    %get3A_15 = arith.constant 0 : index
    %get3A_16 = arith.constant 0 : index
    %get3A_17 = vector.load %arg3[%get3A_15, %get3A_16] : memref<1000x128xf32, #tpu.memory_space<vmem>>, vector<1000x128xf32>
    %sub3A = arith.subf %add3A_14, %get3A_17 : vector<1000x128xf32>
    %mul3A = vector.broadcast %rsqrt3A : vector<1000x1xf32> to vector<1000x128xf32>
    %mul3A_18 = arith.mulf %mul3A, %sub3A : vector<1000x128xf32>
    %get3A_19 = arith.constant 0 : index
    %get3A_20 = arith.constant 0 : index
    %get3A_21 = vector.load %arg7[%get3A_19, %get3A_20] : memref<1x128xf32, #tpu.memory_space<vmem>>, vector<1x128xf32>
    %add3A_22 = vector.broadcast %get3A_21 : vector<1x128xf32> to vector<1000x128xf32>
    %add3A_23 = arith.addf %mul3A_18, %add3A_22 : vector<1000x128xf32>
    %max3A = arith.constant 0.000000e+00 : f32
    %max3A_24 = vector.broadcast %max3A : f32 to vector<1000x128xf32>
    %max3A_25 = arith.maximumf %add3A_23, %max3A_24 : vector<1000x128xf32>
    %get3A_26 = arith.constant 0 : index
    %get3A_27 = arith.constant 0 : index
    %get3A_28 = vector.load %arg6[%get3A_26, %get3A_27] : memref<128x128xf32, #tpu.memory_space<vmem>>, vector<128x128xf32>
    %dot_general3A = arith.constant dense<0.000000e+00> : vector<1000x128xf32>
    %dot_general3A_29 = tpu.matmul %max3A_25, %get3A_28, %dot_general3A {dimension_numbers = #tpu.dot_dimension_numbers<[1], [0], [0], [1], [0, 0, 1, 1], [], []>, precision = #tpu.contract_precision<fp32>, transpose_lhs_hint = false} : vector<1000x128xf32>, vector<128x128xf32>, vector<1000x128xf32> -> vector<1000x128xf32>
    %mul3A_30 = vector.broadcast %rsqrt3A : vector<1000x1xf32> to vector<1000x128xf32>
    %mul3A_31 = arith.mulf %mul3A_30, %dot_general3A_29 : vector<1000x128xf32>
    %swap3A = arith.constant 0 : index
    %swap3A_32 = arith.constant 0 : index
    %swap3A_33 = vector.load %arg8[%swap3A, %swap3A_32] : memref<1000x128xf32, #tpu.memory_space<vmem>>, vector<1000x128xf32>
    tpu.vector_store %arg8[%swap3A, %swap3A_32], %mul3A_31 {strides = array<i32>} : memref<1000x128xf32, #tpu.memory_space<vmem>>, vector<1000x128xf32>,
    return
  }
  func.func @transform_0(%arg0: i32) -> (i32, i32) {
    %c0_i32 = arith.constant 0 : i32
    %c0_i32_0 = arith.constant 0 : i32
    return %arg0, %c0_i32 : i32, i32
  }
  func.func @transform_1(%arg0: i32) -> (i32, i32) {
    %c0_i32 = arith.constant 0 : i32
    %c0_i32_0 = arith.constant 0 : i32
    return %arg0, %c0_i32 : i32, i32
  }
  func.func @transform_2(%arg0: i32) -> (i32, i32) {
    %c0_i32 = arith.constant 0 : i32
    %c0_i32_0 = arith.constant 0 : i32
    return %arg0, %c0_i32 : i32, i32
  }
  func.func @transform_3(%arg0: i32) -> (i32, i32) {
    %c0_i32 = arith.constant 0 : i32
    %c0_i32_0 = arith.constant 0 : i32
    return %arg0, %c0_i32 : i32, i32
  }
  func.func @transform_4(%arg0: i32) -> (i32, i32) {
    %c0_i32 = arith.constant 0 : i32
    %c0_i32_0 = arith.constant 0 : i32
    return %arg0, %c0_i32 : i32, i32
  }
  func.func @transform_5(%arg0: i32) -> (i32, i32) {
    %c0_i32 = arith.constant 0 : i32
    %c0_i32_0 = arith.constant 0 : i32
    %c0_i32_1 = arith.constant 0 : i32
    return %c0_i32, %c0_i32_0 : i32, i32
  }
  func.func @transform_6(%arg0: i32) -> (i32, i32) {
    %c0_i32 = arith.constant 0 : i32
    %c0_i32_0 = arith.constant 0 : i32
    %c0_i32_1 = arith.constant 0 : i32
    return %c0_i32, %c0_i32_0 : i32, i32
  }
  func.func @transform_7(%arg0: i32) -> (i32, i32) {
    %c0_i32 = arith.constant 0 : i32
    %c0_i32_0 = arith.constant 0 : i32
    return %arg0, %c0_i32 : i32, i32
  }
}

module attributes {stable_mosaic.version = 14 : i64} {
  func.func @_tc3_body(%arg0: i32, %arg1: memref<1000x128xf32, #tpu.memory_space<vmem>>, %arg2: memref<1000x128xf32, #tpu.memory_space<vmem>>, %arg3: memref<1000x128xf32, #tpu.memory_space<vmem>>, %arg4: memref<1000x16xf32, #tpu.memory_space<vmem>>, %arg5: memref<1000x16xf32, #tpu.memory_space<vmem>>, %arg6: memref<1000x1xi32, #tpu.memory_space<vmem>>, %arg7: memref<1x128xf32, #tpu.memory_space<vmem>>, %arg8: memref<256x128xf32, #tpu.memory_space<vmem>>, %arg9: memref<1x128xf32, #tpu.memory_space<vmem>>, %arg10: memref<128x64xf32, #tpu.memory_space<vmem>>, %arg11: memref<1x64xf32, #tpu.memory_space<vmem>>, %arg12: memref<64x8xf32, #tpu.memory_space<vmem>>, %arg13: memref<1x8xf32, #tpu.memory_space<vmem>>, %arg14: memref<64x8xf32, #tpu.memory_space<vmem>>, %arg15: memref<64x128xf32, #tpu.memory_space<vmem>>, %arg16: memref<64x128xf32, #tpu.memory_space<vmem>>, %arg17: memref<64x128xf32, #tpu.memory_space<vmem>>) attributes {dimension_semantics = [#tpu.dimension_semantics<arbitrary>], iteration_bounds = array<i64: 10>, scalar_prefetch = 0 : i64, scratch_operands = 3 : i64, tpu.core_type = #tpu.core_type<tc>, window_params = [{transform_indices = @transform_0, window_bounds = array<i64: 1000, 128>}, {transform_indices = @transform_1, window_bounds = array<i64: 1000, 128>}, {transform_indices = @transform_2, window_bounds = array<i64: 1000, 128>}, {transform_indices = @transform_3, window_bounds = array<i64: 1000, 16>}, {transform_indices = @transform_4, window_bounds = array<i64: 1000, 16>}, {transform_indices = @transform_5, window_bounds = array<i64: 1000, 1>}, {pipeline_mode = #tpu.pipeline_mode<synchronous>, transform_indices = @transform_6, window_bounds = array<i64: 1, 128>}, {pipeline_mode = #tpu.pipeline_mode<synchronous>, transform_indices = @transform_7, window_bounds = array<i64: 256, 128>}, {pipeline_mode = #tpu.pipeline_mode<synchronous>, transform_indices = @transform_8, window_bounds = array<i64: 1, 128>}, {pipeline_mode = #tpu.pipeline_mode<synchronous>, transform_indices = @transform_9, window_bounds = array<i64: 128, 64>}, {pipeline_mode = #tpu.pipeline_mode<synchronous>, transform_indices = @transform_10, window_bounds = array<i64: 1, 64>}, {pipeline_mode = #tpu.pipeline_mode<synchronous>, transform_indices = @transform_11, window_bounds = array<i64: 64, 8>}, {pipeline_mode = #tpu.pipeline_mode<synchronous>, transform_indices = @transform_12, window_bounds = array<i64: 1, 8>}, {pipeline_mode = #tpu.pipeline_mode<synchronous>, transform_indices = @transform_13, window_bounds = array<i64: 64, 8>}]} {
    %eq3A = arith.constant 0 : i32
    %eq3A_0 = arith.cmpi eq, %arg0, %eq3A : i32
    %convert_element_type3A = arith.extui %eq3A_0 : i1 to i32
    %cond3A = arith.constant 0 : i32
    %cond3A_1 = arith.cmpi ne, %convert_element_type3A, %cond3A : i32
    scf.if %cond3A_1 {
      %broadcast_in_dim3A_574 = arith.constant 0xFF800000 : f32
      %broadcast_in_dim3A_575 = vector.broadcast %broadcast_in_dim3A_574 : f32 to vector<64x128xf32>
      %swap3A_576 = arith.constant 0 : index
      %swap3A_577 = arith.constant 0 : index
      %swap3A_578 = vector.load %arg15[%swap3A_576, %swap3A_577] : memref<64x128xf32, #tpu.memory_space<vmem>>, vector<64x128xf32>
      tpu.vector_store %arg15[%swap3A_576, %swap3A_577], %broadcast_in_dim3A_575 {strides = array<i32>} : memref<64x128xf32, #tpu.memory_space<vmem>>, vector<64x128xf32>,
      %broadcast_in_dim3A_579 = arith.constant 0.000000e+00 : f32
      %broadcast_in_dim3A_580 = vector.broadcast %broadcast_in_dim3A_579 : f32 to vector<64x128xf32>
      %swap3A_581 = arith.constant 0 : index
      %swap3A_582 = arith.constant 0 : index
      %swap3A_583 = vector.load %arg16[%swap3A_581, %swap3A_582] : memref<64x128xf32, #tpu.memory_space<vmem>>, vector<64x128xf32>
      tpu.vector_store %arg16[%swap3A_581, %swap3A_582], %broadcast_in_dim3A_580 {strides = array<i32>} : memref<64x128xf32, #tpu.memory_space<vmem>>, vector<64x128xf32>,
      %broadcast_in_dim3A_584 = arith.constant 0.000000e+00 : f32
      %broadcast_in_dim3A_585 = vector.broadcast %broadcast_in_dim3A_584 : f32 to vector<64x128xf32>
      %swap3A_586 = arith.constant 0 : index
      %swap3A_587 = arith.constant 0 : index
      %swap3A_588 = vector.load %arg17[%swap3A_586, %swap3A_587] : memref<64x128xf32, #tpu.memory_space<vmem>>, vector<64x128xf32>
      tpu.vector_store %arg17[%swap3A_586, %swap3A_587], %broadcast_in_dim3A_585 {strides = array<i32>} : memref<64x128xf32, #tpu.memory_space<vmem>>, vector<64x128xf32>,
    } else {
    }
    %get3A = arith.constant 0 : index
    %get3A_2 = arith.constant 0 : index
    %get3A_3 = vector.load %arg4[%get3A, %get3A_2] : memref<1000x16xf32, #tpu.memory_space<vmem>>, vector<1000x1xf32>
    %add3A = arith.constant 1.000000e+00 : f32
    %add3A_4 = vector.broadcast %add3A : f32 to vector<1000x1xf32>
    %add3A_5 = arith.addf %add3A_4, %get3A_3 : vector<1000x1xf32>
    %get3A_6 = arith.constant 0 : index
    %get3A_7 = arith.constant 0 : index
    %get3A_8 = vector.load %arg5[%get3A_6, %get3A_7] : memref<1000x16xf32, #tpu.memory_space<vmem>>, vector<1000x1xf32>
    %add3A_9 = arith.addf %add3A_5, %get3A_8 : vector<1000x1xf32>
    %rsqrt3A = math.rsqrt %add3A_9 : vector<1000x1xf32>
    %get3A_10 = arith.constant 0 : index
    %get3A_11 = arith.constant 0 : index
    %get3A_12 = vector.load %arg1[%get3A_10, %get3A_11] : memref<1000x128xf32, #tpu.memory_space<vmem>>, vector<1000x128xf32>
    %get3A_13 = arith.constant 0 : index
    %get3A_14 = arith.constant 0 : index
    %get3A_15 = vector.load %arg2[%get3A_13, %get3A_14] : memref<1000x128xf32, #tpu.memory_space<vmem>>, vector<1000x128xf32>
    %add3A_16 = arith.addf %get3A_12, %get3A_15 : vector<1000x128xf32>
    %get3A_17 = arith.constant 0 : index
    %get3A_18 = arith.constant 0 : index
    %get3A_19 = vector.load %arg3[%get3A_17, %get3A_18] : memref<1000x128xf32, #tpu.memory_space<vmem>>, vector<1000x128xf32>
    %sub3A = arith.subf %add3A_16, %get3A_19 : vector<1000x128xf32>
    %mul3A = vector.broadcast %rsqrt3A : vector<1000x1xf32> to vector<1000x128xf32>
    %mul3A_20 = arith.mulf %mul3A, %sub3A : vector<1000x128xf32>
    %get3A_21 = arith.constant 0 : index
    %get3A_22 = arith.constant 0 : index
    %get3A_23 = vector.load %arg7[%get3A_21, %get3A_22] : memref<1x128xf32, #tpu.memory_space<vmem>>, vector<1x128xf32>
    %add3A_24 = vector.broadcast %get3A_23 : vector<1x128xf32> to vector<1000x128xf32>
    %add3A_25 = arith.addf %mul3A_20, %add3A_24 : vector<1000x128xf32>
    %max3A = arith.constant 0.000000e+00 : f32
    %max3A_26 = vector.broadcast %max3A : f32 to vector<1000x128xf32>
    %max3A_27 = arith.maximumf %add3A_25, %max3A_26 : vector<1000x128xf32>
    %get3A_28 = arith.constant 0 : index
    %get3A_29 = arith.constant 0 : index
    %get3A_30 = vector.load %arg6[%get3A_28, %get3A_29] : memref<1000x1xi32, #tpu.memory_space<vmem>>, vector<1000x1xi32>
    %iota3A = tpu.iota {dimensions = array<i32: 1>} : vector<1000x64xi32>
    %eq3A_31 = vector.broadcast %get3A_30 : vector<1000x1xi32> to vector<1000x64xi32>
    %eq3A_32 = arith.cmpi eq, %eq3A_31, %iota3A : vector<1000x64xi32>
    %convert_element_type3A_33 = arith.extui %eq3A_32 : vector<1000x64xi1> to vector<1000x64xi32>
    %convert_element_type3A_34 = arith.sitofp %convert_element_type3A_33 : vector<1000x64xi32> to vector<1000x64xf32>
    %get3A_35 = arith.constant 0 : index
    %get3A_36 = arith.constant 0 : index
    %get3A_37 = vector.load %arg16[%get3A_35, %get3A_36] : memref<64x128xf32, #tpu.memory_space<vmem>>, vector<64x128xf32>
    %dot_general3A = arith.constant dense<0.000000e+00> : vector<64x128xf32>
    %dot_general3A_38 = tpu.matmul %convert_element_type3A_34, %max3A_27, %dot_general3A {dimension_numbers = #tpu.dot_dimension_numbers<[0], [0], [1], [1], [0, 1, 1, 1], [], []>, precision = #tpu.contract_precision<fp32>, transpose_lhs_hint = false} : vector<1000x64xf32>, vector<1000x128xf32>, vector<64x128xf32> -> vector<64x128xf32>
    %add3A_39 = arith.addf %get3A_37, %dot_general3A_38 : vector<64x128xf32>
    %swap3A = arith.constant 0 : index
    %swap3A_40 = arith.constant 0 : index
    %swap3A_41 = vector.load %arg16[%swap3A, %swap3A_40] : memref<64x128xf32, #tpu.memory_space<vmem>>, vector<64x128xf32>
    tpu.vector_store %arg16[%swap3A, %swap3A_40], %add3A_39 {strides = array<i32>} : memref<64x128xf32, #tpu.memory_space<vmem>>, vector<64x128xf32>,
    %get3A_42 = arith.constant 0 : index
    %get3A_43 = arith.constant 0 : index
    %get3A_44 = vector.load %arg17[%get3A_42, %get3A_43] : memref<64x128xf32, #tpu.memory_space<vmem>>, vector<64x128xf32>
    %broadcast_in_dim3A = arith.constant 1.000000e+00 : f32
    %broadcast_in_dim3A_45 = vector.broadcast %broadcast_in_dim3A : f32 to vector<1000x128xf32>
    %dot_general3A_46 = arith.constant dense<0.000000e+00> : vector<64x128xf32>
    %dot_general3A_47 = tpu.matmul %convert_element_type3A_34, %broadcast_in_dim3A_45, %dot_general3A_46 {dimension_numbers = #tpu.dot_dimension_numbers<[0], [0], [1], [1], [0, 1, 1, 1], [], []>, precision = #tpu.contract_precision<fp32>, transpose_lhs_hint = false} : vector<1000x64xf32>, vector<1000x128xf32>, vector<64x128xf32> -> vector<64x128xf32>
    %add3A_48 = arith.addf %get3A_44, %dot_general3A_47 : vector<64x128xf32>
    %swap3A_49 = arith.constant 0 : index
    %swap3A_50 = arith.constant 0 : index
    %swap3A_51 = vector.load %arg17[%swap3A_49, %swap3A_50] : memref<64x128xf32, #tpu.memory_space<vmem>>, vector<64x128xf32>
    tpu.vector_store %arg17[%swap3A_49, %swap3A_50], %add3A_48 {strides = array<i32>} : memref<64x128xf32, #tpu.memory_space<vmem>>, vector<64x128xf32>,
    %reduce_min3A = vector.shape_cast %get3A_30 : vector<1000x1xi32> to vector<1x1000x1xi32>
    %reduce_min3A_52 = arith.constant dense<2147483647> : vector<1xi32>
    %reduce_min3A_53 = vector.multi_reduction <minsi>, %reduce_min3A, %reduce_min3A_52 [1, 2] : vector<1x1000x1xi32> to vector<1xi32>
    %reduce_min3A_54 = vector.shape_cast %reduce_min3A_53 : vector<1xi32> to vector<1x1x1xi32>
    %reduce_min3A_55 = vector.extract %reduce_min3A_54[0, 0, 0] : i32 from vector<1x1x1xi32>
    %reduce_max3A = vector.shape_cast %get3A_30 : vector<1000x1xi32> to vector<1x1000x1xi32>
    %reduce_max3A_56 = arith.constant dense<-2147483648> : vector<1xi32>
    %reduce_max3A_57 = vector.multi_reduction <maxsi>, %reduce_max3A, %reduce_max3A_56 [1, 2] : vector<1x1000x1xi32> to vector<1xi32>
    %reduce_max3A_58 = vector.shape_cast %reduce_max3A_57 : vector<1xi32> to vector<1x1x1xi32>
    %reduce_max3A_59 = vector.extract %reduce_max3A_58[0, 0, 0] : i32 from vector<1x1x1xi32>
    %le3A = arith.constant 0 : i32
    %le3A_60 = arith.cmpi sle, %reduce_min3A_55, %le3A : i32
    %ge3A = arith.constant 0 : i32
    %ge3A_61 = arith.cmpi sge, %reduce_max3A_59, %ge3A : i32
    %and3A = arith.andi %le3A_60, %ge3A_61 : i1
    %convert_element_type3A_62 = arith.extui %and3A : i1 to i32
    %cond3A_63 = arith.constant 0 : i32
    %cond3A_64 = arith.cmpi ne, %convert_element_type3A_62, %cond3A_63 : i32
    scf.if %cond3A_64 {
      %eq3A_574 = arith.constant 0 : i32
      %eq3A_575 = vector.broadcast %eq3A_574 : i32 to vector<1000x1xi32>
      %eq3A_576 = arith.cmpi eq, %get3A_30, %eq3A_575 : vector<1000x1xi32>
      %jit3A = arith.constant 0xFF800000 : f32
      %broadcast_in_dim3A_577 = vector.shape_cast %eq3A_576 : vector<1000x1xi1> to vector<1000x1xi1>
      %broadcast_in_dim3A_578 = vector.broadcast %broadcast_in_dim3A_577 : vector<1000x1xi1> to vector<1000x128xi1>
      %broadcast_in_dim3A_579 = vector.broadcast %jit3A : f32 to vector<1000x128xf32>
      %select_n3A = arith.select %broadcast_in_dim3A_578, %max3A_27, %broadcast_in_dim3A_579 : vector<1000x128xi1>, vector<1000x128xf32>
      %get3A_580 = arith.constant 0 : index
      %get3A_581 = arith.constant 0 : index
      %get3A_582 = vector.load %arg15[%get3A_580, %get3A_581] : memref<64x128xf32, #tpu.memory_space<vmem>>, vector<1x128xf32>
      %reduce_max3A_583 = arith.constant dense<0xFF800000> : vector<128xf32>
      %reduce_max3A_584 = vector.multi_reduction <maximumf>, %select_n3A, %reduce_max3A_583 [0] : vector<1000x128xf32> to vector<128xf32>
      %broadcast_in_dim3A_585 = vector.shape_cast %reduce_max3A_584 : vector<128xf32> to vector<1x128xf32>
      %max3A_586 = arith.maximumf %get3A_582, %broadcast_in_dim3A_585 : vector<1x128xf32>
      %swap3A_587 = arith.constant 0 : index
      %swap3A_588 = arith.constant 0 : index
      %swap3A_589 = vector.load %arg15[%swap3A_587, %swap3A_588] : memref<64x128xf32, #tpu.memory_space<vmem>>, vector<1x128xf32>
      tpu.vector_store %arg15[%swap3A_587, %swap3A_588], %max3A_586 {strides = array<i32>} : memref<64x128xf32, #tpu.memory_space<vmem>>, vector<1x128xf32>,
    } else {
    }
    %le3A_65 = arith.constant 1 : i32
    %le3A_66 = arith.cmpi sle, %reduce_min3A_55, %le3A_65 : i32
    %ge3A_67 = arith.constant 1 : i32
    %ge3A_68 = arith.cmpi sge, %reduce_max3A_59, %ge3A_67 : i32
    %and3A_69 = arith.andi %le3A_66, %ge3A_68 : i1
    %convert_element_type3A_70 = arith.extui %and3A_69 : i1 to i32
    %cond3A_71 = arith.constant 0 : i32
    %cond3A_72 = arith.cmpi ne, %convert_element_type3A_70, %cond3A_71 : i32
    scf.if %cond3A_72 {
      %eq3A_574 = arith.constant 1 : i32
      %eq3A_575 = vector.broadcast %eq3A_574 : i32 to vector<1000x1xi32>
      %eq3A_576 = arith.cmpi eq, %get3A_30, %eq3A_575 : vector<1000x1xi32>
      %jit3A = arith.constant 0xFF800000 : f32
      %broadcast_in_dim3A_577 = vector.shape_cast %eq3A_576 : vector<1000x1xi1> to vector<1000x1xi1>
      %broadcast_in_dim3A_578 = vector.broadcast %broadcast_in_dim3A_577 : vector<1000x1xi1> to vector<1000x128xi1>
      %broadcast_in_dim3A_579 = vector.broadcast %jit3A : f32 to vector<1000x128xf32>
      %select_n3A = arith.select %broadcast_in_dim3A_578, %max3A_27, %broadcast_in_dim3A_579 : vector<1000x128xi1>, vector<1000x128xf32>
      %get3A_580 = arith.constant 1 : index
      %get3A_581 = arith.constant 0 : index
      %get3A_582 = vector.load %arg15[%get3A_580, %get3A_581] : memref<64x128xf32, #tpu.memory_space<vmem>>, vector<1x128xf32>
      %reduce_max3A_583 = arith.constant dense<0xFF800000> : vector<128xf32>
      %reduce_max3A_584 = vector.multi_reduction <maximumf>, %select_n3A, %reduce_max3A_583 [0] : vector<1000x128xf32> to vector<128xf32>
      %broadcast_in_dim3A_585 = vector.shape_cast %reduce_max3A_584 : vector<128xf32> to vector<1x128xf32>
      %max3A_586 = arith.maximumf %get3A_582, %broadcast_in_dim3A_585 : vector<1x128xf32>
      %swap3A_587 = arith.constant 1 : index
      %swap3A_588 = arith.constant 0 : index
      %swap3A_589 = vector.load %arg15[%swap3A_587, %swap3A_588] : memref<64x128xf32, #tpu.memory_space<vmem>>, vector<1x128xf32>
      tpu.vector_store %arg15[%swap3A_587, %swap3A_588], %max3A_586 {strides = array<i32>} : memref<64x128xf32, #tpu.memory_space<vmem>>, vector<1x128xf32>,
    } else {
    }
    %le3A_73 = arith.constant 2 : i32
    %le3A_74 = arith.cmpi sle, %reduce_min3A_55, %le3A_73 : i32
    %ge3A_75 = arith.constant 2 : i32
    %ge3A_76 = arith.cmpi sge, %reduce_max3A_59, %ge3A_75 : i32
    %and3A_77 = arith.andi %le3A_74, %ge3A_76 : i1
    %convert_element_type3A_78 = arith.extui %and3A_77 : i1 to i32
    %cond3A_79 = arith.constant 0 : i32
    %cond3A_80 = arith.cmpi ne, %convert_element_type3A_78, %cond3A_79 : i32
    scf.if %cond3A_80 {
      %eq3A_574 = arith.constant 2 : i32
      %eq3A_575 = vector.broadcast %eq3A_574 : i32 to vector<1000x1xi32>
      %eq3A_576 = arith.cmpi eq, %get3A_30, %eq3A_575 : vector<1000x1xi32>
      %jit3A = arith.constant 0xFF800000 : f32
      %broadcast_in_dim3A_577 = vector.shape_cast %eq3A_576 : vector<1000x1xi1> to vector<1000x1xi1>
      %broadcast_in_dim3A_578 = vector.broadcast %broadcast_in_dim3A_577 : vector<1000x1xi1> to vector<1000x128xi1>
      %broadcast_in_dim3A_579 = vector.broadcast %jit3A : f32 to vector<1000x128xf32>
      %select_n3A = arith.select %broadcast_in_dim3A_578, %max3A_27, %broadcast_in_dim3A_579 : vector<1000x128xi1>, vector<1000x128xf32>
      %get3A_580 = arith.constant 2 : index
      %get3A_581 = arith.constant 0 : index
      %get3A_582 = vector.load %arg15[%get3A_580, %get3A_581] : memref<64x128xf32, #tpu.memory_space<vmem>>, vector<1x128xf32>
      %reduce_max3A_583 = arith.constant dense<0xFF800000> : vector<128xf32>
      %reduce_max3A_584 = vector.multi_reduction <maximumf>, %select_n3A, %reduce_max3A_583 [0] : vector<1000x128xf32> to vector<128xf32>
      %broadcast_in_dim3A_585 = vector.shape_cast %reduce_max3A_584 : vector<128xf32> to vector<1x128xf32>
      %max3A_586 = arith.maximumf %get3A_582, %broadcast_in_dim3A_585 : vector<1x128xf32>
      %swap3A_587 = arith.constant 2 : index
      %swap3A_588 = arith.constant 0 : index
      %swap3A_589 = vector.load %arg15[%swap3A_587, %swap3A_588] : memref<64x128xf32, #tpu.memory_space<vmem>>, vector<1x128xf32>
      tpu.vector_store %arg15[%swap3A_587, %swap3A_588], %max3A_586 {strides = array<i32>} : memref<64x128xf32, #tpu.memory_space<vmem>>, vector<1x128xf32>,
    } else {
    }
    %le3A_81 = arith.constant 3 : i32
    %le3A_82 = arith.cmpi sle, %reduce_min3A_55, %le3A_81 : i32
    %ge3A_83 = arith.constant 3 : i32
    %ge3A_84 = arith.cmpi sge, %reduce_max3A_59, %ge3A_83 : i32
    %and3A_85 = arith.andi %le3A_82, %ge3A_84 : i1
    %convert_element_type3A_86 = arith.extui %and3A_85 : i1 to i32
    %cond3A_87 = arith.constant 0 : i32
    %cond3A_88 = arith.cmpi ne, %convert_element_type3A_86, %cond3A_87 : i32
    scf.if %cond3A_88 {
      %eq3A_574 = arith.constant 3 : i32
      %eq3A_575 = vector.broadcast %eq3A_574 : i32 to vector<1000x1xi32>
      %eq3A_576 = arith.cmpi eq, %get3A_30, %eq3A_575 : vector<1000x1xi32>
      %jit3A = arith.constant 0xFF800000 : f32
      %broadcast_in_dim3A_577 = vector.shape_cast %eq3A_576 : vector<1000x1xi1> to vector<1000x1xi1>
      %broadcast_in_dim3A_578 = vector.broadcast %broadcast_in_dim3A_577 : vector<1000x1xi1> to vector<1000x128xi1>
      %broadcast_in_dim3A_579 = vector.broadcast %jit3A : f32 to vector<1000x128xf32>
      %select_n3A = arith.select %broadcast_in_dim3A_578, %max3A_27, %broadcast_in_dim3A_579 : vector<1000x128xi1>, vector<1000x128xf32>
      %get3A_580 = arith.constant 3 : index
      %get3A_581 = arith.constant 0 : index
      %get3A_582 = vector.load %arg15[%get3A_580, %get3A_581] : memref<64x128xf32, #tpu.memory_space<vmem>>, vector<1x128xf32>
      %reduce_max3A_583 = arith.constant dense<0xFF800000> : vector<128xf32>
      %reduce_max3A_584 = vector.multi_reduction <maximumf>, %select_n3A, %reduce_max3A_583 [0] : vector<1000x128xf32> to vector<128xf32>
      %broadcast_in_dim3A_585 = vector.shape_cast %reduce_max3A_584 : vector<128xf32> to vector<1x128xf32>
      %max3A_586 = arith.maximumf %get3A_582, %broadcast_in_dim3A_585 : vector<1x128xf32>
      %swap3A_587 = arith.constant 3 : index
      %swap3A_588 = arith.constant 0 : index
      %swap3A_589 = vector.load %arg15[%swap3A_587, %swap3A_588] : memref<64x128xf32, #tpu.memory_space<vmem>>, vector<1x128xf32>
      tpu.vector_store %arg15[%swap3A_587, %swap3A_588], %max3A_586 {strides = array<i32>} : memref<64x128xf32, #tpu.memory_space<vmem>>, vector<1x128xf32>,
    } else {
    }
    %le3A_89 = arith.constant 4 : i32
    %le3A_90 = arith.cmpi sle, %reduce_min3A_55, %le3A_89 : i32
    %ge3A_91 = arith.constant 4 : i32
    %ge3A_92 = arith.cmpi sge, %reduce_max3A_59, %ge3A_91 : i32
    %and3A_93 = arith.andi %le3A_90, %ge3A_92 : i1
    %convert_element_type3A_94 = arith.extui %and3A_93 : i1 to i32
    %cond3A_95 = arith.constant 0 : i32
    %cond3A_96 = arith.cmpi ne, %convert_element_type3A_94, %cond3A_95 : i32
    scf.if %cond3A_96 {
      %eq3A_574 = arith.constant 4 : i32
      %eq3A_575 = vector.broadcast %eq3A_574 : i32 to vector<1000x1xi32>
      %eq3A_576 = arith.cmpi eq, %get3A_30, %eq3A_575 : vector<1000x1xi32>
      %jit3A = arith.constant 0xFF800000 : f32
      %broadcast_in_dim3A_577 = vector.shape_cast %eq3A_576 : vector<1000x1xi1> to vector<1000x1xi1>
      %broadcast_in_dim3A_578 = vector.broadcast %broadcast_in_dim3A_577 : vector<1000x1xi1> to vector<1000x128xi1>
      %broadcast_in_dim3A_579 = vector.broadcast %jit3A : f32 to vector<1000x128xf32>
      %select_n3A = arith.select %broadcast_in_dim3A_578, %max3A_27, %broadcast_in_dim3A_579 : vector<1000x128xi1>, vector<1000x128xf32>
      %get3A_580 = arith.constant 4 : index
      %get3A_581 = arith.constant 0 : index
      %get3A_582 = vector.load %arg15[%get3A_580, %get3A_581] : memref<64x128xf32, #tpu.memory_space<vmem>>, vector<1x128xf32>
      %reduce_max3A_583 = arith.constant dense<0xFF800000> : vector<128xf32>
      %reduce_max3A_584 = vector.multi_reduction <maximumf>, %select_n3A, %reduce_max3A_583 [0] : vector<1000x128xf32> to vector<128xf32>
      %broadcast_in_dim3A_585 = vector.shape_cast %reduce_max3A_584 : vector<128xf32> to vector<1x128xf32>
      %max3A_586 = arith.maximumf %get3A_582, %broadcast_in_dim3A_585 : vector<1x128xf32>
      %swap3A_587 = arith.constant 4 : index
      %swap3A_588 = arith.constant 0 : index
      %swap3A_589 = vector.load %arg15[%swap3A_587, %swap3A_588] : memref<64x128xf32, #tpu.memory_space<vmem>>, vector<1x128xf32>
      tpu.vector_store %arg15[%swap3A_587, %swap3A_588], %max3A_586 {strides = array<i32>} : memref<64x128xf32, #tpu.memory_space<vmem>>, vector<1x128xf32>,
    } else {
    }
    %le3A_97 = arith.constant 5 : i32
    %le3A_98 = arith.cmpi sle, %reduce_min3A_55, %le3A_97 : i32
    %ge3A_99 = arith.constant 5 : i32
    %ge3A_100 = arith.cmpi sge, %reduce_max3A_59, %ge3A_99 : i32
    %and3A_101 = arith.andi %le3A_98, %ge3A_100 : i1
    %convert_element_type3A_102 = arith.extui %and3A_101 : i1 to i32
    %cond3A_103 = arith.constant 0 : i32
    %cond3A_104 = arith.cmpi ne, %convert_element_type3A_102, %cond3A_103 : i32
    scf.if %cond3A_104 {
      %eq3A_574 = arith.constant 5 : i32
      %eq3A_575 = vector.broadcast %eq3A_574 : i32 to vector<1000x1xi32>
      %eq3A_576 = arith.cmpi eq, %get3A_30, %eq3A_575 : vector<1000x1xi32>
      %jit3A = arith.constant 0xFF800000 : f32
      %broadcast_in_dim3A_577 = vector.shape_cast %eq3A_576 : vector<1000x1xi1> to vector<1000x1xi1>
      %broadcast_in_dim3A_578 = vector.broadcast %broadcast_in_dim3A_577 : vector<1000x1xi1> to vector<1000x128xi1>
      %broadcast_in_dim3A_579 = vector.broadcast %jit3A : f32 to vector<1000x128xf32>
      %select_n3A = arith.select %broadcast_in_dim3A_578, %max3A_27, %broadcast_in_dim3A_579 : vector<1000x128xi1>, vector<1000x128xf32>
      %get3A_580 = arith.constant 5 : index
      %get3A_581 = arith.constant 0 : index
      %get3A_582 = vector.load %arg15[%get3A_580, %get3A_581] : memref<64x128xf32, #tpu.memory_space<vmem>>, vector<1x128xf32>
      %reduce_max3A_583 = arith.constant dense<0xFF800000> : vector<128xf32>
      %reduce_max3A_584 = vector.multi_reduction <maximumf>, %select_n3A, %reduce_max3A_583 [0] : vector<1000x128xf32> to vector<128xf32>
      %broadcast_in_dim3A_585 = vector.shape_cast %reduce_max3A_584 : vector<128xf32> to vector<1x128xf32>
      %max3A_586 = arith.maximumf %get3A_582, %broadcast_in_dim3A_585 : vector<1x128xf32>
      %swap3A_587 = arith.constant 5 : index
      %swap3A_588 = arith.constant 0 : index
      %swap3A_589 = vector.load %arg15[%swap3A_587, %swap3A_588] : memref<64x128xf32, #tpu.memory_space<vmem>>, vector<1x128xf32>
      tpu.vector_store %arg15[%swap3A_587, %swap3A_588], %max3A_586 {strides = array<i32>} : memref<64x128xf32, #tpu.memory_space<vmem>>, vector<1x128xf32>,
    } else {
    }
    %le3A_105 = arith.constant 6 : i32
    %le3A_106 = arith.cmpi sle, %reduce_min3A_55, %le3A_105 : i32
    %ge3A_107 = arith.constant 6 : i32
    %ge3A_108 = arith.cmpi sge, %reduce_max3A_59, %ge3A_107 : i32
    %and3A_109 = arith.andi %le3A_106, %ge3A_108 : i1
    %convert_element_type3A_110 = arith.extui %and3A_109 : i1 to i32
    %cond3A_111 = arith.constant 0 : i32
    %cond3A_112 = arith.cmpi ne, %convert_element_type3A_110, %cond3A_111 : i32
    scf.if %cond3A_112 {
      %eq3A_574 = arith.constant 6 : i32
      %eq3A_575 = vector.broadcast %eq3A_574 : i32 to vector<1000x1xi32>
      %eq3A_576 = arith.cmpi eq, %get3A_30, %eq3A_575 : vector<1000x1xi32>
      %jit3A = arith.constant 0xFF800000 : f32
      %broadcast_in_dim3A_577 = vector.shape_cast %eq3A_576 : vector<1000x1xi1> to vector<1000x1xi1>
      %broadcast_in_dim3A_578 = vector.broadcast %broadcast_in_dim3A_577 : vector<1000x1xi1> to vector<1000x128xi1>
      %broadcast_in_dim3A_579 = vector.broadcast %jit3A : f32 to vector<1000x128xf32>
      %select_n3A = arith.select %broadcast_in_dim3A_578, %max3A_27, %broadcast_in_dim3A_579 : vector<1000x128xi1>, vector<1000x128xf32>
      %get3A_580 = arith.constant 6 : index
      %get3A_581 = arith.constant 0 : index
      %get3A_582 = vector.load %arg15[%get3A_580, %get3A_581] : memref<64x128xf32, #tpu.memory_space<vmem>>, vector<1x128xf32>
      %reduce_max3A_583 = arith.constant dense<0xFF800000> : vector<128xf32>
      %reduce_max3A_584 = vector.multi_reduction <maximumf>, %select_n3A, %reduce_max3A_583 [0] : vector<1000x128xf32> to vector<128xf32>
      %broadcast_in_dim3A_585 = vector.shape_cast %reduce_max3A_584 : vector<128xf32> to vector<1x128xf32>
      %max3A_586 = arith.maximumf %get3A_582, %broadcast_in_dim3A_585 : vector<1x128xf32>
      %swap3A_587 = arith.constant 6 : index
      %swap3A_588 = arith.constant 0 : index
      %swap3A_589 = vector.load %arg15[%swap3A_587, %swap3A_588] : memref<64x128xf32, #tpu.memory_space<vmem>>, vector<1x128xf32>
      tpu.vector_store %arg15[%swap3A_587, %swap3A_588], %max3A_586 {strides = array<i32>} : memref<64x128xf32, #tpu.memory_space<vmem>>, vector<1x128xf32>,
    } else {
    }
    %le3A_113 = arith.constant 7 : i32
    %le3A_114 = arith.cmpi sle, %reduce_min3A_55, %le3A_113 : i32
    %ge3A_115 = arith.constant 7 : i32
    %ge3A_116 = arith.cmpi sge, %reduce_max3A_59, %ge3A_115 : i32
    %and3A_117 = arith.andi %le3A_114, %ge3A_116 : i1
    %convert_element_type3A_118 = arith.extui %and3A_117 : i1 to i32
    %cond3A_119 = arith.constant 0 : i32
    %cond3A_120 = arith.cmpi ne, %convert_element_type3A_118, %cond3A_119 : i32
    scf.if %cond3A_120 {
      %eq3A_574 = arith.constant 7 : i32
      %eq3A_575 = vector.broadcast %eq3A_574 : i32 to vector<1000x1xi32>
      %eq3A_576 = arith.cmpi eq, %get3A_30, %eq3A_575 : vector<1000x1xi32>
      %jit3A = arith.constant 0xFF800000 : f32
      %broadcast_in_dim3A_577 = vector.shape_cast %eq3A_576 : vector<1000x1xi1> to vector<1000x1xi1>
      %broadcast_in_dim3A_578 = vector.broadcast %broadcast_in_dim3A_577 : vector<1000x1xi1> to vector<1000x128xi1>
      %broadcast_in_dim3A_579 = vector.broadcast %jit3A : f32 to vector<1000x128xf32>
      %select_n3A = arith.select %broadcast_in_dim3A_578, %max3A_27, %broadcast_in_dim3A_579 : vector<1000x128xi1>, vector<1000x128xf32>
      %get3A_580 = arith.constant 7 : index
      %get3A_581 = arith.constant 0 : index
      %get3A_582 = vector.load %arg15[%get3A_580, %get3A_581] : memref<64x128xf32, #tpu.memory_space<vmem>>, vector<1x128xf32>
      %reduce_max3A_583 = arith.constant dense<0xFF800000> : vector<128xf32>
      %reduce_max3A_584 = vector.multi_reduction <maximumf>, %select_n3A, %reduce_max3A_583 [0] : vector<1000x128xf32> to vector<128xf32>
      %broadcast_in_dim3A_585 = vector.shape_cast %reduce_max3A_584 : vector<128xf32> to vector<1x128xf32>
      %max3A_586 = arith.maximumf %get3A_582, %broadcast_in_dim3A_585 : vector<1x128xf32>
      %swap3A_587 = arith.constant 7 : index
      %swap3A_588 = arith.constant 0 : index
      %swap3A_589 = vector.load %arg15[%swap3A_587, %swap3A_588] : memref<64x128xf32, #tpu.memory_space<vmem>>, vector<1x128xf32>
      tpu.vector_store %arg15[%swap3A_587, %swap3A_588], %max3A_586 {strides = array<i32>} : memref<64x128xf32, #tpu.memory_space<vmem>>, vector<1x128xf32>,
    } else {
    }
    %le3A_121 = arith.constant 8 : i32
    %le3A_122 = arith.cmpi sle, %reduce_min3A_55, %le3A_121 : i32
    %ge3A_123 = arith.constant 8 : i32
    %ge3A_124 = arith.cmpi sge, %reduce_max3A_59, %ge3A_123 : i32
    %and3A_125 = arith.andi %le3A_122, %ge3A_124 : i1
    %convert_element_type3A_126 = arith.extui %and3A_125 : i1 to i32
    %cond3A_127 = arith.constant 0 : i32
    %cond3A_128 = arith.cmpi ne, %convert_element_type3A_126, %cond3A_127 : i32
    scf.if %cond3A_128 {
      %eq3A_574 = arith.constant 8 : i32
      %eq3A_575 = vector.broadcast %eq3A_574 : i32 to vector<1000x1xi32>
      %eq3A_576 = arith.cmpi eq, %get3A_30, %eq3A_575 : vector<1000x1xi32>
      %jit3A = arith.constant 0xFF800000 : f32
      %broadcast_in_dim3A_577 = vector.shape_cast %eq3A_576 : vector<1000x1xi1> to vector<1000x1xi1>
      %broadcast_in_dim3A_578 = vector.broadcast %broadcast_in_dim3A_577 : vector<1000x1xi1> to vector<1000x128xi1>
      %broadcast_in_dim3A_579 = vector.broadcast %jit3A : f32 to vector<1000x128xf32>
      %select_n3A = arith.select %broadcast_in_dim3A_578, %max3A_27, %broadcast_in_dim3A_579 : vector<1000x128xi1>, vector<1000x128xf32>
      %get3A_580 = arith.constant 8 : index
      %get3A_581 = arith.constant 0 : index
      %get3A_582 = vector.load %arg15[%get3A_580, %get3A_581] : memref<64x128xf32, #tpu.memory_space<vmem>>, vector<1x128xf32>
      %reduce_max3A_583 = arith.constant dense<0xFF800000> : vector<128xf32>
      %reduce_max3A_584 = vector.multi_reduction <maximumf>, %select_n3A, %reduce_max3A_583 [0] : vector<1000x128xf32> to vector<128xf32>
      %broadcast_in_dim3A_585 = vector.shape_cast %reduce_max3A_584 : vector<128xf32> to vector<1x128xf32>
      %max3A_586 = arith.maximumf %get3A_582, %broadcast_in_dim3A_585 : vector<1x128xf32>
      %swap3A_587 = arith.constant 8 : index
      %swap3A_588 = arith.constant 0 : index
      %swap3A_589 = vector.load %arg15[%swap3A_587, %swap3A_588] : memref<64x128xf32, #tpu.memory_space<vmem>>, vector<1x128xf32>
      tpu.vector_store %arg15[%swap3A_587, %swap3A_588], %max3A_586 {strides = array<i32>} : memref<64x128xf32, #tpu.memory_space<vmem>>, vector<1x128xf32>,
    } else {
    }
    %le3A_129 = arith.constant 9 : i32
    %le3A_130 = arith.cmpi sle, %reduce_min3A_55, %le3A_129 : i32
    %ge3A_131 = arith.constant 9 : i32
    %ge3A_132 = arith.cmpi sge, %reduce_max3A_59, %ge3A_131 : i32
    %and3A_133 = arith.andi %le3A_130, %ge3A_132 : i1
    %convert_element_type3A_134 = arith.extui %and3A_133 : i1 to i32
    %cond3A_135 = arith.constant 0 : i32
    %cond3A_136 = arith.cmpi ne, %convert_element_type3A_134, %cond3A_135 : i32
    scf.if %cond3A_136 {
      %eq3A_574 = arith.constant 9 : i32
      %eq3A_575 = vector.broadcast %eq3A_574 : i32 to vector<1000x1xi32>
      %eq3A_576 = arith.cmpi eq, %get3A_30, %eq3A_575 : vector<1000x1xi32>
      %jit3A = arith.constant 0xFF800000 : f32
      %broadcast_in_dim3A_577 = vector.shape_cast %eq3A_576 : vector<1000x1xi1> to vector<1000x1xi1>
      %broadcast_in_dim3A_578 = vector.broadcast %broadcast_in_dim3A_577 : vector<1000x1xi1> to vector<1000x128xi1>
      %broadcast_in_dim3A_579 = vector.broadcast %jit3A : f32 to vector<1000x128xf32>
      %select_n3A = arith.select %broadcast_in_dim3A_578, %max3A_27, %broadcast_in_dim3A_579 : vector<1000x128xi1>, vector<1000x128xf32>
      %get3A_580 = arith.constant 9 : index
      %get3A_581 = arith.constant 0 : index
      %get3A_582 = vector.load %arg15[%get3A_580, %get3A_581] : memref<64x128xf32, #tpu.memory_space<vmem>>, vector<1x128xf32>
      %reduce_max3A_583 = arith.constant dense<0xFF800000> : vector<128xf32>
      %reduce_max3A_584 = vector.multi_reduction <maximumf>, %select_n3A, %reduce_max3A_583 [0] : vector<1000x128xf32> to vector<128xf32>
      %broadcast_in_dim3A_585 = vector.shape_cast %reduce_max3A_584 : vector<128xf32> to vector<1x128xf32>
      %max3A_586 = arith.maximumf %get3A_582, %broadcast_in_dim3A_585 : vector<1x128xf32>
      %swap3A_587 = arith.constant 9 : index
      %swap3A_588 = arith.constant 0 : index
      %swap3A_589 = vector.load %arg15[%swap3A_587, %swap3A_588] : memref<64x128xf32, #tpu.memory_space<vmem>>, vector<1x128xf32>
      tpu.vector_store %arg15[%swap3A_587, %swap3A_588], %max3A_586 {strides = array<i32>} : memref<64x128xf32, #tpu.memory_space<vmem>>, vector<1x128xf32>,
    } else {
    }
    %le3A_137 = arith.constant 10 : i32
    %le3A_138 = arith.cmpi sle, %reduce_min3A_55, %le3A_137 : i32
    %ge3A_139 = arith.constant 10 : i32
    %ge3A_140 = arith.cmpi sge, %reduce_max3A_59, %ge3A_139 : i32
    %and3A_141 = arith.andi %le3A_138, %ge3A_140 : i1
    %convert_element_type3A_142 = arith.extui %and3A_141 : i1 to i32
    %cond3A_143 = arith.constant 0 : i32
    %cond3A_144 = arith.cmpi ne, %convert_element_type3A_142, %cond3A_143 : i32
    scf.if %cond3A_144 {
      %eq3A_574 = arith.constant 10 : i32
      %eq3A_575 = vector.broadcast %eq3A_574 : i32 to vector<1000x1xi32>
      %eq3A_576 = arith.cmpi eq, %get3A_30, %eq3A_575 : vector<1000x1xi32>
      %jit3A = arith.constant 0xFF800000 : f32
      %broadcast_in_dim3A_577 = vector.shape_cast %eq3A_576 : vector<1000x1xi1> to vector<1000x1xi1>
      %broadcast_in_dim3A_578 = vector.broadcast %broadcast_in_dim3A_577 : vector<1000x1xi1> to vector<1000x128xi1>
      %broadcast_in_dim3A_579 = vector.broadcast %jit3A : f32 to vector<1000x128xf32>
      %select_n3A = arith.select %broadcast_in_dim3A_578, %max3A_27, %broadcast_in_dim3A_579 : vector<1000x128xi1>, vector<1000x128xf32>
      %get3A_580 = arith.constant 10 : index
      %get3A_581 = arith.constant 0 : index
      %get3A_582 = vector.load %arg15[%get3A_580, %get3A_581] : memref<64x128xf32, #tpu.memory_space<vmem>>, vector<1x128xf32>
      %reduce_max3A_583 = arith.constant dense<0xFF800000> : vector<128xf32>
      %reduce_max3A_584 = vector.multi_reduction <maximumf>, %select_n3A, %reduce_max3A_583 [0] : vector<1000x128xf32> to vector<128xf32>
      %broadcast_in_dim3A_585 = vector.shape_cast %reduce_max3A_584 : vector<128xf32> to vector<1x128xf32>
      %max3A_586 = arith.maximumf %get3A_582, %broadcast_in_dim3A_585 : vector<1x128xf32>
      %swap3A_587 = arith.constant 10 : index
      %swap3A_588 = arith.constant 0 : index
      %swap3A_589 = vector.load %arg15[%swap3A_587, %swap3A_588] : memref<64x128xf32, #tpu.memory_space<vmem>>, vector<1x128xf32>
      tpu.vector_store %arg15[%swap3A_587, %swap3A_588], %max3A_586 {strides = array<i32>} : memref<64x128xf32, #tpu.memory_space<vmem>>, vector<1x128xf32>,
    } else {
    }
    %le3A_145 = arith.constant 11 : i32
    %le3A_146 = arith.cmpi sle, %reduce_min3A_55, %le3A_145 : i32
    %ge3A_147 = arith.constant 11 : i32
    %ge3A_148 = arith.cmpi sge, %reduce_max3A_59, %ge3A_147 : i32
    %and3A_149 = arith.andi %le3A_146, %ge3A_148 : i1
    %convert_element_type3A_150 = arith.extui %and3A_149 : i1 to i32
    %cond3A_151 = arith.constant 0 : i32
    %cond3A_152 = arith.cmpi ne, %convert_element_type3A_150, %cond3A_151 : i32
    scf.if %cond3A_152 {
      %eq3A_574 = arith.constant 11 : i32
      %eq3A_575 = vector.broadcast %eq3A_574 : i32 to vector<1000x1xi32>
      %eq3A_576 = arith.cmpi eq, %get3A_30, %eq3A_575 : vector<1000x1xi32>
      %jit3A = arith.constant 0xFF800000 : f32
      %broadcast_in_dim3A_577 = vector.shape_cast %eq3A_576 : vector<1000x1xi1> to vector<1000x1xi1>
      %broadcast_in_dim3A_578 = vector.broadcast %broadcast_in_dim3A_577 : vector<1000x1xi1> to vector<1000x128xi1>
      %broadcast_in_dim3A_579 = vector.broadcast %jit3A : f32 to vector<1000x128xf32>
      %select_n3A = arith.select %broadcast_in_dim3A_578, %max3A_27, %broadcast_in_dim3A_579 : vector<1000x128xi1>, vector<1000x128xf32>
      %get3A_580 = arith.constant 11 : index
      %get3A_581 = arith.constant 0 : index
      %get3A_582 = vector.load %arg15[%get3A_580, %get3A_581] : memref<64x128xf32, #tpu.memory_space<vmem>>, vector<1x128xf32>
      %reduce_max3A_583 = arith.constant dense<0xFF800000> : vector<128xf32>
      %reduce_max3A_584 = vector.multi_reduction <maximumf>, %select_n3A, %reduce_max3A_583 [0] : vector<1000x128xf32> to vector<128xf32>
      %broadcast_in_dim3A_585 = vector.shape_cast %reduce_max3A_584 : vector<128xf32> to vector<1x128xf32>
      %max3A_586 = arith.maximumf %get3A_582, %broadcast_in_dim3A_585 : vector<1x128xf32>
      %swap3A_587 = arith.constant 11 : index
      %swap3A_588 = arith.constant 0 : index
      %swap3A_589 = vector.load %arg15[%swap3A_587, %swap3A_588] : memref<64x128xf32, #tpu.memory_space<vmem>>, vector<1x128xf32>
      tpu.vector_store %arg15[%swap3A_587, %swap3A_588], %max3A_586 {strides = array<i32>} : memref<64x128xf32, #tpu.memory_space<vmem>>, vector<1x128xf32>,
    } else {
    }
    %le3A_153 = arith.constant 12 : i32
    %le3A_154 = arith.cmpi sle, %reduce_min3A_55, %le3A_153 : i32
    %ge3A_155 = arith.constant 12 : i32
    %ge3A_156 = arith.cmpi sge, %reduce_max3A_59, %ge3A_155 : i32
    %and3A_157 = arith.andi %le3A_154, %ge3A_156 : i1
    %convert_element_type3A_158 = arith.extui %and3A_157 : i1 to i32
    %cond3A_159 = arith.constant 0 : i32
    %cond3A_160 = arith.cmpi ne, %convert_element_type3A_158, %cond3A_159 : i32
    scf.if %cond3A_160 {
      %eq3A_574 = arith.constant 12 : i32
      %eq3A_575 = vector.broadcast %eq3A_574 : i32 to vector<1000x1xi32>
      %eq3A_576 = arith.cmpi eq, %get3A_30, %eq3A_575 : vector<1000x1xi32>
      %jit3A = arith.constant 0xFF800000 : f32
      %broadcast_in_dim3A_577 = vector.shape_cast %eq3A_576 : vector<1000x1xi1> to vector<1000x1xi1>
      %broadcast_in_dim3A_578 = vector.broadcast %broadcast_in_dim3A_577 : vector<1000x1xi1> to vector<1000x128xi1>
      %broadcast_in_dim3A_579 = vector.broadcast %jit3A : f32 to vector<1000x128xf32>
      %select_n3A = arith.select %broadcast_in_dim3A_578, %max3A_27, %broadcast_in_dim3A_579 : vector<1000x128xi1>, vector<1000x128xf32>
      %get3A_580 = arith.constant 12 : index
      %get3A_581 = arith.constant 0 : index
      %get3A_582 = vector.load %arg15[%get3A_580, %get3A_581] : memref<64x128xf32, #tpu.memory_space<vmem>>, vector<1x128xf32>
      %reduce_max3A_583 = arith.constant dense<0xFF800000> : vector<128xf32>
      %reduce_max3A_584 = vector.multi_reduction <maximumf>, %select_n3A, %reduce_max3A_583 [0] : vector<1000x128xf32> to vector<128xf32>
      %broadcast_in_dim3A_585 = vector.shape_cast %reduce_max3A_584 : vector<128xf32> to vector<1x128xf32>
      %max3A_586 = arith.maximumf %get3A_582, %broadcast_in_dim3A_585 : vector<1x128xf32>
      %swap3A_587 = arith.constant 12 : index
      %swap3A_588 = arith.constant 0 : index
      %swap3A_589 = vector.load %arg15[%swap3A_587, %swap3A_588] : memref<64x128xf32, #tpu.memory_space<vmem>>, vector<1x128xf32>
      tpu.vector_store %arg15[%swap3A_587, %swap3A_588], %max3A_586 {strides = array<i32>} : memref<64x128xf32, #tpu.memory_space<vmem>>, vector<1x128xf32>,
    } else {
    }
    %le3A_161 = arith.constant 13 : i32
    %le3A_162 = arith.cmpi sle, %reduce_min3A_55, %le3A_161 : i32
    %ge3A_163 = arith.constant 13 : i32
    %ge3A_164 = arith.cmpi sge, %reduce_max3A_59, %ge3A_163 : i32
    %and3A_165 = arith.andi %le3A_162, %ge3A_164 : i1
    %convert_element_type3A_166 = arith.extui %and3A_165 : i1 to i32
    %cond3A_167 = arith.constant 0 : i32
    %cond3A_168 = arith.cmpi ne, %convert_element_type3A_166, %cond3A_167 : i32
    scf.if %cond3A_168 {
      %eq3A_574 = arith.constant 13 : i32
      %eq3A_575 = vector.broadcast %eq3A_574 : i32 to vector<1000x1xi32>
      %eq3A_576 = arith.cmpi eq, %get3A_30, %eq3A_575 : vector<1000x1xi32>
      %jit3A = arith.constant 0xFF800000 : f32
      %broadcast_in_dim3A_577 = vector.shape_cast %eq3A_576 : vector<1000x1xi1> to vector<1000x1xi1>
      %broadcast_in_dim3A_578 = vector.broadcast %broadcast_in_dim3A_577 : vector<1000x1xi1> to vector<1000x128xi1>
      %broadcast_in_dim3A_579 = vector.broadcast %jit3A : f32 to vector<1000x128xf32>
      %select_n3A = arith.select %broadcast_in_dim3A_578, %max3A_27, %broadcast_in_dim3A_579 : vector<1000x128xi1>, vector<1000x128xf32>
      %get3A_580 = arith.constant 13 : index
      %get3A_581 = arith.constant 0 : index
      %get3A_582 = vector.load %arg15[%get3A_580, %get3A_581] : memref<64x128xf32, #tpu.memory_space<vmem>>, vector<1x128xf32>
      %reduce_max3A_583 = arith.constant dense<0xFF800000> : vector<128xf32>
      %reduce_max3A_584 = vector.multi_reduction <maximumf>, %select_n3A, %reduce_max3A_583 [0] : vector<1000x128xf32> to vector<128xf32>
      %broadcast_in_dim3A_585 = vector.shape_cast %reduce_max3A_584 : vector<128xf32> to vector<1x128xf32>
      %max3A_586 = arith.maximumf %get3A_582, %broadcast_in_dim3A_585 : vector<1x128xf32>
      %swap3A_587 = arith.constant 13 : index
      %swap3A_588 = arith.constant 0 : index
      %swap3A_589 = vector.load %arg15[%swap3A_587, %swap3A_588] : memref<64x128xf32, #tpu.memory_space<vmem>>, vector<1x128xf32>
      tpu.vector_store %arg15[%swap3A_587, %swap3A_588], %max3A_586 {strides = array<i32>} : memref<64x128xf32, #tpu.memory_space<vmem>>, vector<1x128xf32>,
    } else {
    }
    %le3A_169 = arith.constant 14 : i32
    %le3A_170 = arith.cmpi sle, %reduce_min3A_55, %le3A_169 : i32
    %ge3A_171 = arith.constant 14 : i32
    %ge3A_172 = arith.cmpi sge, %reduce_max3A_59, %ge3A_171 : i32
    %and3A_173 = arith.andi %le3A_170, %ge3A_172 : i1
    %convert_element_type3A_174 = arith.extui %and3A_173 : i1 to i32
    %cond3A_175 = arith.constant 0 : i32
    %cond3A_176 = arith.cmpi ne, %convert_element_type3A_174, %cond3A_175 : i32
    scf.if %cond3A_176 {
      %eq3A_574 = arith.constant 14 : i32
      %eq3A_575 = vector.broadcast %eq3A_574 : i32 to vector<1000x1xi32>
      %eq3A_576 = arith.cmpi eq, %get3A_30, %eq3A_575 : vector<1000x1xi32>
      %jit3A = arith.constant 0xFF800000 : f32
      %broadcast_in_dim3A_577 = vector.shape_cast %eq3A_576 : vector<1000x1xi1> to vector<1000x1xi1>
      %broadcast_in_dim3A_578 = vector.broadcast %broadcast_in_dim3A_577 : vector<1000x1xi1> to vector<1000x128xi1>
      %broadcast_in_dim3A_579 = vector.broadcast %jit3A : f32 to vector<1000x128xf32>
      %select_n3A = arith.select %broadcast_in_dim3A_578, %max3A_27, %broadcast_in_dim3A_579 : vector<1000x128xi1>, vector<1000x128xf32>
      %get3A_580 = arith.constant 14 : index
      %get3A_581 = arith.constant 0 : index
      %get3A_582 = vector.load %arg15[%get3A_580, %get3A_581] : memref<64x128xf32, #tpu.memory_space<vmem>>, vector<1x128xf32>
      %reduce_max3A_583 = arith.constant dense<0xFF800000> : vector<128xf32>
      %reduce_max3A_584 = vector.multi_reduction <maximumf>, %select_n3A, %reduce_max3A_583 [0] : vector<1000x128xf32> to vector<128xf32>
      %broadcast_in_dim3A_585 = vector.shape_cast %reduce_max3A_584 : vector<128xf32> to vector<1x128xf32>
      %max3A_586 = arith.maximumf %get3A_582, %broadcast_in_dim3A_585 : vector<1x128xf32>
      %swap3A_587 = arith.constant 14 : index
      %swap3A_588 = arith.constant 0 : index
      %swap3A_589 = vector.load %arg15[%swap3A_587, %swap3A_588] : memref<64x128xf32, #tpu.memory_space<vmem>>, vector<1x128xf32>
      tpu.vector_store %arg15[%swap3A_587, %swap3A_588], %max3A_586 {strides = array<i32>} : memref<64x128xf32, #tpu.memory_space<vmem>>, vector<1x128xf32>,
    } else {
    }
    %le3A_177 = arith.constant 15 : i32
    %le3A_178 = arith.cmpi sle, %reduce_min3A_55, %le3A_177 : i32
    %ge3A_179 = arith.constant 15 : i32
    %ge3A_180 = arith.cmpi sge, %reduce_max3A_59, %ge3A_179 : i32
    %and3A_181 = arith.andi %le3A_178, %ge3A_180 : i1
    %convert_element_type3A_182 = arith.extui %and3A_181 : i1 to i32
    %cond3A_183 = arith.constant 0 : i32
    %cond3A_184 = arith.cmpi ne, %convert_element_type3A_182, %cond3A_183 : i32
    scf.if %cond3A_184 {
      %eq3A_574 = arith.constant 15 : i32
      %eq3A_575 = vector.broadcast %eq3A_574 : i32 to vector<1000x1xi32>
      %eq3A_576 = arith.cmpi eq, %get3A_30, %eq3A_575 : vector<1000x1xi32>
      %jit3A = arith.constant 0xFF800000 : f32
      %broadcast_in_dim3A_577 = vector.shape_cast %eq3A_576 : vector<1000x1xi1> to vector<1000x1xi1>
      %broadcast_in_dim3A_578 = vector.broadcast %broadcast_in_dim3A_577 : vector<1000x1xi1> to vector<1000x128xi1>
      %broadcast_in_dim3A_579 = vector.broadcast %jit3A : f32 to vector<1000x128xf32>
      %select_n3A = arith.select %broadcast_in_dim3A_578, %max3A_27, %broadcast_in_dim3A_579 : vector<1000x128xi1>, vector<1000x128xf32>
      %get3A_580 = arith.constant 15 : index
      %get3A_581 = arith.constant 0 : index
      %get3A_582 = vector.load %arg15[%get3A_580, %get3A_581] : memref<64x128xf32, #tpu.memory_space<vmem>>, vector<1x128xf32>
      %reduce_max3A_583 = arith.constant dense<0xFF800000> : vector<128xf32>
      %reduce_max3A_584 = vector.multi_reduction <maximumf>, %select_n3A, %reduce_max3A_583 [0] : vector<1000x128xf32> to vector<128xf32>
      %broadcast_in_dim3A_585 = vector.shape_cast %reduce_max3A_584 : vector<128xf32> to vector<1x128xf32>
      %max3A_586 = arith.maximumf %get3A_582, %broadcast_in_dim3A_585 : vector<1x128xf32>
      %swap3A_587 = arith.constant 15 : index
      %swap3A_588 = arith.constant 0 : index
      %swap3A_589 = vector.load %arg15[%swap3A_587, %swap3A_588] : memref<64x128xf32, #tpu.memory_space<vmem>>, vector<1x128xf32>
      tpu.vector_store %arg15[%swap3A_587, %swap3A_588], %max3A_586 {strides = array<i32>} : memref<64x128xf32, #tpu.memory_space<vmem>>, vector<1x128xf32>,
    } else {
    }
    %le3A_185 = arith.constant 16 : i32
    %le3A_186 = arith.cmpi sle, %reduce_min3A_55, %le3A_185 : i32
    %ge3A_187 = arith.constant 16 : i32
    %ge3A_188 = arith.cmpi sge, %reduce_max3A_59, %ge3A_187 : i32
    %and3A_189 = arith.andi %le3A_186, %ge3A_188 : i1
    %convert_element_type3A_190 = arith.extui %and3A_189 : i1 to i32
    %cond3A_191 = arith.constant 0 : i32
    %cond3A_192 = arith.cmpi ne, %convert_element_type3A_190, %cond3A_191 : i32
    scf.if %cond3A_192 {
      %eq3A_574 = arith.constant 16 : i32
      %eq3A_575 = vector.broadcast %eq3A_574 : i32 to vector<1000x1xi32>
      %eq3A_576 = arith.cmpi eq, %get3A_30, %eq3A_575 : vector<1000x1xi32>
      %jit3A = arith.constant 0xFF800000 : f32
      %broadcast_in_dim3A_577 = vector.shape_cast %eq3A_576 : vector<1000x1xi1> to vector<1000x1xi1>
      %broadcast_in_dim3A_578 = vector.broadcast %broadcast_in_dim3A_577 : vector<1000x1xi1> to vector<1000x128xi1>
      %broadcast_in_dim3A_579 = vector.broadcast %jit3A : f32 to vector<1000x128xf32>
      %select_n3A = arith.select %broadcast_in_dim3A_578, %max3A_27, %broadcast_in_dim3A_579 : vector<1000x128xi1>, vector<1000x128xf32>
      %get3A_580 = arith.constant 16 : index
      %get3A_581 = arith.constant 0 : index
      %get3A_582 = vector.load %arg15[%get3A_580, %get3A_581] : memref<64x128xf32, #tpu.memory_space<vmem>>, vector<1x128xf32>
      %reduce_max3A_583 = arith.constant dense<0xFF800000> : vector<128xf32>
      %reduce_max3A_584 = vector.multi_reduction <maximumf>, %select_n3A, %reduce_max3A_583 [0] : vector<1000x128xf32> to vector<128xf32>
      %broadcast_in_dim3A_585 = vector.shape_cast %reduce_max3A_584 : vector<128xf32> to vector<1x128xf32>
      %max3A_586 = arith.maximumf %get3A_582, %broadcast_in_dim3A_585 : vector<1x128xf32>
      %swap3A_587 = arith.constant 16 : index
      %swap3A_588 = arith.constant 0 : index
      %swap3A_589 = vector.load %arg15[%swap3A_587, %swap3A_588] : memref<64x128xf32, #tpu.memory_space<vmem>>, vector<1x128xf32>
      tpu.vector_store %arg15[%swap3A_587, %swap3A_588], %max3A_586 {strides = array<i32>} : memref<64x128xf32, #tpu.memory_space<vmem>>, vector<1x128xf32>,
    } else {
    }
    %le3A_193 = arith.constant 17 : i32
    %le3A_194 = arith.cmpi sle, %reduce_min3A_55, %le3A_193 : i32
    %ge3A_195 = arith.constant 17 : i32
    %ge3A_196 = arith.cmpi sge, %reduce_max3A_59, %ge3A_195 : i32
    %and3A_197 = arith.andi %le3A_194, %ge3A_196 : i1
    %convert_element_type3A_198 = arith.extui %and3A_197 : i1 to i32
    %cond3A_199 = arith.constant 0 : i32
    %cond3A_200 = arith.cmpi ne, %convert_element_type3A_198, %cond3A_199 : i32
    scf.if %cond3A_200 {
      %eq3A_574 = arith.constant 17 : i32
      %eq3A_575 = vector.broadcast %eq3A_574 : i32 to vector<1000x1xi32>
      %eq3A_576 = arith.cmpi eq, %get3A_30, %eq3A_575 : vector<1000x1xi32>
      %jit3A = arith.constant 0xFF800000 : f32
      %broadcast_in_dim3A_577 = vector.shape_cast %eq3A_576 : vector<1000x1xi1> to vector<1000x1xi1>
      %broadcast_in_dim3A_578 = vector.broadcast %broadcast_in_dim3A_577 : vector<1000x1xi1> to vector<1000x128xi1>
      %broadcast_in_dim3A_579 = vector.broadcast %jit3A : f32 to vector<1000x128xf32>
      %select_n3A = arith.select %broadcast_in_dim3A_578, %max3A_27, %broadcast_in_dim3A_579 : vector<1000x128xi1>, vector<1000x128xf32>
      %get3A_580 = arith.constant 17 : index
      %get3A_581 = arith.constant 0 : index
      %get3A_582 = vector.load %arg15[%get3A_580, %get3A_581] : memref<64x128xf32, #tpu.memory_space<vmem>>, vector<1x128xf32>
      %reduce_max3A_583 = arith.constant dense<0xFF800000> : vector<128xf32>
      %reduce_max3A_584 = vector.multi_reduction <maximumf>, %select_n3A, %reduce_max3A_583 [0] : vector<1000x128xf32> to vector<128xf32>
      %broadcast_in_dim3A_585 = vector.shape_cast %reduce_max3A_584 : vector<128xf32> to vector<1x128xf32>
      %max3A_586 = arith.maximumf %get3A_582, %broadcast_in_dim3A_585 : vector<1x128xf32>
      %swap3A_587 = arith.constant 17 : index
      %swap3A_588 = arith.constant 0 : index
      %swap3A_589 = vector.load %arg15[%swap3A_587, %swap3A_588] : memref<64x128xf32, #tpu.memory_space<vmem>>, vector<1x128xf32>
      tpu.vector_store %arg15[%swap3A_587, %swap3A_588], %max3A_586 {strides = array<i32>} : memref<64x128xf32, #tpu.memory_space<vmem>>, vector<1x128xf32>,
    } else {
    }
    %le3A_201 = arith.constant 18 : i32
    %le3A_202 = arith.cmpi sle, %reduce_min3A_55, %le3A_201 : i32
    %ge3A_203 = arith.constant 18 : i32
    %ge3A_204 = arith.cmpi sge, %reduce_max3A_59, %ge3A_203 : i32
    %and3A_205 = arith.andi %le3A_202, %ge3A_204 : i1
    %convert_element_type3A_206 = arith.extui %and3A_205 : i1 to i32
    %cond3A_207 = arith.constant 0 : i32
    %cond3A_208 = arith.cmpi ne, %convert_element_type3A_206, %cond3A_207 : i32
    scf.if %cond3A_208 {
      %eq3A_574 = arith.constant 18 : i32
      %eq3A_575 = vector.broadcast %eq3A_574 : i32 to vector<1000x1xi32>
      %eq3A_576 = arith.cmpi eq, %get3A_30, %eq3A_575 : vector<1000x1xi32>
      %jit3A = arith.constant 0xFF800000 : f32
      %broadcast_in_dim3A_577 = vector.shape_cast %eq3A_576 : vector<1000x1xi1> to vector<1000x1xi1>
      %broadcast_in_dim3A_578 = vector.broadcast %broadcast_in_dim3A_577 : vector<1000x1xi1> to vector<1000x128xi1>
      %broadcast_in_dim3A_579 = vector.broadcast %jit3A : f32 to vector<1000x128xf32>
      %select_n3A = arith.select %broadcast_in_dim3A_578, %max3A_27, %broadcast_in_dim3A_579 : vector<1000x128xi1>, vector<1000x128xf32>
      %get3A_580 = arith.constant 18 : index
      %get3A_581 = arith.constant 0 : index
      %get3A_582 = vector.load %arg15[%get3A_580, %get3A_581] : memref<64x128xf32, #tpu.memory_space<vmem>>, vector<1x128xf32>
      %reduce_max3A_583 = arith.constant dense<0xFF800000> : vector<128xf32>
      %reduce_max3A_584 = vector.multi_reduction <maximumf>, %select_n3A, %reduce_max3A_583 [0] : vector<1000x128xf32> to vector<128xf32>
      %broadcast_in_dim3A_585 = vector.shape_cast %reduce_max3A_584 : vector<128xf32> to vector<1x128xf32>
      %max3A_586 = arith.maximumf %get3A_582, %broadcast_in_dim3A_585 : vector<1x128xf32>
      %swap3A_587 = arith.constant 18 : index
      %swap3A_588 = arith.constant 0 : index
      %swap3A_589 = vector.load %arg15[%swap3A_587, %swap3A_588] : memref<64x128xf32, #tpu.memory_space<vmem>>, vector<1x128xf32>
      tpu.vector_store %arg15[%swap3A_587, %swap3A_588], %max3A_586 {strides = array<i32>} : memref<64x128xf32, #tpu.memory_space<vmem>>, vector<1x128xf32>,
    } else {
    }
    %le3A_209 = arith.constant 19 : i32
    %le3A_210 = arith.cmpi sle, %reduce_min3A_55, %le3A_209 : i32
    %ge3A_211 = arith.constant 19 : i32
    %ge3A_212 = arith.cmpi sge, %reduce_max3A_59, %ge3A_211 : i32
    %and3A_213 = arith.andi %le3A_210, %ge3A_212 : i1
    %convert_element_type3A_214 = arith.extui %and3A_213 : i1 to i32
    %cond3A_215 = arith.constant 0 : i32
    %cond3A_216 = arith.cmpi ne, %convert_element_type3A_214, %cond3A_215 : i32
    scf.if %cond3A_216 {
      %eq3A_574 = arith.constant 19 : i32
      %eq3A_575 = vector.broadcast %eq3A_574 : i32 to vector<1000x1xi32>
      %eq3A_576 = arith.cmpi eq, %get3A_30, %eq3A_575 : vector<1000x1xi32>
      %jit3A = arith.constant 0xFF800000 : f32
      %broadcast_in_dim3A_577 = vector.shape_cast %eq3A_576 : vector<1000x1xi1> to vector<1000x1xi1>
      %broadcast_in_dim3A_578 = vector.broadcast %broadcast_in_dim3A_577 : vector<1000x1xi1> to vector<1000x128xi1>
      %broadcast_in_dim3A_579 = vector.broadcast %jit3A : f32 to vector<1000x128xf32>
      %select_n3A = arith.select %broadcast_in_dim3A_578, %max3A_27, %broadcast_in_dim3A_579 : vector<1000x128xi1>, vector<1000x128xf32>
      %get3A_580 = arith.constant 19 : index
      %get3A_581 = arith.constant 0 : index
      %get3A_582 = vector.load %arg15[%get3A_580, %get3A_581] : memref<64x128xf32, #tpu.memory_space<vmem>>, vector<1x128xf32>
      %reduce_max3A_583 = arith.constant dense<0xFF800000> : vector<128xf32>
      %reduce_max3A_584 = vector.multi_reduction <maximumf>, %select_n3A, %reduce_max3A_583 [0] : vector<1000x128xf32> to vector<128xf32>
      %broadcast_in_dim3A_585 = vector.shape_cast %reduce_max3A_584 : vector<128xf32> to vector<1x128xf32>
      %max3A_586 = arith.maximumf %get3A_582, %broadcast_in_dim3A_585 : vector<1x128xf32>
      %swap3A_587 = arith.constant 19 : index
      %swap3A_588 = arith.constant 0 : index
      %swap3A_589 = vector.load %arg15[%swap3A_587, %swap3A_588] : memref<64x128xf32, #tpu.memory_space<vmem>>, vector<1x128xf32>
      tpu.vector_store %arg15[%swap3A_587, %swap3A_588], %max3A_586 {strides = array<i32>} : memref<64x128xf32, #tpu.memory_space<vmem>>, vector<1x128xf32>,
    } else {
    }
    %le3A_217 = arith.constant 20 : i32
    %le3A_218 = arith.cmpi sle, %reduce_min3A_55, %le3A_217 : i32
    %ge3A_219 = arith.constant 20 : i32
    %ge3A_220 = arith.cmpi sge, %reduce_max3A_59, %ge3A_219 : i32
    %and3A_221 = arith.andi %le3A_218, %ge3A_220 : i1
    %convert_element_type3A_222 = arith.extui %and3A_221 : i1 to i32
    %cond3A_223 = arith.constant 0 : i32
    %cond3A_224 = arith.cmpi ne, %convert_element_type3A_222, %cond3A_223 : i32
    scf.if %cond3A_224 {
      %eq3A_574 = arith.constant 20 : i32
      %eq3A_575 = vector.broadcast %eq3A_574 : i32 to vector<1000x1xi32>
      %eq3A_576 = arith.cmpi eq, %get3A_30, %eq3A_575 : vector<1000x1xi32>
      %jit3A = arith.constant 0xFF800000 : f32
      %broadcast_in_dim3A_577 = vector.shape_cast %eq3A_576 : vector<1000x1xi1> to vector<1000x1xi1>
      %broadcast_in_dim3A_578 = vector.broadcast %broadcast_in_dim3A_577 : vector<1000x1xi1> to vector<1000x128xi1>
      %broadcast_in_dim3A_579 = vector.broadcast %jit3A : f32 to vector<1000x128xf32>
      %select_n3A = arith.select %broadcast_in_dim3A_578, %max3A_27, %broadcast_in_dim3A_579 : vector<1000x128xi1>, vector<1000x128xf32>
      %get3A_580 = arith.constant 20 : index
      %get3A_581 = arith.constant 0 : index
      %get3A_582 = vector.load %arg15[%get3A_580, %get3A_581] : memref<64x128xf32, #tpu.memory_space<vmem>>, vector<1x128xf32>
      %reduce_max3A_583 = arith.constant dense<0xFF800000> : vector<128xf32>
      %reduce_max3A_584 = vector.multi_reduction <maximumf>, %select_n3A, %reduce_max3A_583 [0] : vector<1000x128xf32> to vector<128xf32>
      %broadcast_in_dim3A_585 = vector.shape_cast %reduce_max3A_584 : vector<128xf32> to vector<1x128xf32>
      %max3A_586 = arith.maximumf %get3A_582, %broadcast_in_dim3A_585 : vector<1x128xf32>
      %swap3A_587 = arith.constant 20 : index
      %swap3A_588 = arith.constant 0 : index
      %swap3A_589 = vector.load %arg15[%swap3A_587, %swap3A_588] : memref<64x128xf32, #tpu.memory_space<vmem>>, vector<1x128xf32>
      tpu.vector_store %arg15[%swap3A_587, %swap3A_588], %max3A_586 {strides = array<i32>} : memref<64x128xf32, #tpu.memory_space<vmem>>, vector<1x128xf32>,
    } else {
    }
    %le3A_225 = arith.constant 21 : i32
    %le3A_226 = arith.cmpi sle, %reduce_min3A_55, %le3A_225 : i32
    %ge3A_227 = arith.constant 21 : i32
    %ge3A_228 = arith.cmpi sge, %reduce_max3A_59, %ge3A_227 : i32
    %and3A_229 = arith.andi %le3A_226, %ge3A_228 : i1
    %convert_element_type3A_230 = arith.extui %and3A_229 : i1 to i32
    %cond3A_231 = arith.constant 0 : i32
    %cond3A_232 = arith.cmpi ne, %convert_element_type3A_230, %cond3A_231 : i32
    scf.if %cond3A_232 {
      %eq3A_574 = arith.constant 21 : i32
      %eq3A_575 = vector.broadcast %eq3A_574 : i32 to vector<1000x1xi32>
      %eq3A_576 = arith.cmpi eq, %get3A_30, %eq3A_575 : vector<1000x1xi32>
      %jit3A = arith.constant 0xFF800000 : f32
      %broadcast_in_dim3A_577 = vector.shape_cast %eq3A_576 : vector<1000x1xi1> to vector<1000x1xi1>
      %broadcast_in_dim3A_578 = vector.broadcast %broadcast_in_dim3A_577 : vector<1000x1xi1> to vector<1000x128xi1>
      %broadcast_in_dim3A_579 = vector.broadcast %jit3A : f32 to vector<1000x128xf32>
      %select_n3A = arith.select %broadcast_in_dim3A_578, %max3A_27, %broadcast_in_dim3A_579 : vector<1000x128xi1>, vector<1000x128xf32>
      %get3A_580 = arith.constant 21 : index
      %get3A_581 = arith.constant 0 : index
      %get3A_582 = vector.load %arg15[%get3A_580, %get3A_581] : memref<64x128xf32, #tpu.memory_space<vmem>>, vector<1x128xf32>
      %reduce_max3A_583 = arith.constant dense<0xFF800000> : vector<128xf32>
      %reduce_max3A_584 = vector.multi_reduction <maximumf>, %select_n3A, %reduce_max3A_583 [0] : vector<1000x128xf32> to vector<128xf32>
      %broadcast_in_dim3A_585 = vector.shape_cast %reduce_max3A_584 : vector<128xf32> to vector<1x128xf32>
      %max3A_586 = arith.maximumf %get3A_582, %broadcast_in_dim3A_585 : vector<1x128xf32>
      %swap3A_587 = arith.constant 21 : index
      %swap3A_588 = arith.constant 0 : index
      %swap3A_589 = vector.load %arg15[%swap3A_587, %swap3A_588] : memref<64x128xf32, #tpu.memory_space<vmem>>, vector<1x128xf32>
      tpu.vector_store %arg15[%swap3A_587, %swap3A_588], %max3A_586 {strides = array<i32>} : memref<64x128xf32, #tpu.memory_space<vmem>>, vector<1x128xf32>,
    } else {
    }
    %le3A_233 = arith.constant 22 : i32
    %le3A_234 = arith.cmpi sle, %reduce_min3A_55, %le3A_233 : i32
    %ge3A_235 = arith.constant 22 : i32
    %ge3A_236 = arith.cmpi sge, %reduce_max3A_59, %ge3A_235 : i32
    %and3A_237 = arith.andi %le3A_234, %ge3A_236 : i1
    %convert_element_type3A_238 = arith.extui %and3A_237 : i1 to i32
    %cond3A_239 = arith.constant 0 : i32
    %cond3A_240 = arith.cmpi ne, %convert_element_type3A_238, %cond3A_239 : i32
    scf.if %cond3A_240 {
      %eq3A_574 = arith.constant 22 : i32
      %eq3A_575 = vector.broadcast %eq3A_574 : i32 to vector<1000x1xi32>
      %eq3A_576 = arith.cmpi eq, %get3A_30, %eq3A_575 : vector<1000x1xi32>
      %jit3A = arith.constant 0xFF800000 : f32
      %broadcast_in_dim3A_577 = vector.shape_cast %eq3A_576 : vector<1000x1xi1> to vector<1000x1xi1>
      %broadcast_in_dim3A_578 = vector.broadcast %broadcast_in_dim3A_577 : vector<1000x1xi1> to vector<1000x128xi1>
      %broadcast_in_dim3A_579 = vector.broadcast %jit3A : f32 to vector<1000x128xf32>
      %select_n3A = arith.select %broadcast_in_dim3A_578, %max3A_27, %broadcast_in_dim3A_579 : vector<1000x128xi1>, vector<1000x128xf32>
      %get3A_580 = arith.constant 22 : index
      %get3A_581 = arith.constant 0 : index
      %get3A_582 = vector.load %arg15[%get3A_580, %get3A_581] : memref<64x128xf32, #tpu.memory_space<vmem>>, vector<1x128xf32>
      %reduce_max3A_583 = arith.constant dense<0xFF800000> : vector<128xf32>
      %reduce_max3A_584 = vector.multi_reduction <maximumf>, %select_n3A, %reduce_max3A_583 [0] : vector<1000x128xf32> to vector<128xf32>
      %broadcast_in_dim3A_585 = vector.shape_cast %reduce_max3A_584 : vector<128xf32> to vector<1x128xf32>
      %max3A_586 = arith.maximumf %get3A_582, %broadcast_in_dim3A_585 : vector<1x128xf32>
      %swap3A_587 = arith.constant 22 : index
      %swap3A_588 = arith.constant 0 : index
      %swap3A_589 = vector.load %arg15[%swap3A_587, %swap3A_588] : memref<64x128xf32, #tpu.memory_space<vmem>>, vector<1x128xf32>
      tpu.vector_store %arg15[%swap3A_587, %swap3A_588], %max3A_586 {strides = array<i32>} : memref<64x128xf32, #tpu.memory_space<vmem>>, vector<1x128xf32>,
    } else {
    }
    %le3A_241 = arith.constant 23 : i32
    %le3A_242 = arith.cmpi sle, %reduce_min3A_55, %le3A_241 : i32
    %ge3A_243 = arith.constant 23 : i32
    %ge3A_244 = arith.cmpi sge, %reduce_max3A_59, %ge3A_243 : i32
    %and3A_245 = arith.andi %le3A_242, %ge3A_244 : i1
    %convert_element_type3A_246 = arith.extui %and3A_245 : i1 to i32
    %cond3A_247 = arith.constant 0 : i32
    %cond3A_248 = arith.cmpi ne, %convert_element_type3A_246, %cond3A_247 : i32
    scf.if %cond3A_248 {
      %eq3A_574 = arith.constant 23 : i32
      %eq3A_575 = vector.broadcast %eq3A_574 : i32 to vector<1000x1xi32>
      %eq3A_576 = arith.cmpi eq, %get3A_30, %eq3A_575 : vector<1000x1xi32>
      %jit3A = arith.constant 0xFF800000 : f32
      %broadcast_in_dim3A_577 = vector.shape_cast %eq3A_576 : vector<1000x1xi1> to vector<1000x1xi1>
      %broadcast_in_dim3A_578 = vector.broadcast %broadcast_in_dim3A_577 : vector<1000x1xi1> to vector<1000x128xi1>
      %broadcast_in_dim3A_579 = vector.broadcast %jit3A : f32 to vector<1000x128xf32>
      %select_n3A = arith.select %broadcast_in_dim3A_578, %max3A_27, %broadcast_in_dim3A_579 : vector<1000x128xi1>, vector<1000x128xf32>
      %get3A_580 = arith.constant 23 : index
      %get3A_581 = arith.constant 0 : index
      %get3A_582 = vector.load %arg15[%get3A_580, %get3A_581] : memref<64x128xf32, #tpu.memory_space<vmem>>, vector<1x128xf32>
      %reduce_max3A_583 = arith.constant dense<0xFF800000> : vector<128xf32>
      %reduce_max3A_584 = vector.multi_reduction <maximumf>, %select_n3A, %reduce_max3A_583 [0] : vector<1000x128xf32> to vector<128xf32>
      %broadcast_in_dim3A_585 = vector.shape_cast %reduce_max3A_584 : vector<128xf32> to vector<1x128xf32>
      %max3A_586 = arith.maximumf %get3A_582, %broadcast_in_dim3A_585 : vector<1x128xf32>
      %swap3A_587 = arith.constant 23 : index
      %swap3A_588 = arith.constant 0 : index
      %swap3A_589 = vector.load %arg15[%swap3A_587, %swap3A_588] : memref<64x128xf32, #tpu.memory_space<vmem>>, vector<1x128xf32>
      tpu.vector_store %arg15[%swap3A_587, %swap3A_588], %max3A_586 {strides = array<i32>} : memref<64x128xf32, #tpu.memory_space<vmem>>, vector<1x128xf32>,
    } else {
    }
    %le3A_249 = arith.constant 24 : i32
    %le3A_250 = arith.cmpi sle, %reduce_min3A_55, %le3A_249 : i32
    %ge3A_251 = arith.constant 24 : i32
    %ge3A_252 = arith.cmpi sge, %reduce_max3A_59, %ge3A_251 : i32
    %and3A_253 = arith.andi %le3A_250, %ge3A_252 : i1
    %convert_element_type3A_254 = arith.extui %and3A_253 : i1 to i32
    %cond3A_255 = arith.constant 0 : i32
    %cond3A_256 = arith.cmpi ne, %convert_element_type3A_254, %cond3A_255 : i32
    scf.if %cond3A_256 {
      %eq3A_574 = arith.constant 24 : i32
      %eq3A_575 = vector.broadcast %eq3A_574 : i32 to vector<1000x1xi32>
      %eq3A_576 = arith.cmpi eq, %get3A_30, %eq3A_575 : vector<1000x1xi32>
      %jit3A = arith.constant 0xFF800000 : f32
      %broadcast_in_dim3A_577 = vector.shape_cast %eq3A_576 : vector<1000x1xi1> to vector<1000x1xi1>
      %broadcast_in_dim3A_578 = vector.broadcast %broadcast_in_dim3A_577 : vector<1000x1xi1> to vector<1000x128xi1>
      %broadcast_in_dim3A_579 = vector.broadcast %jit3A : f32 to vector<1000x128xf32>
      %select_n3A = arith.select %broadcast_in_dim3A_578, %max3A_27, %broadcast_in_dim3A_579 : vector<1000x128xi1>, vector<1000x128xf32>
      %get3A_580 = arith.constant 24 : index
      %get3A_581 = arith.constant 0 : index
      %get3A_582 = vector.load %arg15[%get3A_580, %get3A_581] : memref<64x128xf32, #tpu.memory_space<vmem>>, vector<1x128xf32>
      %reduce_max3A_583 = arith.constant dense<0xFF800000> : vector<128xf32>
      %reduce_max3A_584 = vector.multi_reduction <maximumf>, %select_n3A, %reduce_max3A_583 [0] : vector<1000x128xf32> to vector<128xf32>
      %broadcast_in_dim3A_585 = vector.shape_cast %reduce_max3A_584 : vector<128xf32> to vector<1x128xf32>
      %max3A_586 = arith.maximumf %get3A_582, %broadcast_in_dim3A_585 : vector<1x128xf32>
      %swap3A_587 = arith.constant 24 : index
      %swap3A_588 = arith.constant 0 : index
      %swap3A_589 = vector.load %arg15[%swap3A_587, %swap3A_588] : memref<64x128xf32, #tpu.memory_space<vmem>>, vector<1x128xf32>
      tpu.vector_store %arg15[%swap3A_587, %swap3A_588], %max3A_586 {strides = array<i32>} : memref<64x128xf32, #tpu.memory_space<vmem>>, vector<1x128xf32>,
    } else {
    }
    %le3A_257 = arith.constant 25 : i32
    %le3A_258 = arith.cmpi sle, %reduce_min3A_55, %le3A_257 : i32
    %ge3A_259 = arith.constant 25 : i32
    %ge3A_260 = arith.cmpi sge, %reduce_max3A_59, %ge3A_259 : i32
    %and3A_261 = arith.andi %le3A_258, %ge3A_260 : i1
    %convert_element_type3A_262 = arith.extui %and3A_261 : i1 to i32
    %cond3A_263 = arith.constant 0 : i32
    %cond3A_264 = arith.cmpi ne, %convert_element_type3A_262, %cond3A_263 : i32
    scf.if %cond3A_264 {
      %eq3A_574 = arith.constant 25 : i32
      %eq3A_575 = vector.broadcast %eq3A_574 : i32 to vector<1000x1xi32>
      %eq3A_576 = arith.cmpi eq, %get3A_30, %eq3A_575 : vector<1000x1xi32>
      %jit3A = arith.constant 0xFF800000 : f32
      %broadcast_in_dim3A_577 = vector.shape_cast %eq3A_576 : vector<1000x1xi1> to vector<1000x1xi1>
      %broadcast_in_dim3A_578 = vector.broadcast %broadcast_in_dim3A_577 : vector<1000x1xi1> to vector<1000x128xi1>
      %broadcast_in_dim3A_579 = vector.broadcast %jit3A : f32 to vector<1000x128xf32>
      %select_n3A = arith.select %broadcast_in_dim3A_578, %max3A_27, %broadcast_in_dim3A_579 : vector<1000x128xi1>, vector<1000x128xf32>
      %get3A_580 = arith.constant 25 : index
      %get3A_581 = arith.constant 0 : index
      %get3A_582 = vector.load %arg15[%get3A_580, %get3A_581] : memref<64x128xf32, #tpu.memory_space<vmem>>, vector<1x128xf32>
      %reduce_max3A_583 = arith.constant dense<0xFF800000> : vector<128xf32>
      %reduce_max3A_584 = vector.multi_reduction <maximumf>, %select_n3A, %reduce_max3A_583 [0] : vector<1000x128xf32> to vector<128xf32>
      %broadcast_in_dim3A_585 = vector.shape_cast %reduce_max3A_584 : vector<128xf32> to vector<1x128xf32>
      %max3A_586 = arith.maximumf %get3A_582, %broadcast_in_dim3A_585 : vector<1x128xf32>
      %swap3A_587 = arith.constant 25 : index
      %swap3A_588 = arith.constant 0 : index
      %swap3A_589 = vector.load %arg15[%swap3A_587, %swap3A_588] : memref<64x128xf32, #tpu.memory_space<vmem>>, vector<1x128xf32>
      tpu.vector_store %arg15[%swap3A_587, %swap3A_588], %max3A_586 {strides = array<i32>} : memref<64x128xf32, #tpu.memory_space<vmem>>, vector<1x128xf32>,
    } else {
    }
    %le3A_265 = arith.constant 26 : i32
    %le3A_266 = arith.cmpi sle, %reduce_min3A_55, %le3A_265 : i32
    %ge3A_267 = arith.constant 26 : i32
    %ge3A_268 = arith.cmpi sge, %reduce_max3A_59, %ge3A_267 : i32
    %and3A_269 = arith.andi %le3A_266, %ge3A_268 : i1
    %convert_element_type3A_270 = arith.extui %and3A_269 : i1 to i32
    %cond3A_271 = arith.constant 0 : i32
    %cond3A_272 = arith.cmpi ne, %convert_element_type3A_270, %cond3A_271 : i32
    scf.if %cond3A_272 {
      %eq3A_574 = arith.constant 26 : i32
      %eq3A_575 = vector.broadcast %eq3A_574 : i32 to vector<1000x1xi32>
      %eq3A_576 = arith.cmpi eq, %get3A_30, %eq3A_575 : vector<1000x1xi32>
      %jit3A = arith.constant 0xFF800000 : f32
      %broadcast_in_dim3A_577 = vector.shape_cast %eq3A_576 : vector<1000x1xi1> to vector<1000x1xi1>
      %broadcast_in_dim3A_578 = vector.broadcast %broadcast_in_dim3A_577 : vector<1000x1xi1> to vector<1000x128xi1>
      %broadcast_in_dim3A_579 = vector.broadcast %jit3A : f32 to vector<1000x128xf32>
      %select_n3A = arith.select %broadcast_in_dim3A_578, %max3A_27, %broadcast_in_dim3A_579 : vector<1000x128xi1>, vector<1000x128xf32>
      %get3A_580 = arith.constant 26 : index
      %get3A_581 = arith.constant 0 : index
      %get3A_582 = vector.load %arg15[%get3A_580, %get3A_581] : memref<64x128xf32, #tpu.memory_space<vmem>>, vector<1x128xf32>
      %reduce_max3A_583 = arith.constant dense<0xFF800000> : vector<128xf32>
      %reduce_max3A_584 = vector.multi_reduction <maximumf>, %select_n3A, %reduce_max3A_583 [0] : vector<1000x128xf32> to vector<128xf32>
      %broadcast_in_dim3A_585 = vector.shape_cast %reduce_max3A_584 : vector<128xf32> to vector<1x128xf32>
      %max3A_586 = arith.maximumf %get3A_582, %broadcast_in_dim3A_585 : vector<1x128xf32>
      %swap3A_587 = arith.constant 26 : index
      %swap3A_588 = arith.constant 0 : index
      %swap3A_589 = vector.load %arg15[%swap3A_587, %swap3A_588] : memref<64x128xf32, #tpu.memory_space<vmem>>, vector<1x128xf32>
      tpu.vector_store %arg15[%swap3A_587, %swap3A_588], %max3A_586 {strides = array<i32>} : memref<64x128xf32, #tpu.memory_space<vmem>>, vector<1x128xf32>,
    } else {
    }
    %le3A_273 = arith.constant 27 : i32
    %le3A_274 = arith.cmpi sle, %reduce_min3A_55, %le3A_273 : i32
    %ge3A_275 = arith.constant 27 : i32
    %ge3A_276 = arith.cmpi sge, %reduce_max3A_59, %ge3A_275 : i32
    %and3A_277 = arith.andi %le3A_274, %ge3A_276 : i1
    %convert_element_type3A_278 = arith.extui %and3A_277 : i1 to i32
    %cond3A_279 = arith.constant 0 : i32
    %cond3A_280 = arith.cmpi ne, %convert_element_type3A_278, %cond3A_279 : i32
    scf.if %cond3A_280 {
      %eq3A_574 = arith.constant 27 : i32
      %eq3A_575 = vector.broadcast %eq3A_574 : i32 to vector<1000x1xi32>
      %eq3A_576 = arith.cmpi eq, %get3A_30, %eq3A_575 : vector<1000x1xi32>
      %jit3A = arith.constant 0xFF800000 : f32
      %broadcast_in_dim3A_577 = vector.shape_cast %eq3A_576 : vector<1000x1xi1> to vector<1000x1xi1>
      %broadcast_in_dim3A_578 = vector.broadcast %broadcast_in_dim3A_577 : vector<1000x1xi1> to vector<1000x128xi1>
      %broadcast_in_dim3A_579 = vector.broadcast %jit3A : f32 to vector<1000x128xf32>
      %select_n3A = arith.select %broadcast_in_dim3A_578, %max3A_27, %broadcast_in_dim3A_579 : vector<1000x128xi1>, vector<1000x128xf32>
      %get3A_580 = arith.constant 27 : index
      %get3A_581 = arith.constant 0 : index
      %get3A_582 = vector.load %arg15[%get3A_580, %get3A_581] : memref<64x128xf32, #tpu.memory_space<vmem>>, vector<1x128xf32>
      %reduce_max3A_583 = arith.constant dense<0xFF800000> : vector<128xf32>
      %reduce_max3A_584 = vector.multi_reduction <maximumf>, %select_n3A, %reduce_max3A_583 [0] : vector<1000x128xf32> to vector<128xf32>
      %broadcast_in_dim3A_585 = vector.shape_cast %reduce_max3A_584 : vector<128xf32> to vector<1x128xf32>
      %max3A_586 = arith.maximumf %get3A_582, %broadcast_in_dim3A_585 : vector<1x128xf32>
      %swap3A_587 = arith.constant 27 : index
      %swap3A_588 = arith.constant 0 : index
      %swap3A_589 = vector.load %arg15[%swap3A_587, %swap3A_588] : memref<64x128xf32, #tpu.memory_space<vmem>>, vector<1x128xf32>
      tpu.vector_store %arg15[%swap3A_587, %swap3A_588], %max3A_586 {strides = array<i32>} : memref<64x128xf32, #tpu.memory_space<vmem>>, vector<1x128xf32>,
    } else {
    }
    %le3A_281 = arith.constant 28 : i32
    %le3A_282 = arith.cmpi sle, %reduce_min3A_55, %le3A_281 : i32
    %ge3A_283 = arith.constant 28 : i32
    %ge3A_284 = arith.cmpi sge, %reduce_max3A_59, %ge3A_283 : i32
    %and3A_285 = arith.andi %le3A_282, %ge3A_284 : i1
    %convert_element_type3A_286 = arith.extui %and3A_285 : i1 to i32
    %cond3A_287 = arith.constant 0 : i32
    %cond3A_288 = arith.cmpi ne, %convert_element_type3A_286, %cond3A_287 : i32
    scf.if %cond3A_288 {
      %eq3A_574 = arith.constant 28 : i32
      %eq3A_575 = vector.broadcast %eq3A_574 : i32 to vector<1000x1xi32>
      %eq3A_576 = arith.cmpi eq, %get3A_30, %eq3A_575 : vector<1000x1xi32>
      %jit3A = arith.constant 0xFF800000 : f32
      %broadcast_in_dim3A_577 = vector.shape_cast %eq3A_576 : vector<1000x1xi1> to vector<1000x1xi1>
      %broadcast_in_dim3A_578 = vector.broadcast %broadcast_in_dim3A_577 : vector<1000x1xi1> to vector<1000x128xi1>
      %broadcast_in_dim3A_579 = vector.broadcast %jit3A : f32 to vector<1000x128xf32>
      %select_n3A = arith.select %broadcast_in_dim3A_578, %max3A_27, %broadcast_in_dim3A_579 : vector<1000x128xi1>, vector<1000x128xf32>
      %get3A_580 = arith.constant 28 : index
      %get3A_581 = arith.constant 0 : index
      %get3A_582 = vector.load %arg15[%get3A_580, %get3A_581] : memref<64x128xf32, #tpu.memory_space<vmem>>, vector<1x128xf32>
      %reduce_max3A_583 = arith.constant dense<0xFF800000> : vector<128xf32>
      %reduce_max3A_584 = vector.multi_reduction <maximumf>, %select_n3A, %reduce_max3A_583 [0] : vector<1000x128xf32> to vector<128xf32>
      %broadcast_in_dim3A_585 = vector.shape_cast %reduce_max3A_584 : vector<128xf32> to vector<1x128xf32>
      %max3A_586 = arith.maximumf %get3A_582, %broadcast_in_dim3A_585 : vector<1x128xf32>
      %swap3A_587 = arith.constant 28 : index
      %swap3A_588 = arith.constant 0 : index
      %swap3A_589 = vector.load %arg15[%swap3A_587, %swap3A_588] : memref<64x128xf32, #tpu.memory_space<vmem>>, vector<1x128xf32>
      tpu.vector_store %arg15[%swap3A_587, %swap3A_588], %max3A_586 {strides = array<i32>} : memref<64x128xf32, #tpu.memory_space<vmem>>, vector<1x128xf32>,
    } else {
    }
    %le3A_289 = arith.constant 29 : i32
    %le3A_290 = arith.cmpi sle, %reduce_min3A_55, %le3A_289 : i32
    %ge3A_291 = arith.constant 29 : i32
    %ge3A_292 = arith.cmpi sge, %reduce_max3A_59, %ge3A_291 : i32
    %and3A_293 = arith.andi %le3A_290, %ge3A_292 : i1
    %convert_element_type3A_294 = arith.extui %and3A_293 : i1 to i32
    %cond3A_295 = arith.constant 0 : i32
    %cond3A_296 = arith.cmpi ne, %convert_element_type3A_294, %cond3A_295 : i32
    scf.if %cond3A_296 {
      %eq3A_574 = arith.constant 29 : i32
      %eq3A_575 = vector.broadcast %eq3A_574 : i32 to vector<1000x1xi32>
      %eq3A_576 = arith.cmpi eq, %get3A_30, %eq3A_575 : vector<1000x1xi32>
      %jit3A = arith.constant 0xFF800000 : f32
      %broadcast_in_dim3A_577 = vector.shape_cast %eq3A_576 : vector<1000x1xi1> to vector<1000x1xi1>
      %broadcast_in_dim3A_578 = vector.broadcast %broadcast_in_dim3A_577 : vector<1000x1xi1> to vector<1000x128xi1>
      %broadcast_in_dim3A_579 = vector.broadcast %jit3A : f32 to vector<1000x128xf32>
      %select_n3A = arith.select %broadcast_in_dim3A_578, %max3A_27, %broadcast_in_dim3A_579 : vector<1000x128xi1>, vector<1000x128xf32>
      %get3A_580 = arith.constant 29 : index
      %get3A_581 = arith.constant 0 : index
      %get3A_582 = vector.load %arg15[%get3A_580, %get3A_581] : memref<64x128xf32, #tpu.memory_space<vmem>>, vector<1x128xf32>
      %reduce_max3A_583 = arith.constant dense<0xFF800000> : vector<128xf32>
      %reduce_max3A_584 = vector.multi_reduction <maximumf>, %select_n3A, %reduce_max3A_583 [0] : vector<1000x128xf32> to vector<128xf32>
      %broadcast_in_dim3A_585 = vector.shape_cast %reduce_max3A_584 : vector<128xf32> to vector<1x128xf32>
      %max3A_586 = arith.maximumf %get3A_582, %broadcast_in_dim3A_585 : vector<1x128xf32>
      %swap3A_587 = arith.constant 29 : index
      %swap3A_588 = arith.constant 0 : index
      %swap3A_589 = vector.load %arg15[%swap3A_587, %swap3A_588] : memref<64x128xf32, #tpu.memory_space<vmem>>, vector<1x128xf32>
      tpu.vector_store %arg15[%swap3A_587, %swap3A_588], %max3A_586 {strides = array<i32>} : memref<64x128xf32, #tpu.memory_space<vmem>>, vector<1x128xf32>,
    } else {
    }
    %le3A_297 = arith.constant 30 : i32
    %le3A_298 = arith.cmpi sle, %reduce_min3A_55, %le3A_297 : i32
    %ge3A_299 = arith.constant 30 : i32
    %ge3A_300 = arith.cmpi sge, %reduce_max3A_59, %ge3A_299 : i32
    %and3A_301 = arith.andi %le3A_298, %ge3A_300 : i1
    %convert_element_type3A_302 = arith.extui %and3A_301 : i1 to i32
    %cond3A_303 = arith.constant 0 : i32
    %cond3A_304 = arith.cmpi ne, %convert_element_type3A_302, %cond3A_303 : i32
    scf.if %cond3A_304 {
      %eq3A_574 = arith.constant 30 : i32
      %eq3A_575 = vector.broadcast %eq3A_574 : i32 to vector<1000x1xi32>
      %eq3A_576 = arith.cmpi eq, %get3A_30, %eq3A_575 : vector<1000x1xi32>
      %jit3A = arith.constant 0xFF800000 : f32
      %broadcast_in_dim3A_577 = vector.shape_cast %eq3A_576 : vector<1000x1xi1> to vector<1000x1xi1>
      %broadcast_in_dim3A_578 = vector.broadcast %broadcast_in_dim3A_577 : vector<1000x1xi1> to vector<1000x128xi1>
      %broadcast_in_dim3A_579 = vector.broadcast %jit3A : f32 to vector<1000x128xf32>
      %select_n3A = arith.select %broadcast_in_dim3A_578, %max3A_27, %broadcast_in_dim3A_579 : vector<1000x128xi1>, vector<1000x128xf32>
      %get3A_580 = arith.constant 30 : index
      %get3A_581 = arith.constant 0 : index
      %get3A_582 = vector.load %arg15[%get3A_580, %get3A_581] : memref<64x128xf32, #tpu.memory_space<vmem>>, vector<1x128xf32>
      %reduce_max3A_583 = arith.constant dense<0xFF800000> : vector<128xf32>
      %reduce_max3A_584 = vector.multi_reduction <maximumf>, %select_n3A, %reduce_max3A_583 [0] : vector<1000x128xf32> to vector<128xf32>
      %broadcast_in_dim3A_585 = vector.shape_cast %reduce_max3A_584 : vector<128xf32> to vector<1x128xf32>
      %max3A_586 = arith.maximumf %get3A_582, %broadcast_in_dim3A_585 : vector<1x128xf32>
      %swap3A_587 = arith.constant 30 : index
      %swap3A_588 = arith.constant 0 : index
      %swap3A_589 = vector.load %arg15[%swap3A_587, %swap3A_588] : memref<64x128xf32, #tpu.memory_space<vmem>>, vector<1x128xf32>
      tpu.vector_store %arg15[%swap3A_587, %swap3A_588], %max3A_586 {strides = array<i32>} : memref<64x128xf32, #tpu.memory_space<vmem>>, vector<1x128xf32>,
    } else {
    }
    %le3A_305 = arith.constant 31 : i32
    %le3A_306 = arith.cmpi sle, %reduce_min3A_55, %le3A_305 : i32
    %ge3A_307 = arith.constant 31 : i32
    %ge3A_308 = arith.cmpi sge, %reduce_max3A_59, %ge3A_307 : i32
    %and3A_309 = arith.andi %le3A_306, %ge3A_308 : i1
    %convert_element_type3A_310 = arith.extui %and3A_309 : i1 to i32
    %cond3A_311 = arith.constant 0 : i32
    %cond3A_312 = arith.cmpi ne, %convert_element_type3A_310, %cond3A_311 : i32
    scf.if %cond3A_312 {
      %eq3A_574 = arith.constant 31 : i32
      %eq3A_575 = vector.broadcast %eq3A_574 : i32 to vector<1000x1xi32>
      %eq3A_576 = arith.cmpi eq, %get3A_30, %eq3A_575 : vector<1000x1xi32>
      %jit3A = arith.constant 0xFF800000 : f32
      %broadcast_in_dim3A_577 = vector.shape_cast %eq3A_576 : vector<1000x1xi1> to vector<1000x1xi1>
      %broadcast_in_dim3A_578 = vector.broadcast %broadcast_in_dim3A_577 : vector<1000x1xi1> to vector<1000x128xi1>
      %broadcast_in_dim3A_579 = vector.broadcast %jit3A : f32 to vector<1000x128xf32>
      %select_n3A = arith.select %broadcast_in_dim3A_578, %max3A_27, %broadcast_in_dim3A_579 : vector<1000x128xi1>, vector<1000x128xf32>
      %get3A_580 = arith.constant 31 : index
      %get3A_581 = arith.constant 0 : index
      %get3A_582 = vector.load %arg15[%get3A_580, %get3A_581] : memref<64x128xf32, #tpu.memory_space<vmem>>, vector<1x128xf32>
      %reduce_max3A_583 = arith.constant dense<0xFF800000> : vector<128xf32>
      %reduce_max3A_584 = vector.multi_reduction <maximumf>, %select_n3A, %reduce_max3A_583 [0] : vector<1000x128xf32> to vector<128xf32>
      %broadcast_in_dim3A_585 = vector.shape_cast %reduce_max3A_584 : vector<128xf32> to vector<1x128xf32>
      %max3A_586 = arith.maximumf %get3A_582, %broadcast_in_dim3A_585 : vector<1x128xf32>
      %swap3A_587 = arith.constant 31 : index
      %swap3A_588 = arith.constant 0 : index
      %swap3A_589 = vector.load %arg15[%swap3A_587, %swap3A_588] : memref<64x128xf32, #tpu.memory_space<vmem>>, vector<1x128xf32>
      tpu.vector_store %arg15[%swap3A_587, %swap3A_588], %max3A_586 {strides = array<i32>} : memref<64x128xf32, #tpu.memory_space<vmem>>, vector<1x128xf32>,
    } else {
    }
    %le3A_313 = arith.constant 32 : i32
    %le3A_314 = arith.cmpi sle, %reduce_min3A_55, %le3A_313 : i32
    %ge3A_315 = arith.constant 32 : i32
    %ge3A_316 = arith.cmpi sge, %reduce_max3A_59, %ge3A_315 : i32
    %and3A_317 = arith.andi %le3A_314, %ge3A_316 : i1
    %convert_element_type3A_318 = arith.extui %and3A_317 : i1 to i32
    %cond3A_319 = arith.constant 0 : i32
    %cond3A_320 = arith.cmpi ne, %convert_element_type3A_318, %cond3A_319 : i32
    scf.if %cond3A_320 {
      %eq3A_574 = arith.constant 32 : i32
      %eq3A_575 = vector.broadcast %eq3A_574 : i32 to vector<1000x1xi32>
      %eq3A_576 = arith.cmpi eq, %get3A_30, %eq3A_575 : vector<1000x1xi32>
      %jit3A = arith.constant 0xFF800000 : f32
      %broadcast_in_dim3A_577 = vector.shape_cast %eq3A_576 : vector<1000x1xi1> to vector<1000x1xi1>
      %broadcast_in_dim3A_578 = vector.broadcast %broadcast_in_dim3A_577 : vector<1000x1xi1> to vector<1000x128xi1>
      %broadcast_in_dim3A_579 = vector.broadcast %jit3A : f32 to vector<1000x128xf32>
      %select_n3A = arith.select %broadcast_in_dim3A_578, %max3A_27, %broadcast_in_dim3A_579 : vector<1000x128xi1>, vector<1000x128xf32>
      %get3A_580 = arith.constant 32 : index
      %get3A_581 = arith.constant 0 : index
      %get3A_582 = vector.load %arg15[%get3A_580, %get3A_581] : memref<64x128xf32, #tpu.memory_space<vmem>>, vector<1x128xf32>
      %reduce_max3A_583 = arith.constant dense<0xFF800000> : vector<128xf32>
      %reduce_max3A_584 = vector.multi_reduction <maximumf>, %select_n3A, %reduce_max3A_583 [0] : vector<1000x128xf32> to vector<128xf32>
      %broadcast_in_dim3A_585 = vector.shape_cast %reduce_max3A_584 : vector<128xf32> to vector<1x128xf32>
      %max3A_586 = arith.maximumf %get3A_582, %broadcast_in_dim3A_585 : vector<1x128xf32>
      %swap3A_587 = arith.constant 32 : index
      %swap3A_588 = arith.constant 0 : index
      %swap3A_589 = vector.load %arg15[%swap3A_587, %swap3A_588] : memref<64x128xf32, #tpu.memory_space<vmem>>, vector<1x128xf32>
      tpu.vector_store %arg15[%swap3A_587, %swap3A_588], %max3A_586 {strides = array<i32>} : memref<64x128xf32, #tpu.memory_space<vmem>>, vector<1x128xf32>,
    } else {
    }
    %le3A_321 = arith.constant 33 : i32
    %le3A_322 = arith.cmpi sle, %reduce_min3A_55, %le3A_321 : i32
    %ge3A_323 = arith.constant 33 : i32
    %ge3A_324 = arith.cmpi sge, %reduce_max3A_59, %ge3A_323 : i32
    %and3A_325 = arith.andi %le3A_322, %ge3A_324 : i1
    %convert_element_type3A_326 = arith.extui %and3A_325 : i1 to i32
    %cond3A_327 = arith.constant 0 : i32
    %cond3A_328 = arith.cmpi ne, %convert_element_type3A_326, %cond3A_327 : i32
    scf.if %cond3A_328 {
      %eq3A_574 = arith.constant 33 : i32
      %eq3A_575 = vector.broadcast %eq3A_574 : i32 to vector<1000x1xi32>
      %eq3A_576 = arith.cmpi eq, %get3A_30, %eq3A_575 : vector<1000x1xi32>
      %jit3A = arith.constant 0xFF800000 : f32
      %broadcast_in_dim3A_577 = vector.shape_cast %eq3A_576 : vector<1000x1xi1> to vector<1000x1xi1>
      %broadcast_in_dim3A_578 = vector.broadcast %broadcast_in_dim3A_577 : vector<1000x1xi1> to vector<1000x128xi1>
      %broadcast_in_dim3A_579 = vector.broadcast %jit3A : f32 to vector<1000x128xf32>
      %select_n3A = arith.select %broadcast_in_dim3A_578, %max3A_27, %broadcast_in_dim3A_579 : vector<1000x128xi1>, vector<1000x128xf32>
      %get3A_580 = arith.constant 33 : index
      %get3A_581 = arith.constant 0 : index
      %get3A_582 = vector.load %arg15[%get3A_580, %get3A_581] : memref<64x128xf32, #tpu.memory_space<vmem>>, vector<1x128xf32>
      %reduce_max3A_583 = arith.constant dense<0xFF800000> : vector<128xf32>
      %reduce_max3A_584 = vector.multi_reduction <maximumf>, %select_n3A, %reduce_max3A_583 [0] : vector<1000x128xf32> to vector<128xf32>
      %broadcast_in_dim3A_585 = vector.shape_cast %reduce_max3A_584 : vector<128xf32> to vector<1x128xf32>
      %max3A_586 = arith.maximumf %get3A_582, %broadcast_in_dim3A_585 : vector<1x128xf32>
      %swap3A_587 = arith.constant 33 : index
      %swap3A_588 = arith.constant 0 : index
      %swap3A_589 = vector.load %arg15[%swap3A_587, %swap3A_588] : memref<64x128xf32, #tpu.memory_space<vmem>>, vector<1x128xf32>
      tpu.vector_store %arg15[%swap3A_587, %swap3A_588], %max3A_586 {strides = array<i32>} : memref<64x128xf32, #tpu.memory_space<vmem>>, vector<1x128xf32>,
    } else {
    }
    %le3A_329 = arith.constant 34 : i32
    %le3A_330 = arith.cmpi sle, %reduce_min3A_55, %le3A_329 : i32
    %ge3A_331 = arith.constant 34 : i32
    %ge3A_332 = arith.cmpi sge, %reduce_max3A_59, %ge3A_331 : i32
    %and3A_333 = arith.andi %le3A_330, %ge3A_332 : i1
    %convert_element_type3A_334 = arith.extui %and3A_333 : i1 to i32
    %cond3A_335 = arith.constant 0 : i32
    %cond3A_336 = arith.cmpi ne, %convert_element_type3A_334, %cond3A_335 : i32
    scf.if %cond3A_336 {
      %eq3A_574 = arith.constant 34 : i32
      %eq3A_575 = vector.broadcast %eq3A_574 : i32 to vector<1000x1xi32>
      %eq3A_576 = arith.cmpi eq, %get3A_30, %eq3A_575 : vector<1000x1xi32>
      %jit3A = arith.constant 0xFF800000 : f32
      %broadcast_in_dim3A_577 = vector.shape_cast %eq3A_576 : vector<1000x1xi1> to vector<1000x1xi1>
      %broadcast_in_dim3A_578 = vector.broadcast %broadcast_in_dim3A_577 : vector<1000x1xi1> to vector<1000x128xi1>
      %broadcast_in_dim3A_579 = vector.broadcast %jit3A : f32 to vector<1000x128xf32>
      %select_n3A = arith.select %broadcast_in_dim3A_578, %max3A_27, %broadcast_in_dim3A_579 : vector<1000x128xi1>, vector<1000x128xf32>
      %get3A_580 = arith.constant 34 : index
      %get3A_581 = arith.constant 0 : index
      %get3A_582 = vector.load %arg15[%get3A_580, %get3A_581] : memref<64x128xf32, #tpu.memory_space<vmem>>, vector<1x128xf32>
      %reduce_max3A_583 = arith.constant dense<0xFF800000> : vector<128xf32>
      %reduce_max3A_584 = vector.multi_reduction <maximumf>, %select_n3A, %reduce_max3A_583 [0] : vector<1000x128xf32> to vector<128xf32>
      %broadcast_in_dim3A_585 = vector.shape_cast %reduce_max3A_584 : vector<128xf32> to vector<1x128xf32>
      %max3A_586 = arith.maximumf %get3A_582, %broadcast_in_dim3A_585 : vector<1x128xf32>
      %swap3A_587 = arith.constant 34 : index
      %swap3A_588 = arith.constant 0 : index
      %swap3A_589 = vector.load %arg15[%swap3A_587, %swap3A_588] : memref<64x128xf32, #tpu.memory_space<vmem>>, vector<1x128xf32>
      tpu.vector_store %arg15[%swap3A_587, %swap3A_588], %max3A_586 {strides = array<i32>} : memref<64x128xf32, #tpu.memory_space<vmem>>, vector<1x128xf32>,
    } else {
    }
    %le3A_337 = arith.constant 35 : i32
    %le3A_338 = arith.cmpi sle, %reduce_min3A_55, %le3A_337 : i32
    %ge3A_339 = arith.constant 35 : i32
    %ge3A_340 = arith.cmpi sge, %reduce_max3A_59, %ge3A_339 : i32
    %and3A_341 = arith.andi %le3A_338, %ge3A_340 : i1
    %convert_element_type3A_342 = arith.extui %and3A_341 : i1 to i32
    %cond3A_343 = arith.constant 0 : i32
    %cond3A_344 = arith.cmpi ne, %convert_element_type3A_342, %cond3A_343 : i32
    scf.if %cond3A_344 {
      %eq3A_574 = arith.constant 35 : i32
      %eq3A_575 = vector.broadcast %eq3A_574 : i32 to vector<1000x1xi32>
      %eq3A_576 = arith.cmpi eq, %get3A_30, %eq3A_575 : vector<1000x1xi32>
      %jit3A = arith.constant 0xFF800000 : f32
      %broadcast_in_dim3A_577 = vector.shape_cast %eq3A_576 : vector<1000x1xi1> to vector<1000x1xi1>
      %broadcast_in_dim3A_578 = vector.broadcast %broadcast_in_dim3A_577 : vector<1000x1xi1> to vector<1000x128xi1>
      %broadcast_in_dim3A_579 = vector.broadcast %jit3A : f32 to vector<1000x128xf32>
      %select_n3A = arith.select %broadcast_in_dim3A_578, %max3A_27, %broadcast_in_dim3A_579 : vector<1000x128xi1>, vector<1000x128xf32>
      %get3A_580 = arith.constant 35 : index
      %get3A_581 = arith.constant 0 : index
      %get3A_582 = vector.load %arg15[%get3A_580, %get3A_581] : memref<64x128xf32, #tpu.memory_space<vmem>>, vector<1x128xf32>
      %reduce_max3A_583 = arith.constant dense<0xFF800000> : vector<128xf32>
      %reduce_max3A_584 = vector.multi_reduction <maximumf>, %select_n3A, %reduce_max3A_583 [0] : vector<1000x128xf32> to vector<128xf32>
      %broadcast_in_dim3A_585 = vector.shape_cast %reduce_max3A_584 : vector<128xf32> to vector<1x128xf32>
      %max3A_586 = arith.maximumf %get3A_582, %broadcast_in_dim3A_585 : vector<1x128xf32>
      %swap3A_587 = arith.constant 35 : index
      %swap3A_588 = arith.constant 0 : index
      %swap3A_589 = vector.load %arg15[%swap3A_587, %swap3A_588] : memref<64x128xf32, #tpu.memory_space<vmem>>, vector<1x128xf32>
      tpu.vector_store %arg15[%swap3A_587, %swap3A_588], %max3A_586 {strides = array<i32>} : memref<64x128xf32, #tpu.memory_space<vmem>>, vector<1x128xf32>,
    } else {
    }
    %le3A_345 = arith.constant 36 : i32
    %le3A_346 = arith.cmpi sle, %reduce_min3A_55, %le3A_345 : i32
    %ge3A_347 = arith.constant 36 : i32
    %ge3A_348 = arith.cmpi sge, %reduce_max3A_59, %ge3A_347 : i32
    %and3A_349 = arith.andi %le3A_346, %ge3A_348 : i1
    %convert_element_type3A_350 = arith.extui %and3A_349 : i1 to i32
    %cond3A_351 = arith.constant 0 : i32
    %cond3A_352 = arith.cmpi ne, %convert_element_type3A_350, %cond3A_351 : i32
    scf.if %cond3A_352 {
      %eq3A_574 = arith.constant 36 : i32
      %eq3A_575 = vector.broadcast %eq3A_574 : i32 to vector<1000x1xi32>
      %eq3A_576 = arith.cmpi eq, %get3A_30, %eq3A_575 : vector<1000x1xi32>
      %jit3A = arith.constant 0xFF800000 : f32
      %broadcast_in_dim3A_577 = vector.shape_cast %eq3A_576 : vector<1000x1xi1> to vector<1000x1xi1>
      %broadcast_in_dim3A_578 = vector.broadcast %broadcast_in_dim3A_577 : vector<1000x1xi1> to vector<1000x128xi1>
      %broadcast_in_dim3A_579 = vector.broadcast %jit3A : f32 to vector<1000x128xf32>
      %select_n3A = arith.select %broadcast_in_dim3A_578, %max3A_27, %broadcast_in_dim3A_579 : vector<1000x128xi1>, vector<1000x128xf32>
      %get3A_580 = arith.constant 36 : index
      %get3A_581 = arith.constant 0 : index
      %get3A_582 = vector.load %arg15[%get3A_580, %get3A_581] : memref<64x128xf32, #tpu.memory_space<vmem>>, vector<1x128xf32>
      %reduce_max3A_583 = arith.constant dense<0xFF800000> : vector<128xf32>
      %reduce_max3A_584 = vector.multi_reduction <maximumf>, %select_n3A, %reduce_max3A_583 [0] : vector<1000x128xf32> to vector<128xf32>
      %broadcast_in_dim3A_585 = vector.shape_cast %reduce_max3A_584 : vector<128xf32> to vector<1x128xf32>
      %max3A_586 = arith.maximumf %get3A_582, %broadcast_in_dim3A_585 : vector<1x128xf32>
      %swap3A_587 = arith.constant 36 : index
      %swap3A_588 = arith.constant 0 : index
      %swap3A_589 = vector.load %arg15[%swap3A_587, %swap3A_588] : memref<64x128xf32, #tpu.memory_space<vmem>>, vector<1x128xf32>
      tpu.vector_store %arg15[%swap3A_587, %swap3A_588], %max3A_586 {strides = array<i32>} : memref<64x128xf32, #tpu.memory_space<vmem>>, vector<1x128xf32>,
    } else {
    }
    %le3A_353 = arith.constant 37 : i32
    %le3A_354 = arith.cmpi sle, %reduce_min3A_55, %le3A_353 : i32
    %ge3A_355 = arith.constant 37 : i32
    %ge3A_356 = arith.cmpi sge, %reduce_max3A_59, %ge3A_355 : i32
    %and3A_357 = arith.andi %le3A_354, %ge3A_356 : i1
    %convert_element_type3A_358 = arith.extui %and3A_357 : i1 to i32
    %cond3A_359 = arith.constant 0 : i32
    %cond3A_360 = arith.cmpi ne, %convert_element_type3A_358, %cond3A_359 : i32
    scf.if %cond3A_360 {
      %eq3A_574 = arith.constant 37 : i32
      %eq3A_575 = vector.broadcast %eq3A_574 : i32 to vector<1000x1xi32>
      %eq3A_576 = arith.cmpi eq, %get3A_30, %eq3A_575 : vector<1000x1xi32>
      %jit3A = arith.constant 0xFF800000 : f32
      %broadcast_in_dim3A_577 = vector.shape_cast %eq3A_576 : vector<1000x1xi1> to vector<1000x1xi1>
      %broadcast_in_dim3A_578 = vector.broadcast %broadcast_in_dim3A_577 : vector<1000x1xi1> to vector<1000x128xi1>
      %broadcast_in_dim3A_579 = vector.broadcast %jit3A : f32 to vector<1000x128xf32>
      %select_n3A = arith.select %broadcast_in_dim3A_578, %max3A_27, %broadcast_in_dim3A_579 : vector<1000x128xi1>, vector<1000x128xf32>
      %get3A_580 = arith.constant 37 : index
      %get3A_581 = arith.constant 0 : index
      %get3A_582 = vector.load %arg15[%get3A_580, %get3A_581] : memref<64x128xf32, #tpu.memory_space<vmem>>, vector<1x128xf32>
      %reduce_max3A_583 = arith.constant dense<0xFF800000> : vector<128xf32>
      %reduce_max3A_584 = vector.multi_reduction <maximumf>, %select_n3A, %reduce_max3A_583 [0] : vector<1000x128xf32> to vector<128xf32>
      %broadcast_in_dim3A_585 = vector.shape_cast %reduce_max3A_584 : vector<128xf32> to vector<1x128xf32>
      %max3A_586 = arith.maximumf %get3A_582, %broadcast_in_dim3A_585 : vector<1x128xf32>
      %swap3A_587 = arith.constant 37 : index
      %swap3A_588 = arith.constant 0 : index
      %swap3A_589 = vector.load %arg15[%swap3A_587, %swap3A_588] : memref<64x128xf32, #tpu.memory_space<vmem>>, vector<1x128xf32>
      tpu.vector_store %arg15[%swap3A_587, %swap3A_588], %max3A_586 {strides = array<i32>} : memref<64x128xf32, #tpu.memory_space<vmem>>, vector<1x128xf32>,
    } else {
    }
    %le3A_361 = arith.constant 38 : i32
    %le3A_362 = arith.cmpi sle, %reduce_min3A_55, %le3A_361 : i32
    %ge3A_363 = arith.constant 38 : i32
    %ge3A_364 = arith.cmpi sge, %reduce_max3A_59, %ge3A_363 : i32
    %and3A_365 = arith.andi %le3A_362, %ge3A_364 : i1
    %convert_element_type3A_366 = arith.extui %and3A_365 : i1 to i32
    %cond3A_367 = arith.constant 0 : i32
    %cond3A_368 = arith.cmpi ne, %convert_element_type3A_366, %cond3A_367 : i32
    scf.if %cond3A_368 {
      %eq3A_574 = arith.constant 38 : i32
      %eq3A_575 = vector.broadcast %eq3A_574 : i32 to vector<1000x1xi32>
      %eq3A_576 = arith.cmpi eq, %get3A_30, %eq3A_575 : vector<1000x1xi32>
      %jit3A = arith.constant 0xFF800000 : f32
      %broadcast_in_dim3A_577 = vector.shape_cast %eq3A_576 : vector<1000x1xi1> to vector<1000x1xi1>
      %broadcast_in_dim3A_578 = vector.broadcast %broadcast_in_dim3A_577 : vector<1000x1xi1> to vector<1000x128xi1>
      %broadcast_in_dim3A_579 = vector.broadcast %jit3A : f32 to vector<1000x128xf32>
      %select_n3A = arith.select %broadcast_in_dim3A_578, %max3A_27, %broadcast_in_dim3A_579 : vector<1000x128xi1>, vector<1000x128xf32>
      %get3A_580 = arith.constant 38 : index
      %get3A_581 = arith.constant 0 : index
      %get3A_582 = vector.load %arg15[%get3A_580, %get3A_581] : memref<64x128xf32, #tpu.memory_space<vmem>>, vector<1x128xf32>
      %reduce_max3A_583 = arith.constant dense<0xFF800000> : vector<128xf32>
      %reduce_max3A_584 = vector.multi_reduction <maximumf>, %select_n3A, %reduce_max3A_583 [0] : vector<1000x128xf32> to vector<128xf32>
      %broadcast_in_dim3A_585 = vector.shape_cast %reduce_max3A_584 : vector<128xf32> to vector<1x128xf32>
      %max3A_586 = arith.maximumf %get3A_582, %broadcast_in_dim3A_585 : vector<1x128xf32>
      %swap3A_587 = arith.constant 38 : index
      %swap3A_588 = arith.constant 0 : index
      %swap3A_589 = vector.load %arg15[%swap3A_587, %swap3A_588] : memref<64x128xf32, #tpu.memory_space<vmem>>, vector<1x128xf32>
      tpu.vector_store %arg15[%swap3A_587, %swap3A_588], %max3A_586 {strides = array<i32>} : memref<64x128xf32, #tpu.memory_space<vmem>>, vector<1x128xf32>,
    } else {
    }
    %le3A_369 = arith.constant 39 : i32
    %le3A_370 = arith.cmpi sle, %reduce_min3A_55, %le3A_369 : i32
    %ge3A_371 = arith.constant 39 : i32
    %ge3A_372 = arith.cmpi sge, %reduce_max3A_59, %ge3A_371 : i32
    %and3A_373 = arith.andi %le3A_370, %ge3A_372 : i1
    %convert_element_type3A_374 = arith.extui %and3A_373 : i1 to i32
    %cond3A_375 = arith.constant 0 : i32
    %cond3A_376 = arith.cmpi ne, %convert_element_type3A_374, %cond3A_375 : i32
    scf.if %cond3A_376 {
      %eq3A_574 = arith.constant 39 : i32
      %eq3A_575 = vector.broadcast %eq3A_574 : i32 to vector<1000x1xi32>
      %eq3A_576 = arith.cmpi eq, %get3A_30, %eq3A_575 : vector<1000x1xi32>
      %jit3A = arith.constant 0xFF800000 : f32
      %broadcast_in_dim3A_577 = vector.shape_cast %eq3A_576 : vector<1000x1xi1> to vector<1000x1xi1>
      %broadcast_in_dim3A_578 = vector.broadcast %broadcast_in_dim3A_577 : vector<1000x1xi1> to vector<1000x128xi1>
      %broadcast_in_dim3A_579 = vector.broadcast %jit3A : f32 to vector<1000x128xf32>
      %select_n3A = arith.select %broadcast_in_dim3A_578, %max3A_27, %broadcast_in_dim3A_579 : vector<1000x128xi1>, vector<1000x128xf32>
      %get3A_580 = arith.constant 39 : index
      %get3A_581 = arith.constant 0 : index
      %get3A_582 = vector.load %arg15[%get3A_580, %get3A_581] : memref<64x128xf32, #tpu.memory_space<vmem>>, vector<1x128xf32>
      %reduce_max3A_583 = arith.constant dense<0xFF800000> : vector<128xf32>
      %reduce_max3A_584 = vector.multi_reduction <maximumf>, %select_n3A, %reduce_max3A_583 [0] : vector<1000x128xf32> to vector<128xf32>
      %broadcast_in_dim3A_585 = vector.shape_cast %reduce_max3A_584 : vector<128xf32> to vector<1x128xf32>
      %max3A_586 = arith.maximumf %get3A_582, %broadcast_in_dim3A_585 : vector<1x128xf32>
      %swap3A_587 = arith.constant 39 : index
      %swap3A_588 = arith.constant 0 : index
      %swap3A_589 = vector.load %arg15[%swap3A_587, %swap3A_588] : memref<64x128xf32, #tpu.memory_space<vmem>>, vector<1x128xf32>
      tpu.vector_store %arg15[%swap3A_587, %swap3A_588], %max3A_586 {strides = array<i32>} : memref<64x128xf32, #tpu.memory_space<vmem>>, vector<1x128xf32>,
    } else {
    }
    %le3A_377 = arith.constant 40 : i32
    %le3A_378 = arith.cmpi sle, %reduce_min3A_55, %le3A_377 : i32
    %ge3A_379 = arith.constant 40 : i32
    %ge3A_380 = arith.cmpi sge, %reduce_max3A_59, %ge3A_379 : i32
    %and3A_381 = arith.andi %le3A_378, %ge3A_380 : i1
    %convert_element_type3A_382 = arith.extui %and3A_381 : i1 to i32
    %cond3A_383 = arith.constant 0 : i32
    %cond3A_384 = arith.cmpi ne, %convert_element_type3A_382, %cond3A_383 : i32
    scf.if %cond3A_384 {
      %eq3A_574 = arith.constant 40 : i32
      %eq3A_575 = vector.broadcast %eq3A_574 : i32 to vector<1000x1xi32>
      %eq3A_576 = arith.cmpi eq, %get3A_30, %eq3A_575 : vector<1000x1xi32>
      %jit3A = arith.constant 0xFF800000 : f32
      %broadcast_in_dim3A_577 = vector.shape_cast %eq3A_576 : vector<1000x1xi1> to vector<1000x1xi1>
      %broadcast_in_dim3A_578 = vector.broadcast %broadcast_in_dim3A_577 : vector<1000x1xi1> to vector<1000x128xi1>
      %broadcast_in_dim3A_579 = vector.broadcast %jit3A : f32 to vector<1000x128xf32>
      %select_n3A = arith.select %broadcast_in_dim3A_578, %max3A_27, %broadcast_in_dim3A_579 : vector<1000x128xi1>, vector<1000x128xf32>
      %get3A_580 = arith.constant 40 : index
      %get3A_581 = arith.constant 0 : index
      %get3A_582 = vector.load %arg15[%get3A_580, %get3A_581] : memref<64x128xf32, #tpu.memory_space<vmem>>, vector<1x128xf32>
      %reduce_max3A_583 = arith.constant dense<0xFF800000> : vector<128xf32>
      %reduce_max3A_584 = vector.multi_reduction <maximumf>, %select_n3A, %reduce_max3A_583 [0] : vector<1000x128xf32> to vector<128xf32>
      %broadcast_in_dim3A_585 = vector.shape_cast %reduce_max3A_584 : vector<128xf32> to vector<1x128xf32>
      %max3A_586 = arith.maximumf %get3A_582, %broadcast_in_dim3A_585 : vector<1x128xf32>
      %swap3A_587 = arith.constant 40 : index
      %swap3A_588 = arith.constant 0 : index
      %swap3A_589 = vector.load %arg15[%swap3A_587, %swap3A_588] : memref<64x128xf32, #tpu.memory_space<vmem>>, vector<1x128xf32>
      tpu.vector_store %arg15[%swap3A_587, %swap3A_588], %max3A_586 {strides = array<i32>} : memref<64x128xf32, #tpu.memory_space<vmem>>, vector<1x128xf32>,
    } else {
    }
    %le3A_385 = arith.constant 41 : i32
    %le3A_386 = arith.cmpi sle, %reduce_min3A_55, %le3A_385 : i32
    %ge3A_387 = arith.constant 41 : i32
    %ge3A_388 = arith.cmpi sge, %reduce_max3A_59, %ge3A_387 : i32
    %and3A_389 = arith.andi %le3A_386, %ge3A_388 : i1
    %convert_element_type3A_390 = arith.extui %and3A_389 : i1 to i32
    %cond3A_391 = arith.constant 0 : i32
    %cond3A_392 = arith.cmpi ne, %convert_element_type3A_390, %cond3A_391 : i32
    scf.if %cond3A_392 {
      %eq3A_574 = arith.constant 41 : i32
      %eq3A_575 = vector.broadcast %eq3A_574 : i32 to vector<1000x1xi32>
      %eq3A_576 = arith.cmpi eq, %get3A_30, %eq3A_575 : vector<1000x1xi32>
      %jit3A = arith.constant 0xFF800000 : f32
      %broadcast_in_dim3A_577 = vector.shape_cast %eq3A_576 : vector<1000x1xi1> to vector<1000x1xi1>
      %broadcast_in_dim3A_578 = vector.broadcast %broadcast_in_dim3A_577 : vector<1000x1xi1> to vector<1000x128xi1>
      %broadcast_in_dim3A_579 = vector.broadcast %jit3A : f32 to vector<1000x128xf32>
      %select_n3A = arith.select %broadcast_in_dim3A_578, %max3A_27, %broadcast_in_dim3A_579 : vector<1000x128xi1>, vector<1000x128xf32>
      %get3A_580 = arith.constant 41 : index
      %get3A_581 = arith.constant 0 : index
      %get3A_582 = vector.load %arg15[%get3A_580, %get3A_581] : memref<64x128xf32, #tpu.memory_space<vmem>>, vector<1x128xf32>
      %reduce_max3A_583 = arith.constant dense<0xFF800000> : vector<128xf32>
      %reduce_max3A_584 = vector.multi_reduction <maximumf>, %select_n3A, %reduce_max3A_583 [0] : vector<1000x128xf32> to vector<128xf32>
      %broadcast_in_dim3A_585 = vector.shape_cast %reduce_max3A_584 : vector<128xf32> to vector<1x128xf32>
      %max3A_586 = arith.maximumf %get3A_582, %broadcast_in_dim3A_585 : vector<1x128xf32>
      %swap3A_587 = arith.constant 41 : index
      %swap3A_588 = arith.constant 0 : index
      %swap3A_589 = vector.load %arg15[%swap3A_587, %swap3A_588] : memref<64x128xf32, #tpu.memory_space<vmem>>, vector<1x128xf32>
      tpu.vector_store %arg15[%swap3A_587, %swap3A_588], %max3A_586 {strides = array<i32>} : memref<64x128xf32, #tpu.memory_space<vmem>>, vector<1x128xf32>,
    } else {
    }
    %le3A_393 = arith.constant 42 : i32
    %le3A_394 = arith.cmpi sle, %reduce_min3A_55, %le3A_393 : i32
    %ge3A_395 = arith.constant 42 : i32
    %ge3A_396 = arith.cmpi sge, %reduce_max3A_59, %ge3A_395 : i32
    %and3A_397 = arith.andi %le3A_394, %ge3A_396 : i1
    %convert_element_type3A_398 = arith.extui %and3A_397 : i1 to i32
    %cond3A_399 = arith.constant 0 : i32
    %cond3A_400 = arith.cmpi ne, %convert_element_type3A_398, %cond3A_399 : i32
    scf.if %cond3A_400 {
      %eq3A_574 = arith.constant 42 : i32
      %eq3A_575 = vector.broadcast %eq3A_574 : i32 to vector<1000x1xi32>
      %eq3A_576 = arith.cmpi eq, %get3A_30, %eq3A_575 : vector<1000x1xi32>
      %jit3A = arith.constant 0xFF800000 : f32
      %broadcast_in_dim3A_577 = vector.shape_cast %eq3A_576 : vector<1000x1xi1> to vector<1000x1xi1>
      %broadcast_in_dim3A_578 = vector.broadcast %broadcast_in_dim3A_577 : vector<1000x1xi1> to vector<1000x128xi1>
      %broadcast_in_dim3A_579 = vector.broadcast %jit3A : f32 to vector<1000x128xf32>
      %select_n3A = arith.select %broadcast_in_dim3A_578, %max3A_27, %broadcast_in_dim3A_579 : vector<1000x128xi1>, vector<1000x128xf32>
      %get3A_580 = arith.constant 42 : index
      %get3A_581 = arith.constant 0 : index
      %get3A_582 = vector.load %arg15[%get3A_580, %get3A_581] : memref<64x128xf32, #tpu.memory_space<vmem>>, vector<1x128xf32>
      %reduce_max3A_583 = arith.constant dense<0xFF800000> : vector<128xf32>
      %reduce_max3A_584 = vector.multi_reduction <maximumf>, %select_n3A, %reduce_max3A_583 [0] : vector<1000x128xf32> to vector<128xf32>
      %broadcast_in_dim3A_585 = vector.shape_cast %reduce_max3A_584 : vector<128xf32> to vector<1x128xf32>
      %max3A_586 = arith.maximumf %get3A_582, %broadcast_in_dim3A_585 : vector<1x128xf32>
      %swap3A_587 = arith.constant 42 : index
      %swap3A_588 = arith.constant 0 : index
      %swap3A_589 = vector.load %arg15[%swap3A_587, %swap3A_588] : memref<64x128xf32, #tpu.memory_space<vmem>>, vector<1x128xf32>
      tpu.vector_store %arg15[%swap3A_587, %swap3A_588], %max3A_586 {strides = array<i32>} : memref<64x128xf32, #tpu.memory_space<vmem>>, vector<1x128xf32>,
    } else {
    }
    %le3A_401 = arith.constant 43 : i32
    %le3A_402 = arith.cmpi sle, %reduce_min3A_55, %le3A_401 : i32
    %ge3A_403 = arith.constant 43 : i32
    %ge3A_404 = arith.cmpi sge, %reduce_max3A_59, %ge3A_403 : i32
    %and3A_405 = arith.andi %le3A_402, %ge3A_404 : i1
    %convert_element_type3A_406 = arith.extui %and3A_405 : i1 to i32
    %cond3A_407 = arith.constant 0 : i32
    %cond3A_408 = arith.cmpi ne, %convert_element_type3A_406, %cond3A_407 : i32
    scf.if %cond3A_408 {
      %eq3A_574 = arith.constant 43 : i32
      %eq3A_575 = vector.broadcast %eq3A_574 : i32 to vector<1000x1xi32>
      %eq3A_576 = arith.cmpi eq, %get3A_30, %eq3A_575 : vector<1000x1xi32>
      %jit3A = arith.constant 0xFF800000 : f32
      %broadcast_in_dim3A_577 = vector.shape_cast %eq3A_576 : vector<1000x1xi1> to vector<1000x1xi1>
      %broadcast_in_dim3A_578 = vector.broadcast %broadcast_in_dim3A_577 : vector<1000x1xi1> to vector<1000x128xi1>
      %broadcast_in_dim3A_579 = vector.broadcast %jit3A : f32 to vector<1000x128xf32>
      %select_n3A = arith.select %broadcast_in_dim3A_578, %max3A_27, %broadcast_in_dim3A_579 : vector<1000x128xi1>, vector<1000x128xf32>
      %get3A_580 = arith.constant 43 : index
      %get3A_581 = arith.constant 0 : index
      %get3A_582 = vector.load %arg15[%get3A_580, %get3A_581] : memref<64x128xf32, #tpu.memory_space<vmem>>, vector<1x128xf32>
      %reduce_max3A_583 = arith.constant dense<0xFF800000> : vector<128xf32>
      %reduce_max3A_584 = vector.multi_reduction <maximumf>, %select_n3A, %reduce_max3A_583 [0] : vector<1000x128xf32> to vector<128xf32>
      %broadcast_in_dim3A_585 = vector.shape_cast %reduce_max3A_584 : vector<128xf32> to vector<1x128xf32>
      %max3A_586 = arith.maximumf %get3A_582, %broadcast_in_dim3A_585 : vector<1x128xf32>
      %swap3A_587 = arith.constant 43 : index
      %swap3A_588 = arith.constant 0 : index
      %swap3A_589 = vector.load %arg15[%swap3A_587, %swap3A_588] : memref<64x128xf32, #tpu.memory_space<vmem>>, vector<1x128xf32>
      tpu.vector_store %arg15[%swap3A_587, %swap3A_588], %max3A_586 {strides = array<i32>} : memref<64x128xf32, #tpu.memory_space<vmem>>, vector<1x128xf32>,
    } else {
    }
    %le3A_409 = arith.constant 44 : i32
    %le3A_410 = arith.cmpi sle, %reduce_min3A_55, %le3A_409 : i32
    %ge3A_411 = arith.constant 44 : i32
    %ge3A_412 = arith.cmpi sge, %reduce_max3A_59, %ge3A_411 : i32
    %and3A_413 = arith.andi %le3A_410, %ge3A_412 : i1
    %convert_element_type3A_414 = arith.extui %and3A_413 : i1 to i32
    %cond3A_415 = arith.constant 0 : i32
    %cond3A_416 = arith.cmpi ne, %convert_element_type3A_414, %cond3A_415 : i32
    scf.if %cond3A_416 {
      %eq3A_574 = arith.constant 44 : i32
      %eq3A_575 = vector.broadcast %eq3A_574 : i32 to vector<1000x1xi32>
      %eq3A_576 = arith.cmpi eq, %get3A_30, %eq3A_575 : vector<1000x1xi32>
      %jit3A = arith.constant 0xFF800000 : f32
      %broadcast_in_dim3A_577 = vector.shape_cast %eq3A_576 : vector<1000x1xi1> to vector<1000x1xi1>
      %broadcast_in_dim3A_578 = vector.broadcast %broadcast_in_dim3A_577 : vector<1000x1xi1> to vector<1000x128xi1>
      %broadcast_in_dim3A_579 = vector.broadcast %jit3A : f32 to vector<1000x128xf32>
      %select_n3A = arith.select %broadcast_in_dim3A_578, %max3A_27, %broadcast_in_dim3A_579 : vector<1000x128xi1>, vector<1000x128xf32>
      %get3A_580 = arith.constant 44 : index
      %get3A_581 = arith.constant 0 : index
      %get3A_582 = vector.load %arg15[%get3A_580, %get3A_581] : memref<64x128xf32, #tpu.memory_space<vmem>>, vector<1x128xf32>
      %reduce_max3A_583 = arith.constant dense<0xFF800000> : vector<128xf32>
      %reduce_max3A_584 = vector.multi_reduction <maximumf>, %select_n3A, %reduce_max3A_583 [0] : vector<1000x128xf32> to vector<128xf32>
      %broadcast_in_dim3A_585 = vector.shape_cast %reduce_max3A_584 : vector<128xf32> to vector<1x128xf32>
      %max3A_586 = arith.maximumf %get3A_582, %broadcast_in_dim3A_585 : vector<1x128xf32>
      %swap3A_587 = arith.constant 44 : index
      %swap3A_588 = arith.constant 0 : index
      %swap3A_589 = vector.load %arg15[%swap3A_587, %swap3A_588] : memref<64x128xf32, #tpu.memory_space<vmem>>, vector<1x128xf32>
      tpu.vector_store %arg15[%swap3A_587, %swap3A_588], %max3A_586 {strides = array<i32>} : memref<64x128xf32, #tpu.memory_space<vmem>>, vector<1x128xf32>,
    } else {
    }
    %le3A_417 = arith.constant 45 : i32
    %le3A_418 = arith.cmpi sle, %reduce_min3A_55, %le3A_417 : i32
    %ge3A_419 = arith.constant 45 : i32
    %ge3A_420 = arith.cmpi sge, %reduce_max3A_59, %ge3A_419 : i32
    %and3A_421 = arith.andi %le3A_418, %ge3A_420 : i1
    %convert_element_type3A_422 = arith.extui %and3A_421 : i1 to i32
    %cond3A_423 = arith.constant 0 : i32
    %cond3A_424 = arith.cmpi ne, %convert_element_type3A_422, %cond3A_423 : i32
    scf.if %cond3A_424 {
      %eq3A_574 = arith.constant 45 : i32
      %eq3A_575 = vector.broadcast %eq3A_574 : i32 to vector<1000x1xi32>
      %eq3A_576 = arith.cmpi eq, %get3A_30, %eq3A_575 : vector<1000x1xi32>
      %jit3A = arith.constant 0xFF800000 : f32
      %broadcast_in_dim3A_577 = vector.shape_cast %eq3A_576 : vector<1000x1xi1> to vector<1000x1xi1>
      %broadcast_in_dim3A_578 = vector.broadcast %broadcast_in_dim3A_577 : vector<1000x1xi1> to vector<1000x128xi1>
      %broadcast_in_dim3A_579 = vector.broadcast %jit3A : f32 to vector<1000x128xf32>
      %select_n3A = arith.select %broadcast_in_dim3A_578, %max3A_27, %broadcast_in_dim3A_579 : vector<1000x128xi1>, vector<1000x128xf32>
      %get3A_580 = arith.constant 45 : index
      %get3A_581 = arith.constant 0 : index
      %get3A_582 = vector.load %arg15[%get3A_580, %get3A_581] : memref<64x128xf32, #tpu.memory_space<vmem>>, vector<1x128xf32>
      %reduce_max3A_583 = arith.constant dense<0xFF800000> : vector<128xf32>
      %reduce_max3A_584 = vector.multi_reduction <maximumf>, %select_n3A, %reduce_max3A_583 [0] : vector<1000x128xf32> to vector<128xf32>
      %broadcast_in_dim3A_585 = vector.shape_cast %reduce_max3A_584 : vector<128xf32> to vector<1x128xf32>
      %max3A_586 = arith.maximumf %get3A_582, %broadcast_in_dim3A_585 : vector<1x128xf32>
      %swap3A_587 = arith.constant 45 : index
      %swap3A_588 = arith.constant 0 : index
      %swap3A_589 = vector.load %arg15[%swap3A_587, %swap3A_588] : memref<64x128xf32, #tpu.memory_space<vmem>>, vector<1x128xf32>
      tpu.vector_store %arg15[%swap3A_587, %swap3A_588], %max3A_586 {strides = array<i32>} : memref<64x128xf32, #tpu.memory_space<vmem>>, vector<1x128xf32>,
    } else {
    }
    %le3A_425 = arith.constant 46 : i32
    %le3A_426 = arith.cmpi sle, %reduce_min3A_55, %le3A_425 : i32
    %ge3A_427 = arith.constant 46 : i32
    %ge3A_428 = arith.cmpi sge, %reduce_max3A_59, %ge3A_427 : i32
    %and3A_429 = arith.andi %le3A_426, %ge3A_428 : i1
    %convert_element_type3A_430 = arith.extui %and3A_429 : i1 to i32
    %cond3A_431 = arith.constant 0 : i32
    %cond3A_432 = arith.cmpi ne, %convert_element_type3A_430, %cond3A_431 : i32
    scf.if %cond3A_432 {
      %eq3A_574 = arith.constant 46 : i32
      %eq3A_575 = vector.broadcast %eq3A_574 : i32 to vector<1000x1xi32>
      %eq3A_576 = arith.cmpi eq, %get3A_30, %eq3A_575 : vector<1000x1xi32>
      %jit3A = arith.constant 0xFF800000 : f32
      %broadcast_in_dim3A_577 = vector.shape_cast %eq3A_576 : vector<1000x1xi1> to vector<1000x1xi1>
      %broadcast_in_dim3A_578 = vector.broadcast %broadcast_in_dim3A_577 : vector<1000x1xi1> to vector<1000x128xi1>
      %broadcast_in_dim3A_579 = vector.broadcast %jit3A : f32 to vector<1000x128xf32>
      %select_n3A = arith.select %broadcast_in_dim3A_578, %max3A_27, %broadcast_in_dim3A_579 : vector<1000x128xi1>, vector<1000x128xf32>
      %get3A_580 = arith.constant 46 : index
      %get3A_581 = arith.constant 0 : index
      %get3A_582 = vector.load %arg15[%get3A_580, %get3A_581] : memref<64x128xf32, #tpu.memory_space<vmem>>, vector<1x128xf32>
      %reduce_max3A_583 = arith.constant dense<0xFF800000> : vector<128xf32>
      %reduce_max3A_584 = vector.multi_reduction <maximumf>, %select_n3A, %reduce_max3A_583 [0] : vector<1000x128xf32> to vector<128xf32>
      %broadcast_in_dim3A_585 = vector.shape_cast %reduce_max3A_584 : vector<128xf32> to vector<1x128xf32>
      %max3A_586 = arith.maximumf %get3A_582, %broadcast_in_dim3A_585 : vector<1x128xf32>
      %swap3A_587 = arith.constant 46 : index
      %swap3A_588 = arith.constant 0 : index
      %swap3A_589 = vector.load %arg15[%swap3A_587, %swap3A_588] : memref<64x128xf32, #tpu.memory_space<vmem>>, vector<1x128xf32>
      tpu.vector_store %arg15[%swap3A_587, %swap3A_588], %max3A_586 {strides = array<i32>} : memref<64x128xf32, #tpu.memory_space<vmem>>, vector<1x128xf32>,
    } else {
    }
    %le3A_433 = arith.constant 47 : i32
    %le3A_434 = arith.cmpi sle, %reduce_min3A_55, %le3A_433 : i32
    %ge3A_435 = arith.constant 47 : i32
    %ge3A_436 = arith.cmpi sge, %reduce_max3A_59, %ge3A_435 : i32
    %and3A_437 = arith.andi %le3A_434, %ge3A_436 : i1
    %convert_element_type3A_438 = arith.extui %and3A_437 : i1 to i32
    %cond3A_439 = arith.constant 0 : i32
    %cond3A_440 = arith.cmpi ne, %convert_element_type3A_438, %cond3A_439 : i32
    scf.if %cond3A_440 {
      %eq3A_574 = arith.constant 47 : i32
      %eq3A_575 = vector.broadcast %eq3A_574 : i32 to vector<1000x1xi32>
      %eq3A_576 = arith.cmpi eq, %get3A_30, %eq3A_575 : vector<1000x1xi32>
      %jit3A = arith.constant 0xFF800000 : f32
      %broadcast_in_dim3A_577 = vector.shape_cast %eq3A_576 : vector<1000x1xi1> to vector<1000x1xi1>
      %broadcast_in_dim3A_578 = vector.broadcast %broadcast_in_dim3A_577 : vector<1000x1xi1> to vector<1000x128xi1>
      %broadcast_in_dim3A_579 = vector.broadcast %jit3A : f32 to vector<1000x128xf32>
      %select_n3A = arith.select %broadcast_in_dim3A_578, %max3A_27, %broadcast_in_dim3A_579 : vector<1000x128xi1>, vector<1000x128xf32>
      %get3A_580 = arith.constant 47 : index
      %get3A_581 = arith.constant 0 : index
      %get3A_582 = vector.load %arg15[%get3A_580, %get3A_581] : memref<64x128xf32, #tpu.memory_space<vmem>>, vector<1x128xf32>
      %reduce_max3A_583 = arith.constant dense<0xFF800000> : vector<128xf32>
      %reduce_max3A_584 = vector.multi_reduction <maximumf>, %select_n3A, %reduce_max3A_583 [0] : vector<1000x128xf32> to vector<128xf32>
      %broadcast_in_dim3A_585 = vector.shape_cast %reduce_max3A_584 : vector<128xf32> to vector<1x128xf32>
      %max3A_586 = arith.maximumf %get3A_582, %broadcast_in_dim3A_585 : vector<1x128xf32>
      %swap3A_587 = arith.constant 47 : index
      %swap3A_588 = arith.constant 0 : index
      %swap3A_589 = vector.load %arg15[%swap3A_587, %swap3A_588] : memref<64x128xf32, #tpu.memory_space<vmem>>, vector<1x128xf32>
      tpu.vector_store %arg15[%swap3A_587, %swap3A_588], %max3A_586 {strides = array<i32>} : memref<64x128xf32, #tpu.memory_space<vmem>>, vector<1x128xf32>,
    } else {
    }
    %le3A_441 = arith.constant 48 : i32
    %le3A_442 = arith.cmpi sle, %reduce_min3A_55, %le3A_441 : i32
    %ge3A_443 = arith.constant 48 : i32
    %ge3A_444 = arith.cmpi sge, %reduce_max3A_59, %ge3A_443 : i32
    %and3A_445 = arith.andi %le3A_442, %ge3A_444 : i1
    %convert_element_type3A_446 = arith.extui %and3A_445 : i1 to i32
    %cond3A_447 = arith.constant 0 : i32
    %cond3A_448 = arith.cmpi ne, %convert_element_type3A_446, %cond3A_447 : i32
    scf.if %cond3A_448 {
      %eq3A_574 = arith.constant 48 : i32
      %eq3A_575 = vector.broadcast %eq3A_574 : i32 to vector<1000x1xi32>
      %eq3A_576 = arith.cmpi eq, %get3A_30, %eq3A_575 : vector<1000x1xi32>
      %jit3A = arith.constant 0xFF800000 : f32
      %broadcast_in_dim3A_577 = vector.shape_cast %eq3A_576 : vector<1000x1xi1> to vector<1000x1xi1>
      %broadcast_in_dim3A_578 = vector.broadcast %broadcast_in_dim3A_577 : vector<1000x1xi1> to vector<1000x128xi1>
      %broadcast_in_dim3A_579 = vector.broadcast %jit3A : f32 to vector<1000x128xf32>
      %select_n3A = arith.select %broadcast_in_dim3A_578, %max3A_27, %broadcast_in_dim3A_579 : vector<1000x128xi1>, vector<1000x128xf32>
      %get3A_580 = arith.constant 48 : index
      %get3A_581 = arith.constant 0 : index
      %get3A_582 = vector.load %arg15[%get3A_580, %get3A_581] : memref<64x128xf32, #tpu.memory_space<vmem>>, vector<1x128xf32>
      %reduce_max3A_583 = arith.constant dense<0xFF800000> : vector<128xf32>
      %reduce_max3A_584 = vector.multi_reduction <maximumf>, %select_n3A, %reduce_max3A_583 [0] : vector<1000x128xf32> to vector<128xf32>
      %broadcast_in_dim3A_585 = vector.shape_cast %reduce_max3A_584 : vector<128xf32> to vector<1x128xf32>
      %max3A_586 = arith.maximumf %get3A_582, %broadcast_in_dim3A_585 : vector<1x128xf32>
      %swap3A_587 = arith.constant 48 : index
      %swap3A_588 = arith.constant 0 : index
      %swap3A_589 = vector.load %arg15[%swap3A_587, %swap3A_588] : memref<64x128xf32, #tpu.memory_space<vmem>>, vector<1x128xf32>
      tpu.vector_store %arg15[%swap3A_587, %swap3A_588], %max3A_586 {strides = array<i32>} : memref<64x128xf32, #tpu.memory_space<vmem>>, vector<1x128xf32>,
    } else {
    }
    %le3A_449 = arith.constant 49 : i32
    %le3A_450 = arith.cmpi sle, %reduce_min3A_55, %le3A_449 : i32
    %ge3A_451 = arith.constant 49 : i32
    %ge3A_452 = arith.cmpi sge, %reduce_max3A_59, %ge3A_451 : i32
    %and3A_453 = arith.andi %le3A_450, %ge3A_452 : i1
    %convert_element_type3A_454 = arith.extui %and3A_453 : i1 to i32
    %cond3A_455 = arith.constant 0 : i32
    %cond3A_456 = arith.cmpi ne, %convert_element_type3A_454, %cond3A_455 : i32
    scf.if %cond3A_456 {
      %eq3A_574 = arith.constant 49 : i32
      %eq3A_575 = vector.broadcast %eq3A_574 : i32 to vector<1000x1xi32>
      %eq3A_576 = arith.cmpi eq, %get3A_30, %eq3A_575 : vector<1000x1xi32>
      %jit3A = arith.constant 0xFF800000 : f32
      %broadcast_in_dim3A_577 = vector.shape_cast %eq3A_576 : vector<1000x1xi1> to vector<1000x1xi1>
      %broadcast_in_dim3A_578 = vector.broadcast %broadcast_in_dim3A_577 : vector<1000x1xi1> to vector<1000x128xi1>
      %broadcast_in_dim3A_579 = vector.broadcast %jit3A : f32 to vector<1000x128xf32>
      %select_n3A = arith.select %broadcast_in_dim3A_578, %max3A_27, %broadcast_in_dim3A_579 : vector<1000x128xi1>, vector<1000x128xf32>
      %get3A_580 = arith.constant 49 : index
      %get3A_581 = arith.constant 0 : index
      %get3A_582 = vector.load %arg15[%get3A_580, %get3A_581] : memref<64x128xf32, #tpu.memory_space<vmem>>, vector<1x128xf32>
      %reduce_max3A_583 = arith.constant dense<0xFF800000> : vector<128xf32>
      %reduce_max3A_584 = vector.multi_reduction <maximumf>, %select_n3A, %reduce_max3A_583 [0] : vector<1000x128xf32> to vector<128xf32>
      %broadcast_in_dim3A_585 = vector.shape_cast %reduce_max3A_584 : vector<128xf32> to vector<1x128xf32>
      %max3A_586 = arith.maximumf %get3A_582, %broadcast_in_dim3A_585 : vector<1x128xf32>
      %swap3A_587 = arith.constant 49 : index
      %swap3A_588 = arith.constant 0 : index
      %swap3A_589 = vector.load %arg15[%swap3A_587, %swap3A_588] : memref<64x128xf32, #tpu.memory_space<vmem>>, vector<1x128xf32>
      tpu.vector_store %arg15[%swap3A_587, %swap3A_588], %max3A_586 {strides = array<i32>} : memref<64x128xf32, #tpu.memory_space<vmem>>, vector<1x128xf32>,
    } else {
    }
    %le3A_457 = arith.constant 50 : i32
    %le3A_458 = arith.cmpi sle, %reduce_min3A_55, %le3A_457 : i32
    %ge3A_459 = arith.constant 50 : i32
    %ge3A_460 = arith.cmpi sge, %reduce_max3A_59, %ge3A_459 : i32
    %and3A_461 = arith.andi %le3A_458, %ge3A_460 : i1
    %convert_element_type3A_462 = arith.extui %and3A_461 : i1 to i32
    %cond3A_463 = arith.constant 0 : i32
    %cond3A_464 = arith.cmpi ne, %convert_element_type3A_462, %cond3A_463 : i32
    scf.if %cond3A_464 {
      %eq3A_574 = arith.constant 50 : i32
      %eq3A_575 = vector.broadcast %eq3A_574 : i32 to vector<1000x1xi32>
      %eq3A_576 = arith.cmpi eq, %get3A_30, %eq3A_575 : vector<1000x1xi32>
      %jit3A = arith.constant 0xFF800000 : f32
      %broadcast_in_dim3A_577 = vector.shape_cast %eq3A_576 : vector<1000x1xi1> to vector<1000x1xi1>
      %broadcast_in_dim3A_578 = vector.broadcast %broadcast_in_dim3A_577 : vector<1000x1xi1> to vector<1000x128xi1>
      %broadcast_in_dim3A_579 = vector.broadcast %jit3A : f32 to vector<1000x128xf32>
      %select_n3A = arith.select %broadcast_in_dim3A_578, %max3A_27, %broadcast_in_dim3A_579 : vector<1000x128xi1>, vector<1000x128xf32>
      %get3A_580 = arith.constant 50 : index
      %get3A_581 = arith.constant 0 : index
      %get3A_582 = vector.load %arg15[%get3A_580, %get3A_581] : memref<64x128xf32, #tpu.memory_space<vmem>>, vector<1x128xf32>
      %reduce_max3A_583 = arith.constant dense<0xFF800000> : vector<128xf32>
      %reduce_max3A_584 = vector.multi_reduction <maximumf>, %select_n3A, %reduce_max3A_583 [0] : vector<1000x128xf32> to vector<128xf32>
      %broadcast_in_dim3A_585 = vector.shape_cast %reduce_max3A_584 : vector<128xf32> to vector<1x128xf32>
      %max3A_586 = arith.maximumf %get3A_582, %broadcast_in_dim3A_585 : vector<1x128xf32>
      %swap3A_587 = arith.constant 50 : index
      %swap3A_588 = arith.constant 0 : index
      %swap3A_589 = vector.load %arg15[%swap3A_587, %swap3A_588] : memref<64x128xf32, #tpu.memory_space<vmem>>, vector<1x128xf32>
      tpu.vector_store %arg15[%swap3A_587, %swap3A_588], %max3A_586 {strides = array<i32>} : memref<64x128xf32, #tpu.memory_space<vmem>>, vector<1x128xf32>,
    } else {
    }
    %le3A_465 = arith.constant 51 : i32
    %le3A_466 = arith.cmpi sle, %reduce_min3A_55, %le3A_465 : i32
    %ge3A_467 = arith.constant 51 : i32
    %ge3A_468 = arith.cmpi sge, %reduce_max3A_59, %ge3A_467 : i32
    %and3A_469 = arith.andi %le3A_466, %ge3A_468 : i1
    %convert_element_type3A_470 = arith.extui %and3A_469 : i1 to i32
    %cond3A_471 = arith.constant 0 : i32
    %cond3A_472 = arith.cmpi ne, %convert_element_type3A_470, %cond3A_471 : i32
    scf.if %cond3A_472 {
      %eq3A_574 = arith.constant 51 : i32
      %eq3A_575 = vector.broadcast %eq3A_574 : i32 to vector<1000x1xi32>
      %eq3A_576 = arith.cmpi eq, %get3A_30, %eq3A_575 : vector<1000x1xi32>
      %jit3A = arith.constant 0xFF800000 : f32
      %broadcast_in_dim3A_577 = vector.shape_cast %eq3A_576 : vector<1000x1xi1> to vector<1000x1xi1>
      %broadcast_in_dim3A_578 = vector.broadcast %broadcast_in_dim3A_577 : vector<1000x1xi1> to vector<1000x128xi1>
      %broadcast_in_dim3A_579 = vector.broadcast %jit3A : f32 to vector<1000x128xf32>
      %select_n3A = arith.select %broadcast_in_dim3A_578, %max3A_27, %broadcast_in_dim3A_579 : vector<1000x128xi1>, vector<1000x128xf32>
      %get3A_580 = arith.constant 51 : index
      %get3A_581 = arith.constant 0 : index
      %get3A_582 = vector.load %arg15[%get3A_580, %get3A_581] : memref<64x128xf32, #tpu.memory_space<vmem>>, vector<1x128xf32>
      %reduce_max3A_583 = arith.constant dense<0xFF800000> : vector<128xf32>
      %reduce_max3A_584 = vector.multi_reduction <maximumf>, %select_n3A, %reduce_max3A_583 [0] : vector<1000x128xf32> to vector<128xf32>
      %broadcast_in_dim3A_585 = vector.shape_cast %reduce_max3A_584 : vector<128xf32> to vector<1x128xf32>
      %max3A_586 = arith.maximumf %get3A_582, %broadcast_in_dim3A_585 : vector<1x128xf32>
      %swap3A_587 = arith.constant 51 : index
      %swap3A_588 = arith.constant 0 : index
      %swap3A_589 = vector.load %arg15[%swap3A_587, %swap3A_588] : memref<64x128xf32, #tpu.memory_space<vmem>>, vector<1x128xf32>
      tpu.vector_store %arg15[%swap3A_587, %swap3A_588], %max3A_586 {strides = array<i32>} : memref<64x128xf32, #tpu.memory_space<vmem>>, vector<1x128xf32>,
    } else {
    }
    %le3A_473 = arith.constant 52 : i32
    %le3A_474 = arith.cmpi sle, %reduce_min3A_55, %le3A_473 : i32
    %ge3A_475 = arith.constant 52 : i32
    %ge3A_476 = arith.cmpi sge, %reduce_max3A_59, %ge3A_475 : i32
    %and3A_477 = arith.andi %le3A_474, %ge3A_476 : i1
    %convert_element_type3A_478 = arith.extui %and3A_477 : i1 to i32
    %cond3A_479 = arith.constant 0 : i32
    %cond3A_480 = arith.cmpi ne, %convert_element_type3A_478, %cond3A_479 : i32
    scf.if %cond3A_480 {
      %eq3A_574 = arith.constant 52 : i32
      %eq3A_575 = vector.broadcast %eq3A_574 : i32 to vector<1000x1xi32>
      %eq3A_576 = arith.cmpi eq, %get3A_30, %eq3A_575 : vector<1000x1xi32>
      %jit3A = arith.constant 0xFF800000 : f32
      %broadcast_in_dim3A_577 = vector.shape_cast %eq3A_576 : vector<1000x1xi1> to vector<1000x1xi1>
      %broadcast_in_dim3A_578 = vector.broadcast %broadcast_in_dim3A_577 : vector<1000x1xi1> to vector<1000x128xi1>
      %broadcast_in_dim3A_579 = vector.broadcast %jit3A : f32 to vector<1000x128xf32>
      %select_n3A = arith.select %broadcast_in_dim3A_578, %max3A_27, %broadcast_in_dim3A_579 : vector<1000x128xi1>, vector<1000x128xf32>
      %get3A_580 = arith.constant 52 : index
      %get3A_581 = arith.constant 0 : index
      %get3A_582 = vector.load %arg15[%get3A_580, %get3A_581] : memref<64x128xf32, #tpu.memory_space<vmem>>, vector<1x128xf32>
      %reduce_max3A_583 = arith.constant dense<0xFF800000> : vector<128xf32>
      %reduce_max3A_584 = vector.multi_reduction <maximumf>, %select_n3A, %reduce_max3A_583 [0] : vector<1000x128xf32> to vector<128xf32>
      %broadcast_in_dim3A_585 = vector.shape_cast %reduce_max3A_584 : vector<128xf32> to vector<1x128xf32>
      %max3A_586 = arith.maximumf %get3A_582, %broadcast_in_dim3A_585 : vector<1x128xf32>
      %swap3A_587 = arith.constant 52 : index
      %swap3A_588 = arith.constant 0 : index
      %swap3A_589 = vector.load %arg15[%swap3A_587, %swap3A_588] : memref<64x128xf32, #tpu.memory_space<vmem>>, vector<1x128xf32>
      tpu.vector_store %arg15[%swap3A_587, %swap3A_588], %max3A_586 {strides = array<i32>} : memref<64x128xf32, #tpu.memory_space<vmem>>, vector<1x128xf32>,
    } else {
    }
    %le3A_481 = arith.constant 53 : i32
    %le3A_482 = arith.cmpi sle, %reduce_min3A_55, %le3A_481 : i32
    %ge3A_483 = arith.constant 53 : i32
    %ge3A_484 = arith.cmpi sge, %reduce_max3A_59, %ge3A_483 : i32
    %and3A_485 = arith.andi %le3A_482, %ge3A_484 : i1
    %convert_element_type3A_486 = arith.extui %and3A_485 : i1 to i32
    %cond3A_487 = arith.constant 0 : i32
    %cond3A_488 = arith.cmpi ne, %convert_element_type3A_486, %cond3A_487 : i32
    scf.if %cond3A_488 {
      %eq3A_574 = arith.constant 53 : i32
      %eq3A_575 = vector.broadcast %eq3A_574 : i32 to vector<1000x1xi32>
      %eq3A_576 = arith.cmpi eq, %get3A_30, %eq3A_575 : vector<1000x1xi32>
      %jit3A = arith.constant 0xFF800000 : f32
      %broadcast_in_dim3A_577 = vector.shape_cast %eq3A_576 : vector<1000x1xi1> to vector<1000x1xi1>
      %broadcast_in_dim3A_578 = vector.broadcast %broadcast_in_dim3A_577 : vector<1000x1xi1> to vector<1000x128xi1>
      %broadcast_in_dim3A_579 = vector.broadcast %jit3A : f32 to vector<1000x128xf32>
      %select_n3A = arith.select %broadcast_in_dim3A_578, %max3A_27, %broadcast_in_dim3A_579 : vector<1000x128xi1>, vector<1000x128xf32>
      %get3A_580 = arith.constant 53 : index
      %get3A_581 = arith.constant 0 : index
      %get3A_582 = vector.load %arg15[%get3A_580, %get3A_581] : memref<64x128xf32, #tpu.memory_space<vmem>>, vector<1x128xf32>
      %reduce_max3A_583 = arith.constant dense<0xFF800000> : vector<128xf32>
      %reduce_max3A_584 = vector.multi_reduction <maximumf>, %select_n3A, %reduce_max3A_583 [0] : vector<1000x128xf32> to vector<128xf32>
      %broadcast_in_dim3A_585 = vector.shape_cast %reduce_max3A_584 : vector<128xf32> to vector<1x128xf32>
      %max3A_586 = arith.maximumf %get3A_582, %broadcast_in_dim3A_585 : vector<1x128xf32>
      %swap3A_587 = arith.constant 53 : index
      %swap3A_588 = arith.constant 0 : index
      %swap3A_589 = vector.load %arg15[%swap3A_587, %swap3A_588] : memref<64x128xf32, #tpu.memory_space<vmem>>, vector<1x128xf32>
      tpu.vector_store %arg15[%swap3A_587, %swap3A_588], %max3A_586 {strides = array<i32>} : memref<64x128xf32, #tpu.memory_space<vmem>>, vector<1x128xf32>,
    } else {
    }
    %le3A_489 = arith.constant 54 : i32
    %le3A_490 = arith.cmpi sle, %reduce_min3A_55, %le3A_489 : i32
    %ge3A_491 = arith.constant 54 : i32
    %ge3A_492 = arith.cmpi sge, %reduce_max3A_59, %ge3A_491 : i32
    %and3A_493 = arith.andi %le3A_490, %ge3A_492 : i1
    %convert_element_type3A_494 = arith.extui %and3A_493 : i1 to i32
    %cond3A_495 = arith.constant 0 : i32
    %cond3A_496 = arith.cmpi ne, %convert_element_type3A_494, %cond3A_495 : i32
    scf.if %cond3A_496 {
      %eq3A_574 = arith.constant 54 : i32
      %eq3A_575 = vector.broadcast %eq3A_574 : i32 to vector<1000x1xi32>
      %eq3A_576 = arith.cmpi eq, %get3A_30, %eq3A_575 : vector<1000x1xi32>
      %jit3A = arith.constant 0xFF800000 : f32
      %broadcast_in_dim3A_577 = vector.shape_cast %eq3A_576 : vector<1000x1xi1> to vector<1000x1xi1>
      %broadcast_in_dim3A_578 = vector.broadcast %broadcast_in_dim3A_577 : vector<1000x1xi1> to vector<1000x128xi1>
      %broadcast_in_dim3A_579 = vector.broadcast %jit3A : f32 to vector<1000x128xf32>
      %select_n3A = arith.select %broadcast_in_dim3A_578, %max3A_27, %broadcast_in_dim3A_579 : vector<1000x128xi1>, vector<1000x128xf32>
      %get3A_580 = arith.constant 54 : index
      %get3A_581 = arith.constant 0 : index
      %get3A_582 = vector.load %arg15[%get3A_580, %get3A_581] : memref<64x128xf32, #tpu.memory_space<vmem>>, vector<1x128xf32>
      %reduce_max3A_583 = arith.constant dense<0xFF800000> : vector<128xf32>
      %reduce_max3A_584 = vector.multi_reduction <maximumf>, %select_n3A, %reduce_max3A_583 [0] : vector<1000x128xf32> to vector<128xf32>
      %broadcast_in_dim3A_585 = vector.shape_cast %reduce_max3A_584 : vector<128xf32> to vector<1x128xf32>
      %max3A_586 = arith.maximumf %get3A_582, %broadcast_in_dim3A_585 : vector<1x128xf32>
      %swap3A_587 = arith.constant 54 : index
      %swap3A_588 = arith.constant 0 : index
      %swap3A_589 = vector.load %arg15[%swap3A_587, %swap3A_588] : memref<64x128xf32, #tpu.memory_space<vmem>>, vector<1x128xf32>
      tpu.vector_store %arg15[%swap3A_587, %swap3A_588], %max3A_586 {strides = array<i32>} : memref<64x128xf32, #tpu.memory_space<vmem>>, vector<1x128xf32>,
    } else {
    }
    %le3A_497 = arith.constant 55 : i32
    %le3A_498 = arith.cmpi sle, %reduce_min3A_55, %le3A_497 : i32
    %ge3A_499 = arith.constant 55 : i32
    %ge3A_500 = arith.cmpi sge, %reduce_max3A_59, %ge3A_499 : i32
    %and3A_501 = arith.andi %le3A_498, %ge3A_500 : i1
    %convert_element_type3A_502 = arith.extui %and3A_501 : i1 to i32
    %cond3A_503 = arith.constant 0 : i32
    %cond3A_504 = arith.cmpi ne, %convert_element_type3A_502, %cond3A_503 : i32
    scf.if %cond3A_504 {
      %eq3A_574 = arith.constant 55 : i32
      %eq3A_575 = vector.broadcast %eq3A_574 : i32 to vector<1000x1xi32>
      %eq3A_576 = arith.cmpi eq, %get3A_30, %eq3A_575 : vector<1000x1xi32>
      %jit3A = arith.constant 0xFF800000 : f32
      %broadcast_in_dim3A_577 = vector.shape_cast %eq3A_576 : vector<1000x1xi1> to vector<1000x1xi1>
      %broadcast_in_dim3A_578 = vector.broadcast %broadcast_in_dim3A_577 : vector<1000x1xi1> to vector<1000x128xi1>
      %broadcast_in_dim3A_579 = vector.broadcast %jit3A : f32 to vector<1000x128xf32>
      %select_n3A = arith.select %broadcast_in_dim3A_578, %max3A_27, %broadcast_in_dim3A_579 : vector<1000x128xi1>, vector<1000x128xf32>
      %get3A_580 = arith.constant 55 : index
      %get3A_581 = arith.constant 0 : index
      %get3A_582 = vector.load %arg15[%get3A_580, %get3A_581] : memref<64x128xf32, #tpu.memory_space<vmem>>, vector<1x128xf32>
      %reduce_max3A_583 = arith.constant dense<0xFF800000> : vector<128xf32>
      %reduce_max3A_584 = vector.multi_reduction <maximumf>, %select_n3A, %reduce_max3A_583 [0] : vector<1000x128xf32> to vector<128xf32>
      %broadcast_in_dim3A_585 = vector.shape_cast %reduce_max3A_584 : vector<128xf32> to vector<1x128xf32>
      %max3A_586 = arith.maximumf %get3A_582, %broadcast_in_dim3A_585 : vector<1x128xf32>
      %swap3A_587 = arith.constant 55 : index
      %swap3A_588 = arith.constant 0 : index
      %swap3A_589 = vector.load %arg15[%swap3A_587, %swap3A_588] : memref<64x128xf32, #tpu.memory_space<vmem>>, vector<1x128xf32>
      tpu.vector_store %arg15[%swap3A_587, %swap3A_588], %max3A_586 {strides = array<i32>} : memref<64x128xf32, #tpu.memory_space<vmem>>, vector<1x128xf32>,
    } else {
    }
    %le3A_505 = arith.constant 56 : i32
    %le3A_506 = arith.cmpi sle, %reduce_min3A_55, %le3A_505 : i32
    %ge3A_507 = arith.constant 56 : i32
    %ge3A_508 = arith.cmpi sge, %reduce_max3A_59, %ge3A_507 : i32
    %and3A_509 = arith.andi %le3A_506, %ge3A_508 : i1
    %convert_element_type3A_510 = arith.extui %and3A_509 : i1 to i32
    %cond3A_511 = arith.constant 0 : i32
    %cond3A_512 = arith.cmpi ne, %convert_element_type3A_510, %cond3A_511 : i32
    scf.if %cond3A_512 {
      %eq3A_574 = arith.constant 56 : i32
      %eq3A_575 = vector.broadcast %eq3A_574 : i32 to vector<1000x1xi32>
      %eq3A_576 = arith.cmpi eq, %get3A_30, %eq3A_575 : vector<1000x1xi32>
      %jit3A = arith.constant 0xFF800000 : f32
      %broadcast_in_dim3A_577 = vector.shape_cast %eq3A_576 : vector<1000x1xi1> to vector<1000x1xi1>
      %broadcast_in_dim3A_578 = vector.broadcast %broadcast_in_dim3A_577 : vector<1000x1xi1> to vector<1000x128xi1>
      %broadcast_in_dim3A_579 = vector.broadcast %jit3A : f32 to vector<1000x128xf32>
      %select_n3A = arith.select %broadcast_in_dim3A_578, %max3A_27, %broadcast_in_dim3A_579 : vector<1000x128xi1>, vector<1000x128xf32>
      %get3A_580 = arith.constant 56 : index
      %get3A_581 = arith.constant 0 : index
      %get3A_582 = vector.load %arg15[%get3A_580, %get3A_581] : memref<64x128xf32, #tpu.memory_space<vmem>>, vector<1x128xf32>
      %reduce_max3A_583 = arith.constant dense<0xFF800000> : vector<128xf32>
      %reduce_max3A_584 = vector.multi_reduction <maximumf>, %select_n3A, %reduce_max3A_583 [0] : vector<1000x128xf32> to vector<128xf32>
      %broadcast_in_dim3A_585 = vector.shape_cast %reduce_max3A_584 : vector<128xf32> to vector<1x128xf32>
      %max3A_586 = arith.maximumf %get3A_582, %broadcast_in_dim3A_585 : vector<1x128xf32>
      %swap3A_587 = arith.constant 56 : index
      %swap3A_588 = arith.constant 0 : index
      %swap3A_589 = vector.load %arg15[%swap3A_587, %swap3A_588] : memref<64x128xf32, #tpu.memory_space<vmem>>, vector<1x128xf32>
      tpu.vector_store %arg15[%swap3A_587, %swap3A_588], %max3A_586 {strides = array<i32>} : memref<64x128xf32, #tpu.memory_space<vmem>>, vector<1x128xf32>,
    } else {
    }
    %le3A_513 = arith.constant 57 : i32
    %le3A_514 = arith.cmpi sle, %reduce_min3A_55, %le3A_513 : i32
    %ge3A_515 = arith.constant 57 : i32
    %ge3A_516 = arith.cmpi sge, %reduce_max3A_59, %ge3A_515 : i32
    %and3A_517 = arith.andi %le3A_514, %ge3A_516 : i1
    %convert_element_type3A_518 = arith.extui %and3A_517 : i1 to i32
    %cond3A_519 = arith.constant 0 : i32
    %cond3A_520 = arith.cmpi ne, %convert_element_type3A_518, %cond3A_519 : i32
    scf.if %cond3A_520 {
      %eq3A_574 = arith.constant 57 : i32
      %eq3A_575 = vector.broadcast %eq3A_574 : i32 to vector<1000x1xi32>
      %eq3A_576 = arith.cmpi eq, %get3A_30, %eq3A_575 : vector<1000x1xi32>
      %jit3A = arith.constant 0xFF800000 : f32
      %broadcast_in_dim3A_577 = vector.shape_cast %eq3A_576 : vector<1000x1xi1> to vector<1000x1xi1>
      %broadcast_in_dim3A_578 = vector.broadcast %broadcast_in_dim3A_577 : vector<1000x1xi1> to vector<1000x128xi1>
      %broadcast_in_dim3A_579 = vector.broadcast %jit3A : f32 to vector<1000x128xf32>
      %select_n3A = arith.select %broadcast_in_dim3A_578, %max3A_27, %broadcast_in_dim3A_579 : vector<1000x128xi1>, vector<1000x128xf32>
      %get3A_580 = arith.constant 57 : index
      %get3A_581 = arith.constant 0 : index
      %get3A_582 = vector.load %arg15[%get3A_580, %get3A_581] : memref<64x128xf32, #tpu.memory_space<vmem>>, vector<1x128xf32>
      %reduce_max3A_583 = arith.constant dense<0xFF800000> : vector<128xf32>
      %reduce_max3A_584 = vector.multi_reduction <maximumf>, %select_n3A, %reduce_max3A_583 [0] : vector<1000x128xf32> to vector<128xf32>
      %broadcast_in_dim3A_585 = vector.shape_cast %reduce_max3A_584 : vector<128xf32> to vector<1x128xf32>
      %max3A_586 = arith.maximumf %get3A_582, %broadcast_in_dim3A_585 : vector<1x128xf32>
      %swap3A_587 = arith.constant 57 : index
      %swap3A_588 = arith.constant 0 : index
      %swap3A_589 = vector.load %arg15[%swap3A_587, %swap3A_588] : memref<64x128xf32, #tpu.memory_space<vmem>>, vector<1x128xf32>
      tpu.vector_store %arg15[%swap3A_587, %swap3A_588], %max3A_586 {strides = array<i32>} : memref<64x128xf32, #tpu.memory_space<vmem>>, vector<1x128xf32>,
    } else {
    }
    %le3A_521 = arith.constant 58 : i32
    %le3A_522 = arith.cmpi sle, %reduce_min3A_55, %le3A_521 : i32
    %ge3A_523 = arith.constant 58 : i32
    %ge3A_524 = arith.cmpi sge, %reduce_max3A_59, %ge3A_523 : i32
    %and3A_525 = arith.andi %le3A_522, %ge3A_524 : i1
    %convert_element_type3A_526 = arith.extui %and3A_525 : i1 to i32
    %cond3A_527 = arith.constant 0 : i32
    %cond3A_528 = arith.cmpi ne, %convert_element_type3A_526, %cond3A_527 : i32
    scf.if %cond3A_528 {
      %eq3A_574 = arith.constant 58 : i32
      %eq3A_575 = vector.broadcast %eq3A_574 : i32 to vector<1000x1xi32>
      %eq3A_576 = arith.cmpi eq, %get3A_30, %eq3A_575 : vector<1000x1xi32>
      %jit3A = arith.constant 0xFF800000 : f32
      %broadcast_in_dim3A_577 = vector.shape_cast %eq3A_576 : vector<1000x1xi1> to vector<1000x1xi1>
      %broadcast_in_dim3A_578 = vector.broadcast %broadcast_in_dim3A_577 : vector<1000x1xi1> to vector<1000x128xi1>
      %broadcast_in_dim3A_579 = vector.broadcast %jit3A : f32 to vector<1000x128xf32>
      %select_n3A = arith.select %broadcast_in_dim3A_578, %max3A_27, %broadcast_in_dim3A_579 : vector<1000x128xi1>, vector<1000x128xf32>
      %get3A_580 = arith.constant 58 : index
      %get3A_581 = arith.constant 0 : index
      %get3A_582 = vector.load %arg15[%get3A_580, %get3A_581] : memref<64x128xf32, #tpu.memory_space<vmem>>, vector<1x128xf32>
      %reduce_max3A_583 = arith.constant dense<0xFF800000> : vector<128xf32>
      %reduce_max3A_584 = vector.multi_reduction <maximumf>, %select_n3A, %reduce_max3A_583 [0] : vector<1000x128xf32> to vector<128xf32>
      %broadcast_in_dim3A_585 = vector.shape_cast %reduce_max3A_584 : vector<128xf32> to vector<1x128xf32>
      %max3A_586 = arith.maximumf %get3A_582, %broadcast_in_dim3A_585 : vector<1x128xf32>
      %swap3A_587 = arith.constant 58 : index
      %swap3A_588 = arith.constant 0 : index
      %swap3A_589 = vector.load %arg15[%swap3A_587, %swap3A_588] : memref<64x128xf32, #tpu.memory_space<vmem>>, vector<1x128xf32>
      tpu.vector_store %arg15[%swap3A_587, %swap3A_588], %max3A_586 {strides = array<i32>} : memref<64x128xf32, #tpu.memory_space<vmem>>, vector<1x128xf32>,
    } else {
    }
    %le3A_529 = arith.constant 59 : i32
    %le3A_530 = arith.cmpi sle, %reduce_min3A_55, %le3A_529 : i32
    %ge3A_531 = arith.constant 59 : i32
    %ge3A_532 = arith.cmpi sge, %reduce_max3A_59, %ge3A_531 : i32
    %and3A_533 = arith.andi %le3A_530, %ge3A_532 : i1
    %convert_element_type3A_534 = arith.extui %and3A_533 : i1 to i32
    %cond3A_535 = arith.constant 0 : i32
    %cond3A_536 = arith.cmpi ne, %convert_element_type3A_534, %cond3A_535 : i32
    scf.if %cond3A_536 {
      %eq3A_574 = arith.constant 59 : i32
      %eq3A_575 = vector.broadcast %eq3A_574 : i32 to vector<1000x1xi32>
      %eq3A_576 = arith.cmpi eq, %get3A_30, %eq3A_575 : vector<1000x1xi32>
      %jit3A = arith.constant 0xFF800000 : f32
      %broadcast_in_dim3A_577 = vector.shape_cast %eq3A_576 : vector<1000x1xi1> to vector<1000x1xi1>
      %broadcast_in_dim3A_578 = vector.broadcast %broadcast_in_dim3A_577 : vector<1000x1xi1> to vector<1000x128xi1>
      %broadcast_in_dim3A_579 = vector.broadcast %jit3A : f32 to vector<1000x128xf32>
      %select_n3A = arith.select %broadcast_in_dim3A_578, %max3A_27, %broadcast_in_dim3A_579 : vector<1000x128xi1>, vector<1000x128xf32>
      %get3A_580 = arith.constant 59 : index
      %get3A_581 = arith.constant 0 : index
      %get3A_582 = vector.load %arg15[%get3A_580, %get3A_581] : memref<64x128xf32, #tpu.memory_space<vmem>>, vector<1x128xf32>
      %reduce_max3A_583 = arith.constant dense<0xFF800000> : vector<128xf32>
      %reduce_max3A_584 = vector.multi_reduction <maximumf>, %select_n3A, %reduce_max3A_583 [0] : vector<1000x128xf32> to vector<128xf32>
      %broadcast_in_dim3A_585 = vector.shape_cast %reduce_max3A_584 : vector<128xf32> to vector<1x128xf32>
      %max3A_586 = arith.maximumf %get3A_582, %broadcast_in_dim3A_585 : vector<1x128xf32>
      %swap3A_587 = arith.constant 59 : index
      %swap3A_588 = arith.constant 0 : index
      %swap3A_589 = vector.load %arg15[%swap3A_587, %swap3A_588] : memref<64x128xf32, #tpu.memory_space<vmem>>, vector<1x128xf32>
      tpu.vector_store %arg15[%swap3A_587, %swap3A_588], %max3A_586 {strides = array<i32>} : memref<64x128xf32, #tpu.memory_space<vmem>>, vector<1x128xf32>,
    } else {
    }
    %le3A_537 = arith.constant 60 : i32
    %le3A_538 = arith.cmpi sle, %reduce_min3A_55, %le3A_537 : i32
    %ge3A_539 = arith.constant 60 : i32
    %ge3A_540 = arith.cmpi sge, %reduce_max3A_59, %ge3A_539 : i32
    %and3A_541 = arith.andi %le3A_538, %ge3A_540 : i1
    %convert_element_type3A_542 = arith.extui %and3A_541 : i1 to i32
    %cond3A_543 = arith.constant 0 : i32
    %cond3A_544 = arith.cmpi ne, %convert_element_type3A_542, %cond3A_543 : i32
    scf.if %cond3A_544 {
      %eq3A_574 = arith.constant 60 : i32
      %eq3A_575 = vector.broadcast %eq3A_574 : i32 to vector<1000x1xi32>
      %eq3A_576 = arith.cmpi eq, %get3A_30, %eq3A_575 : vector<1000x1xi32>
      %jit3A = arith.constant 0xFF800000 : f32
      %broadcast_in_dim3A_577 = vector.shape_cast %eq3A_576 : vector<1000x1xi1> to vector<1000x1xi1>
      %broadcast_in_dim3A_578 = vector.broadcast %broadcast_in_dim3A_577 : vector<1000x1xi1> to vector<1000x128xi1>
      %broadcast_in_dim3A_579 = vector.broadcast %jit3A : f32 to vector<1000x128xf32>
      %select_n3A = arith.select %broadcast_in_dim3A_578, %max3A_27, %broadcast_in_dim3A_579 : vector<1000x128xi1>, vector<1000x128xf32>
      %get3A_580 = arith.constant 60 : index
      %get3A_581 = arith.constant 0 : index
      %get3A_582 = vector.load %arg15[%get3A_580, %get3A_581] : memref<64x128xf32, #tpu.memory_space<vmem>>, vector<1x128xf32>
      %reduce_max3A_583 = arith.constant dense<0xFF800000> : vector<128xf32>
      %reduce_max3A_584 = vector.multi_reduction <maximumf>, %select_n3A, %reduce_max3A_583 [0] : vector<1000x128xf32> to vector<128xf32>
      %broadcast_in_dim3A_585 = vector.shape_cast %reduce_max3A_584 : vector<128xf32> to vector<1x128xf32>
      %max3A_586 = arith.maximumf %get3A_582, %broadcast_in_dim3A_585 : vector<1x128xf32>
      %swap3A_587 = arith.constant 60 : index
      %swap3A_588 = arith.constant 0 : index
      %swap3A_589 = vector.load %arg15[%swap3A_587, %swap3A_588] : memref<64x128xf32, #tpu.memory_space<vmem>>, vector<1x128xf32>
      tpu.vector_store %arg15[%swap3A_587, %swap3A_588], %max3A_586 {strides = array<i32>} : memref<64x128xf32, #tpu.memory_space<vmem>>, vector<1x128xf32>,
    } else {
    }
    %le3A_545 = arith.constant 61 : i32
    %le3A_546 = arith.cmpi sle, %reduce_min3A_55, %le3A_545 : i32
    %ge3A_547 = arith.constant 61 : i32
    %ge3A_548 = arith.cmpi sge, %reduce_max3A_59, %ge3A_547 : i32
    %and3A_549 = arith.andi %le3A_546, %ge3A_548 : i1
    %convert_element_type3A_550 = arith.extui %and3A_549 : i1 to i32
    %cond3A_551 = arith.constant 0 : i32
    %cond3A_552 = arith.cmpi ne, %convert_element_type3A_550, %cond3A_551 : i32
    scf.if %cond3A_552 {
      %eq3A_574 = arith.constant 61 : i32
      %eq3A_575 = vector.broadcast %eq3A_574 : i32 to vector<1000x1xi32>
      %eq3A_576 = arith.cmpi eq, %get3A_30, %eq3A_575 : vector<1000x1xi32>
      %jit3A = arith.constant 0xFF800000 : f32
      %broadcast_in_dim3A_577 = vector.shape_cast %eq3A_576 : vector<1000x1xi1> to vector<1000x1xi1>
      %broadcast_in_dim3A_578 = vector.broadcast %broadcast_in_dim3A_577 : vector<1000x1xi1> to vector<1000x128xi1>
      %broadcast_in_dim3A_579 = vector.broadcast %jit3A : f32 to vector<1000x128xf32>
      %select_n3A = arith.select %broadcast_in_dim3A_578, %max3A_27, %broadcast_in_dim3A_579 : vector<1000x128xi1>, vector<1000x128xf32>
      %get3A_580 = arith.constant 61 : index
      %get3A_581 = arith.constant 0 : index
      %get3A_582 = vector.load %arg15[%get3A_580, %get3A_581] : memref<64x128xf32, #tpu.memory_space<vmem>>, vector<1x128xf32>
      %reduce_max3A_583 = arith.constant dense<0xFF800000> : vector<128xf32>
      %reduce_max3A_584 = vector.multi_reduction <maximumf>, %select_n3A, %reduce_max3A_583 [0] : vector<1000x128xf32> to vector<128xf32>
      %broadcast_in_dim3A_585 = vector.shape_cast %reduce_max3A_584 : vector<128xf32> to vector<1x128xf32>
      %max3A_586 = arith.maximumf %get3A_582, %broadcast_in_dim3A_585 : vector<1x128xf32>
      %swap3A_587 = arith.constant 61 : index
      %swap3A_588 = arith.constant 0 : index
      %swap3A_589 = vector.load %arg15[%swap3A_587, %swap3A_588] : memref<64x128xf32, #tpu.memory_space<vmem>>, vector<1x128xf32>
      tpu.vector_store %arg15[%swap3A_587, %swap3A_588], %max3A_586 {strides = array<i32>} : memref<64x128xf32, #tpu.memory_space<vmem>>, vector<1x128xf32>,
    } else {
    }
    %le3A_553 = arith.constant 62 : i32
    %le3A_554 = arith.cmpi sle, %reduce_min3A_55, %le3A_553 : i32
    %ge3A_555 = arith.constant 62 : i32
    %ge3A_556 = arith.cmpi sge, %reduce_max3A_59, %ge3A_555 : i32
    %and3A_557 = arith.andi %le3A_554, %ge3A_556 : i1
    %convert_element_type3A_558 = arith.extui %and3A_557 : i1 to i32
    %cond3A_559 = arith.constant 0 : i32
    %cond3A_560 = arith.cmpi ne, %convert_element_type3A_558, %cond3A_559 : i32
    scf.if %cond3A_560 {
      %eq3A_574 = arith.constant 62 : i32
      %eq3A_575 = vector.broadcast %eq3A_574 : i32 to vector<1000x1xi32>
      %eq3A_576 = arith.cmpi eq, %get3A_30, %eq3A_575 : vector<1000x1xi32>
      %jit3A = arith.constant 0xFF800000 : f32
      %broadcast_in_dim3A_577 = vector.shape_cast %eq3A_576 : vector<1000x1xi1> to vector<1000x1xi1>
      %broadcast_in_dim3A_578 = vector.broadcast %broadcast_in_dim3A_577 : vector<1000x1xi1> to vector<1000x128xi1>
      %broadcast_in_dim3A_579 = vector.broadcast %jit3A : f32 to vector<1000x128xf32>
      %select_n3A = arith.select %broadcast_in_dim3A_578, %max3A_27, %broadcast_in_dim3A_579 : vector<1000x128xi1>, vector<1000x128xf32>
      %get3A_580 = arith.constant 62 : index
      %get3A_581 = arith.constant 0 : index
      %get3A_582 = vector.load %arg15[%get3A_580, %get3A_581] : memref<64x128xf32, #tpu.memory_space<vmem>>, vector<1x128xf32>
      %reduce_max3A_583 = arith.constant dense<0xFF800000> : vector<128xf32>
      %reduce_max3A_584 = vector.multi_reduction <maximumf>, %select_n3A, %reduce_max3A_583 [0] : vector<1000x128xf32> to vector<128xf32>
      %broadcast_in_dim3A_585 = vector.shape_cast %reduce_max3A_584 : vector<128xf32> to vector<1x128xf32>
      %max3A_586 = arith.maximumf %get3A_582, %broadcast_in_dim3A_585 : vector<1x128xf32>
      %swap3A_587 = arith.constant 62 : index
      %swap3A_588 = arith.constant 0 : index
      %swap3A_589 = vector.load %arg15[%swap3A_587, %swap3A_588] : memref<64x128xf32, #tpu.memory_space<vmem>>, vector<1x128xf32>
      tpu.vector_store %arg15[%swap3A_587, %swap3A_588], %max3A_586 {strides = array<i32>} : memref<64x128xf32, #tpu.memory_space<vmem>>, vector<1x128xf32>,
    } else {
    }
    %le3A_561 = arith.constant 63 : i32
    %le3A_562 = arith.cmpi sle, %reduce_min3A_55, %le3A_561 : i32
    %ge3A_563 = arith.constant 63 : i32
    %ge3A_564 = arith.cmpi sge, %reduce_max3A_59, %ge3A_563 : i32
    %and3A_565 = arith.andi %le3A_562, %ge3A_564 : i1
    %convert_element_type3A_566 = arith.extui %and3A_565 : i1 to i32
    %cond3A_567 = arith.constant 0 : i32
    %cond3A_568 = arith.cmpi ne, %convert_element_type3A_566, %cond3A_567 : i32
    scf.if %cond3A_568 {
      %eq3A_574 = arith.constant 63 : i32
      %eq3A_575 = vector.broadcast %eq3A_574 : i32 to vector<1000x1xi32>
      %eq3A_576 = arith.cmpi eq, %get3A_30, %eq3A_575 : vector<1000x1xi32>
      %jit3A = arith.constant 0xFF800000 : f32
      %broadcast_in_dim3A_577 = vector.shape_cast %eq3A_576 : vector<1000x1xi1> to vector<1000x1xi1>
      %broadcast_in_dim3A_578 = vector.broadcast %broadcast_in_dim3A_577 : vector<1000x1xi1> to vector<1000x128xi1>
      %broadcast_in_dim3A_579 = vector.broadcast %jit3A : f32 to vector<1000x128xf32>
      %select_n3A = arith.select %broadcast_in_dim3A_578, %max3A_27, %broadcast_in_dim3A_579 : vector<1000x128xi1>, vector<1000x128xf32>
      %get3A_580 = arith.constant 63 : index
      %get3A_581 = arith.constant 0 : index
      %get3A_582 = vector.load %arg15[%get3A_580, %get3A_581] : memref<64x128xf32, #tpu.memory_space<vmem>>, vector<1x128xf32>
      %reduce_max3A_583 = arith.constant dense<0xFF800000> : vector<128xf32>
      %reduce_max3A_584 = vector.multi_reduction <maximumf>, %select_n3A, %reduce_max3A_583 [0] : vector<1000x128xf32> to vector<128xf32>
      %broadcast_in_dim3A_585 = vector.shape_cast %reduce_max3A_584 : vector<128xf32> to vector<1x128xf32>
      %max3A_586 = arith.maximumf %get3A_582, %broadcast_in_dim3A_585 : vector<1x128xf32>
      %swap3A_587 = arith.constant 63 : index
      %swap3A_588 = arith.constant 0 : index
      %swap3A_589 = vector.load %arg15[%swap3A_587, %swap3A_588] : memref<64x128xf32, #tpu.memory_space<vmem>>, vector<1x128xf32>
      tpu.vector_store %arg15[%swap3A_587, %swap3A_588], %max3A_586 {strides = array<i32>} : memref<64x128xf32, #tpu.memory_space<vmem>>, vector<1x128xf32>,
    } else {
    }
    %eq3A_569 = arith.constant 9 : i32
    %eq3A_570 = arith.cmpi eq, %arg0, %eq3A_569 : i32
    %convert_element_type3A_571 = arith.extui %eq3A_570 : i1 to i32
    %cond3A_572 = arith.constant 0 : i32
    %cond3A_573 = arith.cmpi ne, %convert_element_type3A_571, %cond3A_572 : i32
    scf.if %cond3A_573 {
      %get3A_574 = arith.constant 0 : index
      %get3A_575 = arith.constant 0 : index
      %get3A_576 = vector.load %arg17[%get3A_574, %get3A_575] : memref<64x128xf32, #tpu.memory_space<vmem>>, vector<64x1xf32>
      %get3A_577 = arith.constant 0 : index
      %get3A_578 = arith.constant 0 : index
      %get3A_579 = vector.load %arg16[%get3A_577, %get3A_578] : memref<64x128xf32, #tpu.memory_space<vmem>>, vector<64x128xf32>
      %max3A_580 = arith.constant 1.000000e+00 : f32
      %max3A_581 = vector.broadcast %max3A_580 : f32 to vector<64x1xf32>
      %max3A_582 = arith.maximumf %get3A_576, %max3A_581 : vector<64x1xf32>
      %div3A = vector.broadcast %max3A_582 : vector<64x1xf32> to vector<64x128xf32>
      %div3A_583 = arith.divf %get3A_579, %div3A : vector<64x128xf32>
      %gt3A = arith.constant 0.000000e+00 : f32
      %gt3A_584 = vector.broadcast %gt3A : f32 to vector<64x1xf32>
      %gt3A_585 = arith.cmpf ogt, %get3A_576, %gt3A_584 : vector<64x1xf32>
      %get3A_586 = arith.constant 0 : index
      %get3A_587 = arith.constant 0 : index
      %get3A_588 = vector.load %arg15[%get3A_586, %get3A_587] : memref<64x128xf32, #tpu.memory_space<vmem>>, vector<64x128xf32>
      %jit3A = arith.constant 0.000000e+00 : f32
      %broadcast_in_dim3A_589 = vector.shape_cast %gt3A_585 : vector<64x1xi1> to vector<64x1xi1>
      %broadcast_in_dim3A_590 = vector.broadcast %broadcast_in_dim3A_589 : vector<64x1xi1> to vector<64x128xi1>
      %broadcast_in_dim3A_591 = vector.broadcast %jit3A : f32 to vector<64x128xf32>
      %select_n3A = arith.select %broadcast_in_dim3A_590, %get3A_588, %broadcast_in_dim3A_591 : vector<64x128xi1>, vector<64x128xf32>
      %get3A_592 = arith.constant 0 : index
      %get3A_593 = arith.constant 0 : index
      %get3A_594 = vector.load %arg8[%get3A_592, %get3A_593] : memref<256x128xf32, #tpu.memory_space<vmem>>, vector<256x128xf32>
      %slice3A = vector.extract_strided_slice %get3A_594 {offsets = [0, 0], sizes = [128, 128], strides = [1, 1]} : vector<256x128xf32> to vector<128x128xf32>
      %dot_general3A_595 = arith.constant dense<0.000000e+00> : vector<64x128xf32>
      %dot_general3A_596 = tpu.matmul %select_n3A, %slice3A, %dot_general3A_595 {dimension_numbers = #tpu.dot_dimension_numbers<[1], [0], [0], [1], [0, 0, 1, 1], [], []>, precision = #tpu.contract_precision<fp32>, transpose_lhs_hint = false} : vector<64x128xf32>, vector<128x128xf32>, vector<64x128xf32> -> vector<64x128xf32>
      %slice3A_597 = vector.extract_strided_slice %get3A_594 {offsets = [128, 0], sizes = [128, 128], strides = [1, 1]} : vector<256x128xf32> to vector<128x128xf32>
      %dot_general3A_598 = arith.constant dense<0.000000e+00> : vector<64x128xf32>
      %dot_general3A_599 = tpu.matmul %div3A_583, %slice3A_597, %dot_general3A_598 {dimension_numbers = #tpu.dot_dimension_numbers<[1], [0], [0], [1], [0, 0, 1, 1], [], []>, precision = #tpu.contract_precision<fp32>, transpose_lhs_hint = false} : vector<64x128xf32>, vector<128x128xf32>, vector<64x128xf32> -> vector<64x128xf32>
      %add3A_600 = arith.addf %dot_general3A_596, %dot_general3A_599 : vector<64x128xf32>
      %get3A_601 = arith.constant 0 : index
      %get3A_602 = arith.constant 0 : index
      %get3A_603 = vector.load %arg9[%get3A_601, %get3A_602] : memref<1x128xf32, #tpu.memory_space<vmem>>, vector<1x128xf32>
      %add3A_604 = vector.broadcast %get3A_603 : vector<1x128xf32> to vector<64x128xf32>
      %add3A_605 = arith.addf %add3A_600, %add3A_604 : vector<64x128xf32>
      %max3A_606 = arith.constant 0.000000e+00 : f32
      %max3A_607 = vector.broadcast %max3A_606 : f32 to vector<64x128xf32>
      %max3A_608 = arith.maximumf %add3A_605, %max3A_607 : vector<64x128xf32>
      %get3A_609 = arith.constant 0 : index
      %get3A_610 = arith.constant 0 : index
      %get3A_611 = vector.load %arg10[%get3A_609, %get3A_610] : memref<128x64xf32, #tpu.memory_space<vmem>>, vector<128x64xf32>
      %dot_general3A_612 = arith.constant dense<0.000000e+00> : vector<64x64xf32>
      %dot_general3A_613 = tpu.matmul %max3A_608, %get3A_611, %dot_general3A_612 {dimension_numbers = #tpu.dot_dimension_numbers<[1], [0], [0], [1], [0, 0, 1, 1], [], []>, precision = #tpu.contract_precision<fp32>, transpose_lhs_hint = false} : vector<64x128xf32>, vector<128x64xf32>, vector<64x64xf32> -> vector<64x64xf32>
      %get3A_614 = arith.constant 0 : index
      %get3A_615 = arith.constant 0 : index
      %get3A_616 = vector.load %arg11[%get3A_614, %get3A_615] : memref<1x64xf32, #tpu.memory_space<vmem>>, vector<1x64xf32>
      %add3A_617 = vector.broadcast %get3A_616 : vector<1x64xf32> to vector<64x64xf32>
      %add3A_618 = arith.addf %dot_general3A_613, %add3A_617 : vector<64x64xf32>
      %max3A_619 = arith.constant 0.000000e+00 : f32
      %max3A_620 = vector.broadcast %max3A_619 : f32 to vector<64x64xf32>
      %max3A_621 = arith.maximumf %add3A_618, %max3A_620 : vector<64x64xf32>
      %get3A_622 = arith.constant 0 : index
      %get3A_623 = arith.constant 0 : index
      %get3A_624 = vector.load %arg12[%get3A_622, %get3A_623] : memref<64x8xf32, #tpu.memory_space<vmem>>, vector<64x8xf32>
      %dot_general3A_625 = arith.constant dense<0.000000e+00> : vector<64x8xf32>
      %dot_general3A_626 = tpu.matmul %max3A_621, %get3A_624, %dot_general3A_625 {dimension_numbers = #tpu.dot_dimension_numbers<[1], [0], [0], [1], [0, 0, 1, 1], [], []>, precision = #tpu.contract_precision<fp32>, transpose_lhs_hint = false} : vector<64x64xf32>, vector<64x8xf32>, vector<64x8xf32> -> vector<64x8xf32>
      %get3A_627 = arith.constant 0 : index
      %get3A_628 = arith.constant 0 : index
      %get3A_629 = vector.load %arg13[%get3A_627, %get3A_628] : memref<1x8xf32, #tpu.memory_space<vmem>>, vector<1x8xf32>
      %add3A_630 = vector.broadcast %get3A_629 : vector<1x8xf32> to vector<64x8xf32>
      %add3A_631 = arith.addf %dot_general3A_626, %add3A_630 : vector<64x8xf32>
      %reduce_max3A_632 = arith.constant dense<0xFF800000> : vector<64xf32>
      %reduce_max3A_633 = vector.multi_reduction <maximumf>, %add3A_631, %reduce_max3A_632 [1] : vector<64x8xf32> to vector<64xf32>
      %broadcast_in_dim3A_634 = vector.shape_cast %reduce_max3A_633 : vector<64xf32> to vector<64x1xf32>
      %sub3A_635 = vector.broadcast %broadcast_in_dim3A_634 : vector<64x1xf32> to vector<64x8xf32>
      %sub3A_636 = arith.subf %add3A_631, %sub3A_635 : vector<64x8xf32>
      %exp3A = math.exp %sub3A_636 : vector<64x8xf32>
      %reduce_sum3A = arith.constant dense<0.000000e+00> : vector<64xf32>
      %reduce_sum3A_637 = vector.multi_reduction <add>, %exp3A, %reduce_sum3A [1] : vector<64x8xf32> to vector<64xf32>
      %broadcast_in_dim3A_638 = vector.shape_cast %reduce_sum3A_637 : vector<64xf32> to vector<64x1xf32>
      %log3A = math.log %broadcast_in_dim3A_638 : vector<64x1xf32>
      %sub3A_639 = vector.broadcast %log3A : vector<64x1xf32> to vector<64x8xf32>
      %sub3A_640 = arith.subf %sub3A_636, %sub3A_639 : vector<64x8xf32>
      %swap3A_641 = arith.constant 0 : index
      %swap3A_642 = arith.constant 0 : index
      %swap3A_643 = vector.load %arg14[%swap3A_641, %swap3A_642] : memref<64x8xf32, #tpu.memory_space<vmem>>, vector<64x8xf32>
      tpu.vector_store %arg14[%swap3A_641, %swap3A_642], %sub3A_640 {strides = array<i32>} : memref<64x8xf32, #tpu.memory_space<vmem>>, vector<64x8xf32>,
    } else {
    }
    return
  }
  func.func @transform_0(%arg0: i32) -> (i32, i32) {
    %c0_i32 = arith.constant 0 : i32
    %c0_i32_0 = arith.constant 0 : i32
    return %arg0, %c0_i32 : i32, i32
  }
  func.func @transform_1(%arg0: i32) -> (i32, i32) {
    %c0_i32 = arith.constant 0 : i32
    %c0_i32_0 = arith.constant 0 : i32
    return %arg0, %c0_i32 : i32, i32
  }
  func.func @transform_2(%arg0: i32) -> (i32, i32) {
    %c0_i32 = arith.constant 0 : i32
    %c0_i32_0 = arith.constant 0 : i32
    return %arg0, %c0_i32 : i32, i32
  }
  func.func @transform_3(%arg0: i32) -> (i32, i32) {
    %c0_i32 = arith.constant 0 : i32
    %c0_i32_0 = arith.constant 0 : i32
    return %arg0, %c0_i32 : i32, i32
  }
  func.func @transform_4(%arg0: i32) -> (i32, i32) {
    %c0_i32 = arith.constant 0 : i32
    %c0_i32_0 = arith.constant 0 : i32
    return %arg0, %c0_i32 : i32, i32
  }
  func.func @transform_5(%arg0: i32) -> (i32, i32) {
    %c0_i32 = arith.constant 0 : i32
    %c0_i32_0 = arith.constant 0 : i32
    return %arg0, %c0_i32 : i32, i32
  }
  func.func @transform_6(%arg0: i32) -> (i32, i32) {
    %c0_i32 = arith.constant 0 : i32
    %c0_i32_0 = arith.constant 0 : i32
    %c0_i32_1 = arith.constant 0 : i32
    return %c0_i32, %c0_i32_0 : i32, i32
  }
  func.func @transform_7(%arg0: i32) -> (i32, i32) {
    %c0_i32 = arith.constant 0 : i32
    %c0_i32_0 = arith.constant 0 : i32
    %c0_i32_1 = arith.constant 0 : i32
    return %c0_i32, %c0_i32_0 : i32, i32
  }
  func.func @transform_8(%arg0: i32) -> (i32, i32) {
    %c0_i32 = arith.constant 0 : i32
    %c0_i32_0 = arith.constant 0 : i32
    %c0_i32_1 = arith.constant 0 : i32
    return %c0_i32, %c0_i32_0 : i32, i32
  }
  func.func @transform_9(%arg0: i32) -> (i32, i32) {
    %c0_i32 = arith.constant 0 : i32
    %c0_i32_0 = arith.constant 0 : i32
    %c0_i32_1 = arith.constant 0 : i32
    return %c0_i32, %c0_i32_0 : i32, i32
  }
  func.func @transform_10(%arg0: i32) -> (i32, i32) {
    %c0_i32 = arith.constant 0 : i32
    %c0_i32_0 = arith.constant 0 : i32
    %c0_i32_1 = arith.constant 0 : i32
    return %c0_i32, %c0_i32_0 : i32, i32
  }
  func.func @transform_11(%arg0: i32) -> (i32, i32) {
    %c0_i32 = arith.constant 0 : i32
    %c0_i32_0 = arith.constant 0 : i32
    %c0_i32_1 = arith.constant 0 : i32
    return %c0_i32, %c0_i32_0 : i32, i32
  }
  func.func @transform_12(%arg0: i32) -> (i32, i32) {
    %c0_i32 = arith.constant 0 : i32
    %c0_i32_0 = arith.constant 0 : i32
    %c0_i32_1 = arith.constant 0 : i32
    return %c0_i32, %c0_i32_0 : i32, i32
  }
  func.func @transform_13(%arg0: i32) -> (i32, i32) {
    %c0_i32 = arith.constant 0 : i32
    %c0_i32_0 = arith.constant 0 : i32
    %c0_i32_1 = arith.constant 0 : i32
    return %c0_i32, %c0_i32_0 : i32, i32
  }
}

</mosaic_0001>

<sc_bundles>
// kernel: kernel.11.cloned.1.call-start
scs
__scs_entry_jumppad:
0x0: {  	(pc) =	sbr.rel $0x88, $3  }
0x1: {  	(tag) =	ssettag $0x0;
	lr =	simm.s32 $0x1  }
0x2: {  	[smem:$0x3F94] =	sst lr;
	_ =	strace $0xD0000000  }
0x3: {  	_ = 	snop  }
0x4: {  	_ = 	snop  }
0x5: {  	_ = 	snop  }
0x6: {  	_ = 	snop  }
0x7: {  	_ = 	snop  }
__scs_overlays_trampoline_lowered:
0x8: {  	[smem:$0x3FA3] =	sst s0  }
0x9: {  	[smem:$0x3FA4] =	sst s1  }
0xa: {  	[smem:$0x3FA5] =	sst s2  }
0xb: {  	[smem:$0x3FA6] =	sst s3  }
0xc: {  	[smem:$0x3FA7] =	sst s4  }
0xd: {  	[smem:$0x3FA8] =	sst s5  }
0xe: {  	[smem:$0x3FA9] =	sst s6  }
0xf: {  	[smem:$0x3FAA] =	sst s7  }
0x10: {  	[smem:$0x3FAB] =	sst s8  }
0x11: {  	[smem:$0x3FAC] =	sst s9;
	s0 =	simm.s32 @!p0 $0x0  }
0x12: {  	s1 =	sld [smem:$0x3F92];
	s0 =	simm.s32 @p0 $0x1  }
0x13: {  	[smem:$0x3FAD] =	sst s0;
	s0 =	simm.s32 @!p1 $0x0  }
0x14: {  	s2 =	sld [smem:$0x3F91];
	s0 =	simm.s32 @p1 $0x1  }
0x15: {  	[smem:$0x3FAE] =	sst s0;
	s0 =	simm.s32 @!p2 $0x0  }
0x16: {  	s3 =	sld [smem:$0x3FDB];
	s0 =	simm.s32 @p2 $0x1  }
0x17: {  	s4 =	simm.s32 $0x1BF5;
	[smem:$0x3FB0] =	sst s0  }
0x18: {  	s0 =	sld [smem:$0x3F93];
	_ =	swait.ge [sflag:s4], $0x0  }
0x19: {  	s7 =	sld [smem:$0x3F94]  }
0x1a: {  	s8 =	sadd.s32 $0xFFFFE003, lr  }
0x1b: {  	s9 =	sadd.s32 $0xFFFFFEF7, lr;
	s5 =	simm.s32 $0xFFFFFFFF;
	p2 =	slt.u32 s8, $0xFFFFF086  }
0x1c: {  	p1 =	slt.u32 s9, $0xF7A;
	s5 =	simm.s32 @!p2 $0x0  }
0x1d: {  	s5 =	simm.s32 @p1 $0x1;
	p0 =	seq.s32 s7, s2  }
0x1e: {  	s7 =	smul.u32 @!p0 $0xF7A, s2;
	p2 =	seq.s32 @!p0 s5, $0x0  }
0x1f: {  	s9 =	smul.u32 $0xF7A, s1;
	s8 =	simm.s32 @!p0 $0x1BF5;
	p2 =	por !p2, p0  }
0x20: {  	[sflag:s8] =	ssyncset.s32 @!p0 $0xFFFFF086;
	s6 =	sadd.s32 @!p0 s3, s7;
	s7 =	simm.s32 @!p0 $0x108  }
0x21: {  	s3 =	sadd.s32 s3, s9;
	s6 =	sadd.s32 @!p0 $0x88, s6;
	s7 =	simm.s32 @p2 $0x1082  }
0x22: {  	[simem:s7], [sflag:s8] =	dma.local @!p0 [hbm:s6], $0xF7A  }
0x23: {  	s9 =	sor.u32 $0xD0000000, s2;
	s6 =	simm.s32 $0x108;
	_ =	swait.ge @!p0 [sflag:s8], $0x0  }
0x24: {  	s3 =	sadd.s32 $0x88, s3;
	s6 =	simm.s32 @!p1 $0x1082;
	[sflag:s4] =	ssyncset.s32 $0xFFFFF086  }
0x25: {  	[simem:s6], [sflag:s4] =	dma.local [hbm:s3], $0xF7A  }
0x26: {  	[smem:$0x3F94] =	sst s1;
	(tag) =	ssettag s2;
	_ =	strace s9  }
0x27: {  	s1 =	sld [smem:$0x3FA4]  }
0x28: {  	s2 =	sld [smem:$0x3FA5]  }
0x29: {  	s4 =	sld [smem:$0x3FA7]  }
0x2a: {  	p0 =	seq.s32 s5, $0x0;
	s5 =	sld [smem:$0x3FA8]  }
0x2b: {  	s6 =	sld [smem:$0x3FA9]  }
0x2c: {  	s7 =	sld [smem:$0x3FAA]  }
0x2d: {  	s3 =	simm.s32 $0x108;
	s8 =	sld [smem:$0x3FAB]  }
0x2e: {  	s3 =	simm.s32 @!p0 $0x1082;
	s9 =	sld [smem:$0x3FAC]  }
0x2f: {  	lr =	sadd.s32 s0, s3;
	s0 =	sld [smem:$0x3FA3]  }
0x30: {  	s3 =	sld [smem:$0x3FA6]  }
0x31: {  	[smem:$0x3FAF] =	sst s10  }
0x32: {  	s10 =	sld [smem:$0x3FAD];
	_ =	sdelay $0x3  }
0x33: {  	p0 =	seq.s32 s10, $0x1;
	s10 =	sld [smem:$0x3FAF];
	_ =	sdelay $0x3  }
0x34: {  	[smem:$0x3FAF] =	sst s10  }
0x35: {  	s10 =	sld [smem:$0x3FAE];
	_ =	sdelay $0x3  }
0x36: {  	p1 =	seq.s32 s10, $0x1;
	s10 =	sld [smem:$0x3FAF];
	_ =	sdelay $0x3  }
0x37: {  	[smem:$0x3FAF] =	sst s10  }
0x38: {  	s10 =	sld [smem:$0x3FB0]  }
0x39: {  	_ = 	snop;
	(pc) =	sbr.ind lr, $3  }
0x3a: {  	_ = 	snop  }
0x3b: {  	_ = 	snop  }
0x3c: {  	p2 =	seq.s32 s10, $0x1;
	s10 =	sld [smem:$0x3FAF]  }
0x3d: {  	_ =	shalt  }
0x3e: {  	_ =	shalt  }
0x3f: {  	_ =	shalt  }
0x40: {  	_ =	shalt  }
0x41: {  	_ =	shalt  }
0x42: {  	_ =	shalt  }
0x43: {  	_ =	shalt  }
0x44: {  	_ =	shalt  }
0x45: {  	_ =	shalt  }
0x46: {  	_ =	shalt  }
0x47: {  	_ =	shalt  }
0x48: {  	_ =	shalt  }
0x49: {  	_ =	shalt  }
0x4a: {  	_ =	shalt  }
0x4b: {  	_ =	shalt  }
0x4c: {  	_ =	shalt  }
0x4d: {  	_ =	shalt  }
0x4e: {  	_ =	shalt  }
0x4f: {  	_ =	shalt  }
0x50: {  	_ =	shalt  }
0x51: {  	_ =	shalt  }
0x52: {  	_ =	shalt  }
0x53: {  	_ =	shalt  }
0x54: {  	_ =	shalt  }
0x55: {  	_ =	shalt  }
0x56: {  	_ =	shalt  }
0x57: {  	_ =	shalt  }
0x58: {  	_ =	shalt  }
0x59: {  	_ =	shalt  }
0x5a: {  	_ =	shalt  }
0x5b: {  	_ =	shalt  }
0x5c: {  	_ =	shalt  }
0x5d: {  	_ =	shalt  }
0x5e: {  	_ =	shalt  }
0x5f: {  	_ =	shalt  }
0x60: {  	_ =	shalt  }
0x61: {  	_ =	shalt  }
0x62: {  	_ =	shalt  }
0x63: {  	_ =	shalt  }
0x64: {  	_ =	shalt  }
0x65: {  	_ =	shalt  }
0x66: {  	_ =	shalt  }
0x67: {  	_ =	shalt  }
0x68: {  	_ =	shalt  }
0x69: {  	_ =	shalt  }
0x6a: {  	_ =	shalt  }
0x6b: {  	_ =	shalt  }
0x6c: {  	_ =	shalt  }
0x6d: {  	_ =	shalt  }
0x6e: {  	_ =	shalt  }
0x6f: {  	_ =	shalt  }
0x70: {  	_ =	shalt  }
0x71: {  	_ =	shalt  }
0x72: {  	_ =	shalt  }
0x73: {  	_ =	shalt  }
0x74: {  	_ =	shalt  }
0x75: {  	_ =	shalt  }
0x76: {  	_ =	shalt  }
0x77: {  	_ =	shalt  }
0x78: {  	_ =	shalt  }
0x79: {  	_ =	shalt  }
0x7a: {  	_ =	shalt  }
0x7b: {  	_ =	shalt  }
0x7c: {  	_ =	shalt  }
0x7d: {  	_ =	shalt  }
0x7e: {  	_ =	shalt  }
0x7f: {  	_ =	shalt  }
0x80: {  	_ =	shalt  }
0x81: {  	_ =	shalt  }
0x82: {  	_ =	shalt  }
0x83: {  	_ =	shalt  }
0x84: {  	_ =	shalt  }
0x85: {  	_ =	shalt  }
0x86: {  	_ =	shalt  }
0x87: {  	_ =	shalt  }
.Lfunc_end0:
.L_simem_size_0:
called_computation.1_lowered:
.L_overlay_start_0:
0x88: {  	s2 =	sld [smem:$0x3FD9]  }
0x89: {  	s3 =	sld [smem:$0x3FFE];
	_ =	sdelay $0x1  }
0x8a: {  	s1 =	srdreg.scid  }
0x8b: {  	s0 =	sand.u32 $0x1, s1  }
0x8c: {  	s16 =	sshll.u32 s0, $0xA;
	s2 =	sadd.s32 s3, s2  }
0x8d: {  	s2 =	sadd.s32 s2, s16  }
0x8e: {  	[smem:$0x3FBB] =	sst s2  }
0x8f: {  	_ = 	snop  }
0x90: {  	(tm) =	ssettm $0x1  }
0x91: {  	s17 =	sld [smem:$0x3FFB];
	_ =	sdelay $0x3  }
0x92: {  	_ =	strace s17  }
0x93: {  	s2 =	sld [smem:$0x3FFC];
	_ =	sdelay $0x3  }
0x94: {  	_ =	strace s2  }
0x95: {  	s2 =	sld [smem:$0x3FFD];
	_ =	sdelay $0x3  }
0x96: {  	_ =	strace s2  }
0x97: {  	_ =	strace $0x8FFFFFFF  }
0x98: {  	s18 =	sld [smem:$0x3FDB];
	_ =	sdelay $0x1  }
0x99: {  	s19 =	simm.s32 $_scs_section_size  }
0x9a: {  	s4 =	simm.s32 $_size__tile_overlayer_lowered;
	s5 =	simm.s32 $_tile_overlayer_lowered  }
0x9b: {  	s22 =	simm.s32 $0x1BFF;
	s21 =	sshll.u32 s5, $0x1;
	s2 =	sadd.s32 s19, s18  }
0x9c: {  	s6 =	simm.s32 $0x0;
	s20 =	sshll.u32 s4, $0x1;
	s4 =	sadd.s32 s21, s2  }
0x9d: {  	[timem:s6], [sflag:s22] =	dma.local [hbm:s4], s20  }
0x9e: {  	_ =	swait.ge [sflag:s22], s20  }
0x9f: {  	s3 =	ssub.s32 $0x0, s20;
	[sflag:s22] =	ssyncset.done $0x0  }
0xa0: {  	[sflag:s22] =	ssyncadd.s32 s3;
	_ =	sdelay $0x1  }
0xa1: {  	s23 =	simm.s32 $0x1B8B  }
0xa2: {  	_ =	swait.ge [sflag:s23], $0x1  }
0xa3: {  	[sflag:s23] =	ssyncset.done $0x0  }
0xa4: {  	s25 =	simm.s32 $0x1B8E;
	s24 =	sld [smem:$0x3FFE];
	[sflag:s23] =	ssyncadd.s32 $0xFFFFFFFF  }
0xa5: {  	s26 =	simm.s32 $execute0_lowered;
	[smem:$0x3FD2] =	sst s25  }
0xa6: {  	s4 =	sshll.u32 s26, $0x1;
	_ =	strace $0x80000049;
	[dreg:$0x1] =	wrdreg $0xFFFFFFFF  }
0xa7: {  	s28 =	simm.s32 $_size_execute0_lowered;
	s2 =	sadd.s32 s2, s4;
	[dreg:$0x0] =	wrdreg $0x0  }
0xa8: {  	s4 =	sshll.u32 s28, $0x1;
	[dreg:$0x2] =	wrdreg s2  }
0xa9: {  	[dreg:$0x3] =	wrdreg s4  }
0xaa: {  	[dreg:$0x4] =	wrdreg $0xC0  }
0xab: {  	_ =	task [dreg:s6], $0x5FFFF  }
0xac: {  	[dreg:$0x1] =	wrdreg $0xFFFFFFFF  }
0xad: {  	[dreg:$0x0] =	wrdreg $0x60  }
0xae: {  	[dreg:$0x2] =	wrdreg s24  }
0xaf: {  	[dreg:$0x3] =	wrdreg $0xA8000  }
0xb0: {  	[dreg:$0x4] =	wrdreg $0x9  }
0xb1: {  	_ =	task.clear_ibuf [dreg:s6], $0x5FFFF;
	_ =	strace $0x90000049  }
0xb2: {  	s29 =	simm.s32 $0x9;
	_ =	strace $0x8000004B  }
0xb3: {  	_ =	swait.ge [sflag:s29], $0x1  }
0xb4: {  	[sflag:s29] =	ssyncadd.s32 $0xFFFFFFFF  }
0xb5: {  	_ =	strace $0x9000004B  }
0xb6: {  	_ =	sfence  }
0xb7: {  	s30 =	sld [smem:$0x0];
	_ =	sdelay $0x2  }
0xb8: {  	s31 =	sshll.u32 s1, $0xD;
	s1 =	sshrl.u32 s1, $0x2  }
0xb9: {  	s3 =	sand.u32 $0x4000, s31;
	s1 =	sadd.s32 s1, s30  }
0xba: {  	s0 =	sor.u32 s3, s0;
	s1 =	sshll.u32 s1, $0x11  }
0xbb: {  	s0 =	sor.u32 s1, s0  }
0xbc: {  	s0 =	sadd.s32 $0x8F2B, s0  }
0xbd: {  	[sflag:s0] =	ssyncadd.remote.s32 $0x1  }
0xbe: {  	_ =	sfence.sel $0xFFFF  }
0xbf: {  	[dreg:$0x0] =	wrdreg $0xFFFFFFFF;
	(pc) =	sbr.abs _section_cstart, $3  }
0xc0: {  	[dreg:$0x1] =	wrdreg $0xFFFFFFFF  }
0xc1: {  	_ =	task.clear_ibuf [dreg:s6], $0x2FFFF;
	_ =	strace $0x9FFFFFFF  }
0xc2: {  	(tm) =	ssettm $0x7FFFFFFF  }
0xc3: {  	_ =	shalt  }
tec
execute0_lowered:
.L_overlay_start_1:
0x0: {  	(tag) =	ssettag $0x1  }
0x1: {  	s6 =	rddreg [dreg:$0x0]  }
0x2: {  	s1 =	rddreg [dreg:$0x1]  }
0x3: {  	s0 =	rddreg [dreg:$0x2];
	s2 =	simm.s32 $0x0;
	s5 =	srdreg.scid  }
0x4: {  	s3 =	stileid.u32;
	s18 =	simm.s32 $0x1400;
	s19 =	simm.s32 $0x80  }
0x5: {  	s20 =	simm.s32 $0x2800;
	s21 =	simm.s32 $0x6800;
	s22 =	simm.s32 $0x1  }
0x6: {  	s23 =	simm.s32 $0x2;
	s24 =	simm.s32 $0x2700;
	s25 =	simm.s32 $0x2780  }
0x7: {  	s26 =	simm.s32 $0x0;
	[smem:$0x7FF] =	sst s2;
	s4 =	sadd.s32 $0x7B400, s6  }
0x8: {  	s9 =	sadd.s32 $0x23000, s6;
	s7 =	sand.u32 $0x1, s5;
	s8 =	smul.u32 $0x4E000, s3  }
0x9: {  	s10 =	sadd.s32 $0x19000, s6;
	s11 =	sadd.s32 $0xA2600, s6;
	s14 =	smul.u32 $0x2700, s3  }
0xa: {  	s6 =	sadd.s32 $0x9FD00, s6;
	s17 =	smul.u32 $0x13800, s3;
	p0 =	seq.s32 s3, $0xF  }
0xb: {  	_ =	strace $0x8000004A;
	s5 =	ssub.s32 $0x2, s7;
	s13 =	sshll.u32 s7, $0x4  }
0xc: {  	s30 =	smul.u32 $0x138800, s7;
	s12 =	sshrl.u32 s5, $0x1;
	s8 =	sshrl.u32 s8, $0x2  }
0xd: {  	s13 =	sor.u32 s3, s13;
	s15 =	ssub.s32 s5, s12;
	s16 =	sadd.s32 s8, s1  }
0xe: {  	s29 =	smul.u32 $0x2800, s13;
	s5 =	sadd.s32 s4, s14;
	s17 =	sadd.s32 s17, s30  }
0xf: {  	s14 =	sadd.s32 $0x124800, s1;
	s12 =	sshrl.u32 s30, $0x3;
	s31 =	sshrl.u32 s17, $0x3  }
0x10: {  	s12 =	sadd.s32 s11, s12;
	s14 =	sshrl.u32 @p0 s14, $0x3;
	s13 =	sshrl.u32 s29, $0x3  }
0x11: {  	s7 =	sadd.s32 s9, s13;
	s8 =	sadd.s32 s10, s13;
	s13 =	sadd.s32 $0x280, s13  }
0x12: {  	s16 =	sshrl.u32 @!p0 s16, $0x3;
	s17 =	simm.s32 $0x3;
	s9 =	sadd.s32 s9, s13  }
0x13: {  	s10 =	sadd.s32 s10, s13;
	s13 =	smax.u32 s15, $0x1;
	s15 =	sshll.u32 @!p0 s3, $0x6  }
0x14: {  	s11 =	sadd.s32 s11, s31;
	s12 =	sadd.s32 $0x24900, s12;
	s15 =	sor.u32 @!p0 $0x1C03, s15  }
.LBB2_1:
0x15: {  	s28 =	simm.s32 @p0 $0x1FC3  }
0x16: {  	[spmem:s14], [sflag:s28] =	dma.local @p0 [hbm:s6], $0x2800  }
0x17: {  	s28 =	simm.s32 @p0 $0x3  }
0x18: {  	_ =	swait.ge @p0 [sflag:s28], $0x2800  }
0x19: {  	[sflag:s28] =	ssyncset.done @p0 $0x0  }
0x1a: {  	[sflag:s28] =	ssyncadd.s32 @p0 $0xFFFFD800;
	s28 =	simm.s32 @!p0 $0x3  }
0x1b: {  	[spmem:s16], [sflag:s15] =	dma.local @!p0 [hbm:s5], $0x2700  }
0x1c: {  	_ =	swait.ge @!p0 [sflag:s28], $0x2700  }
0x1d: {  	[sflag:s28] =	ssyncset.done @!p0 $0x0  }
0x1e: {  	[sflag:s28] =	ssyncadd.s32 @!p0 $0xFFFFD900  }
0x1f: {  	[bflag:$0x0] =	sbarrier.arrive $0xFFFF  }
0x20: {  	[tilespmem:s2], [sflag:$0x3] =	stream.linear.gather [hbm4b:s7+s2], $0x1400, $0x38;
	[tilespmem:$0x1FF00] =	vst v63  }
0x21: {  	_ =	swait.ge [sflag:s17], $0x1400  }
0x22: {  	[sflag:s17] =	ssyncset.done $0x0  }
0x23: {  	[sflag:s17] =	ssyncadd.s32 $0xFFFFEC00  }
0x24: {  	[tilespmem:s18], [sflag:$0x3] =	stream.linear.gather [hbm4b:s8+s2], $0x1400, $0x38;
	[tilespmem:$0x1FF00] =	vst v63  }
0x25: {  	_ =	swait.ge [sflag:s17], $0x1400  }
0x26: {  	[sflag:s17] =	ssyncset.done $0x0  }
0x27: {  	[sflag:s17] =	ssyncadd.s32 $0xFFFFEC00  }
0x28: {  	[tilespmem:s20], [sflag:$0x1] =	stream.indirect.gather [hbm4b:s4+s19], $0x80, s2, s19, $0xb8;
	[tilespmem:$0x1FF00] =	vst v63  }
0x29: {  	_ = 	snop  }
0x2a: {  	[tilespmem:s21], [sflag:$0x2] =	stream.indirect.gather [hbm4b:s4+s19], $0x80, s19, s19, $0xb8;
	[tilespmem:$0x1FF00] =	vst v63  }
0x2b: {  	_ =	swait.ge [sflag:s22], $0x4000  }
0x2c: {  	[sflag:s22] =	ssyncset.done $0x0  }
0x2d: {  	s28 =	simm.s32 $0x1400;
	[sflag:s22] =	ssyncadd.s32 $0xFFFFC000  }
0x2e: {  	[spmem:s1] =	stream.indirect.scatter.add.f32 [tilespmem:s20], [sflag:$0x3], $0x80, s28, s19, $0xb8;
	[tilespmem:$0x1FF00] =	vst v63  }
0x2f: {  	_ =	swait.ge [sflag:s17], $0x4000  }
0x30: {  	[sflag:s17] =	ssyncset.done $0x0  }
0x31: {  	s28 =	simm.s32 $0x100;
	[sflag:s17] =	ssyncadd.s32 $0xFFFFC000  }
0x32: {  	[tilespmem:s20], [sflag:$0x1] =	stream.indirect.gather [hbm4b:s4+s19], $0x80, s28, s19, $0xb8;
	[tilespmem:$0x1FF00] =	vst v63  }
0x33: {  	_ =	swait.ge [sflag:s23], $0x4000  }
0x34: {  	[sflag:s23] =	ssyncset.done $0x0  }
0x35: {  	s28 =	simm.s32 $0x1480;
	[sflag:s23] =	ssyncadd.s32 $0xFFFFC000  }
0x36: {  	[spmem:s1] =	stream.indirect.scatter.add.f32 [tilespmem:s21], [sflag:$0x3], $0x80, s28, s19, $0xb8;
	[tilespmem:$0x1FF00] =	vst v63  }
0x37: {  	_ =	swait.ge [sflag:s17], $0x4000  }
0x38: {  	[sflag:s17] =	ssyncset.done $0x0  }
0x39: {  	s29 =	simm.s32 $0x180;
	s28 =	simm.s32 $0x400;
	[sflag:s17] =	ssyncadd.s32 $0xFFFFC000  }
.LBB2_2:
0x3a: {  	[tilespmem:s21], [sflag:$0x2] =	stream.indirect.gather [hbm4b:s4+s19], $0x80, s29, s19, $0xb8;
	[tilespmem:$0x1FF00] =	vst v63  }
0x3b: {  	s29 =	smov.u32 s28  }
0x3c: {  	p1 =	sne.s32 s28, $0x4800;
	s28 =	sadd.s32 $0x400, s28;
	_ =	swait.ge [sflag:s22], $0x4000  }
0x3d: {  	s29 =	sshra.s32 s29, $0x2;
	[sflag:s22] =	ssyncset.done $0x0  }
0x3e: {  	s30 =	sadd.s32 $0x1400, s29;
	[sflag:s22] =	ssyncadd.s32 $0xFFFFC000  }
0x3f: {  	[spmem:s1] =	stream.indirect.scatter.add.f32 [tilespmem:s20], [sflag:$0x3], $0x80, s30, s19, $0xb8;
	[tilespmem:$0x1FF00] =	vst v63  }
0x40: {  	_ =	swait.ge [sflag:s17], $0x4000  }
0x41: {  	[sflag:s17] =	ssyncset.done $0x0  }
0x42: {  	s30 =	sadd.s32 $0x100, s29;
	[sflag:s17] =	ssyncadd.s32 $0xFFFFC000  }
0x43: {  	[tilespmem:s20], [sflag:$0x1] =	stream.indirect.gather [hbm4b:s4+s19], $0x80, s30, s19, $0xb8;
	[tilespmem:$0x1FF00] =	vst v63  }
0x44: {  	_ =	swait.ge [sflag:s23], $0x4000  }
0x45: {  	[sflag:s23] =	ssyncset.done $0x0  }
.Ltmp0:
0x46: {  	s30 =	sadd.s32 $0x1480, s29;
	[sflag:s23] =	ssyncadd.s32 $0xFFFFC000;
	(pc) =	sbr.rel @p1 .LBB2_2-.Ltmp0, $4  }
0x47: {  	[spmem:s1] =	stream.indirect.scatter.add.f32 [tilespmem:s21], [sflag:$0x3], $0x80, s30, s19, $0xb8;
	[tilespmem:$0x1FF00] =	vst v63  }
0x48: {  	_ =	swait.ge [sflag:s17], $0x4000  }
0x49: {  	[sflag:s17] =	ssyncset.done $0x0  }
0x4a: {  	s29 =	sadd.s32 $0x180, s29;
	[sflag:s17] =	ssyncadd.s32 $0xFFFFC000  }
0x4b: {  	[tilespmem:s21], [sflag:$0x2] =	stream.indirect.gather [hbm4b:s4+s19], $0x80, s29, s19, $0xb8;
	[tilespmem:$0x1FF00] =	vst v63  }
0x4c: {  	_ =	swait.ge [sflag:s22], $0x4000  }
0x4d: {  	[sflag:s22] =	ssyncset.done $0x0  }
0x4e: {  	[sflag:s22] =	ssyncadd.s32 $0xFFFFC000  }
0x4f: {  	[spmem:s1] =	stream.indirect.scatter.add.f32 [tilespmem:s20], [sflag:$0x3], $0x80, s24, s19, $0xb8;
	[tilespmem:$0x1FF00] =	vst v63  }
0x50: {  	_ =	swait.ge [sflag:s17], $0x4000  }
0x51: {  	[sflag:s17] =	ssyncset.done $0x0  }
0x52: {  	[sflag:s17] =	ssyncadd.s32 $0xFFFFC000  }
0x53: {  	_ =	swait.ge [sflag:s23], $0x4000  }
0x54: {  	[sflag:s23] =	ssyncset.done $0x0  }
0x55: {  	[sflag:s23] =	ssyncadd.s32 $0xFFFFC000  }
0x56: {  	[spmem:s1] =	stream.indirect.scatter.add.f32 [tilespmem:s21], [sflag:$0x3], $0x80, s25, s19, $0xb8;
	[tilespmem:$0x1FF00] =	vst v63  }
0x57: {  	_ =	swait.ge [sflag:s17], $0x4000  }
0x58: {  	[sflag:s17] =	ssyncset.done $0x0  }
0x59: {  	s28 =	simm.s32 $0x0;
	[sflag:s17] =	ssyncadd.s32 $0xFFFFC000  }
0x5a: {  	[tilespmem:s28], [sflag:$0x3] =	stream.linear.gather [hbm4b:s9+s28], $0x1400, $0x38;
	[tilespmem:$0x1FF00] =	vst v63  }
0x5b: {  	_ =	swait.ge [sflag:s17], $0x1400  }
0x5c: {  	[sflag:s17] =	ssyncset.done $0x0  }
0x5d: {  	[sflag:s17] =	ssyncadd.s32 $0xFFFFEC00  }
0x5e: {  	[tilespmem:s18], [sflag:$0x3] =	stream.linear.gather [hbm4b:s10+s28], $0x1400, $0x38;
	[tilespmem:$0x1FF00] =	vst v63  }
0x5f: {  	_ =	swait.ge [sflag:s17], $0x1400  }
0x60: {  	[sflag:s17] =	ssyncset.done $0x0  }
0x61: {  	[sflag:s17] =	ssyncadd.s32 $0xFFFFEC00  }
0x62: {  	[tilespmem:s20], [sflag:$0x1] =	stream.indirect.gather [hbm4b:s4+s19], $0x80, s28, s19, $0xb8;
	[tilespmem:$0x1FF00] =	vst v63  }
0x63: {  	_ = 	snop  }
0x64: {  	[tilespmem:s21], [sflag:$0x2] =	stream.indirect.gather [hbm4b:s4+s19], $0x80, s19, s19, $0xb8;
	[tilespmem:$0x1FF00] =	vst v63  }
0x65: {  	_ =	swait.ge [sflag:s22], $0x4000  }
0x66: {  	[sflag:s22] =	ssyncset.done $0x0  }
0x67: {  	s28 =	simm.s32 $0x1400;
	[sflag:s22] =	ssyncadd.s32 $0xFFFFC000  }
0x68: {  	[spmem:s1] =	stream.indirect.scatter.add.f32 [tilespmem:s20], [sflag:$0x3], $0x80, s28, s19, $0xb8;
	[tilespmem:$0x1FF00] =	vst v63  }
0x69: {  	_ =	swait.ge [sflag:s17], $0x4000  }
0x6a: {  	[sflag:s17] =	ssyncset.done $0x0  }
0x6b: {  	s28 =	simm.s32 $0x100;
	[sflag:s17] =	ssyncadd.s32 $0xFFFFC000  }
0x6c: {  	[tilespmem:s20], [sflag:$0x1] =	stream.indirect.gather [hbm4b:s4+s19], $0x80, s28, s19, $0xb8;
	[tilespmem:$0x1FF00] =	vst v63  }
0x6d: {  	_ =	swait.ge [sflag:s23], $0x4000  }
0x6e: {  	[sflag:s23] =	ssyncset.done $0x0  }
0x6f: {  	s28 =	simm.s32 $0x1480;
	[sflag:s23] =	ssyncadd.s32 $0xFFFFC000  }
0x70: {  	[spmem:s1] =	stream.indirect.scatter.add.f32 [tilespmem:s21], [sflag:$0x3], $0x80, s28, s19, $0xb8;
	[tilespmem:$0x1FF00] =	vst v63  }
0x71: {  	_ =	swait.ge [sflag:s17], $0x4000  }
0x72: {  	[sflag:s17] =	ssyncset.done $0x0  }
0x73: {  	s29 =	simm.s32 $0x180;
	s28 =	simm.s32 $0x400;
	[sflag:s17] =	ssyncadd.s32 $0xFFFFC000  }
.LBB2_4:
0x74: {  	[tilespmem:s21], [sflag:$0x2] =	stream.indirect.gather [hbm4b:s4+s19], $0x80, s29, s19, $0xb8;
	[tilespmem:$0x1FF00] =	vst v63  }
0x75: {  	s29 =	smov.u32 s28  }
0x76: {  	p1 =	sne.s32 s28, $0x4800;
	s28 =	sadd.s32 $0x400, s28;
	_ =	swait.ge [sflag:s22], $0x4000  }
0x77: {  	s29 =	sshra.s32 s29, $0x2;
	[sflag:s22] =	ssyncset.done $0x0  }
0x78: {  	s30 =	sadd.s32 $0x1400, s29;
	[sflag:s22] =	ssyncadd.s32 $0xFFFFC000  }
0x79: {  	[spmem:s1] =	stream.indirect.scatter.add.f32 [tilespmem:s20], [sflag:$0x3], $0x80, s30, s19, $0xb8;
	[tilespmem:$0x1FF00] =	vst v63  }
0x7a: {  	_ =	swait.ge [sflag:s17], $0x4000  }
0x7b: {  	[sflag:s17] =	ssyncset.done $0x0  }
0x7c: {  	s30 =	sadd.s32 $0x100, s29;
	[sflag:s17] =	ssyncadd.s32 $0xFFFFC000  }
0x7d: {  	[tilespmem:s20], [sflag:$0x1] =	stream.indirect.gather [hbm4b:s4+s19], $0x80, s30, s19, $0xb8;
	[tilespmem:$0x1FF00] =	vst v63  }
0x7e: {  	_ =	swait.ge [sflag:s23], $0x4000  }
0x7f: {  	[sflag:s23] =	ssyncset.done $0x0  }
.Ltmp1:
0x80: {  	s30 =	sadd.s32 $0x1480, s29;
	[sflag:s23] =	ssyncadd.s32 $0xFFFFC000;
	(pc) =	sbr.rel @p1 .LBB2_4-.Ltmp1, $4  }
0x81: {  	[spmem:s1] =	stream.indirect.scatter.add.f32 [tilespmem:s21], [sflag:$0x3], $0x80, s30, s19, $0xb8;
	[tilespmem:$0x1FF00] =	vst v63  }
0x82: {  	_ =	swait.ge [sflag:s17], $0x4000  }
0x83: {  	[sflag:s17] =	ssyncset.done $0x0  }
0x84: {  	s29 =	sadd.s32 $0x180, s29;
	[sflag:s17] =	ssyncadd.s32 $0xFFFFC000  }
0x85: {  	[tilespmem:s21], [sflag:$0x2] =	stream.indirect.gather [hbm4b:s4+s19], $0x80, s29, s19, $0xb8;
	[tilespmem:$0x1FF00] =	vst v63  }
0x86: {  	_ =	swait.ge [sflag:s22], $0x4000  }
0x87: {  	[sflag:s22] =	ssyncset.done $0x0  }
0x88: {  	[sflag:s22] =	ssyncadd.s32 $0xFFFFC000  }
0x89: {  	[spmem:s1] =	stream.indirect.scatter.add.f32 [tilespmem:s20], [sflag:$0x3], $0x80, s24, s19, $0xb8;
	[tilespmem:$0x1FF00] =	vst v63  }
0x8a: {  	_ =	swait.ge [sflag:s17], $0x4000  }
0x8b: {  	[sflag:s17] =	ssyncset.done $0x0  }
0x8c: {  	[sflag:s17] =	ssyncadd.s32 $0xFFFFC000  }
0x8d: {  	_ =	swait.ge [sflag:s23], $0x4000  }
0x8e: {  	[sflag:s23] =	ssyncset.done $0x0  }
0x8f: {  	[sflag:s23] =	ssyncadd.s32 $0xFFFFC000  }
0x90: {  	[spmem:s1] =	stream.indirect.scatter.add.f32 [tilespmem:s21], [sflag:$0x3], $0x80, s25, s19, $0xb8;
	[tilespmem:$0x1FF00] =	vst v63  }
0x91: {  	_ =	swait.ge [sflag:s17], $0x4000  }
0x92: {  	[sflag:s17] =	ssyncset.done $0x0  }
0x93: {  	[sflag:s17] =	ssyncadd.s32 $0xFFFFC000  }
0x94: {  	s28 =	simm.s32 @p0 $0x1FC3;
	[bflag:$0x0] =	sbarrier.arrive $0xFFFF  }
0x95: {  	[hbm:s12], [sflag:s28] =	dma.local @p0 [spmem:s14], $0x2800  }
0x96: {  	s28 =	simm.s32 @p0 $0x3  }
0x97: {  	s26 =	sadd.s32 $0x1, s26;
	_ =	swait.ge @p0 [sflag:s28], $0x2800  }
0x98: {  	p1 =	sne.s32 s26, s13;
	[sflag:s28] =	ssyncset.done @p0 $0x0  }
.Ltmp2:
0x99: {  	[sflag:s28] =	ssyncadd.s32 @p0 $0xFFFFD800;
	s28 =	simm.s32 @!p0 $0x3;
	(pc) =	sbr.rel @p1 .LBB2_1-.Ltmp2, $4  }
0x9a: {  	[hbm:s11], [sflag:s15] =	dma.local @!p0 [spmem:s16], $0x2700  }
0x9b: {  	_ =	swait.ge @!p0 [sflag:s28], $0x2700  }
0x9c: {  	[sflag:s28] =	ssyncset.done @!p0 $0x0  }
0x9d: {  	[sflag:s28] =	ssyncadd.s32 @!p0 $0xFFFFD900  }
0x9e: {  	_ =	sfence.sel $0x180000  }
0x9f: {  	[bflag:$0x0] =	sbarrier.arrive $0xFFFF  }
0xa0: {  	p0 =	sne.s32 s3, $0x0;
	_ =	strace $0x9000004A  }
0xa1: {  	s0 =	sadd.s32 @!p0 $0x100000, s0;
	[bflag:$0x2] =	sbarrier.arrive $0xFFFF  }
0xa2: {  	[sflag:s0] =	ssyncadd.tile.s32 @!p0 $0x1;
	_ =	shalt  }
.Lfunc_end2:
_tile_overlayer_lowered:
.L_overlay_start_2:
0xa3: {  	(tag) =	ssettag $0x2  }
0xa4: {  	s0 =	rddreg [dreg:$0x0];
	s2 =	stileid.u32  }
0xa5: {  	s1 =	rddreg [dreg:$0x1];
	p0 =	sne.s32 s2, $0x0  }
0xa6: {  	s3 =	rddreg [dreg:$0x2];
	[bflag:$0x3] =	sbarrier.arrive $0xFFFF;
	s2 =	simm.s32 @!p0 $0x1C03  }
0xa7: {  	[timem:s3], [sflag:s2] =	dma.local @!p0 [hbm:s0], s1  }
0xa8: {  	s0 =	simm.s32 @!p0 $0x3  }
0xa9: {  	_ =	swait.ge @!p0 [sflag:s0], s1  }
0xaa: {  	s1 =	ssub.s32 @!p0 $0x0, s1;
	[sflag:s0] =	ssyncset.done @!p0 $0x0  }
0xab: {  	[sflag:s0] =	ssyncadd.s32 @!p0 s1  }
0xac: {  	[bflag:$0x3] =	sbarrier.arrive $0xFFFF  }
0xad: {  	_ =	shalt  }

// kernel: kernel.14.cloned.1.call-start
scs
__scs_entry_jumppad:
0x0: {  	(pc) =	sbr.rel $0x88, $3  }
0x1: {  	(tag) =	ssettag $0x0;
	lr =	simm.s32 $0x1  }
0x2: {  	[smem:$0x3F94] =	sst lr;
	_ =	strace $0xD0000000  }
0x3: {  	_ = 	snop  }
0x4: {  	_ = 	snop  }
0x5: {  	_ = 	snop  }
0x6: {  	_ = 	snop  }
0x7: {  	_ = 	snop  }
__scs_overlays_trampoline_lowered:
0x8: {  	[smem:$0x3FA3] =	sst s0  }
0x9: {  	[smem:$0x3FA4] =	sst s1  }
0xa: {  	[smem:$0x3FA5] =	sst s2  }
0xb: {  	[smem:$0x3FA6] =	sst s3  }
0xc: {  	[smem:$0x3FA7] =	sst s4  }
0xd: {  	[smem:$0x3FA8] =	sst s5  }
0xe: {  	[smem:$0x3FA9] =	sst s6  }
0xf: {  	[smem:$0x3FAA] =	sst s7  }
0x10: {  	[smem:$0x3FAB] =	sst s8  }
0x11: {  	[smem:$0x3FAC] =	sst s9;
	s0 =	simm.s32 @!p0 $0x0  }
0x12: {  	s1 =	sld [smem:$0x3F92];
	s0 =	simm.s32 @p0 $0x1  }
0x13: {  	[smem:$0x3FAD] =	sst s0;
	s0 =	simm.s32 @!p1 $0x0  }
0x14: {  	s2 =	sld [smem:$0x3F91];
	s0 =	simm.s32 @p1 $0x1  }
0x15: {  	[smem:$0x3FAE] =	sst s0;
	s0 =	simm.s32 @!p2 $0x0  }
0x16: {  	s3 =	sld [smem:$0x3FDB];
	s0 =	simm.s32 @p2 $0x1  }
0x17: {  	s4 =	simm.s32 $0x1BF5;
	[smem:$0x3FB0] =	sst s0  }
0x18: {  	s0 =	sld [smem:$0x3F93];
	_ =	swait.ge [sflag:s4], $0x0  }
0x19: {  	s7 =	sld [smem:$0x3F94]  }
0x1a: {  	s8 =	sadd.s32 $0xFFFFE003, lr  }
0x1b: {  	s9 =	sadd.s32 $0xFFFFFEF7, lr;
	s5 =	simm.s32 $0xFFFFFFFF;
	p2 =	slt.u32 s8, $0xFFFFF086  }
0x1c: {  	p1 =	slt.u32 s9, $0xF7A;
	s5 =	simm.s32 @!p2 $0x0  }
0x1d: {  	s5 =	simm.s32 @p1 $0x1;
	p0 =	seq.s32 s7, s2  }
0x1e: {  	s7 =	smul.u32 @!p0 $0xF7A, s2;
	p2 =	seq.s32 @!p0 s5, $0x0  }
0x1f: {  	s9 =	smul.u32 $0xF7A, s1;
	s8 =	simm.s32 @!p0 $0x1BF5;
	p2 =	por !p2, p0  }
0x20: {  	[sflag:s8] =	ssyncset.s32 @!p0 $0xFFFFF086;
	s6 =	sadd.s32 @!p0 s3, s7;
	s7 =	simm.s32 @!p0 $0x108  }
0x21: {  	s3 =	sadd.s32 s3, s9;
	s6 =	sadd.s32 @!p0 $0x88, s6;
	s7 =	simm.s32 @p2 $0x1082  }
0x22: {  	[simem:s7], [sflag:s8] =	dma.local @!p0 [hbm:s6], $0xF7A  }
0x23: {  	s9 =	sor.u32 $0xD0000000, s2;
	s6 =	simm.s32 $0x108;
	_ =	swait.ge @!p0 [sflag:s8], $0x0  }
0x24: {  	s3 =	sadd.s32 $0x88, s3;
	s6 =	simm.s32 @!p1 $0x1082;
	[sflag:s4] =	ssyncset.s32 $0xFFFFF086  }
0x25: {  	[simem:s6], [sflag:s4] =	dma.local [hbm:s3], $0xF7A  }
0x26: {  	[smem:$0x3F94] =	sst s1;
	(tag) =	ssettag s2;
	_ =	strace s9  }
0x27: {  	s1 =	sld [smem:$0x3FA4]  }
0x28: {  	s2 =	sld [smem:$0x3FA5]  }
0x29: {  	s4 =	sld [smem:$0x3FA7]  }
0x2a: {  	p0 =	seq.s32 s5, $0x0;
	s5 =	sld [smem:$0x3FA8]  }
0x2b: {  	s6 =	sld [smem:$0x3FA9]  }
0x2c: {  	s7 =	sld [smem:$0x3FAA]  }
0x2d: {  	s3 =	simm.s32 $0x108;
	s8 =	sld [smem:$0x3FAB]  }
0x2e: {  	s3 =	simm.s32 @!p0 $0x1082;
	s9 =	sld [smem:$0x3FAC]  }
0x2f: {  	lr =	sadd.s32 s0, s3;
	s0 =	sld [smem:$0x3FA3]  }
0x30: {  	s3 =	sld [smem:$0x3FA6]  }
0x31: {  	[smem:$0x3FAF] =	sst s10  }
0x32: {  	s10 =	sld [smem:$0x3FAD];
	_ =	sdelay $0x3  }
0x33: {  	p0 =	seq.s32 s10, $0x1;
	s10 =	sld [smem:$0x3FAF];
	_ =	sdelay $0x3  }
0x34: {  	[smem:$0x3FAF] =	sst s10  }
0x35: {  	s10 =	sld [smem:$0x3FAE];
	_ =	sdelay $0x3  }
0x36: {  	p1 =	seq.s32 s10, $0x1;
	s10 =	sld [smem:$0x3FAF];
	_ =	sdelay $0x3  }
0x37: {  	[smem:$0x3FAF] =	sst s10  }
0x38: {  	s10 =	sld [smem:$0x3FB0]  }
0x39: {  	_ = 	snop;
	(pc) =	sbr.ind lr, $3  }
0x3a: {  	_ = 	snop  }
0x3b: {  	_ = 	snop  }
0x3c: {  	p2 =	seq.s32 s10, $0x1;
	s10 =	sld [smem:$0x3FAF]  }
0x3d: {  	_ =	shalt  }
0x3e: {  	_ =	shalt  }
0x3f: {  	_ =	shalt  }
0x40: {  	_ =	shalt  }
0x41: {  	_ =	shalt  }
0x42: {  	_ =	shalt  }
0x43: {  	_ =	shalt  }
0x44: {  	_ =	shalt  }
0x45: {  	_ =	shalt  }
0x46: {  	_ =	shalt  }
0x47: {  	_ =	shalt  }
0x48: {  	_ =	shalt  }
0x49: {  	_ =	shalt  }
0x4a: {  	_ =	shalt  }
0x4b: {  	_ =	shalt  }
0x4c: {  	_ =	shalt  }
0x4d: {  	_ =	shalt  }
0x4e: {  	_ =	shalt  }
0x4f: {  	_ =	shalt  }
0x50: {  	_ =	shalt  }
0x51: {  	_ =	shalt  }
0x52: {  	_ =	shalt  }
0x53: {  	_ =	shalt  }
0x54: {  	_ =	shalt  }
0x55: {  	_ =	shalt  }
0x56: {  	_ =	shalt  }
0x57: {  	_ =	shalt  }
0x58: {  	_ =	shalt  }
0x59: {  	_ =	shalt  }
0x5a: {  	_ =	shalt  }
0x5b: {  	_ =	shalt  }
0x5c: {  	_ =	shalt  }
0x5d: {  	_ =	shalt  }
0x5e: {  	_ =	shalt  }
0x5f: {  	_ =	shalt  }
0x60: {  	_ =	shalt  }
0x61: {  	_ =	shalt  }
0x62: {  	_ =	shalt  }
0x63: {  	_ =	shalt  }
0x64: {  	_ =	shalt  }
0x65: {  	_ =	shalt  }
0x66: {  	_ =	shalt  }
0x67: {  	_ =	shalt  }
0x68: {  	_ =	shalt  }
0x69: {  	_ =	shalt  }
0x6a: {  	_ =	shalt  }
0x6b: {  	_ =	shalt  }
0x6c: {  	_ =	shalt  }
0x6d: {  	_ =	shalt  }
0x6e: {  	_ =	shalt  }
0x6f: {  	_ =	shalt  }
0x70: {  	_ =	shalt  }
0x71: {  	_ =	shalt  }
0x72: {  	_ =	shalt  }
0x73: {  	_ =	shalt  }
0x74: {  	_ =	shalt  }
0x75: {  	_ =	shalt  }
0x76: {  	_ =	shalt  }
0x77: {  	_ =	shalt  }
0x78: {  	_ =	shalt  }
0x79: {  	_ =	shalt  }
0x7a: {  	_ =	shalt  }
0x7b: {  	_ =	shalt  }
0x7c: {  	_ =	shalt  }
0x7d: {  	_ =	shalt  }
0x7e: {  	_ =	shalt  }
0x7f: {  	_ =	shalt  }
0x80: {  	_ =	shalt  }
0x81: {  	_ =	shalt  }
0x82: {  	_ =	shalt  }
0x83: {  	_ =	shalt  }
0x84: {  	_ =	shalt  }
0x85: {  	_ =	shalt  }
0x86: {  	_ =	shalt  }
0x87: {  	_ =	shalt  }
.Lfunc_end0:
.L_simem_size_0:
called_computation.2_lowered:
.L_overlay_start_0:
0x88: {  	s2 =	sld [smem:$0x3FD9]  }
0x89: {  	s3 =	sld [smem:$0x3FFE];
	_ =	sdelay $0x1  }
0x8a: {  	s1 =	srdreg.scid  }
0x8b: {  	s0 =	sand.u32 $0x1, s1  }
0x8c: {  	s16 =	sshll.u32 s0, $0xA;
	s2 =	sadd.s32 s3, s2  }
0x8d: {  	s2 =	sadd.s32 s2, s16  }
0x8e: {  	[smem:$0x3FBB] =	sst s2  }
0x8f: {  	_ = 	snop  }
0x90: {  	(tm) =	ssettm $0x1  }
0x91: {  	s17 =	sld [smem:$0x3FFB];
	_ =	sdelay $0x3  }
0x92: {  	_ =	strace s17  }
0x93: {  	s2 =	sld [smem:$0x3FFC];
	_ =	sdelay $0x3  }
0x94: {  	_ =	strace s2  }
0x95: {  	s2 =	sld [smem:$0x3FFD];
	_ =	sdelay $0x3  }
0x96: {  	_ =	strace s2  }
0x97: {  	_ =	strace $0x8FFFFFFF  }
0x98: {  	s18 =	sld [smem:$0x3FDB];
	_ =	sdelay $0x1  }
0x99: {  	s19 =	simm.s32 $_scs_section_size  }
0x9a: {  	s4 =	simm.s32 $_size__tile_overlayer_lowered;
	s5 =	simm.s32 $_tile_overlayer_lowered  }
0x9b: {  	s22 =	simm.s32 $0x1BFF;
	s21 =	sshll.u32 s5, $0x1;
	s2 =	sadd.s32 s19, s18  }
0x9c: {  	s6 =	simm.s32 $0x0;
	s20 =	sshll.u32 s4, $0x1;
	s4 =	sadd.s32 s21, s2  }
0x9d: {  	[timem:s6], [sflag:s22] =	dma.local [hbm:s4], s20  }
0x9e: {  	_ =	swait.ge [sflag:s22], s20  }
0x9f: {  	s3 =	ssub.s32 $0x0, s20;
	[sflag:s22] =	ssyncset.done $0x0  }
0xa0: {  	[sflag:s22] =	ssyncadd.s32 s3;
	_ =	sdelay $0x1  }
0xa1: {  	s23 =	simm.s32 $0x1B8B  }
0xa2: {  	_ =	swait.ge [sflag:s23], $0x1  }
0xa3: {  	[sflag:s23] =	ssyncset.done $0x0  }
0xa4: {  	s25 =	simm.s32 $0x1B8E;
	s24 =	sld [smem:$0x3FFE];
	[sflag:s23] =	ssyncadd.s32 $0xFFFFFFFF  }
0xa5: {  	s26 =	simm.s32 $execute0_lowered;
	[smem:$0x3FD2] =	sst s25  }
0xa6: {  	s4 =	sshll.u32 s26, $0x1;
	_ =	strace $0x8000004C;
	[dreg:$0x1] =	wrdreg $0xFFFFFFFF  }
0xa7: {  	s28 =	simm.s32 $_size_execute0_lowered;
	s2 =	sadd.s32 s2, s4;
	[dreg:$0x0] =	wrdreg $0x0  }
0xa8: {  	s4 =	sshll.u32 s28, $0x1;
	[dreg:$0x2] =	wrdreg s2  }
0xa9: {  	[dreg:$0x3] =	wrdreg s4  }
0xaa: {  	[dreg:$0x4] =	wrdreg $0xC0  }
0xab: {  	_ =	task [dreg:s6], $0x5FFFF  }
0xac: {  	[dreg:$0x1] =	wrdreg $0xFFFFFFFF  }
0xad: {  	[dreg:$0x0] =	wrdreg $0x60  }
0xae: {  	[dreg:$0x2] =	wrdreg s24  }
0xaf: {  	[dreg:$0x3] =	wrdreg $0xA8000  }
0xb0: {  	[dreg:$0x4] =	wrdreg $0x9  }
0xb1: {  	_ =	task.clear_ibuf [dreg:s6], $0x5FFFF;
	_ =	strace $0x9000004C  }
0xb2: {  	s29 =	simm.s32 $0x9;
	_ =	strace $0x8000004E  }
0xb3: {  	_ =	swait.ge [sflag:s29], $0x1  }
0xb4: {  	[sflag:s29] =	ssyncadd.s32 $0xFFFFFFFF  }
0xb5: {  	_ =	strace $0x9000004E  }
0xb6: {  	_ =	sfence  }
0xb7: {  	s30 =	sld [smem:$0x0];
	_ =	sdelay $0x2  }
0xb8: {  	s31 =	sshll.u32 s1, $0xD;
	s1 =	sshrl.u32 s1, $0x2  }
0xb9: {  	s3 =	sand.u32 $0x4000, s31;
	s1 =	sadd.s32 s1, s30  }
0xba: {  	s0 =	sor.u32 s3, s0;
	s1 =	sshll.u32 s1, $0x11  }
0xbb: {  	s0 =	sor.u32 s1, s0  }
0xbc: {  	s0 =	sadd.s32 $0x8F2B, s0  }
0xbd: {  	[sflag:s0] =	ssyncadd.remote.s32 $0x1  }
0xbe: {  	_ =	sfence.sel $0xFFFF  }
0xbf: {  	[dreg:$0x0] =	wrdreg $0xFFFFFFFF;
	(pc) =	sbr.abs _section_cstart, $3  }
0xc0: {  	[dreg:$0x1] =	wrdreg $0xFFFFFFFF  }
0xc1: {  	_ =	task.clear_ibuf [dreg:s6], $0x2FFFF;
	_ =	strace $0x9FFFFFFF  }
0xc2: {  	(tm) =	ssettm $0x7FFFFFFF  }
0xc3: {  	_ =	shalt  }
tec
execute0_lowered:
.L_overlay_start_1:
0x0: {  	(tag) =	ssettag $0x1  }
0x1: {  	s6 =	rddreg [dreg:$0x0]  }
0x2: {  	s1 =	rddreg [dreg:$0x1]  }
0x3: {  	s0 =	rddreg [dreg:$0x2];
	s2 =	simm.s32 $0x0;
	s5 =	srdreg.scid  }
0x4: {  	s3 =	stileid.u32;
	s18 =	simm.s32 $0x1400;
	s19 =	simm.s32 $0x80  }
0x5: {  	s20 =	simm.s32 $0x2800;
	s21 =	simm.s32 $0x6800;
	s22 =	simm.s32 $0x1  }
0x6: {  	s23 =	simm.s32 $0x2;
	s24 =	simm.s32 $0x2700;
	s25 =	simm.s32 $0x2780  }
0x7: {  	s26 =	simm.s32 $0x0;
	[smem:$0x7FF] =	sst s2;
	s4 =	sadd.s32 $0x7B400, s6  }
0x8: {  	s9 =	sadd.s32 $0x23000, s6;
	s7 =	sand.u32 $0x1, s5;
	s8 =	smul.u32 $0x4E000, s3  }
0x9: {  	s10 =	sadd.s32 $0x19000, s6;
	s11 =	sadd.s32 $0xA2600, s6;
	s14 =	smul.u32 $0x2700, s3  }
0xa: {  	s6 =	sadd.s32 $0x9FD00, s6;
	s17 =	smul.u32 $0x13800, s3;
	p0 =	seq.s32 s3, $0xF  }
0xb: {  	_ =	strace $0x8000004D;
	s5 =	ssub.s32 $0x2, s7;
	s13 =	sshll.u32 s7, $0x4  }
0xc: {  	s30 =	smul.u32 $0x138800, s7;
	s12 =	sshrl.u32 s5, $0x1;
	s8 =	sshrl.u32 s8, $0x2  }
0xd: {  	s13 =	sor.u32 s3, s13;
	s15 =	ssub.s32 s5, s12;
	s16 =	sadd.s32 s8, s1  }
0xe: {  	s29 =	smul.u32 $0x2800, s13;
	s5 =	sadd.s32 s4, s14;
	s17 =	sadd.s32 s17, s30  }
0xf: {  	s14 =	sadd.s32 $0x124800, s1;
	s12 =	sshrl.u32 s30, $0x3;
	s31 =	sshrl.u32 s17, $0x3  }
0x10: {  	s12 =	sadd.s32 s11, s12;
	s14 =	sshrl.u32 @p0 s14, $0x3;
	s13 =	sshrl.u32 s29, $0x3  }
0x11: {  	s7 =	sadd.s32 s9, s13;
	s8 =	sadd.s32 s10, s13;
	s13 =	sadd.s32 $0x280, s13  }
0x12: {  	s16 =	sshrl.u32 @!p0 s16, $0x3;
	s17 =	simm.s32 $0x3;
	s9 =	sadd.s32 s9, s13  }
0x13: {  	s10 =	sadd.s32 s10, s13;
	s13 =	smax.u32 s15, $0x1;
	s15 =	sshll.u32 @!p0 s3, $0x6  }
0x14: {  	s11 =	sadd.s32 s11, s31;
	s12 =	sadd.s32 $0x24900, s12;
	s15 =	sor.u32 @!p0 $0x1C03, s15  }
.LBB2_1:
0x15: {  	s28 =	simm.s32 @p0 $0x1FC3  }
0x16: {  	[spmem:s14], [sflag:s28] =	dma.local @p0 [hbm:s6], $0x2800  }
0x17: {  	s28 =	simm.s32 @p0 $0x3  }
0x18: {  	_ =	swait.ge @p0 [sflag:s28], $0x2800  }
0x19: {  	[sflag:s28] =	ssyncset.done @p0 $0x0  }
0x1a: {  	[sflag:s28] =	ssyncadd.s32 @p0 $0xFFFFD800;
	s28 =	simm.s32 @!p0 $0x3  }
0x1b: {  	[spmem:s16], [sflag:s15] =	dma.local @!p0 [hbm:s5], $0x2700  }
0x1c: {  	_ =	swait.ge @!p0 [sflag:s28], $0x2700  }
0x1d: {  	[sflag:s28] =	ssyncset.done @!p0 $0x0  }
0x1e: {  	[sflag:s28] =	ssyncadd.s32 @!p0 $0xFFFFD900  }
0x1f: {  	[bflag:$0x0] =	sbarrier.arrive $0xFFFF  }
0x20: {  	[tilespmem:s2], [sflag:$0x3] =	stream.linear.gather [hbm4b:s7+s2], $0x1400, $0x38;
	[tilespmem:$0x1FF00] =	vst v63  }
0x21: {  	_ =	swait.ge [sflag:s17], $0x1400  }
0x22: {  	[sflag:s17] =	ssyncset.done $0x0  }
0x23: {  	[sflag:s17] =	ssyncadd.s32 $0xFFFFEC00  }
0x24: {  	[tilespmem:s18], [sflag:$0x3] =	stream.linear.gather [hbm4b:s8+s2], $0x1400, $0x38;
	[tilespmem:$0x1FF00] =	vst v63  }
0x25: {  	_ =	swait.ge [sflag:s17], $0x1400  }
0x26: {  	[sflag:s17] =	ssyncset.done $0x0  }
0x27: {  	[sflag:s17] =	ssyncadd.s32 $0xFFFFEC00  }
0x28: {  	[tilespmem:s20], [sflag:$0x1] =	stream.indirect.gather [hbm4b:s4+s19], $0x80, s2, s19, $0xb8;
	[tilespmem:$0x1FF00] =	vst v63  }
0x29: {  	_ = 	snop  }
0x2a: {  	[tilespmem:s21], [sflag:$0x2] =	stream.indirect.gather [hbm4b:s4+s19], $0x80, s19, s19, $0xb8;
	[tilespmem:$0x1FF00] =	vst v63  }
0x2b: {  	_ =	swait.ge [sflag:s22], $0x4000  }
0x2c: {  	[sflag:s22] =	ssyncset.done $0x0  }
0x2d: {  	s28 =	simm.s32 $0x1400;
	[sflag:s22] =	ssyncadd.s32 $0xFFFFC000  }
0x2e: {  	[spmem:s1] =	stream.indirect.scatter.add.f32 [tilespmem:s20], [sflag:$0x3], $0x80, s28, s19, $0xb8;
	[tilespmem:$0x1FF00] =	vst v63  }
0x2f: {  	_ =	swait.ge [sflag:s17], $0x4000  }
0x30: {  	[sflag:s17] =	ssyncset.done $0x0  }
0x31: {  	s28 =	simm.s32 $0x100;
	[sflag:s17] =	ssyncadd.s32 $0xFFFFC000  }
0x32: {  	[tilespmem:s20], [sflag:$0x1] =	stream.indirect.gather [hbm4b:s4+s19], $0x80, s28, s19, $0xb8;
	[tilespmem:$0x1FF00] =	vst v63  }
0x33: {  	_ =	swait.ge [sflag:s23], $0x4000  }
0x34: {  	[sflag:s23] =	ssyncset.done $0x0  }
0x35: {  	s28 =	simm.s32 $0x1480;
	[sflag:s23] =	ssyncadd.s32 $0xFFFFC000  }
0x36: {  	[spmem:s1] =	stream.indirect.scatter.add.f32 [tilespmem:s21], [sflag:$0x3], $0x80, s28, s19, $0xb8;
	[tilespmem:$0x1FF00] =	vst v63  }
0x37: {  	_ =	swait.ge [sflag:s17], $0x4000  }
0x38: {  	[sflag:s17] =	ssyncset.done $0x0  }
0x39: {  	s29 =	simm.s32 $0x180;
	s28 =	simm.s32 $0x400;
	[sflag:s17] =	ssyncadd.s32 $0xFFFFC000  }
.LBB2_2:
0x3a: {  	[tilespmem:s21], [sflag:$0x2] =	stream.indirect.gather [hbm4b:s4+s19], $0x80, s29, s19, $0xb8;
	[tilespmem:$0x1FF00] =	vst v63  }
0x3b: {  	s29 =	smov.u32 s28  }
0x3c: {  	p1 =	sne.s32 s28, $0x4800;
	s28 =	sadd.s32 $0x400, s28;
	_ =	swait.ge [sflag:s22], $0x4000  }
0x3d: {  	s29 =	sshra.s32 s29, $0x2;
	[sflag:s22] =	ssyncset.done $0x0  }
0x3e: {  	s30 =	sadd.s32 $0x1400, s29;
	[sflag:s22] =	ssyncadd.s32 $0xFFFFC000  }
0x3f: {  	[spmem:s1] =	stream.indirect.scatter.add.f32 [tilespmem:s20], [sflag:$0x3], $0x80, s30, s19, $0xb8;
	[tilespmem:$0x1FF00] =	vst v63  }
0x40: {  	_ =	swait.ge [sflag:s17], $0x4000  }
0x41: {  	[sflag:s17] =	ssyncset.done $0x0  }
0x42: {  	s30 =	sadd.s32 $0x100, s29;
	[sflag:s17] =	ssyncadd.s32 $0xFFFFC000  }
0x43: {  	[tilespmem:s20], [sflag:$0x1] =	stream.indirect.gather [hbm4b:s4+s19], $0x80, s30, s19, $0xb8;
	[tilespmem:$0x1FF00] =	vst v63  }
0x44: {  	_ =	swait.ge [sflag:s23], $0x4000  }
0x45: {  	[sflag:s23] =	ssyncset.done $0x0  }
.Ltmp0:
0x46: {  	s30 =	sadd.s32 $0x1480, s29;
	[sflag:s23] =	ssyncadd.s32 $0xFFFFC000;
	(pc) =	sbr.rel @p1 .LBB2_2-.Ltmp0, $4  }
0x47: {  	[spmem:s1] =	stream.indirect.scatter.add.f32 [tilespmem:s21], [sflag:$0x3], $0x80, s30, s19, $0xb8;
	[tilespmem:$0x1FF00] =	vst v63  }
0x48: {  	_ =	swait.ge [sflag:s17], $0x4000  }
0x49: {  	[sflag:s17] =	ssyncset.done $0x0  }
0x4a: {  	s29 =	sadd.s32 $0x180, s29;
	[sflag:s17] =	ssyncadd.s32 $0xFFFFC000  }
0x4b: {  	[tilespmem:s21], [sflag:$0x2] =	stream.indirect.gather [hbm4b:s4+s19], $0x80, s29, s19, $0xb8;
	[tilespmem:$0x1FF00] =	vst v63  }
0x4c: {  	_ =	swait.ge [sflag:s22], $0x4000  }
0x4d: {  	[sflag:s22] =	ssyncset.done $0x0  }
0x4e: {  	[sflag:s22] =	ssyncadd.s32 $0xFFFFC000  }
0x4f: {  	[spmem:s1] =	stream.indirect.scatter.add.f32 [tilespmem:s20], [sflag:$0x3], $0x80, s24, s19, $0xb8;
	[tilespmem:$0x1FF00] =	vst v63  }
0x50: {  	_ =	swait.ge [sflag:s17], $0x4000  }
0x51: {  	[sflag:s17] =	ssyncset.done $0x0  }
0x52: {  	[sflag:s17] =	ssyncadd.s32 $0xFFFFC000  }
0x53: {  	_ =	swait.ge [sflag:s23], $0x4000  }
0x54: {  	[sflag:s23] =	ssyncset.done $0x0  }
0x55: {  	[sflag:s23] =	ssyncadd.s32 $0xFFFFC000  }
0x56: {  	[spmem:s1] =	stream.indirect.scatter.add.f32 [tilespmem:s21], [sflag:$0x3], $0x80, s25, s19, $0xb8;
	[tilespmem:$0x1FF00] =	vst v63  }
0x57: {  	_ =	swait.ge [sflag:s17], $0x4000  }
0x58: {  	[sflag:s17] =	ssyncset.done $0x0  }
0x59: {  	s28 =	simm.s32 $0x0;
	[sflag:s17] =	ssyncadd.s32 $0xFFFFC000  }
0x5a: {  	[tilespmem:s28], [sflag:$0x3] =	stream.linear.gather [hbm4b:s9+s28], $0x1400, $0x38;
	[tilespmem:$0x1FF00] =	vst v63  }
0x5b: {  	_ =	swait.ge [sflag:s17], $0x1400  }
0x5c: {  	[sflag:s17] =	ssyncset.done $0x0  }
0x5d: {  	[sflag:s17] =	ssyncadd.s32 $0xFFFFEC00  }
0x5e: {  	[tilespmem:s18], [sflag:$0x3] =	stream.linear.gather [hbm4b:s10+s28], $0x1400, $0x38;
	[tilespmem:$0x1FF00] =	vst v63  }
0x5f: {  	_ =	swait.ge [sflag:s17], $0x1400  }
0x60: {  	[sflag:s17] =	ssyncset.done $0x0  }
0x61: {  	[sflag:s17] =	ssyncadd.s32 $0xFFFFEC00  }
0x62: {  	[tilespmem:s20], [sflag:$0x1] =	stream.indirect.gather [hbm4b:s4+s19], $0x80, s28, s19, $0xb8;
	[tilespmem:$0x1FF00] =	vst v63  }
0x63: {  	_ = 	snop  }
0x64: {  	[tilespmem:s21], [sflag:$0x2] =	stream.indirect.gather [hbm4b:s4+s19], $0x80, s19, s19, $0xb8;
	[tilespmem:$0x1FF00] =	vst v63  }
0x65: {  	_ =	swait.ge [sflag:s22], $0x4000  }
0x66: {  	[sflag:s22] =	ssyncset.done $0x0  }
0x67: {  	s28 =	simm.s32 $0x1400;
	[sflag:s22] =	ssyncadd.s32 $0xFFFFC000  }
0x68: {  	[spmem:s1] =	stream.indirect.scatter.add.f32 [tilespmem:s20], [sflag:$0x3], $0x80, s28, s19, $0xb8;
	[tilespmem:$0x1FF00] =	vst v63  }
0x69: {  	_ =	swait.ge [sflag:s17], $0x4000  }
0x6a: {  	[sflag:s17] =	ssyncset.done $0x0  }
0x6b: {  	s28 =	simm.s32 $0x100;
	[sflag:s17] =	ssyncadd.s32 $0xFFFFC000  }
0x6c: {  	[tilespmem:s20], [sflag:$0x1] =	stream.indirect.gather [hbm4b:s4+s19], $0x80, s28, s19, $0xb8;
	[tilespmem:$0x1FF00] =	vst v63  }
0x6d: {  	_ =	swait.ge [sflag:s23], $0x4000  }
0x6e: {  	[sflag:s23] =	ssyncset.done $0x0  }
0x6f: {  	s28 =	simm.s32 $0x1480;
	[sflag:s23] =	ssyncadd.s32 $0xFFFFC000  }
0x70: {  	[spmem:s1] =	stream.indirect.scatter.add.f32 [tilespmem:s21], [sflag:$0x3], $0x80, s28, s19, $0xb8;
	[tilespmem:$0x1FF00] =	vst v63  }
0x71: {  	_ =	swait.ge [sflag:s17], $0x4000  }
0x72: {  	[sflag:s17] =	ssyncset.done $0x0  }
0x73: {  	s29 =	simm.s32 $0x180;
	s28 =	simm.s32 $0x400;
	[sflag:s17] =	ssyncadd.s32 $0xFFFFC000  }
.LBB2_4:
0x74: {  	[tilespmem:s21], [sflag:$0x2] =	stream.indirect.gather [hbm4b:s4+s19], $0x80, s29, s19, $0xb8;
	[tilespmem:$0x1FF00] =	vst v63  }
0x75: {  	s29 =	smov.u32 s28  }
0x76: {  	p1 =	sne.s32 s28, $0x4800;
	s28 =	sadd.s32 $0x400, s28;
	_ =	swait.ge [sflag:s22], $0x4000  }
0x77: {  	s29 =	sshra.s32 s29, $0x2;
	[sflag:s22] =	ssyncset.done $0x0  }
0x78: {  	s30 =	sadd.s32 $0x1400, s29;
	[sflag:s22] =	ssyncadd.s32 $0xFFFFC000  }
0x79: {  	[spmem:s1] =	stream.indirect.scatter.add.f32 [tilespmem:s20], [sflag:$0x3], $0x80, s30, s19, $0xb8;
	[tilespmem:$0x1FF00] =	vst v63  }
0x7a: {  	_ =	swait.ge [sflag:s17], $0x4000  }
0x7b: {  	[sflag:s17] =	ssyncset.done $0x0  }
0x7c: {  	s30 =	sadd.s32 $0x100, s29;
	[sflag:s17] =	ssyncadd.s32 $0xFFFFC000  }
0x7d: {  	[tilespmem:s20], [sflag:$0x1] =	stream.indirect.gather [hbm4b:s4+s19], $0x80, s30, s19, $0xb8;
	[tilespmem:$0x1FF00] =	vst v63  }
0x7e: {  	_ =	swait.ge [sflag:s23], $0x4000  }
0x7f: {  	[sflag:s23] =	ssyncset.done $0x0  }
.Ltmp1:
0x80: {  	s30 =	sadd.s32 $0x1480, s29;
	[sflag:s23] =	ssyncadd.s32 $0xFFFFC000;
	(pc) =	sbr.rel @p1 .LBB2_4-.Ltmp1, $4  }
0x81: {  	[spmem:s1] =	stream.indirect.scatter.add.f32 [tilespmem:s21], [sflag:$0x3], $0x80, s30, s19, $0xb8;
	[tilespmem:$0x1FF00] =	vst v63  }
0x82: {  	_ =	swait.ge [sflag:s17], $0x4000  }
0x83: {  	[sflag:s17] =	ssyncset.done $0x0  }
0x84: {  	s29 =	sadd.s32 $0x180, s29;
	[sflag:s17] =	ssyncadd.s32 $0xFFFFC000  }
0x85: {  	[tilespmem:s21], [sflag:$0x2] =	stream.indirect.gather [hbm4b:s4+s19], $0x80, s29, s19, $0xb8;
	[tilespmem:$0x1FF00] =	vst v63  }
0x86: {  	_ =	swait.ge [sflag:s22], $0x4000  }
0x87: {  	[sflag:s22] =	ssyncset.done $0x0  }
0x88: {  	[sflag:s22] =	ssyncadd.s32 $0xFFFFC000  }
0x89: {  	[spmem:s1] =	stream.indirect.scatter.add.f32 [tilespmem:s20], [sflag:$0x3], $0x80, s24, s19, $0xb8;
	[tilespmem:$0x1FF00] =	vst v63  }
0x8a: {  	_ =	swait.ge [sflag:s17], $0x4000  }
0x8b: {  	[sflag:s17] =	ssyncset.done $0x0  }
0x8c: {  	[sflag:s17] =	ssyncadd.s32 $0xFFFFC000  }
0x8d: {  	_ =	swait.ge [sflag:s23], $0x4000  }
0x8e: {  	[sflag:s23] =	ssyncset.done $0x0  }
0x8f: {  	[sflag:s23] =	ssyncadd.s32 $0xFFFFC000  }
0x90: {  	[spmem:s1] =	stream.indirect.scatter.add.f32 [tilespmem:s21], [sflag:$0x3], $0x80, s25, s19, $0xb8;
	[tilespmem:$0x1FF00] =	vst v63  }
0x91: {  	_ =	swait.ge [sflag:s17], $0x4000  }
0x92: {  	[sflag:s17] =	ssyncset.done $0x0  }
0x93: {  	[sflag:s17] =	ssyncadd.s32 $0xFFFFC000  }
0x94: {  	s28 =	simm.s32 @p0 $0x1FC3;
	[bflag:$0x0] =	sbarrier.arrive $0xFFFF  }
0x95: {  	[hbm:s12], [sflag:s28] =	dma.local @p0 [spmem:s14], $0x2800  }
0x96: {  	s28 =	simm.s32 @p0 $0x3  }
0x97: {  	s26 =	sadd.s32 $0x1, s26;
	_ =	swait.ge @p0 [sflag:s28], $0x2800  }
0x98: {  	p1 =	sne.s32 s26, s13;
	[sflag:s28] =	ssyncset.done @p0 $0x0  }
.Ltmp2:
0x99: {  	[sflag:s28] =	ssyncadd.s32 @p0 $0xFFFFD800;
	s28 =	simm.s32 @!p0 $0x3;
	(pc) =	sbr.rel @p1 .LBB2_1-.Ltmp2, $4  }
0x9a: {  	[hbm:s11], [sflag:s15] =	dma.local @!p0 [spmem:s16], $0x2700  }
0x9b: {  	_ =	swait.ge @!p0 [sflag:s28], $0x2700  }
0x9c: {  	[sflag:s28] =	ssyncset.done @!p0 $0x0  }
0x9d: {  	[sflag:s28] =	ssyncadd.s32 @!p0 $0xFFFFD900  }
0x9e: {  	_ =	sfence.sel $0x180000  }
0x9f: {  	[bflag:$0x0] =	sbarrier.arrive $0xFFFF  }
0xa0: {  	p0 =	sne.s32 s3, $0x0;
	_ =	strace $0x9000004D  }
0xa1: {  	s0 =	sadd.s32 @!p0 $0x100000, s0;
	[bflag:$0x2] =	sbarrier.arrive $0xFFFF  }
0xa2: {  	[sflag:s0] =	ssyncadd.tile.s32 @!p0 $0x1;
	_ =	shalt  }
.Lfunc_end2:
_tile_overlayer_lowered:
.L_overlay_start_2:
0xa3: {  	(tag) =	ssettag $0x2  }
0xa4: {  	s0 =	rddreg [dreg:$0x0];
	s2 =	stileid.u32  }
0xa5: {  	s1 =	rddreg [dreg:$0x1];
	p0 =	sne.s32 s2, $0x0  }
0xa6: {  	s3 =	rddreg [dreg:$0x2];
	[bflag:$0x3] =	sbarrier.arrive $0xFFFF;
	s2 =	simm.s32 @!p0 $0x1C03  }
0xa7: {  	[timem:s3], [sflag:s2] =	dma.local @!p0 [hbm:s0], s1  }
0xa8: {  	s0 =	simm.s32 @!p0 $0x3  }
0xa9: {  	_ =	swait.ge @!p0 [sflag:s0], s1  }
0xaa: {  	s1 =	ssub.s32 @!p0 $0x0, s1;
	[sflag:s0] =	ssyncset.done @!p0 $0x0  }
0xab: {  	[sflag:s0] =	ssyncadd.s32 @!p0 s1  }
0xac: {  	[bflag:$0x3] =	sbarrier.arrive $0xFFFF  }
0xad: {  	_ =	shalt  }

// kernel: kernel.8.cloned.1.call-start
scs
__scs_entry_jumppad:
0x0: {  	(pc) =	sbr.rel $0x88, $3  }
0x1: {  	(tag) =	ssettag $0x0;
	lr =	simm.s32 $0x1  }
0x2: {  	[smem:$0x3F94] =	sst lr;
	_ =	strace $0xD0000000  }
0x3: {  	_ = 	snop  }
0x4: {  	_ = 	snop  }
0x5: {  	_ = 	snop  }
0x6: {  	_ = 	snop  }
0x7: {  	_ = 	snop  }
__scs_overlays_trampoline_lowered:
0x8: {  	[smem:$0x3FA3] =	sst s0  }
0x9: {  	[smem:$0x3FA4] =	sst s1  }
0xa: {  	[smem:$0x3FA5] =	sst s2  }
0xb: {  	[smem:$0x3FA6] =	sst s3  }
0xc: {  	[smem:$0x3FA7] =	sst s4  }
0xd: {  	[smem:$0x3FA8] =	sst s5  }
0xe: {  	[smem:$0x3FA9] =	sst s6  }
0xf: {  	[smem:$0x3FAA] =	sst s7  }
0x10: {  	[smem:$0x3FAB] =	sst s8  }
0x11: {  	[smem:$0x3FAC] =	sst s9;
	s0 =	simm.s32 @!p0 $0x0  }
0x12: {  	s1 =	sld [smem:$0x3F92];
	s0 =	simm.s32 @p0 $0x1  }
0x13: {  	[smem:$0x3FAD] =	sst s0;
	s0 =	simm.s32 @!p1 $0x0  }
0x14: {  	s2 =	sld [smem:$0x3F91];
	s0 =	simm.s32 @p1 $0x1  }
0x15: {  	[smem:$0x3FAE] =	sst s0;
	s0 =	simm.s32 @!p2 $0x0  }
0x16: {  	s3 =	sld [smem:$0x3FDB];
	s0 =	simm.s32 @p2 $0x1  }
0x17: {  	s4 =	simm.s32 $0x1BF5;
	[smem:$0x3FB0] =	sst s0  }
0x18: {  	s0 =	sld [smem:$0x3F93];
	_ =	swait.ge [sflag:s4], $0x0  }
0x19: {  	s7 =	sld [smem:$0x3F94]  }
0x1a: {  	s8 =	sadd.s32 $0xFFFFE003, lr  }
0x1b: {  	s9 =	sadd.s32 $0xFFFFFEF7, lr;
	s5 =	simm.s32 $0xFFFFFFFF;
	p2 =	slt.u32 s8, $0xFFFFF086  }
0x1c: {  	p1 =	slt.u32 s9, $0xF7A;
	s5 =	simm.s32 @!p2 $0x0  }
0x1d: {  	s5 =	simm.s32 @p1 $0x1;
	p0 =	seq.s32 s7, s2  }
0x1e: {  	s7 =	smul.u32 @!p0 $0xF7A, s2;
	p2 =	seq.s32 @!p0 s5, $0x0  }
0x1f: {  	s9 =	smul.u32 $0xF7A, s1;
	s8 =	simm.s32 @!p0 $0x1BF5;
	p2 =	por !p2, p0  }
0x20: {  	[sflag:s8] =	ssyncset.s32 @!p0 $0xFFFFF086;
	s6 =	sadd.s32 @!p0 s3, s7;
	s7 =	simm.s32 @!p0 $0x108  }
0x21: {  	s3 =	sadd.s32 s3, s9;
	s6 =	sadd.s32 @!p0 $0x88, s6;
	s7 =	simm.s32 @p2 $0x1082  }
0x22: {  	[simem:s7], [sflag:s8] =	dma.local @!p0 [hbm:s6], $0xF7A  }
0x23: {  	s9 =	sor.u32 $0xD0000000, s2;
	s6 =	simm.s32 $0x108;
	_ =	swait.ge @!p0 [sflag:s8], $0x0  }
0x24: {  	s3 =	sadd.s32 $0x88, s3;
	s6 =	simm.s32 @!p1 $0x1082;
	[sflag:s4] =	ssyncset.s32 $0xFFFFF086  }
0x25: {  	[simem:s6], [sflag:s4] =	dma.local [hbm:s3], $0xF7A  }
0x26: {  	[smem:$0x3F94] =	sst s1;
	(tag) =	ssettag s2;
	_ =	strace s9  }
0x27: {  	s1 =	sld [smem:$0x3FA4]  }
0x28: {  	s2 =	sld [smem:$0x3FA5]  }
0x29: {  	s4 =	sld [smem:$0x3FA7]  }
0x2a: {  	p0 =	seq.s32 s5, $0x0;
	s5 =	sld [smem:$0x3FA8]  }
0x2b: {  	s6 =	sld [smem:$0x3FA9]  }
0x2c: {  	s7 =	sld [smem:$0x3FAA]  }
0x2d: {  	s3 =	simm.s32 $0x108;
	s8 =	sld [smem:$0x3FAB]  }
0x2e: {  	s3 =	simm.s32 @!p0 $0x1082;
	s9 =	sld [smem:$0x3FAC]  }
0x2f: {  	lr =	sadd.s32 s0, s3;
	s0 =	sld [smem:$0x3FA3]  }
0x30: {  	s3 =	sld [smem:$0x3FA6]  }
0x31: {  	[smem:$0x3FAF] =	sst s10  }
0x32: {  	s10 =	sld [smem:$0x3FAD];
	_ =	sdelay $0x3  }
0x33: {  	p0 =	seq.s32 s10, $0x1;
	s10 =	sld [smem:$0x3FAF];
	_ =	sdelay $0x3  }
0x34: {  	[smem:$0x3FAF] =	sst s10  }
0x35: {  	s10 =	sld [smem:$0x3FAE];
	_ =	sdelay $0x3  }
0x36: {  	p1 =	seq.s32 s10, $0x1;
	s10 =	sld [smem:$0x3FAF];
	_ =	sdelay $0x3  }
0x37: {  	[smem:$0x3FAF] =	sst s10  }
0x38: {  	s10 =	sld [smem:$0x3FB0]  }
0x39: {  	_ = 	snop;
	(pc) =	sbr.ind lr, $3  }
0x3a: {  	_ = 	snop  }
0x3b: {  	_ = 	snop  }
0x3c: {  	p2 =	seq.s32 s10, $0x1;
	s10 =	sld [smem:$0x3FAF]  }
0x3d: {  	_ =	shalt  }
0x3e: {  	_ =	shalt  }
0x3f: {  	_ =	shalt  }
0x40: {  	_ =	shalt  }
0x41: {  	_ =	shalt  }
0x42: {  	_ =	shalt  }
0x43: {  	_ =	shalt  }
0x44: {  	_ =	shalt  }
0x45: {  	_ =	shalt  }
0x46: {  	_ =	shalt  }
0x47: {  	_ =	shalt  }
0x48: {  	_ =	shalt  }
0x49: {  	_ =	shalt  }
0x4a: {  	_ =	shalt  }
0x4b: {  	_ =	shalt  }
0x4c: {  	_ =	shalt  }
0x4d: {  	_ =	shalt  }
0x4e: {  	_ =	shalt  }
0x4f: {  	_ =	shalt  }
0x50: {  	_ =	shalt  }
0x51: {  	_ =	shalt  }
0x52: {  	_ =	shalt  }
0x53: {  	_ =	shalt  }
0x54: {  	_ =	shalt  }
0x55: {  	_ =	shalt  }
0x56: {  	_ =	shalt  }
0x57: {  	_ =	shalt  }
0x58: {  	_ =	shalt  }
0x59: {  	_ =	shalt  }
0x5a: {  	_ =	shalt  }
0x5b: {  	_ =	shalt  }
0x5c: {  	_ =	shalt  }
0x5d: {  	_ =	shalt  }
0x5e: {  	_ =	shalt  }
0x5f: {  	_ =	shalt  }
0x60: {  	_ =	shalt  }
0x61: {  	_ =	shalt  }
0x62: {  	_ =	shalt  }
0x63: {  	_ =	shalt  }
0x64: {  	_ =	shalt  }
0x65: {  	_ =	shalt  }
0x66: {  	_ =	shalt  }
0x67: {  	_ =	shalt  }
0x68: {  	_ =	shalt  }
0x69: {  	_ =	shalt  }
0x6a: {  	_ =	shalt  }
0x6b: {  	_ =	shalt  }
0x6c: {  	_ =	shalt  }
0x6d: {  	_ =	shalt  }
0x6e: {  	_ =	shalt  }
0x6f: {  	_ =	shalt  }
0x70: {  	_ =	shalt  }
0x71: {  	_ =	shalt  }
0x72: {  	_ =	shalt  }
0x73: {  	_ =	shalt  }
0x74: {  	_ =	shalt  }
0x75: {  	_ =	shalt  }
0x76: {  	_ =	shalt  }
0x77: {  	_ =	shalt  }
0x78: {  	_ =	shalt  }
0x79: {  	_ =	shalt  }
0x7a: {  	_ =	shalt  }
0x7b: {  	_ =	shalt  }
0x7c: {  	_ =	shalt  }
0x7d: {  	_ =	shalt  }
0x7e: {  	_ =	shalt  }
0x7f: {  	_ =	shalt  }
0x80: {  	_ =	shalt  }
0x81: {  	_ =	shalt  }
0x82: {  	_ =	shalt  }
0x83: {  	_ =	shalt  }
0x84: {  	_ =	shalt  }
0x85: {  	_ =	shalt  }
0x86: {  	_ =	shalt  }
0x87: {  	_ =	shalt  }
.Lfunc_end0:
.L_simem_size_0:
called_computation_lowered:
.L_overlay_start_0:
0x88: {  	s2 =	sld [smem:$0x3FD9]  }
0x89: {  	s3 =	sld [smem:$0x3FFE];
	_ =	sdelay $0x1  }
0x8a: {  	s1 =	srdreg.scid  }
0x8b: {  	s0 =	sand.u32 $0x1, s1  }
0x8c: {  	s16 =	sshll.u32 s0, $0xA;
	s2 =	sadd.s32 s3, s2  }
0x8d: {  	s2 =	sadd.s32 s2, s16  }
0x8e: {  	[smem:$0x3FBB] =	sst s2  }
0x8f: {  	_ = 	snop  }
0x90: {  	(tm) =	ssettm $0x1  }
0x91: {  	s17 =	sld [smem:$0x3FFB];
	_ =	sdelay $0x3  }
0x92: {  	_ =	strace s17  }
0x93: {  	s2 =	sld [smem:$0x3FFC];
	_ =	sdelay $0x3  }
0x94: {  	_ =	strace s2  }
0x95: {  	s2 =	sld [smem:$0x3FFD];
	_ =	sdelay $0x3  }
0x96: {  	_ =	strace s2  }
0x97: {  	_ =	strace $0x8FFFFFFF  }
0x98: {  	s18 =	sld [smem:$0x3FDB];
	_ =	sdelay $0x1  }
0x99: {  	s19 =	simm.s32 $_scs_section_size  }
0x9a: {  	s4 =	simm.s32 $_size__tile_overlayer_lowered;
	s5 =	simm.s32 $_tile_overlayer_lowered  }
0x9b: {  	s22 =	simm.s32 $0x1BFF;
	s21 =	sshll.u32 s5, $0x1;
	s2 =	sadd.s32 s19, s18  }
0x9c: {  	s6 =	simm.s32 $0x0;
	s20 =	sshll.u32 s4, $0x1;
	s4 =	sadd.s32 s21, s2  }
0x9d: {  	[timem:s6], [sflag:s22] =	dma.local [hbm:s4], s20  }
0x9e: {  	_ =	swait.ge [sflag:s22], s20  }
0x9f: {  	s3 =	ssub.s32 $0x0, s20;
	[sflag:s22] =	ssyncset.done $0x0  }
0xa0: {  	[sflag:s22] =	ssyncadd.s32 s3;
	_ =	sdelay $0x1  }
0xa1: {  	s23 =	simm.s32 $0x1B8B  }
0xa2: {  	_ =	swait.ge [sflag:s23], $0x1  }
0xa3: {  	[sflag:s23] =	ssyncset.done $0x0  }
0xa4: {  	s25 =	simm.s32 $0x1B8E;
	s24 =	sld [smem:$0x3FFE];
	[sflag:s23] =	ssyncadd.s32 $0xFFFFFFFF  }
0xa5: {  	s26 =	simm.s32 $execute0_lowered;
	[smem:$0x3FD2] =	sst s25  }
0xa6: {  	s4 =	sshll.u32 s26, $0x1;
	_ =	strace $0x80000046;
	[dreg:$0x1] =	wrdreg $0xFFFFFFFF  }
0xa7: {  	s28 =	simm.s32 $_size_execute0_lowered;
	s2 =	sadd.s32 s2, s4;
	[dreg:$0x0] =	wrdreg $0x0  }
0xa8: {  	s4 =	sshll.u32 s28, $0x1;
	[dreg:$0x2] =	wrdreg s2  }
0xa9: {  	[dreg:$0x3] =	wrdreg s4  }
0xaa: {  	[dreg:$0x4] =	wrdreg $0xC0  }
0xab: {  	_ =	task [dreg:s6], $0x5FFFF  }
0xac: {  	[dreg:$0x1] =	wrdreg $0xFFFFFFFF  }
0xad: {  	[dreg:$0x0] =	wrdreg $0x60  }
0xae: {  	[dreg:$0x2] =	wrdreg s24  }
0xaf: {  	[dreg:$0x3] =	wrdreg $0x30000  }
0xb0: {  	[dreg:$0x4] =	wrdreg $0x9  }
0xb1: {  	_ =	task.clear_ibuf [dreg:s6], $0x5FFFF;
	_ =	strace $0x90000046  }
0xb2: {  	s29 =	simm.s32 $0x9;
	_ =	strace $0x80000048  }
0xb3: {  	_ =	swait.ge [sflag:s29], $0x1  }
0xb4: {  	[sflag:s29] =	ssyncadd.s32 $0xFFFFFFFF  }
0xb5: {  	_ =	strace $0x90000048  }
0xb6: {  	_ =	sfence  }
0xb7: {  	s30 =	sld [smem:$0x0];
	_ =	sdelay $0x2  }
0xb8: {  	s31 =	sshll.u32 s1, $0xD;
	s1 =	sshrl.u32 s1, $0x2  }
0xb9: {  	s3 =	sand.u32 $0x4000, s31;
	s1 =	sadd.s32 s1, s30  }
0xba: {  	s0 =	sor.u32 s3, s0;
	s1 =	sshll.u32 s1, $0x11  }
0xbb: {  	s0 =	sor.u32 s1, s0  }
0xbc: {  	s0 =	sadd.s32 $0x8F2B, s0  }
0xbd: {  	[sflag:s0] =	ssyncadd.remote.s32 $0x1  }
0xbe: {  	_ =	sfence.sel $0xFFFF  }
0xbf: {  	[dreg:$0x0] =	wrdreg $0xFFFFFFFF;
	(pc) =	sbr.abs _section_cstart, $3  }
0xc0: {  	[dreg:$0x1] =	wrdreg $0xFFFFFFFF  }
0xc1: {  	_ =	task.clear_ibuf [dreg:s6], $0x2FFFF;
	_ =	strace $0x9FFFFFFF  }
0xc2: {  	(tm) =	ssettm $0x7FFFFFFF  }
0xc3: {  	_ =	shalt  }
tec
execute0_lowered:
.L_overlay_start_1:
0x0: {  	(tag) =	ssettag $0x1  }
0x1: {  	s0 =	srdreg.scid;
	s6 =	rddreg [dreg:$0x0]  }
0x2: {  	s2 =	rddreg [dreg:$0x1];
	s3 =	simm.s32 $0x0;
	s15 =	simm.s32 $0x80  }
0x3: {  	s17 =	simm.s32 $0x0;
	s5 =	sand.u32 $0x1, s0;
	s0 =	stileid.u32  }
0x4: {  	[smem:$0x7FF] =	sst s3;
	s13 =	sadd.s32 $0xF200, s6;
	s8 =	smul.u32 $0x9C00, s0  }
0x5: {  	s1 =	sshll.u32 s5, $0x4;
	s9 =	ssub.s32 $0x2, s5;
	s10 =	smul.u32 $0x27100, s5  }
0x6: {  	s5 =	sadd.s32 $0xEA00, s6;
	s12 =	smul.u32 $0x2700, s0;
	p0 =	seq.s32 s0, $0xF  }
0x7: {  	s4 =	sor.u32 s0, s1;
	s1 =	rddreg [dreg:$0x2];
	s11 =	sshrl.u32 s9, $0x1  }
0x8: {  	_ =	strace $0x80000047;
	s4 =	smul.u32 $0x500, s4;
	s9 =	ssub.s32 s9, s11  }
0x9: {  	s28 =	sshrl.u32 s8, $0x2;
	s11 =	sadd.s32 $0x24900, s2;
	s29 =	sadd.s32 s12, s10  }
0xa: {  	s31 =	sshrl.u32 s10, $0x3;
	s16 =	sadd.s32 s12, s2;
	s12 =	sshll.u32 @!p0 s0, $0x6  }
0xb: {  	s14 =	sadd.s32 s28, s2;
	s30 =	sshrl.u32 s29, $0x3;
	s8 =	sadd.s32 s13, s31  }
0xc: {  	s9 =	smax.u32 s9, $0x1;
	s10 =	sshrl.u32 @p0 s11, $0x3;
	s11 =	sor.u32 @!p0 $0x1C01, s12  }
0xd: {  	s16 =	sshrl.u32 @!p0 s16, $0x3;
	s7 =	sadd.s32 s4, s6;
	s4 =	sadd.s32 $0xF000, s6  }
0xe: {  	s8 =	sadd.s32 $0x4920, s8;
	s12 =	sshrl.u32 @!p0 s14, $0x3;
	s14 =	simm.s32 $0x2800  }
0xf: {  	s6 =	sadd.s32 $0x4A00, s7;
	s7 =	sadd.s32 s13, s30;
	s13 =	simm.s32 $0x1  }
.LBB2_1:
0x10: {  	s18 =	simm.s32 @p0 $0x1FC1  }
0x11: {  	[spmem:s10], [sflag:s18] =	dma.local @p0 [hbm:s5], $0x500  }
0x12: {  	s18 =	simm.s32 @p0 $0x1  }
0x13: {  	_ =	swait.ge @p0 [sflag:s18], $0x500  }
0x14: {  	[sflag:s18] =	ssyncset.done @p0 $0x0  }
0x15: {  	[sflag:s18] =	ssyncadd.s32 @p0 $0xFFFFFB00;
	s18 =	simm.s32 @!p0 $0x1  }
0x16: {  	[spmem:s12], [sflag:s11] =	dma.local @!p0 [hbm:s5], $0x4E0  }
0x17: {  	_ =	swait.ge @!p0 [sflag:s18], $0x4E0  }
0x18: {  	[sflag:s18] =	ssyncset.done @!p0 $0x0  }
0x19: {  	[sflag:s18] =	ssyncadd.s32 @!p0 $0xFFFFFB20  }
0x1a: {  	[tilespmem:s3], [sflag:$0x1] =	stream.linear.gather [hbm4b:s6+s3], $0x2800, $0x38;
	[tilespmem:$0x5AE0] =	vst v63  }
0x1b: {  	_ =	swait.ge [sflag:s13], $0x2800  }
0x1c: {  	[sflag:s13] =	ssyncset.done $0x0  }
0x1d: {  	[sflag:s13] =	ssyncadd.s32 $0xFFFFD800  }
0x1e: {  	[tilespmem:s14], [sflag:$0x1] =	stream.linear.gather [hbm4b:s4+s3], $0x800, $0x38;
	[tilespmem:$0x5AE0] =	vst v63  }
0x1f: {  	_ =	swait.ge [sflag:s13], $0x800  }
0x20: {  	[sflag:s13] =	ssyncset.done $0x0  }
0x21: {  	[sflag:s13] =	ssyncadd.s32 $0xFFFFF800  }
0x22: {  	s31 =	simm.s32 $0x0;
	[bflag:$0x0] =	sbarrier.arrive $0xFFFF  }
0x23: {  	[spmem:s2] =	stream.indirect.scatter.add.f32 [tilespmem:s14], [sflag:$0x1], $0x10, s31, s15, $0xb8;
	[tilespmem:$0x5AE0] =	vst v63  }
0x24: {  	_ =	swait.ge [sflag:s13], $0x800  }
0x25: {  	s18 =	simm.s32 $0x200;
	[sflag:s13] =	ssyncset.done $0x0  }
.LBB2_2:
0x26: {  	s19 =	sshra.s32 s18, $0x2;
	[sflag:s13] =	ssyncadd.s32 $0xFFFFF800;
	p1 =	sne.s32 s18, $0x9E00  }
0x27: {  	[spmem:s2] =	stream.indirect.scatter.add.f32 [tilespmem:s14], [sflag:$0x1], $0x10, s19, s15, $0xb8;
	[tilespmem:$0x5AE0] =	vst v63  }
.Ltmp0:
0x28: {  	_ = 	snop;
	(pc) =	sbr.rel @p1 .LBB2_2-.Ltmp0, $4  }
0x29: {  	_ = 	snop  }
0x2a: {  	s18 =	sadd.s32 $0x200, s18  }
0x2b: {  	_ =	swait.ge [sflag:s13], $0x800  }
0x2c: {  	[sflag:s13] =	ssyncset.done $0x0  }
0x2d: {  	[sflag:s13] =	ssyncadd.s32 $0xFFFFF800  }
0x2e: {  	s18 =	simm.s32 @p0 $0x1FC1;
	[bflag:$0x0] =	sbarrier.arrive $0xFFFF  }
0x2f: {  	[hbm:s8], [sflag:s18] =	dma.local @p0 [spmem:s10], $0x500  }
0x30: {  	s18 =	simm.s32 @p0 $0x1  }
0x31: {  	s17 =	sadd.s32 $0x1, s17;
	_ =	swait.ge @p0 [sflag:s18], $0x500  }
0x32: {  	p1 =	sne.s32 s17, s9;
	[sflag:s18] =	ssyncset.done @p0 $0x0  }
.Ltmp1:
0x33: {  	[sflag:s18] =	ssyncadd.s32 @p0 $0xFFFFFB00;
	s18 =	simm.s32 @!p0 $0x1;
	(pc) =	sbr.rel @p1 .LBB2_1-.Ltmp1, $4  }
0x34: {  	[hbm:s7], [sflag:s11] =	dma.local @!p0 [spmem:s16], $0x4E0  }
0x35: {  	_ =	swait.ge @!p0 [sflag:s18], $0x4E0  }
0x36: {  	[sflag:s18] =	ssyncset.done @!p0 $0x0  }
0x37: {  	[sflag:s18] =	ssyncadd.s32 @!p0 $0xFFFFFB20  }
0x38: {  	_ =	sfence.sel $0x180000  }
0x39: {  	[bflag:$0x0] =	sbarrier.arrive $0xFFFF  }
0x3a: {  	p0 =	sne.s32 s0, $0x0;
	_ =	strace $0x90000047  }
0x3b: {  	s0 =	sadd.s32 @!p0 $0x100000, s1;
	[bflag:$0x2] =	sbarrier.arrive $0xFFFF  }
0x3c: {  	[sflag:s0] =	ssyncadd.tile.s32 @!p0 $0x1;
	_ =	shalt  }
.Lfunc_end2:
_tile_overlayer_lowered:
.L_overlay_start_2:
0x3d: {  	(tag) =	ssettag $0x2  }
0x3e: {  	s0 =	rddreg [dreg:$0x0];
	s2 =	stileid.u32  }
0x3f: {  	s1 =	rddreg [dreg:$0x1];
	p0 =	sne.s32 s2, $0x0  }
0x40: {  	s3 =	rddreg [dreg:$0x2];
	[bflag:$0x3] =	sbarrier.arrive $0xFFFF;
	s2 =	simm.s32 @!p0 $0x1C01  }
0x41: {  	[timem:s3], [sflag:s2] =	dma.local @!p0 [hbm:s0], s1  }
0x42: {  	s0 =	simm.s32 @!p0 $0x1  }
0x43: {  	_ =	swait.ge @!p0 [sflag:s0], s1  }
0x44: {  	s1 =	ssub.s32 @!p0 $0x0, s1;
	[sflag:s0] =	ssyncset.done @!p0 $0x0  }
0x45: {  	[sflag:s0] =	ssyncadd.s32 @!p0 s1  }
0x46: {  	[bflag:$0x3] =	sbarrier.arrive $0xFFFF  }
0x47: {  	_ =	shalt  }

</sc_bundles>
